<compile_context>
chip_gen: v7x
topology: tpu7x:2x2x1
jax: 0.10.2.dev20260603
libtpu: 0.0.44.dev20260713+nightly
codegen_flags: <defaults>
</compile_context>

<pallas_src>
import functools
import jax
import jax.numpy as jnp
from jax import lax
from jax.experimental import pallas as pl
from jax.experimental.pallas import tpu as pltpu
from jax.experimental.pallas import tpu_sc as plsc

N = 10000
E = 320000
NP = 10240
CH = 125
EROWS = E // CH
D_IN = 128
D_HID = 256
D_LAT = 64
D_ADD = 16
D_OUT = D_LAT + D_ADD
ROWS_PER_TILE = NP // 16
WB = 128

_f32 = jnp.float32
_mesh = plsc.VectorSubcoreMesh(core_axis_name="c", subcore_axis_name="s")



def _deg_body(dst_hbm, out_hbm, acc, dstv, ones_v, wb_v, sem):
  cid = lax.axis_index("c")
  sid = lax.axis_index("s")

  def fill(i, _):
    ones_v[pl.ds(i * 16, 16)] = jnp.full((16,), 1.0, _f32)
    wb_v[pl.ds(i * 16, 16)] = jnp.zeros((16,), _f32)
    return 0
  lax.fori_loop(0, WB // 16, fill, 0)

  def zloop(c, _):
    pltpu.sync_copy(wb_v.at[pl.ds(0, WB)],
                    acc.at[pl.ds(sid * ROWS_PER_TILE + c * WB, WB)])
    return 0
  lax.fori_loop(0, ROWS_PER_TILE // WB, zloop, 0)
  plsc.subcore_barrier()

  nrows = EROWS // 32
  base = cid * (EROWS // 2) + sid * nrows
  pltpu.sync_copy(dst_hbm.at[pl.ds(base, nrows)], dstv)

  def body(j, _):
    pltpu.sync_copy(ones_v.at[pl.ds(0, CH)], acc.at[dstv.at[j]], add=True)
    return 0
  lax.fori_loop(0, nrows, body, 0)
  plsc.subcore_barrier()

  r0 = sid * ROWS_PER_TILE
  def wloop(c, _):
    pltpu.sync_copy(acc.at[pl.ds(r0 + c * WB, WB)], wb_v)
    pltpu.sync_copy(wb_v, out_hbm.at[cid, pl.ds(r0 + c * WB, WB)])
    return 0
  lax.fori_loop(0, ROWS_PER_TILE // WB, wloop, 0)


_deg_call = pl.kernel(
    _deg_body,
    out_type=jax.ShapeDtypeStruct((2, NP), _f32),
    mesh=_mesh,
    scratch_types=[
        pltpu.VMEM_SHARED((NP,), _f32),
        pltpu.VMEM((EROWS // 32, CH), jnp.int32),
        pltpu.VMEM((WB,), _f32),
        pltpu.VMEM((WB,), _f32),
        pltpu.SemaphoreType.DMA,
    ],
)


_IB = 16
_ZB = 32


def _spmm_body(fh, ch, ib, src_hbm, dst_hbm, tbl_hbm, out_hbm,
               acc, srcv, dstv, rows0_v, rows1_v, zb_v,
               sem0, sem1, ssem0, ssem1):
  erows = E // ch
  cid = lax.axis_index("c")
  sid = lax.axis_index("s")

  def fill(i, _):
    r = i // (fh // 16)
    c = lax.rem(i, fh // 16)
    zb_v[r, pl.ds(c * 16, 16)] = jnp.zeros((16,), _f32)
    return 0
  lax.fori_loop(0, _ZB * (fh // 16), fill, 0)

  def zloop(c, _):
    pltpu.sync_copy(zb_v, acc.at[pl.ds(sid * ROWS_PER_TILE + c * _ZB, _ZB)])
    return 0
  lax.fori_loop(0, ROWS_PER_TILE // _ZB, zloop, 0)
  plsc.subcore_barrier()

  nrows = erows // 16
  base = sid * nrows
  bufs = (rows0_v, rows1_v)
  sems = (sem0, sem1)
  ssems = (ssem0, ssem1)

  def outer(b, _):
    pltpu.sync_copy(src_hbm.at[pl.ds(base + b * ib, ib)], srcv)
    pltpu.sync_copy(dst_hbm.at[pl.ds(base + b * ib, ib)], dstv)
    gathers = [None, None]
    gathers[0] = pltpu.async_copy(tbl_hbm.at[cid].at[srcv.at[0]],
                                  bufs[0], sems[0])
    for j in range(ib):
      p = j % 2
      if j + 1 < ib:
        gathers[1 - p] = pltpu.async_copy(
            tbl_hbm.at[cid].at[srcv.at[j + 1]], bufs[1 - p], sems[1 - p])
      gathers[p].wait()
      pltpu.sync_copy(bufs[p], acc.at[dstv.at[j]], add=True)
    return 0
  lax.fori_loop(0, nrows // ib, outer, 0)
  plsc.subcore_barrier()

  r0 = sid * ROWS_PER_TILE
  def wloop(c, _):
    pltpu.sync_copy(acc.at[pl.ds(r0 + c * _ZB, _ZB)], zb_v)
    pltpu.sync_copy(zb_v, out_hbm.at[cid, pl.ds(r0 + c * _ZB, _ZB)])
    return 0
  lax.fori_loop(0, ROWS_PER_TILE // _ZB, wloop, 0)


def _make_spmm(fh, ch, ib, **kernel_kwargs):
  return pl.kernel(
      functools.partial(_spmm_body, fh, ch, ib),
      out_type=jax.ShapeDtypeStruct((2, NP, fh), _f32),
      mesh=_mesh,
      scratch_types=[
          pltpu.VMEM_SHARED((NP, fh), _f32),
          pltpu.VMEM((ib, ch), jnp.int32),
          pltpu.VMEM((ib, ch), jnp.int32),
          pltpu.VMEM((ch, fh), _f32),
          pltpu.VMEM((ch, fh), _f32),
          pltpu.VMEM((_ZB, fh), _f32),
          pltpu.SemaphoreType.DMA,
          pltpu.SemaphoreType.DMA,
          pltpu.SemaphoreType.DMA,
          pltpu.SemaphoreType.DMA,
      ],
      **kernel_kwargs,
  )


def _spmm_es_body(src_hbm, dst_hbm, tbl_hbm, out_hbm,
                  acc, srcv, dstv, rows0_v, rows1_v, zb_v,
                  sem0, sem1, ssem0, ssem1):
  fh = D_IN
  cid = lax.axis_index("c")
  sid = lax.axis_index("s")

  def fill(i, _):
    r = i // (fh // 16)
    c = lax.rem(i, fh // 16)
    zb_v[r, pl.ds(c * 16, 16)] = jnp.zeros((16,), _f32)
    return 0
  lax.fori_loop(0, _ZB * (fh // 16), fill, 0)

  def zloop(c, _):
    pltpu.sync_copy(zb_v, acc.at[pl.ds(sid * ROWS_PER_TILE + c * _ZB, _ZB)])
    return 0
  lax.fori_loop(0, ROWS_PER_TILE // _ZB, zloop, 0)
  plsc.subcore_barrier()

  nrows = EROWS // 32
  base = cid * (EROWS // 2) + sid * nrows
  bufs = (rows0_v, rows1_v)
  sems = (sem0, sem1)
  ssems = (ssem0, ssem1)

  def outer(b, _):
    pltpu.sync_copy(src_hbm.at[pl.ds(base + b * _IB, _IB)], srcv)
    pltpu.sync_copy(dst_hbm.at[pl.ds(base + b * _IB, _IB)], dstv)
    gathers = [None, None]
    gathers[0] = pltpu.async_copy(tbl_hbm.at[srcv.at[0]], bufs[0], sems[0])
    for j in range(_IB):
      p = j % 2
      if j + 1 < _IB:
        gathers[1 - p] = pltpu.async_copy(
            tbl_hbm.at[srcv.at[j + 1]], bufs[1 - p], sems[1 - p])
      gathers[p].wait()
      pltpu.sync_copy(bufs[p], acc.at[dstv.at[j]], add=True)
    return 0
  lax.fori_loop(0, nrows // _IB, outer, 0)
  plsc.subcore_barrier()

  r0 = sid * ROWS_PER_TILE
  def wloop(c, _):
    pltpu.sync_copy(acc.at[pl.ds(r0 + c * _ZB, _ZB)], zb_v)
    pltpu.sync_copy(zb_v, out_hbm.at[cid, pl.ds(r0 + c * _ZB, _ZB)])
    return 0
  lax.fori_loop(0, ROWS_PER_TILE // _ZB, wloop, 0)


_spmm_es_call = pl.kernel(
    _spmm_es_body,
    out_type=jax.ShapeDtypeStruct((2, NP, D_IN), _f32),
    mesh=_mesh,
    scratch_types=[
        pltpu.VMEM_SHARED((NP, D_IN), _f32),
        pltpu.VMEM((_IB, CH), jnp.int32),
        pltpu.VMEM((_IB, CH), jnp.int32),
        pltpu.VMEM((CH, D_IN), _f32),
        pltpu.VMEM((CH, D_IN), _f32),
        pltpu.VMEM((_ZB, D_IN), _f32),
        pltpu.SemaphoreType.DMA,
        pltpu.SemaphoreType.DMA,
        pltpu.SemaphoreType.DMA,
        pltpu.SemaphoreType.DMA,
    ],
)
_spmm2_call = _make_spmm(
    D_OUT, CH, _IB,
    compiler_params=pltpu.CompilerParams(use_tc_tiling_on_sc=False))



_RB = 1024


def _enc_body(x_ref, dega_ref, degb_ref, gx_ref, dis_ref):
  deg = dega_ref[...] + degb_ref[...] + 1.0
  dis = lax.rsqrt(jnp.maximum(deg, 1.0))
  gx_ref[...] = dis * jnp.log1p(x_ref[...])
  dis_ref[...] = dis


def _enc_call(x_p, dega, degb):
  return pl.pallas_call(
      _enc_body,
      grid=(NP // _RB,),
      in_specs=[
          pl.BlockSpec((_RB, D_IN), lambda i: (i, 0)),
          pl.BlockSpec((_RB, 1), lambda i: (i, 0)),
          pl.BlockSpec((_RB, 1), lambda i: (i, 0)),
      ],
      out_specs=[
          pl.BlockSpec((_RB, D_IN), lambda i: (i, 0)),
          pl.BlockSpec((_RB, 1), lambda i: (i, 0)),
      ],
      out_shape=[
          jax.ShapeDtypeStruct((NP, D_IN), _f32),
          jax.ShapeDtypeStruct((NP, 1), _f32),
      ],
  )(x_p, dega, degb)


def _mid_body(accp_ref, gx_ref, dis_ref, b1_ref, w1_ref, wall_ref, g2_ref):
  pre = accp_ref[0] + accp_ref[1] + gx_ref[...]
  u = jnp.dot(pre, w1_ref[...], preferred_element_type=_f32)
  hidden = jnp.maximum(dis_ref[...] * u + b1_ref[...], 0.0)
  g2 = dis_ref[...] * jnp.dot(hidden, wall_ref[...],
                              preferred_element_type=_f32)
  g2_ref[0] = g2[:, :D_OUT]
  g2_ref[1] = g2[:, D_OUT:]


def _mid_call(accp, gx, dis, b1, w1, wall):
  return pl.pallas_call(
      _mid_body,
      grid=(NP // _RB,),
      in_specs=[
          pl.BlockSpec((2, _RB, D_IN), lambda i: (0, i, 0)),
          pl.BlockSpec((_RB, D_IN), lambda i: (i, 0)),
          pl.BlockSpec((_RB, 1), lambda i: (i, 0)),
          pl.BlockSpec((1, D_HID), lambda i: (0, 0)),
          pl.BlockSpec((D_IN, D_HID), lambda i: (0, 0)),
          pl.BlockSpec((D_HID, 2 * D_OUT), lambda i: (0, 0)),
      ],
      out_specs=pl.BlockSpec((2, _RB, D_OUT), lambda i: (0, i, 0)),
      out_shape=jax.ShapeDtypeStruct((2, NP, D_OUT), _f32),
  )(accp, gx, dis, b1, w1, wall)


def _fin_body(acc_ref, g2_ref, dis_ref, bmu_ref, bls_ref, eps_ref,
              mu_ref, ls_ref, z_ref):
  dis = dis_ref[...]
  mu = dis * (acc_ref[0] + g2_ref[0]) + bmu_ref[...]
  ls = dis * (acc_ref[1] + g2_ref[1]) + bls_ref[...]
  z = mu + eps_ref[...] * jnp.exp(ls)
  mu_ref[...] = mu
  ls_ref[...] = ls
  z_ref[...] = jnp.concatenate(
      [z, jnp.zeros((z.shape[0], 128 - D_OUT), _f32)], axis=1)


def _fin_call(acc2, g2, dis, bmu2, bls2, eps_p):
  return pl.pallas_call(
      _fin_body,
      grid=(NP // _RB,),
      in_specs=[
          pl.BlockSpec((2, _RB, D_OUT), lambda i: (0, i, 0)),
          pl.BlockSpec((2, _RB, D_OUT), lambda i: (0, i, 0)),
          pl.BlockSpec((_RB, 1), lambda i: (i, 0)),
          pl.BlockSpec((1, D_OUT), lambda i: (0, 0)),
          pl.BlockSpec((1, D_OUT), lambda i: (0, 0)),
          pl.BlockSpec((_RB, D_OUT), lambda i: (i, 0)),
      ],
      out_specs=[
          pl.BlockSpec((_RB, D_OUT), lambda i: (i, 0)),
          pl.BlockSpec((_RB, D_OUT), lambda i: (i, 0)),
          pl.BlockSpec((_RB, 128), lambda i: (i, 0)),
      ],
      out_shape=[
          jax.ShapeDtypeStruct((NP, D_OUT), _f32),
          jax.ShapeDtypeStruct((NP, D_OUT), _f32),
          jax.ShapeDtypeStruct((NP, 128), _f32),
      ],
  )(acc2, g2, dis, bmu2, bls2, eps_p)


_RA = 400


def _adj_body(zr_ref, zc_ref, out_ref):
  out_ref[...] = lax.dot_general(
      zr_ref[...], zc_ref[...], (((1,), (1,)), ((), ())),
      preferred_element_type=_f32)


def _adj_call(z_p, z_n):
  return pl.pallas_call(
      _adj_body,
      grid=(N // _RA,),
      in_specs=[
          pl.BlockSpec((_RA, 128), lambda i: (i, 0)),
          pl.BlockSpec((N, 128), lambda i: (0, 0)),
      ],
      out_specs=pl.BlockSpec((_RA, N), lambda i: (i, 0)),
      out_shape=jax.ShapeDtypeStruct((N, N), _f32),
  )(z_p, z_n)



def kernel(x, edge_index, eps, W1, b1, Wmu, bmu, Wls, bls,
           Wmu_a, bmu_a, Wls_a, bls_a):
  src2d = edge_index[0].reshape(EROWS, CH)
  dst2d = edge_index[1].reshape(EROWS, CH)
  x_p = jnp.pad(x, ((0, NP - N), (0, 0)))
  eps_p = jnp.pad(eps, ((0, NP - N), (0, 0)))
  wall = jnp.concatenate([Wmu, Wmu_a, Wls, Wls_a], axis=1)
  bmu2 = jnp.concatenate([bmu, bmu_a]).reshape(1, D_OUT)
  bls2 = jnp.concatenate([bls, bls_a]).reshape(1, D_OUT)

  deg2 = _deg_call(dst2d)
  dega = deg2[0].reshape(NP, 1)
  degb = deg2[1].reshape(NP, 1)

  gx, dis = _enc_call(x_p, dega, degb)
  accp = _spmm_es_call(src2d, dst2d, gx)
  g2 = _mid_call(accp, gx, dis, b1.reshape(1, D_HID), W1, wall)
  acc2 = _spmm2_call(src2d, dst2d, g2)
  mu_p, ls_p, z_p = _fin_call(acc2, g2, dis, bmu2, bls2, eps_p)

  adj = _adj_call(z_p, z_p[:N])
  return adj, mu_p[:N], ls_p[:N]

# --- scband reference (transcript-rebuilt; emitter-appended) ---
"""Pipeline reference for scband-vgpgae-41781441856234 (READ-ONLY COPY).

The authoritative reference and input builder live on the scoring server;
editing this copy changes nothing except your own understanding.
"""

import jax, jax.numpy as jnp
import numpy as np

N = 10000
E = 320000
D_IN = 128
D_HID = 256
D_LAT = 64
D_ADD = 16


def _init_w(key, fan_in, fan_out, scale=1.0):
    return jax.random.normal(key, (fan_in, fan_out), dtype=jnp.float32) * (scale / np.sqrt(fan_in))


def setup_inputs(seed: int = 0) -> dict:
    key = jax.random.key(seed)
    ks = jax.random.split(key, 8)
    x = jax.random.uniform(ks[0], (N, D_IN), dtype=jnp.float32)
    edge_index = jax.random.randint(ks[1], (2, E), 0, N, dtype=jnp.int32)
    eps = jax.random.normal(ks[2], (N, D_LAT + D_ADD), dtype=jnp.float32)
    W1 = _init_w(ks[3], D_IN, D_HID)
    b1 = jnp.zeros((D_HID,), jnp.float32)
    Wmu = _init_w(ks[4], D_HID, D_LAT)
    bmu = jnp.zeros((D_LAT,), jnp.float32)
    Wls = _init_w(ks[5], D_HID, D_LAT, scale=0.1)
    bls = jnp.zeros((D_LAT,), jnp.float32)
    Wmu_a = _init_w(ks[6], D_HID, D_ADD)
    bmu_a = jnp.zeros((D_ADD,), jnp.float32)
    Wls_a = _init_w(ks[7], D_HID, D_ADD, scale=0.1)
    bls_a = jnp.zeros((D_ADD,), jnp.float32)
    return {"x": x, "edge_index": edge_index, "eps": eps,
            "W1": W1, "b1": b1, "Wmu": Wmu, "bmu": bmu, "Wls": Wls, "bls": bls,
            "Wmu_a": Wmu_a, "bmu_a": bmu_a, "Wls_a": Wls_a, "bls_a": bls_a}


def reference(x, edge_index, eps, W1, b1, Wmu, bmu, Wls, bls, Wmu_a, bmu_a, Wls_a, bls_a):
    n = x.shape[0]
    src = edge_index[0]
    dst = edge_index[1]
    loop = jnp.arange(n, dtype=edge_index.dtype)
    src_sl = jnp.concatenate([src, loop])
    dst_sl = jnp.concatenate([dst, loop])
    # GCN symmetric normalization with self-loops (PyG GCNConv semantics)
    deg = jax.ops.segment_sum(jnp.ones(src_sl.shape[0], jnp.float32), dst_sl, num_segments=n)
    dis = jax.lax.rsqrt(jnp.maximum(deg, 1.0))
    norm = dis[src_sl] * dis[dst_sl]

    def conv(h, W, b):
        hW = h @ W
        msg = hW[src_sl] * norm[:, None]
        return jax.ops.segment_sum(msg, dst_sl, num_segments=n) + b

    # log_variational=True -> log1p transform before encoding
    x_enc = jnp.log1p(x)
    hidden = jax.nn.relu(conv(x_enc, W1, b1))  # dropout rate 0 -> identity
    mu = jnp.concatenate([conv(hidden, Wmu, bmu), conv(hidden, Wmu_a, bmu_a)], axis=1)
    logstd = jnp.concatenate([conv(hidden, Wls, bls), conv(hidden, Wls_a, bls_a)], axis=1)
    # reparameterize
    z = mu + eps * jnp.exp(logstd)
    # DotProductGraphDecoder (dropout 0): adjacency reconstruction logits
    adj_recon_logits = z @ z.T
    return adj_recon_logits, mu, logstd

if __name__ == "__main__":
    import jax
    _d = setup_inputs()
    print(jax.jit(kernel)(*tuple(_d.values())))

</pallas_src>

<mosaic_0001>
#map = affine_map<(d0, d1) -> (0, 0)>
module attributes {stable_mosaic.version = 14 : i64} {
  func.func @_deg_body(%arg0: i32, %arg1: i32, %arg2: memref<2560x125xi32, #tpu.memory_space<hbm>>, %arg3: memref<2x10240xf32, #tpu.memory_space<hbm>>, %arg4: memref<10240xf32, #tpu.memory_space<vmem_shared>>, %arg5: memref<80x125xi32, #tpu.memory_space<vmem>>, %arg6: memref<128xf32, #tpu.memory_space<vmem>>, %arg7: memref<128xf32, #tpu.memory_space<vmem>>, %arg8: memref<!tpu.dma_semaphore, #tpu.memory_space<semaphore_mem>>) attributes {dimension_semantics = [#tpu.dimension_semantics<core_parallel>, #tpu.dimension_semantics<subcore_parallel>], iteration_bounds = array<i64: 2, 16>, scalar_prefetch = 0 : i64, scratch_operands = 5 : i64, tpu.core_type = #tpu.core_type<sc_vector_subcore>, window_params = [{transform_indices = #map}, {transform_indices = #map}]} {
    %scan3A = arith.constant 0 : i32
    %scan3A_0 = arith.constant 0 : i32
    %scan3A_1 = arith.constant 8 : i32
    %scan3A_2 = arith.addi %scan3A_0, %scan3A_1 : i32
    %scan3A_3 = arith.constant 1 : i32
    %scan3A_4 = scf.for %scan3A_33 = %scan3A_0 to %scan3A_2 step %scan3A_3 iter_args(%scan3A_34 = %scan3A) -> (i32)  : i32 {
      %broadcast_in_dim3A = arith.constant 1.000000e+00 : f32
      %broadcast_in_dim3A_35 = vector.broadcast %broadcast_in_dim3A : f32 to vector<16xf32>
      %mul3A_36 = arith.constant 16 : i32
      %mul3A_37 = arith.muli %scan3A_33, %mul3A_36 : i32
      %swap3A = arith.index_cast %mul3A_37 : i32 to index
      %swap3A_38 = tpu.vector_load %arg6[%swap3A] {strides = array<i32>} : memref<128xf32, #tpu.memory_space<vmem>>, vector<16xf32>,
      %swap3A_39 = vector.shape_cast %swap3A_38 : vector<16xf32> to vector<16xf32>
      %swap3A_40 = vector.shape_cast %broadcast_in_dim3A_35 : vector<16xf32> to vector<16xf32>
      tpu.vector_store %arg6[%swap3A], %swap3A_40 {strides = array<i32>} : memref<128xf32, #tpu.memory_space<vmem>>, vector<16xf32>,
      %broadcast_in_dim3A_41 = arith.constant 0.000000e+00 : f32
      %broadcast_in_dim3A_42 = vector.broadcast %broadcast_in_dim3A_41 : f32 to vector<16xf32>
      %mul3A_43 = arith.constant 16 : i32
      %mul3A_44 = arith.muli %scan3A_33, %mul3A_43 : i32
      %swap3A_45 = arith.index_cast %mul3A_44 : i32 to index
      %swap3A_46 = tpu.vector_load %arg7[%swap3A_45] {strides = array<i32>} : memref<128xf32, #tpu.memory_space<vmem>>, vector<16xf32>,
      %swap3A_47 = vector.shape_cast %swap3A_46 : vector<16xf32> to vector<16xf32>
      %swap3A_48 = vector.shape_cast %broadcast_in_dim3A_42 : vector<16xf32> to vector<16xf32>
      tpu.vector_store %arg7[%swap3A_45], %swap3A_48 {strides = array<i32>} : memref<128xf32, #tpu.memory_space<vmem>>, vector<16xf32>,
      %scan3A_49 = arith.constant 0 : i32
      scf.yield %scan3A_49 : i32
    }
    %scan3A_5 = arith.constant 8 : i32
    %scan3A_6 = arith.constant 0 : i32
    %scan3A_7 = arith.constant 0 : i32
    %scan3A_8 = arith.constant 5 : i32
    %scan3A_9 = arith.addi %scan3A_7, %scan3A_8 : i32
    %scan3A_10 = arith.constant 1 : i32
    %scan3A_11 = scf.for %scan3A_33 = %scan3A_7 to %scan3A_9 step %scan3A_10 iter_args(%scan3A_34 = %scan3A_6) -> (i32)  : i32 {
      %mul3A_35 = arith.constant 640 : i32
      %mul3A_36 = arith.muli %arg1, %mul3A_35 : i32
      %mul3A_37 = arith.constant 128 : i32
      %mul3A_38 = arith.muli %scan3A_33, %mul3A_37 : i32
      %add3A_39 = arith.addi %mul3A_36, %mul3A_38 : i32
      "tpu.region"() ({
        %run_scoped3A = tpu.sem_alloc : memref<!tpu.dma_semaphore, #tpu.memory_space<semaphore_mem>>
        %dma_start3A = arith.constant 0 : i32
        %dma_start3A_41 = tpu.memref_slice %arg7[%dma_start3A] : memref<128xf32, #tpu.memory_space<vmem>> -> memref<128xf32, #tpu.memory_space<vmem>>
        %dma_start3A_42 = tpu.memref_slice %arg4[%add3A_39] : memref<10240xf32, #tpu.memory_space<vmem_shared>> -> memref<128xf32, #tpu.memory_space<vmem_shared>>
        %dma_start3A_43 = tpu.memref_slice %arg4[%add3A_39] : memref<10240xf32, #tpu.memory_space<vmem_shared>> -> memref<128xf32, #tpu.memory_space<vmem_shared>>
        %dma_start3A_44 = arith.constant 0 : i32
        %dma_start3A_45 = tpu.memref_slice %arg7[%dma_start3A_44] : memref<128xf32, #tpu.memory_space<vmem>> -> memref<128xf32, #tpu.memory_space<vmem>>
        tpu.enqueue_dma source(%dma_start3A_45 : memref<128xf32, #tpu.memory_space<vmem>>) target(%dma_start3A_43 : memref<128xf32, #tpu.memory_space<vmem_shared>>) target_semaphore(%run_scoped3A : memref<!tpu.dma_semaphore, #tpu.memory_space<semaphore_mem>>)
        %dma_wait3A = arith.constant 0 : i32
        %dma_wait3A_46 = tpu.memref_slice %arg7[%dma_wait3A] : memref<128xf32, #tpu.memory_space<vmem>> -> memref<128xf32, #tpu.memory_space<vmem>>
        %dma_wait3A_47 = tpu.memref_slice %arg4[%add3A_39] : memref<10240xf32, #tpu.memory_space<vmem_shared>> -> memref<128xf32, #tpu.memory_space<vmem_shared>>
        %dma_wait3A_48 = tpu.memref_slice %arg4[%add3A_39] : memref<10240xf32, #tpu.memory_space<vmem_shared>> -> memref<128xf32, #tpu.memory_space<vmem_shared>>
        %dma_wait3A_49 = arith.constant 0 : i32
        %dma_wait3A_50 = tpu.memref_slice %arg7[%dma_wait3A_49] : memref<128xf32, #tpu.memory_space<vmem>> -> memref<128xf32, #tpu.memory_space<vmem>>
        tpu.wait_dma2 semaphore(%run_scoped3A : memref<!tpu.dma_semaphore, #tpu.memory_space<semaphore_mem>>) src(%dma_wait3A_50 : memref<128xf32, #tpu.memory_space<vmem>>) dst(%dma_wait3A_48 : memref<128xf32, #tpu.memory_space<vmem_shared>>)
        tpu.yield
      }) : () -> ()
      %scan3A_40 = arith.constant 0 : i32
      scf.yield %scan3A_40 : i32
    }
    %scan3A_12 = arith.constant 5 : i32
    %barrier3A = arith.constant 0 : index
    tpu.barrier barrier_id(%barrier3A)
    %mul3A = arith.constant 1280 : i32
    %mul3A_13 = arith.muli %arg0, %mul3A : i32
    %mul3A_14 = arith.constant 80 : i32
    %mul3A_15 = arith.muli %arg1, %mul3A_14 : i32
    %add3A = arith.addi %mul3A_13, %mul3A_15 : i32
    "tpu.region"() ({
      %run_scoped3A = tpu.sem_alloc : memref<!tpu.dma_semaphore, #tpu.memory_space<semaphore_mem>>
      %dma_start3A = arith.constant 0 : i32
      %dma_start3A_33 = tpu.memref_slice %arg2[%add3A, %dma_start3A] : memref<2560x125xi32, #tpu.memory_space<hbm>> -> memref<80x125xi32, #tpu.memory_space<hbm>>
      %dma_start3A_34 = arith.constant 0 : i32
      %dma_start3A_35 = tpu.memref_slice %arg2[%add3A, %dma_start3A_34] : memref<2560x125xi32, #tpu.memory_space<hbm>> -> memref<80x125xi32, #tpu.memory_space<hbm>>
      tpu.enqueue_dma source(%dma_start3A_35 : memref<80x125xi32, #tpu.memory_space<hbm>>) target(%arg5 : memref<80x125xi32, #tpu.memory_space<vmem>>) target_semaphore(%run_scoped3A : memref<!tpu.dma_semaphore, #tpu.memory_space<semaphore_mem>>)
      %dma_wait3A = arith.constant 0 : i32
      %dma_wait3A_36 = tpu.memref_slice %arg2[%add3A, %dma_wait3A] : memref<2560x125xi32, #tpu.memory_space<hbm>> -> memref<80x125xi32, #tpu.memory_space<hbm>>
      %dma_wait3A_37 = arith.constant 0 : i32
      %dma_wait3A_38 = tpu.memref_slice %arg2[%add3A, %dma_wait3A_37] : memref<2560x125xi32, #tpu.memory_space<hbm>> -> memref<80x125xi32, #tpu.memory_space<hbm>>
      tpu.wait_dma2 semaphore(%run_scoped3A : memref<!tpu.dma_semaphore, #tpu.memory_space<semaphore_mem>>) src(%dma_wait3A_38 : memref<80x125xi32, #tpu.memory_space<hbm>>) dst(%arg5 : memref<80x125xi32, #tpu.memory_space<vmem>>)
      tpu.yield
    }) : () -> ()
    %scan3A_16 = arith.constant 0 : i32
    %scan3A_17 = arith.constant 0 : i32
    %scan3A_18 = arith.constant 80 : i32
    %scan3A_19 = arith.addi %scan3A_17, %scan3A_18 : i32
    %scan3A_20 = arith.constant 1 : i32
    %scan3A_21 = scf.for %scan3A_33 = %scan3A_17 to %scan3A_19 step %scan3A_20 iter_args(%scan3A_34 = %scan3A_16) -> (i32)  : i32 {
      "tpu.region"() ({
        %run_scoped3A = tpu.sem_alloc : memref<!tpu.dma_semaphore, #tpu.memory_space<semaphore_mem>>
        %dma_start3A = arith.constant 0 : i32
        %dma_start3A_36 = tpu.memref_slice %arg6[%dma_start3A] : memref<128xf32, #tpu.memory_space<vmem>> -> memref<125xf32, #tpu.memory_space<vmem>>
        %dma_start3A_37 = arith.constant 0 : i32
        %dma_start3A_38 = tpu.memref_slice %arg5[%scan3A_33, %dma_start3A_37] : memref<80x125xi32, #tpu.memory_space<vmem>> -> memref<1x125xi32, #tpu.memory_space<vmem>>
        %dma_start3A_39 = tpu.memref_squeeze %dma_start3A_38 : memref<1x125xi32, #tpu.memory_space<vmem>> -> memref<125xi32, #tpu.memory_space<vmem>>
        %dma_start3A_40 = arith.constant 0 : i32
        %dma_start3A_41 = tpu.memref_slice %arg4[%dma_start3A_40] : memref<10240xf32, #tpu.memory_space<vmem_shared>> -> memref<10240xf32, #tpu.memory_space<vmem_shared>>
        tpu.enqueue_indirect_dma source(%dma_start3A_36 : memref<125xf32, #tpu.memory_space<vmem>>) target(%dma_start3A_41 : memref<10240xf32, #tpu.memory_space<vmem_shared>>) offsets(%dma_start3A_39 : memref<125xi32, #tpu.memory_space<vmem>>) semaphore(%run_scoped3A : memref<!tpu.dma_semaphore, #tpu.memory_space<semaphore_mem>>) {add = true}
        %dma_wait3A = arith.constant 0 : i32
        %dma_wait3A_42 = tpu.memref_slice %arg6[%dma_wait3A] : memref<128xf32, #tpu.memory_space<vmem>> -> memref<125xf32, #tpu.memory_space<vmem>>
        %dma_wait3A_43 = arith.constant 0 : i32
        %dma_wait3A_44 = tpu.memref_slice %arg5[%scan3A_33, %dma_wait3A_43] : memref<80x125xi32, #tpu.memory_space<vmem>> -> memref<1x125xi32, #tpu.memory_space<vmem>>
        %dma_wait3A_45 = tpu.memref_squeeze %dma_wait3A_44 : memref<1x125xi32, #tpu.memory_space<vmem>> -> memref<125xi32, #tpu.memory_space<vmem>>
        %dma_wait3A_46 = arith.constant 0 : i32
        %dma_wait3A_47 = tpu.memref_slice %arg4[%dma_wait3A_46] : memref<10240xf32, #tpu.memory_space<vmem_shared>> -> memref<10240xf32, #tpu.memory_space<vmem_shared>>
        tpu.wait_indirect_dma semaphore(%run_scoped3A : memref<!tpu.dma_semaphore, #tpu.memory_space<semaphore_mem>>) src(%dma_wait3A_42 : memref<125xf32, #tpu.memory_space<vmem>>) dst(%dma_wait3A_47 : memref<10240xf32, #tpu.memory_space<vmem_shared>>)
        tpu.yield
      }) : () -> ()
      %scan3A_35 = arith.constant 0 : i32
      scf.yield %scan3A_35 : i32
    }
    %scan3A_22 = arith.constant 80 : i32
    %barrier3A_23 = arith.constant 0 : index
    tpu.barrier barrier_id(%barrier3A_23)
    %mul3A_24 = arith.constant 640 : i32
    %mul3A_25 = arith.muli %arg1, %mul3A_24 : i32
    %scan3A_26 = arith.constant 0 : i32
    %scan3A_27 = arith.constant 0 : i32
    %scan3A_28 = arith.constant 5 : i32
    %scan3A_29 = arith.addi %scan3A_27, %scan3A_28 : i32
    %scan3A_30 = arith.constant 1 : i32
    %scan3A_31 = scf.for %scan3A_33 = %scan3A_27 to %scan3A_29 step %scan3A_30 iter_args(%scan3A_34 = %scan3A_26) -> (i32)  : i32 {
      %mul3A_35 = arith.constant 128 : i32
      %mul3A_36 = arith.muli %scan3A_33, %mul3A_35 : i32
      %add3A_37 = arith.addi %mul3A_25, %mul3A_36 : i32
      "tpu.region"() ({
        %run_scoped3A = tpu.sem_alloc : memref<!tpu.dma_semaphore, #tpu.memory_space<semaphore_mem>>
        %dma_start3A = tpu.memref_slice %arg4[%add3A_37] : memref<10240xf32, #tpu.memory_space<vmem_shared>> -> memref<128xf32, #tpu.memory_space<vmem_shared>>
        %dma_start3A_42 = tpu.memref_slice %arg4[%add3A_37] : memref<10240xf32, #tpu.memory_space<vmem_shared>> -> memref<128xf32, #tpu.memory_space<vmem_shared>>
        tpu.enqueue_dma source(%dma_start3A_42 : memref<128xf32, #tpu.memory_space<vmem_shared>>) target(%arg7 : memref<128xf32, #tpu.memory_space<vmem>>) target_semaphore(%run_scoped3A : memref<!tpu.dma_semaphore, #tpu.memory_space<semaphore_mem>>)
        %dma_wait3A = tpu.memref_slice %arg4[%add3A_37] : memref<10240xf32, #tpu.memory_space<vmem_shared>> -> memref<128xf32, #tpu.memory_space<vmem_shared>>
        %dma_wait3A_43 = tpu.memref_slice %arg4[%add3A_37] : memref<10240xf32, #tpu.memory_space<vmem_shared>> -> memref<128xf32, #tpu.memory_space<vmem_shared>>
        tpu.wait_dma2 semaphore(%run_scoped3A : memref<!tpu.dma_semaphore, #tpu.memory_space<semaphore_mem>>) src(%dma_wait3A_43 : memref<128xf32, #tpu.memory_space<vmem_shared>>) dst(%arg7 : memref<128xf32, #tpu.memory_space<vmem>>)
        tpu.yield
      }) : () -> ()
      %mul3A_38 = arith.constant 128 : i32
      %mul3A_39 = arith.muli %scan3A_33, %mul3A_38 : i32
      %add3A_40 = arith.addi %mul3A_25, %mul3A_39 : i32
      "tpu.region"() ({
        %run_scoped3A = tpu.sem_alloc : memref<!tpu.dma_semaphore, #tpu.memory_space<semaphore_mem>>
        %dma_start3A = tpu.memref_slice %arg3[%arg0, %add3A_40] : memref<2x10240xf32, #tpu.memory_space<hbm>> -> memref<1x128xf32, #tpu.memory_space<hbm>>
        %dma_start3A_42 = tpu.memref_squeeze %dma_start3A : memref<1x128xf32, #tpu.memory_space<hbm>> -> memref<128xf32, #tpu.memory_space<hbm>>
        %dma_start3A_43 = tpu.memref_slice %arg3[%arg0, %add3A_40] : memref<2x10240xf32, #tpu.memory_space<hbm>> -> memref<1x128xf32, #tpu.memory_space<hbm>>
        %dma_start3A_44 = tpu.memref_squeeze %dma_start3A_43 : memref<1x128xf32, #tpu.memory_space<hbm>> -> memref<128xf32, #tpu.memory_space<hbm>>
        tpu.enqueue_dma source(%arg7 : memref<128xf32, #tpu.memory_space<vmem>>) target(%dma_start3A_44 : memref<128xf32, #tpu.memory_space<hbm>>) target_semaphore(%run_scoped3A : memref<!tpu.dma_semaphore, #tpu.memory_space<semaphore_mem>>)
        %dma_wait3A = tpu.memref_slice %arg3[%arg0, %add3A_40] : memref<2x10240xf32, #tpu.memory_space<hbm>> -> memref<1x128xf32, #tpu.memory_space<hbm>>
        %dma_wait3A_45 = tpu.memref_squeeze %dma_wait3A : memref<1x128xf32, #tpu.memory_space<hbm>> -> memref<128xf32, #tpu.memory_space<hbm>>
        %dma_wait3A_46 = tpu.memref_slice %arg3[%arg0, %add3A_40] : memref<2x10240xf32, #tpu.memory_space<hbm>> -> memref<1x128xf32, #tpu.memory_space<hbm>>
        %dma_wait3A_47 = tpu.memref_squeeze %dma_wait3A_46 : memref<1x128xf32, #tpu.memory_space<hbm>> -> memref<128xf32, #tpu.memory_space<hbm>>
        tpu.wait_dma2 semaphore(%run_scoped3A : memref<!tpu.dma_semaphore, #tpu.memory_space<semaphore_mem>>) src(%arg7 : memref<128xf32, #tpu.memory_space<vmem>>) dst(%dma_wait3A_47 : memref<128xf32, #tpu.memory_space<hbm>>)
        tpu.yield
      }) : () -> ()
      %scan3A_41 = arith.constant 0 : i32
      scf.yield %scan3A_41 : i32
    }
    %scan3A_32 = arith.constant 5 : i32
    return
  }
}

#map = affine_map<(d0, d1) -> (0, 0)>
#map1 = affine_map<(d0, d1) -> (0, 0, 0)>
module attributes {stable_mosaic.version = 14 : i64} {
  func.func @_spmm_es_body(%arg0: i32, %arg1: i32, %arg2: memref<2560x125xi32, #tpu.memory_space<hbm>>, %arg3: memref<2560x125xi32, #tpu.memory_space<hbm>>, %arg4: memref<10240x128xf32, #tpu.memory_space<hbm>>, %arg5: memref<2x10240x128xf32, #tpu.memory_space<hbm>>, %arg6: memref<10240x128xf32, #tpu.memory_space<vmem_shared>>, %arg7: memref<16x125xi32, #tpu.memory_space<vmem>>, %arg8: memref<16x125xi32, #tpu.memory_space<vmem>>, %arg9: memref<125x128xf32, #tpu.memory_space<vmem>>, %arg10: memref<125x128xf32, #tpu.memory_space<vmem>>, %arg11: memref<32x128xf32, #tpu.memory_space<vmem>>, %arg12: memref<!tpu.dma_semaphore, #tpu.memory_space<semaphore_mem>>, %arg13: memref<!tpu.dma_semaphore, #tpu.memory_space<semaphore_mem>>, %arg14: memref<!tpu.dma_semaphore, #tpu.memory_space<semaphore_mem>>, %arg15: memref<!tpu.dma_semaphore, #tpu.memory_space<semaphore_mem>>) attributes {dimension_semantics = [#tpu.dimension_semantics<core_parallel>, #tpu.dimension_semantics<subcore_parallel>], iteration_bounds = array<i64: 2, 16>, scalar_prefetch = 0 : i64, scratch_operands = 10 : i64, tpu.core_type = #tpu.core_type<sc_vector_subcore>, window_params = [{transform_indices = #map}, {transform_indices = #map}, {transform_indices = #map}, {transform_indices = #map1}]} {
    %scan3A = arith.constant 0 : i32
    %scan3A_0 = arith.constant 0 : i32
    %scan3A_1 = arith.constant 256 : i32
    %scan3A_2 = arith.addi %scan3A_0, %scan3A_1 : i32
    %scan3A_3 = arith.constant 1 : i32
    %scan3A_4 = scf.for %scan3A_33 = %scan3A_0 to %scan3A_2 step %scan3A_3 iter_args(%scan3A_34 = %scan3A) -> (i32)  : i32 {
      %jit3A = arith.constant 8 : i32
      %div3A = arith.divsi %scan3A_33, %jit3A : i32
      %sign3A = arith.constant 0 : i32
      %sign3A_35 = arith.cmpi sgt, %scan3A_33, %sign3A : i32
      %sign3A_36 = arith.extui %sign3A_35 : i1 to i32
      %sign3A_37 = arith.constant 0 : i32
      %sign3A_38 = arith.cmpi slt, %scan3A_33, %sign3A_37 : i32
      %sign3A_39 = arith.extui %sign3A_38 : i1 to i32
      %sign3A_40 = arith.subi %sign3A_36, %sign3A_39 : i32
      %sign3A_41 = arith.constant 0 : i32
      %sign3A_42 = arith.cmpi sgt, %jit3A, %sign3A_41 : i32
      %sign3A_43 = arith.extui %sign3A_42 : i1 to i32
      %sign3A_44 = arith.constant 0 : i32
      %sign3A_45 = arith.cmpi slt, %jit3A, %sign3A_44 : i32
      %sign3A_46 = arith.extui %sign3A_45 : i1 to i32
      %sign3A_47 = arith.subi %sign3A_43, %sign3A_46 : i32
      %ne3A = arith.cmpi ne, %sign3A_40, %sign3A_47 : i32
      %rem3A = arith.remsi %scan3A_33, %jit3A : i32
      %ne3A_48 = arith.constant 0 : i32
      %ne3A_49 = arith.cmpi ne, %rem3A, %ne3A_48 : i32
      %and3A = arith.andi %ne3A, %ne3A_49 : i1
      %sub3A = arith.constant 1 : i32
      %sub3A_50 = arith.subi %div3A, %sub3A : i32
      %select_n3A = arith.select %and3A, %sub3A_50, %div3A : i32
      %rem3A_51 = arith.constant 8 : i32
      %rem3A_52 = arith.remsi %scan3A_33, %rem3A_51 : i32
      %broadcast_in_dim3A = arith.constant 0.000000e+00 : f32
      %broadcast_in_dim3A_53 = vector.broadcast %broadcast_in_dim3A : f32 to vector<16xf32>
      %mul3A_54 = arith.constant 16 : i32
      %mul3A_55 = arith.muli %rem3A_52, %mul3A_54 : i32
      %swap3A = arith.index_cast %select_n3A : i32 to index
      %swap3A_56 = arith.index_cast %mul3A_55 : i32 to index
      %swap3A_57 = tpu.vector_load %arg11[%swap3A, %swap3A_56] {strides = array<i32>} : memref<32x128xf32, #tpu.memory_space<vmem>>, vector<1x16xf32>,
      %swap3A_58 = vector.shape_cast %swap3A_57 : vector<1x16xf32> to vector<16xf32>
      %swap3A_59 = vector.shape_cast %broadcast_in_dim3A_53 : vector<16xf32> to vector<1x16xf32>
      tpu.vector_store %arg11[%swap3A, %swap3A_56], %swap3A_59 {strides = array<i32>} : memref<32x128xf32, #tpu.memory_space<vmem>>, vector<1x16xf32>,
      %scan3A_60 = arith.constant 0 : i32
      scf.yield %scan3A_60 : i32
    }
    %scan3A_5 = arith.constant 256 : i32
    %scan3A_6 = arith.constant 0 : i32
    %scan3A_7 = arith.constant 0 : i32
    %scan3A_8 = arith.constant 20 : i32
    %scan3A_9 = arith.addi %scan3A_7, %scan3A_8 : i32
    %scan3A_10 = arith.constant 1 : i32
    %scan3A_11 = scf.for %scan3A_33 = %scan3A_7 to %scan3A_9 step %scan3A_10 iter_args(%scan3A_34 = %scan3A_6) -> (i32)  : i32 {
      %mul3A_35 = arith.constant 640 : i32
      %mul3A_36 = arith.muli %arg1, %mul3A_35 : i32
      %mul3A_37 = arith.constant 32 : i32
      %mul3A_38 = arith.muli %scan3A_33, %mul3A_37 : i32
      %add3A_39 = arith.addi %mul3A_36, %mul3A_38 : i32
      "tpu.region"() ({
        %run_scoped3A = tpu.sem_alloc : memref<!tpu.dma_semaphore, #tpu.memory_space<semaphore_mem>>
        %dma_start3A = arith.constant 0 : i32
        %dma_start3A_41 = tpu.memref_slice %arg6[%add3A_39, %dma_start3A] : memref<10240x128xf32, #tpu.memory_space<vmem_shared>> -> memref<32x128xf32, #tpu.memory_space<vmem_shared>>
        %dma_start3A_42 = arith.constant 0 : i32
        %dma_start3A_43 = tpu.memref_slice %arg6[%add3A_39, %dma_start3A_42] : memref<10240x128xf32, #tpu.memory_space<vmem_shared>> -> memref<32x128xf32, #tpu.memory_space<vmem_shared>>
        tpu.enqueue_dma source(%arg11 : memref<32x128xf32, #tpu.memory_space<vmem>>) target(%dma_start3A_43 : memref<32x128xf32, #tpu.memory_space<vmem_shared>>) target_semaphore(%run_scoped3A : memref<!tpu.dma_semaphore, #tpu.memory_space<semaphore_mem>>)
        %dma_wait3A = arith.constant 0 : i32
        %dma_wait3A_44 = tpu.memref_slice %arg6[%add3A_39, %dma_wait3A] : memref<10240x128xf32, #tpu.memory_space<vmem_shared>> -> memref<32x128xf32, #tpu.memory_space<vmem_shared>>
        %dma_wait3A_45 = arith.constant 0 : i32
        %dma_wait3A_46 = tpu.memref_slice %arg6[%add3A_39, %dma_wait3A_45] : memref<10240x128xf32, #tpu.memory_space<vmem_shared>> -> memref<32x128xf32, #tpu.memory_space<vmem_shared>>
        tpu.wait_dma2 semaphore(%run_scoped3A : memref<!tpu.dma_semaphore, #tpu.memory_space<semaphore_mem>>) src(%arg11 : memref<32x128xf32, #tpu.memory_space<vmem>>) dst(%dma_wait3A_46 : memref<32x128xf32, #tpu.memory_space<vmem_shared>>)
        tpu.yield
      }) : () -> ()
      %scan3A_40 = arith.constant 0 : i32
      scf.yield %scan3A_40 : i32
    }
    %scan3A_12 = arith.constant 20 : i32
    %barrier3A = arith.constant 0 : index
    tpu.barrier barrier_id(%barrier3A)
    %mul3A = arith.constant 1280 : i32
    %mul3A_13 = arith.muli %arg0, %mul3A : i32
    %mul3A_14 = arith.constant 80 : i32
    %mul3A_15 = arith.muli %arg1, %mul3A_14 : i32
    %add3A = arith.addi %mul3A_13, %mul3A_15 : i32
    %scan3A_16 = arith.constant 0 : i32
    %scan3A_17 = arith.constant 0 : i32
    %scan3A_18 = arith.constant 5 : i32
    %scan3A_19 = arith.addi %scan3A_17, %scan3A_18 : i32
    %scan3A_20 = arith.constant 1 : i32
    %scan3A_21 = scf.for %scan3A_33 = %scan3A_17 to %scan3A_19 step %scan3A_20 iter_args(%scan3A_34 = %scan3A_16) -> (i32)  : i32 {
      %mul3A_35 = arith.constant 16 : i32
      %mul3A_36 = arith.muli %scan3A_33, %mul3A_35 : i32
      %add3A_37 = arith.addi %add3A, %mul3A_36 : i32
      "tpu.region"() ({
        %run_scoped3A_279 = tpu.sem_alloc : memref<!tpu.dma_semaphore, #tpu.memory_space<semaphore_mem>>
        %dma_start3A_280 = arith.constant 0 : i32
        %dma_start3A_281 = tpu.memref_slice %arg2[%add3A_37, %dma_start3A_280] : memref<2560x125xi32, #tpu.memory_space<hbm>> -> memref<16x125xi32, #tpu.memory_space<hbm>>
        %dma_start3A_282 = arith.constant 0 : i32
        %dma_start3A_283 = tpu.memref_slice %arg2[%add3A_37, %dma_start3A_282] : memref<2560x125xi32, #tpu.memory_space<hbm>> -> memref<16x125xi32, #tpu.memory_space<hbm>>
        tpu.enqueue_dma source(%dma_start3A_283 : memref<16x125xi32, #tpu.memory_space<hbm>>) target(%arg7 : memref<16x125xi32, #tpu.memory_space<vmem>>) target_semaphore(%run_scoped3A_279 : memref<!tpu.dma_semaphore, #tpu.memory_space<semaphore_mem>>)
        %dma_wait3A_284 = arith.constant 0 : i32
        %dma_wait3A_285 = tpu.memref_slice %arg2[%add3A_37, %dma_wait3A_284] : memref<2560x125xi32, #tpu.memory_space<hbm>> -> memref<16x125xi32, #tpu.memory_space<hbm>>
        %dma_wait3A_286 = arith.constant 0 : i32
        %dma_wait3A_287 = tpu.memref_slice %arg2[%add3A_37, %dma_wait3A_286] : memref<2560x125xi32, #tpu.memory_space<hbm>> -> memref<16x125xi32, #tpu.memory_space<hbm>>
        tpu.wait_dma2 semaphore(%run_scoped3A_279 : memref<!tpu.dma_semaphore, #tpu.memory_space<semaphore_mem>>) src(%dma_wait3A_287 : memref<16x125xi32, #tpu.memory_space<hbm>>) dst(%arg7 : memref<16x125xi32, #tpu.memory_space<vmem>>)
        tpu.yield
      }) : () -> ()
      %mul3A_38 = arith.constant 16 : i32
      %mul3A_39 = arith.muli %scan3A_33, %mul3A_38 : i32
      %add3A_40 = arith.addi %add3A, %mul3A_39 : i32
      "tpu.region"() ({
        %run_scoped3A_279 = tpu.sem_alloc : memref<!tpu.dma_semaphore, #tpu.memory_space<semaphore_mem>>
        %dma_start3A_280 = arith.constant 0 : i32
        %dma_start3A_281 = tpu.memref_slice %arg3[%add3A_40, %dma_start3A_280] : memref<2560x125xi32, #tpu.memory_space<hbm>> -> memref<16x125xi32, #tpu.memory_space<hbm>>
        %dma_start3A_282 = arith.constant 0 : i32
        %dma_start3A_283 = tpu.memref_slice %arg3[%add3A_40, %dma_start3A_282] : memref<2560x125xi32, #tpu.memory_space<hbm>> -> memref<16x125xi32, #tpu.memory_space<hbm>>
        tpu.enqueue_dma source(%dma_start3A_283 : memref<16x125xi32, #tpu.memory_space<hbm>>) target(%arg8 : memref<16x125xi32, #tpu.memory_space<vmem>>) target_semaphore(%run_scoped3A_279 : memref<!tpu.dma_semaphore, #tpu.memory_space<semaphore_mem>>)
        %dma_wait3A_284 = arith.constant 0 : i32
        %dma_wait3A_285 = tpu.memref_slice %arg3[%add3A_40, %dma_wait3A_284] : memref<2560x125xi32, #tpu.memory_space<hbm>> -> memref<16x125xi32, #tpu.memory_space<hbm>>
        %dma_wait3A_286 = arith.constant 0 : i32
        %dma_wait3A_287 = tpu.memref_slice %arg3[%add3A_40, %dma_wait3A_286] : memref<2560x125xi32, #tpu.memory_space<hbm>> -> memref<16x125xi32, #tpu.memory_space<hbm>>
        tpu.wait_dma2 semaphore(%run_scoped3A_279 : memref<!tpu.dma_semaphore, #tpu.memory_space<semaphore_mem>>) src(%dma_wait3A_287 : memref<16x125xi32, #tpu.memory_space<hbm>>) dst(%arg8 : memref<16x125xi32, #tpu.memory_space<vmem>>)
        tpu.yield
      }) : () -> ()
      %dma_start3A = arith.constant 0 : i32
      %dma_start3A_41 = arith.constant 0 : i32
      %dma_start3A_42 = tpu.memref_slice %arg7[%dma_start3A, %dma_start3A_41] : memref<16x125xi32, #tpu.memory_space<vmem>> -> memref<1x125xi32, #tpu.memory_space<vmem>>
      %dma_start3A_43 = tpu.memref_squeeze %dma_start3A_42 : memref<1x125xi32, #tpu.memory_space<vmem>> -> memref<125xi32, #tpu.memory_space<vmem>>
      %dma_start3A_44 = arith.constant 0 : i32
      %dma_start3A_45 = arith.constant 0 : i32
      %dma_start3A_46 = tpu.memref_slice %arg4[%dma_start3A_44, %dma_start3A_45] : memref<10240x128xf32, #tpu.memory_space<hbm>> -> memref<10240x128xf32, #tpu.memory_space<hbm>>
      tpu.enqueue_indirect_dma source(%dma_start3A_46 : memref<10240x128xf32, #tpu.memory_space<hbm>>) target(%arg9 : memref<125x128xf32, #tpu.memory_space<vmem>>) offsets(%dma_start3A_43 : memref<125xi32, #tpu.memory_space<vmem>>) semaphore(%arg12 : memref<!tpu.dma_semaphore, #tpu.memory_space<semaphore_mem>>)
      %dma_start3A_47 = arith.constant 1 : i32
      %dma_start3A_48 = arith.constant 0 : i32
      %dma_start3A_49 = tpu.memref_slice %arg7[%dma_start3A_47, %dma_start3A_48] : memref<16x125xi32, #tpu.memory_space<vmem>> -> memref<1x125xi32, #tpu.memory_space<vmem>>
      %dma_start3A_50 = tpu.memref_squeeze %dma_start3A_49 : memref<1x125xi32, #tpu.memory_space<vmem>> -> memref<125xi32, #tpu.memory_space<vmem>>
      %dma_start3A_51 = arith.constant 0 : i32
      %dma_start3A_52 = arith.constant 0 : i32
      %dma_start3A_53 = tpu.memref_slice %arg4[%dma_start3A_51, %dma_start3A_52] : memref<10240x128xf32, #tpu.memory_space<hbm>> -> memref<10240x128xf32, #tpu.memory_space<hbm>>
      tpu.enqueue_indirect_dma source(%dma_start3A_53 : memref<10240x128xf32, #tpu.memory_space<hbm>>) target(%arg10 : memref<125x128xf32, #tpu.memory_space<vmem>>) offsets(%dma_start3A_50 : memref<125xi32, #tpu.memory_space<vmem>>) semaphore(%arg13 : memref<!tpu.dma_semaphore, #tpu.memory_space<semaphore_mem>>)
      %dma_wait3A = arith.constant 0 : i32
      %dma_wait3A_54 = arith.constant 0 : i32
      %dma_wait3A_55 = tpu.memref_slice %arg7[%dma_wait3A, %dma_wait3A_54] : memref<16x125xi32, #tpu.memory_space<vmem>> -> memref<1x125xi32, #tpu.memory_space<vmem>>
      %dma_wait3A_56 = tpu.memref_squeeze %dma_wait3A_55 : memref<1x125xi32, #tpu.memory_space<vmem>> -> memref<125xi32, #tpu.memory_space<vmem>>
      %dma_wait3A_57 = arith.constant 0 : i32
      %dma_wait3A_58 = arith.constant 0 : i32
      %dma_wait3A_59 = tpu.memref_slice %arg4[%dma_wait3A_57, %dma_wait3A_58] : memref<10240x128xf32, #tpu.memory_space<hbm>> -> memref<10240x128xf32, #tpu.memory_space<hbm>>
      tpu.wait_indirect_dma semaphore(%arg12 : memref<!tpu.dma_semaphore, #tpu.memory_space<semaphore_mem>>) src(%dma_wait3A_59 : memref<10240x128xf32, #tpu.memory_space<hbm>>) dst(%arg9 : memref<125x128xf32, #tpu.memory_space<vmem>>)
      %run_scoped3A = arith.constant 0 : i32
      "tpu.region"() ({
        %run_scoped3A_279 = tpu.sem_alloc : memref<!tpu.dma_semaphore, #tpu.memory_space<semaphore_mem>>
        %dma_start3A_280 = arith.constant 0 : i32
        %dma_start3A_281 = tpu.memref_slice %arg8[%run_scoped3A, %dma_start3A_280] : memref<16x125xi32, #tpu.memory_space<vmem>> -> memref<1x125xi32, #tpu.memory_space<vmem>>
        %dma_start3A_282 = tpu.memref_squeeze %dma_start3A_281 : memref<1x125xi32, #tpu.memory_space<vmem>> -> memref<125xi32, #tpu.memory_space<vmem>>
        %dma_start3A_283 = arith.constant 0 : i32
        %dma_start3A_284 = arith.constant 0 : i32
        %dma_start3A_285 = tpu.memref_slice %arg6[%dma_start3A_283, %dma_start3A_284] : memref<10240x128xf32, #tpu.memory_space<vmem_shared>> -> memref<10240x128xf32, #tpu.memory_space<vmem_shared>>
        tpu.enqueue_indirect_dma source(%arg9 : memref<125x128xf32, #tpu.memory_space<vmem>>) target(%dma_start3A_285 : memref<10240x128xf32, #tpu.memory_space<vmem_shared>>) offsets(%dma_start3A_282 : memref<125xi32, #tpu.memory_space<vmem>>) semaphore(%run_scoped3A_279 : memref<!tpu.dma_semaphore, #tpu.memory_space<semaphore_mem>>) {add = true}
        %dma_wait3A_286 = arith.constant 0 : i32
        %dma_wait3A_287 = tpu.memref_slice %arg8[%run_scoped3A, %dma_wait3A_286] : memref<16x125xi32, #tpu.memory_space<vmem>> -> memref<1x125xi32, #tpu.memory_space<vmem>>
        %dma_wait3A_288 = tpu.memref_squeeze %dma_wait3A_287 : memref<1x125xi32, #tpu.memory_space<vmem>> -> memref<125xi32, #tpu.memory_space<vmem>>
        %dma_wait3A_289 = arith.constant 0 : i32
        %dma_wait3A_290 = arith.constant 0 : i32
        %dma_wait3A_291 = tpu.memref_slice %arg6[%dma_wait3A_289, %dma_wait3A_290] : memref<10240x128xf32, #tpu.memory_space<vmem_shared>> -> memref<10240x128xf32, #tpu.memory_space<vmem_shared>>
        tpu.wait_indirect_dma semaphore(%run_scoped3A_279 : memref<!tpu.dma_semaphore, #tpu.memory_space<semaphore_mem>>) src(%arg9 : memref<125x128xf32, #tpu.memory_space<vmem>>) dst(%dma_wait3A_291 : memref<10240x128xf32, #tpu.memory_space<vmem_shared>>)
        tpu.yield
      }) : () -> ()
      %dma_start3A_60 = arith.constant 2 : i32
      %dma_start3A_61 = arith.constant 0 : i32
      %dma_start3A_62 = tpu.memref_slice %arg7[%dma_start3A_60, %dma_start3A_61] : memref<16x125xi32, #tpu.memory_space<vmem>> -> memref<1x125xi32, #tpu.memory_space<vmem>>
      %dma_start3A_63 = tpu.memref_squeeze %dma_start3A_62 : memref<1x125xi32, #tpu.memory_space<vmem>> -> memref<125xi32, #tpu.memory_space<vmem>>
      %dma_start3A_64 = arith.constant 0 : i32
      %dma_start3A_65 = arith.constant 0 : i32
      %dma_start3A_66 = tpu.memref_slice %arg4[%dma_start3A_64, %dma_start3A_65] : memref<10240x128xf32, #tpu.memory_space<hbm>> -> memref<10240x128xf32, #tpu.memory_space<hbm>>
      tpu.enqueue_indirect_dma source(%dma_start3A_66 : memref<10240x128xf32, #tpu.memory_space<hbm>>) target(%arg9 : memref<125x128xf32, #tpu.memory_space<vmem>>) offsets(%dma_start3A_63 : memref<125xi32, #tpu.memory_space<vmem>>) semaphore(%arg12 : memref<!tpu.dma_semaphore, #tpu.memory_space<semaphore_mem>>)
      %dma_wait3A_67 = arith.constant 1 : i32
      %dma_wait3A_68 = arith.constant 0 : i32
      %dma_wait3A_69 = tpu.memref_slice %arg7[%dma_wait3A_67, %dma_wait3A_68] : memref<16x125xi32, #tpu.memory_space<vmem>> -> memref<1x125xi32, #tpu.memory_space<vmem>>
      %dma_wait3A_70 = tpu.memref_squeeze %dma_wait3A_69 : memref<1x125xi32, #tpu.memory_space<vmem>> -> memref<125xi32, #tpu.memory_space<vmem>>
      %dma_wait3A_71 = arith.constant 0 : i32
      %dma_wait3A_72 = arith.constant 0 : i32
      %dma_wait3A_73 = tpu.memref_slice %arg4[%dma_wait3A_71, %dma_wait3A_72] : memref<10240x128xf32, #tpu.memory_space<hbm>> -> memref<10240x128xf32, #tpu.memory_space<hbm>>
      tpu.wait_indirect_dma semaphore(%arg13 : memref<!tpu.dma_semaphore, #tpu.memory_space<semaphore_mem>>) src(%dma_wait3A_73 : memref<10240x128xf32, #tpu.memory_space<hbm>>) dst(%arg10 : memref<125x128xf32, #tpu.memory_space<vmem>>)
      %run_scoped3A_74 = arith.constant 1 : i32
      "tpu.region"() ({
        %run_scoped3A_279 = tpu.sem_alloc : memref<!tpu.dma_semaphore, #tpu.memory_space<semaphore_mem>>
        %dma_start3A_280 = arith.constant 0 : i32
        %dma_start3A_281 = tpu.memref_slice %arg8[%run_scoped3A_74, %dma_start3A_280] : memref<16x125xi32, #tpu.memory_space<vmem>> -> memref<1x125xi32, #tpu.memory_space<vmem>>
        %dma_start3A_282 = tpu.memref_squeeze %dma_start3A_281 : memref<1x125xi32, #tpu.memory_space<vmem>> -> memref<125xi32, #tpu.memory_space<vmem>>
        %dma_start3A_283 = arith.constant 0 : i32
        %dma_start3A_284 = arith.constant 0 : i32
        %dma_start3A_285 = tpu.memref_slice %arg6[%dma_start3A_283, %dma_start3A_284] : memref<10240x128xf32, #tpu.memory_space<vmem_shared>> -> memref<10240x128xf32, #tpu.memory_space<vmem_shared>>
        tpu.enqueue_indirect_dma source(%arg10 : memref<125x128xf32, #tpu.memory_space<vmem>>) target(%dma_start3A_285 : memref<10240x128xf32, #tpu.memory_space<vmem_shared>>) offsets(%dma_start3A_282 : memref<125xi32, #tpu.memory_space<vmem>>) semaphore(%run_scoped3A_279 : memref<!tpu.dma_semaphore, #tpu.memory_space<semaphore_mem>>) {add = true}
        %dma_wait3A_286 = arith.constant 0 : i32
        %dma_wait3A_287 = tpu.memref_slice %arg8[%run_scoped3A_74, %dma_wait3A_286] : memref<16x125xi32, #tpu.memory_space<vmem>> -> memref<1x125xi32, #tpu.memory_space<vmem>>
        %dma_wait3A_288 = tpu.memref_squeeze %dma_wait3A_287 : memref<1x125xi32, #tpu.memory_space<vmem>> -> memref<125xi32, #tpu.memory_space<vmem>>
        %dma_wait3A_289 = arith.constant 0 : i32
        %dma_wait3A_290 = arith.constant 0 : i32
        %dma_wait3A_291 = tpu.memref_slice %arg6[%dma_wait3A_289, %dma_wait3A_290] : memref<10240x128xf32, #tpu.memory_space<vmem_shared>> -> memref<10240x128xf32, #tpu.memory_space<vmem_shared>>
        tpu.wait_indirect_dma semaphore(%run_scoped3A_279 : memref<!tpu.dma_semaphore, #tpu.memory_space<semaphore_mem>>) src(%arg10 : memref<125x128xf32, #tpu.memory_space<vmem>>) dst(%dma_wait3A_291 : memref<10240x128xf32, #tpu.memory_space<vmem_shared>>)
        tpu.yield
      }) : () -> ()
      %dma_start3A_75 = arith.constant 3 : i32
      %dma_start3A_76 = arith.constant 0 : i32
      %dma_start3A_77 = tpu.memref_slice %arg7[%dma_start3A_75, %dma_start3A_76] : memref<16x125xi32, #tpu.memory_space<vmem>> -> memref<1x125xi32, #tpu.memory_space<vmem>>
      %dma_start3A_78 = tpu.memref_squeeze %dma_start3A_77 : memref<1x125xi32, #tpu.memory_space<vmem>> -> memref<125xi32, #tpu.memory_space<vmem>>
      %dma_start3A_79 = arith.constant 0 : i32
      %dma_start3A_80 = arith.constant 0 : i32
      %dma_start3A_81 = tpu.memref_slice %arg4[%dma_start3A_79, %dma_start3A_80] : memref<10240x128xf32, #tpu.memory_space<hbm>> -> memref<10240x128xf32, #tpu.memory_space<hbm>>
      tpu.enqueue_indirect_dma source(%dma_start3A_81 : memref<10240x128xf32, #tpu.memory_space<hbm>>) target(%arg10 : memref<125x128xf32, #tpu.memory_space<vmem>>) offsets(%dma_start3A_78 : memref<125xi32, #tpu.memory_space<vmem>>) semaphore(%arg13 : memref<!tpu.dma_semaphore, #tpu.memory_space<semaphore_mem>>)
      %dma_wait3A_82 = arith.constant 2 : i32
      %dma_wait3A_83 = arith.constant 0 : i32
      %dma_wait3A_84 = tpu.memref_slice %arg7[%dma_wait3A_82, %dma_wait3A_83] : memref<16x125xi32, #tpu.memory_space<vmem>> -> memref<1x125xi32, #tpu.memory_space<vmem>>
      %dma_wait3A_85 = tpu.memref_squeeze %dma_wait3A_84 : memref<1x125xi32, #tpu.memory_space<vmem>> -> memref<125xi32, #tpu.memory_space<vmem>>
      %dma_wait3A_86 = arith.constant 0 : i32
      %dma_wait3A_87 = arith.constant 0 : i32
      %dma_wait3A_88 = tpu.memref_slice %arg4[%dma_wait3A_86, %dma_wait3A_87] : memref<10240x128xf32, #tpu.memory_space<hbm>> -> memref<10240x128xf32, #tpu.memory_space<hbm>>
      tpu.wait_indirect_dma semaphore(%arg12 : memref<!tpu.dma_semaphore, #tpu.memory_space<semaphore_mem>>) src(%dma_wait3A_88 : memref<10240x128xf32, #tpu.memory_space<hbm>>) dst(%arg9 : memref<125x128xf32, #tpu.memory_space<vmem>>)
      %run_scoped3A_89 = arith.constant 2 : i32
      "tpu.region"() ({
        %run_scoped3A_279 = tpu.sem_alloc : memref<!tpu.dma_semaphore, #tpu.memory_space<semaphore_mem>>
        %dma_start3A_280 = arith.constant 0 : i32
        %dma_start3A_281 = tpu.memref_slice %arg8[%run_scoped3A_89, %dma_start3A_280] : memref<16x125xi32, #tpu.memory_space<vmem>> -> memref<1x125xi32, #tpu.memory_space<vmem>>
        %dma_start3A_282 = tpu.memref_squeeze %dma_start3A_281 : memref<1x125xi32, #tpu.memory_space<vmem>> -> memref<125xi32, #tpu.memory_space<vmem>>
        %dma_start3A_283 = arith.constant 0 : i32
        %dma_start3A_284 = arith.constant 0 : i32
        %dma_start3A_285 = tpu.memref_slice %arg6[%dma_start3A_283, %dma_start3A_284] : memref<10240x128xf32, #tpu.memory_space<vmem_shared>> -> memref<10240x128xf32, #tpu.memory_space<vmem_shared>>
        tpu.enqueue_indirect_dma source(%arg9 : memref<125x128xf32, #tpu.memory_space<vmem>>) target(%dma_start3A_285 : memref<10240x128xf32, #tpu.memory_space<vmem_shared>>) offsets(%dma_start3A_282 : memref<125xi32, #tpu.memory_space<vmem>>) semaphore(%run_scoped3A_279 : memref<!tpu.dma_semaphore, #tpu.memory_space<semaphore_mem>>) {add = true}
        %dma_wait3A_286 = arith.constant 0 : i32
        %dma_wait3A_287 = tpu.memref_slice %arg8[%run_scoped3A_89, %dma_wait3A_286] : memref<16x125xi32, #tpu.memory_space<vmem>> -> memref<1x125xi32, #tpu.memory_space<vmem>>
        %dma_wait3A_288 = tpu.memref_squeeze %dma_wait3A_287 : memref<1x125xi32, #tpu.memory_space<vmem>> -> memref<125xi32, #tpu.memory_space<vmem>>
        %dma_wait3A_289 = arith.constant 0 : i32
        %dma_wait3A_290 = arith.constant 0 : i32
        %dma_wait3A_291 = tpu.memref_slice %arg6[%dma_wait3A_289, %dma_wait3A_290] : memref<10240x128xf32, #tpu.memory_space<vmem_shared>> -> memref<10240x128xf32, #tpu.memory_space<vmem_shared>>
        tpu.wait_indirect_dma semaphore(%run_scoped3A_279 : memref<!tpu.dma_semaphore, #tpu.memory_space<semaphore_mem>>) src(%arg9 : memref<125x128xf32, #tpu.memory_space<vmem>>) dst(%dma_wait3A_291 : memref<10240x128xf32, #tpu.memory_space<vmem_shared>>)
        tpu.yield
      }) : () -> ()
      %dma_start3A_90 = arith.constant 4 : i32
      %dma_start3A_91 = arith.constant 0 : i32
      %dma_start3A_92 = tpu.memref_slice %arg7[%dma_start3A_90, %dma_start3A_91] : memref<16x125xi32, #tpu.memory_space<vmem>> -> memref<1x125xi32, #tpu.memory_space<vmem>>
      %dma_start3A_93 = tpu.memref_squeeze %dma_start3A_92 : memref<1x125xi32, #tpu.memory_space<vmem>> -> memref<125xi32, #tpu.memory_space<vmem>>
      %dma_start3A_94 = arith.constant 0 : i32
      %dma_start3A_95 = arith.constant 0 : i32
      %dma_start3A_96 = tpu.memref_slice %arg4[%dma_start3A_94, %dma_start3A_95] : memref<10240x128xf32, #tpu.memory_space<hbm>> -> memref<10240x128xf32, #tpu.memory_space<hbm>>
      tpu.enqueue_indirect_dma source(%dma_start3A_96 : memref<10240x128xf32, #tpu.memory_space<hbm>>) target(%arg9 : memref<125x128xf32, #tpu.memory_space<vmem>>) offsets(%dma_start3A_93 : memref<125xi32, #tpu.memory_space<vmem>>) semaphore(%arg12 : memref<!tpu.dma_semaphore, #tpu.memory_space<semaphore_mem>>)
      %dma_wait3A_97 = arith.constant 3 : i32
      %dma_wait3A_98 = arith.constant 0 : i32
      %dma_wait3A_99 = tpu.memref_slice %arg7[%dma_wait3A_97, %dma_wait3A_98] : memref<16x125xi32, #tpu.memory_space<vmem>> -> memref<1x125xi32, #tpu.memory_space<vmem>>
      %dma_wait3A_100 = tpu.memref_squeeze %dma_wait3A_99 : memref<1x125xi32, #tpu.memory_space<vmem>> -> memref<125xi32, #tpu.memory_space<vmem>>
      %dma_wait3A_101 = arith.constant 0 : i32
      %dma_wait3A_102 = arith.constant 0 : i32
      %dma_wait3A_103 = tpu.memref_slice %arg4[%dma_wait3A_101, %dma_wait3A_102] : memref<10240x128xf32, #tpu.memory_space<hbm>> -> memref<10240x128xf32, #tpu.memory_space<hbm>>
      tpu.wait_indirect_dma semaphore(%arg13 : memref<!tpu.dma_semaphore, #tpu.memory_space<semaphore_mem>>) src(%dma_wait3A_103 : memref<10240x128xf32, #tpu.memory_space<hbm>>) dst(%arg10 : memref<125x128xf32, #tpu.memory_space<vmem>>)
      %run_scoped3A_104 = arith.constant 3 : i32
      "tpu.region"() ({
        %run_scoped3A_279 = tpu.sem_alloc : memref<!tpu.dma_semaphore, #tpu.memory_space<semaphore_mem>>
        %dma_start3A_280 = arith.constant 0 : i32
        %dma_start3A_281 = tpu.memref_slice %arg8[%run_scoped3A_104, %dma_start3A_280] : memref<16x125xi32, #tpu.memory_space<vmem>> -> memref<1x125xi32, #tpu.memory_space<vmem>>
        %dma_start3A_282 = tpu.memref_squeeze %dma_start3A_281 : memref<1x125xi32, #tpu.memory_space<vmem>> -> memref<125xi32, #tpu.memory_space<vmem>>
        %dma_start3A_283 = arith.constant 0 : i32
        %dma_start3A_284 = arith.constant 0 : i32
        %dma_start3A_285 = tpu.memref_slice %arg6[%dma_start3A_283, %dma_start3A_284] : memref<10240x128xf32, #tpu.memory_space<vmem_shared>> -> memref<10240x128xf32, #tpu.memory_space<vmem_shared>>
        tpu.enqueue_indirect_dma source(%arg10 : memref<125x128xf32, #tpu.memory_space<vmem>>) target(%dma_start3A_285 : memref<10240x128xf32, #tpu.memory_space<vmem_shared>>) offsets(%dma_start3A_282 : memref<125xi32, #tpu.memory_space<vmem>>) semaphore(%run_scoped3A_279 : memref<!tpu.dma_semaphore, #tpu.memory_space<semaphore_mem>>) {add = true}
        %dma_wait3A_286 = arith.constant 0 : i32
        %dma_wait3A_287 = tpu.memref_slice %arg8[%run_scoped3A_104, %dma_wait3A_286] : memref<16x125xi32, #tpu.memory_space<vmem>> -> memref<1x125xi32, #tpu.memory_space<vmem>>
        %dma_wait3A_288 = tpu.memref_squeeze %dma_wait3A_287 : memref<1x125xi32, #tpu.memory_space<vmem>> -> memref<125xi32, #tpu.memory_space<vmem>>
        %dma_wait3A_289 = arith.constant 0 : i32
        %dma_wait3A_290 = arith.constant 0 : i32
        %dma_wait3A_291 = tpu.memref_slice %arg6[%dma_wait3A_289, %dma_wait3A_290] : memref<10240x128xf32, #tpu.memory_space<vmem_shared>> -> memref<10240x128xf32, #tpu.memory_space<vmem_shared>>
        tpu.wait_indirect_dma semaphore(%run_scoped3A_279 : memref<!tpu.dma_semaphore, #tpu.memory_space<semaphore_mem>>) src(%arg10 : memref<125x128xf32, #tpu.memory_space<vmem>>) dst(%dma_wait3A_291 : memref<10240x128xf32, #tpu.memory_space<vmem_shared>>)
        tpu.yield
      }) : () -> ()
      %dma_start3A_105 = arith.constant 5 : i32
      %dma_start3A_106 = arith.constant 0 : i32
      %dma_start3A_107 = tpu.memref_slice %arg7[%dma_start3A_105, %dma_start3A_106] : memref<16x125xi32, #tpu.memory_space<vmem>> -> memref<1x125xi32, #tpu.memory_space<vmem>>
      %dma_start3A_108 = tpu.memref_squeeze %dma_start3A_107 : memref<1x125xi32, #tpu.memory_space<vmem>> -> memref<125xi32, #tpu.memory_space<vmem>>
      %dma_start3A_109 = arith.constant 0 : i32
      %dma_start3A_110 = arith.constant 0 : i32
      %dma_start3A_111 = tpu.memref_slice %arg4[%dma_start3A_109, %dma_start3A_110] : memref<10240x128xf32, #tpu.memory_space<hbm>> -> memref<10240x128xf32, #tpu.memory_space<hbm>>
      tpu.enqueue_indirect_dma source(%dma_start3A_111 : memref<10240x128xf32, #tpu.memory_space<hbm>>) target(%arg10 : memref<125x128xf32, #tpu.memory_space<vmem>>) offsets(%dma_start3A_108 : memref<125xi32, #tpu.memory_space<vmem>>) semaphore(%arg13 : memref<!tpu.dma_semaphore, #tpu.memory_space<semaphore_mem>>)
      %dma_wait3A_112 = arith.constant 4 : i32
      %dma_wait3A_113 = arith.constant 0 : i32
      %dma_wait3A_114 = tpu.memref_slice %arg7[%dma_wait3A_112, %dma_wait3A_113] : memref<16x125xi32, #tpu.memory_space<vmem>> -> memref<1x125xi32, #tpu.memory_space<vmem>>
      %dma_wait3A_115 = tpu.memref_squeeze %dma_wait3A_114 : memref<1x125xi32, #tpu.memory_space<vmem>> -> memref<125xi32, #tpu.memory_space<vmem>>
      %dma_wait3A_116 = arith.constant 0 : i32
      %dma_wait3A_117 = arith.constant 0 : i32
      %dma_wait3A_118 = tpu.memref_slice %arg4[%dma_wait3A_116, %dma_wait3A_117] : memref<10240x128xf32, #tpu.memory_space<hbm>> -> memref<10240x128xf32, #tpu.memory_space<hbm>>
      tpu.wait_indirect_dma semaphore(%arg12 : memref<!tpu.dma_semaphore, #tpu.memory_space<semaphore_mem>>) src(%dma_wait3A_118 : memref<10240x128xf32, #tpu.memory_space<hbm>>) dst(%arg9 : memref<125x128xf32, #tpu.memory_space<vmem>>)
      %run_scoped3A_119 = arith.constant 4 : i32
      "tpu.region"() ({
        %run_scoped3A_279 = tpu.sem_alloc : memref<!tpu.dma_semaphore, #tpu.memory_space<semaphore_mem>>
        %dma_start3A_280 = arith.constant 0 : i32
        %dma_start3A_281 = tpu.memref_slice %arg8[%run_scoped3A_119, %dma_start3A_280] : memref<16x125xi32, #tpu.memory_space<vmem>> -> memref<1x125xi32, #tpu.memory_space<vmem>>
        %dma_start3A_282 = tpu.memref_squeeze %dma_start3A_281 : memref<1x125xi32, #tpu.memory_space<vmem>> -> memref<125xi32, #tpu.memory_space<vmem>>
        %dma_start3A_283 = arith.constant 0 : i32
        %dma_start3A_284 = arith.constant 0 : i32
        %dma_start3A_285 = tpu.memref_slice %arg6[%dma_start3A_283, %dma_start3A_284] : memref<10240x128xf32, #tpu.memory_space<vmem_shared>> -> memref<10240x128xf32, #tpu.memory_space<vmem_shared>>
        tpu.enqueue_indirect_dma source(%arg9 : memref<125x128xf32, #tpu.memory_space<vmem>>) target(%dma_start3A_285 : memref<10240x128xf32, #tpu.memory_space<vmem_shared>>) offsets(%dma_start3A_282 : memref<125xi32, #tpu.memory_space<vmem>>) semaphore(%run_scoped3A_279 : memref<!tpu.dma_semaphore, #tpu.memory_space<semaphore_mem>>) {add = true}
        %dma_wait3A_286 = arith.constant 0 : i32
        %dma_wait3A_287 = tpu.memref_slice %arg8[%run_scoped3A_119, %dma_wait3A_286] : memref<16x125xi32, #tpu.memory_space<vmem>> -> memref<1x125xi32, #tpu.memory_space<vmem>>
        %dma_wait3A_288 = tpu.memref_squeeze %dma_wait3A_287 : memref<1x125xi32, #tpu.memory_space<vmem>> -> memref<125xi32, #tpu.memory_space<vmem>>
        %dma_wait3A_289 = arith.constant 0 : i32
        %dma_wait3A_290 = arith.constant 0 : i32
        %dma_wait3A_291 = tpu.memref_slice %arg6[%dma_wait3A_289, %dma_wait3A_290] : memref<10240x128xf32, #tpu.memory_space<vmem_shared>> -> memref<10240x128xf32, #tpu.memory_space<vmem_shared>>
        tpu.wait_indirect_dma semaphore(%run_scoped3A_279 : memref<!tpu.dma_semaphore, #tpu.memory_space<semaphore_mem>>) src(%arg9 : memref<125x128xf32, #tpu.memory_space<vmem>>) dst(%dma_wait3A_291 : memref<10240x128xf32, #tpu.memory_space<vmem_shared>>)
        tpu.yield
      }) : () -> ()
      %dma_start3A_120 = arith.constant 6 : i32
      %dma_start3A_121 = arith.constant 0 : i32
      %dma_start3A_122 = tpu.memref_slice %arg7[%dma_start3A_120, %dma_start3A_121] : memref<16x125xi32, #tpu.memory_space<vmem>> -> memref<1x125xi32, #tpu.memory_space<vmem>>
      %dma_start3A_123 = tpu.memref_squeeze %dma_start3A_122 : memref<1x125xi32, #tpu.memory_space<vmem>> -> memref<125xi32, #tpu.memory_space<vmem>>
      %dma_start3A_124 = arith.constant 0 : i32
      %dma_start3A_125 = arith.constant 0 : i32
      %dma_start3A_126 = tpu.memref_slice %arg4[%dma_start3A_124, %dma_start3A_125] : memref<10240x128xf32, #tpu.memory_space<hbm>> -> memref<10240x128xf32, #tpu.memory_space<hbm>>
      tpu.enqueue_indirect_dma source(%dma_start3A_126 : memref<10240x128xf32, #tpu.memory_space<hbm>>) target(%arg9 : memref<125x128xf32, #tpu.memory_space<vmem>>) offsets(%dma_start3A_123 : memref<125xi32, #tpu.memory_space<vmem>>) semaphore(%arg12 : memref<!tpu.dma_semaphore, #tpu.memory_space<semaphore_mem>>)
      %dma_wait3A_127 = arith.constant 5 : i32
      %dma_wait3A_128 = arith.constant 0 : i32
      %dma_wait3A_129 = tpu.memref_slice %arg7[%dma_wait3A_127, %dma_wait3A_128] : memref<16x125xi32, #tpu.memory_space<vmem>> -> memref<1x125xi32, #tpu.memory_space<vmem>>
      %dma_wait3A_130 = tpu.memref_squeeze %dma_wait3A_129 : memref<1x125xi32, #tpu.memory_space<vmem>> -> memref<125xi32, #tpu.memory_space<vmem>>
      %dma_wait3A_131 = arith.constant 0 : i32
      %dma_wait3A_132 = arith.constant 0 : i32
      %dma_wait3A_133 = tpu.memref_slice %arg4[%dma_wait3A_131, %dma_wait3A_132] : memref<10240x128xf32, #tpu.memory_space<hbm>> -> memref<10240x128xf32, #tpu.memory_space<hbm>>
      tpu.wait_indirect_dma semaphore(%arg13 : memref<!tpu.dma_semaphore, #tpu.memory_space<semaphore_mem>>) src(%dma_wait3A_133 : memref<10240x128xf32, #tpu.memory_space<hbm>>) dst(%arg10 : memref<125x128xf32, #tpu.memory_space<vmem>>)
      %run_scoped3A_134 = arith.constant 5 : i32
      "tpu.region"() ({
        %run_scoped3A_279 = tpu.sem_alloc : memref<!tpu.dma_semaphore, #tpu.memory_space<semaphore_mem>>
        %dma_start3A_280 = arith.constant 0 : i32
        %dma_start3A_281 = tpu.memref_slice %arg8[%run_scoped3A_134, %dma_start3A_280] : memref<16x125xi32, #tpu.memory_space<vmem>> -> memref<1x125xi32, #tpu.memory_space<vmem>>
        %dma_start3A_282 = tpu.memref_squeeze %dma_start3A_281 : memref<1x125xi32, #tpu.memory_space<vmem>> -> memref<125xi32, #tpu.memory_space<vmem>>
        %dma_start3A_283 = arith.constant 0 : i32
        %dma_start3A_284 = arith.constant 0 : i32
        %dma_start3A_285 = tpu.memref_slice %arg6[%dma_start3A_283, %dma_start3A_284] : memref<10240x128xf32, #tpu.memory_space<vmem_shared>> -> memref<10240x128xf32, #tpu.memory_space<vmem_shared>>
        tpu.enqueue_indirect_dma source(%arg10 : memref<125x128xf32, #tpu.memory_space<vmem>>) target(%dma_start3A_285 : memref<10240x128xf32, #tpu.memory_space<vmem_shared>>) offsets(%dma_start3A_282 : memref<125xi32, #tpu.memory_space<vmem>>) semaphore(%run_scoped3A_279 : memref<!tpu.dma_semaphore, #tpu.memory_space<semaphore_mem>>) {add = true}
        %dma_wait3A_286 = arith.constant 0 : i32
        %dma_wait3A_287 = tpu.memref_slice %arg8[%run_scoped3A_134, %dma_wait3A_286] : memref<16x125xi32, #tpu.memory_space<vmem>> -> memref<1x125xi32, #tpu.memory_space<vmem>>
        %dma_wait3A_288 = tpu.memref_squeeze %dma_wait3A_287 : memref<1x125xi32, #tpu.memory_space<vmem>> -> memref<125xi32, #tpu.memory_space<vmem>>
        %dma_wait3A_289 = arith.constant 0 : i32
        %dma_wait3A_290 = arith.constant 0 : i32
        %dma_wait3A_291 = tpu.memref_slice %arg6[%dma_wait3A_289, %dma_wait3A_290] : memref<10240x128xf32, #tpu.memory_space<vmem_shared>> -> memref<10240x128xf32, #tpu.memory_space<vmem_shared>>
        tpu.wait_indirect_dma semaphore(%run_scoped3A_279 : memref<!tpu.dma_semaphore, #tpu.memory_space<semaphore_mem>>) src(%arg10 : memref<125x128xf32, #tpu.memory_space<vmem>>) dst(%dma_wait3A_291 : memref<10240x128xf32, #tpu.memory_space<vmem_shared>>)
        tpu.yield
      }) : () -> ()
      %dma_start3A_135 = arith.constant 7 : i32
      %dma_start3A_136 = arith.constant 0 : i32
      %dma_start3A_137 = tpu.memref_slice %arg7[%dma_start3A_135, %dma_start3A_136] : memref<16x125xi32, #tpu.memory_space<vmem>> -> memref<1x125xi32, #tpu.memory_space<vmem>>
      %dma_start3A_138 = tpu.memref_squeeze %dma_start3A_137 : memref<1x125xi32, #tpu.memory_space<vmem>> -> memref<125xi32, #tpu.memory_space<vmem>>
      %dma_start3A_139 = arith.constant 0 : i32
      %dma_start3A_140 = arith.constant 0 : i32
      %dma_start3A_141 = tpu.memref_slice %arg4[%dma_start3A_139, %dma_start3A_140] : memref<10240x128xf32, #tpu.memory_space<hbm>> -> memref<10240x128xf32, #tpu.memory_space<hbm>>
      tpu.enqueue_indirect_dma source(%dma_start3A_141 : memref<10240x128xf32, #tpu.memory_space<hbm>>) target(%arg10 : memref<125x128xf32, #tpu.memory_space<vmem>>) offsets(%dma_start3A_138 : memref<125xi32, #tpu.memory_space<vmem>>) semaphore(%arg13 : memref<!tpu.dma_semaphore, #tpu.memory_space<semaphore_mem>>)
      %dma_wait3A_142 = arith.constant 6 : i32
      %dma_wait3A_143 = arith.constant 0 : i32
      %dma_wait3A_144 = tpu.memref_slice %arg7[%dma_wait3A_142, %dma_wait3A_143] : memref<16x125xi32, #tpu.memory_space<vmem>> -> memref<1x125xi32, #tpu.memory_space<vmem>>
      %dma_wait3A_145 = tpu.memref_squeeze %dma_wait3A_144 : memref<1x125xi32, #tpu.memory_space<vmem>> -> memref<125xi32, #tpu.memory_space<vmem>>
      %dma_wait3A_146 = arith.constant 0 : i32
      %dma_wait3A_147 = arith.constant 0 : i32
      %dma_wait3A_148 = tpu.memref_slice %arg4[%dma_wait3A_146, %dma_wait3A_147] : memref<10240x128xf32, #tpu.memory_space<hbm>> -> memref<10240x128xf32, #tpu.memory_space<hbm>>
      tpu.wait_indirect_dma semaphore(%arg12 : memref<!tpu.dma_semaphore, #tpu.memory_space<semaphore_mem>>) src(%dma_wait3A_148 : memref<10240x128xf32, #tpu.memory_space<hbm>>) dst(%arg9 : memref<125x128xf32, #tpu.memory_space<vmem>>)
      %run_scoped3A_149 = arith.constant 6 : i32
      "tpu.region"() ({
        %run_scoped3A_279 = tpu.sem_alloc : memref<!tpu.dma_semaphore, #tpu.memory_space<semaphore_mem>>
        %dma_start3A_280 = arith.constant 0 : i32
        %dma_start3A_281 = tpu.memref_slice %arg8[%run_scoped3A_149, %dma_start3A_280] : memref<16x125xi32, #tpu.memory_space<vmem>> -> memref<1x125xi32, #tpu.memory_space<vmem>>
        %dma_start3A_282 = tpu.memref_squeeze %dma_start3A_281 : memref<1x125xi32, #tpu.memory_space<vmem>> -> memref<125xi32, #tpu.memory_space<vmem>>
        %dma_start3A_283 = arith.constant 0 : i32
        %dma_start3A_284 = arith.constant 0 : i32
        %dma_start3A_285 = tpu.memref_slice %arg6[%dma_start3A_283, %dma_start3A_284] : memref<10240x128xf32, #tpu.memory_space<vmem_shared>> -> memref<10240x128xf32, #tpu.memory_space<vmem_shared>>
        tpu.enqueue_indirect_dma source(%arg9 : memref<125x128xf32, #tpu.memory_space<vmem>>) target(%dma_start3A_285 : memref<10240x128xf32, #tpu.memory_space<vmem_shared>>) offsets(%dma_start3A_282 : memref<125xi32, #tpu.memory_space<vmem>>) semaphore(%run_scoped3A_279 : memref<!tpu.dma_semaphore, #tpu.memory_space<semaphore_mem>>) {add = true}
        %dma_wait3A_286 = arith.constant 0 : i32
        %dma_wait3A_287 = tpu.memref_slice %arg8[%run_scoped3A_149, %dma_wait3A_286] : memref<16x125xi32, #tpu.memory_space<vmem>> -> memref<1x125xi32, #tpu.memory_space<vmem>>
        %dma_wait3A_288 = tpu.memref_squeeze %dma_wait3A_287 : memref<1x125xi32, #tpu.memory_space<vmem>> -> memref<125xi32, #tpu.memory_space<vmem>>
        %dma_wait3A_289 = arith.constant 0 : i32
        %dma_wait3A_290 = arith.constant 0 : i32
        %dma_wait3A_291 = tpu.memref_slice %arg6[%dma_wait3A_289, %dma_wait3A_290] : memref<10240x128xf32, #tpu.memory_space<vmem_shared>> -> memref<10240x128xf32, #tpu.memory_space<vmem_shared>>
        tpu.wait_indirect_dma semaphore(%run_scoped3A_279 : memref<!tpu.dma_semaphore, #tpu.memory_space<semaphore_mem>>) src(%arg9 : memref<125x128xf32, #tpu.memory_space<vmem>>) dst(%dma_wait3A_291 : memref<10240x128xf32, #tpu.memory_space<vmem_shared>>)
        tpu.yield
      }) : () -> ()
      %dma_start3A_150 = arith.constant 8 : i32
      %dma_start3A_151 = arith.constant 0 : i32
      %dma_start3A_152 = tpu.memref_slice %arg7[%dma_start3A_150, %dma_start3A_151] : memref<16x125xi32, #tpu.memory_space<vmem>> -> memref<1x125xi32, #tpu.memory_space<vmem>>
      %dma_start3A_153 = tpu.memref_squeeze %dma_start3A_152 : memref<1x125xi32, #tpu.memory_space<vmem>> -> memref<125xi32, #tpu.memory_space<vmem>>
      %dma_start3A_154 = arith.constant 0 : i32
      %dma_start3A_155 = arith.constant 0 : i32
      %dma_start3A_156 = tpu.memref_slice %arg4[%dma_start3A_154, %dma_start3A_155] : memref<10240x128xf32, #tpu.memory_space<hbm>> -> memref<10240x128xf32, #tpu.memory_space<hbm>>
      tpu.enqueue_indirect_dma source(%dma_start3A_156 : memref<10240x128xf32, #tpu.memory_space<hbm>>) target(%arg9 : memref<125x128xf32, #tpu.memory_space<vmem>>) offsets(%dma_start3A_153 : memref<125xi32, #tpu.memory_space<vmem>>) semaphore(%arg12 : memref<!tpu.dma_semaphore, #tpu.memory_space<semaphore_mem>>)
      %dma_wait3A_157 = arith.constant 7 : i32
      %dma_wait3A_158 = arith.constant 0 : i32
      %dma_wait3A_159 = tpu.memref_slice %arg7[%dma_wait3A_157, %dma_wait3A_158] : memref<16x125xi32, #tpu.memory_space<vmem>> -> memref<1x125xi32, #tpu.memory_space<vmem>>
      %dma_wait3A_160 = tpu.memref_squeeze %dma_wait3A_159 : memref<1x125xi32, #tpu.memory_space<vmem>> -> memref<125xi32, #tpu.memory_space<vmem>>
      %dma_wait3A_161 = arith.constant 0 : i32
      %dma_wait3A_162 = arith.constant 0 : i32
      %dma_wait3A_163 = tpu.memref_slice %arg4[%dma_wait3A_161, %dma_wait3A_162] : memref<10240x128xf32, #tpu.memory_space<hbm>> -> memref<10240x128xf32, #tpu.memory_space<hbm>>
      tpu.wait_indirect_dma semaphore(%arg13 : memref<!tpu.dma_semaphore, #tpu.memory_space<semaphore_mem>>) src(%dma_wait3A_163 : memref<10240x128xf32, #tpu.memory_space<hbm>>) dst(%arg10 : memref<125x128xf32, #tpu.memory_space<vmem>>)
      %run_scoped3A_164 = arith.constant 7 : i32
      "tpu.region"() ({
        %run_scoped3A_279 = tpu.sem_alloc : memref<!tpu.dma_semaphore, #tpu.memory_space<semaphore_mem>>
        %dma_start3A_280 = arith.constant 0 : i32
        %dma_start3A_281 = tpu.memref_slice %arg8[%run_scoped3A_164, %dma_start3A_280] : memref<16x125xi32, #tpu.memory_space<vmem>> -> memref<1x125xi32, #tpu.memory_space<vmem>>
        %dma_start3A_282 = tpu.memref_squeeze %dma_start3A_281 : memref<1x125xi32, #tpu.memory_space<vmem>> -> memref<125xi32, #tpu.memory_space<vmem>>
        %dma_start3A_283 = arith.constant 0 : i32
        %dma_start3A_284 = arith.constant 0 : i32
        %dma_start3A_285 = tpu.memref_slice %arg6[%dma_start3A_283, %dma_start3A_284] : memref<10240x128xf32, #tpu.memory_space<vmem_shared>> -> memref<10240x128xf32, #tpu.memory_space<vmem_shared>>
        tpu.enqueue_indirect_dma source(%arg10 : memref<125x128xf32, #tpu.memory_space<vmem>>) target(%dma_start3A_285 : memref<10240x128xf32, #tpu.memory_space<vmem_shared>>) offsets(%dma_start3A_282 : memref<125xi32, #tpu.memory_space<vmem>>) semaphore(%run_scoped3A_279 : memref<!tpu.dma_semaphore, #tpu.memory_space<semaphore_mem>>) {add = true}
        %dma_wait3A_286 = arith.constant 0 : i32
        %dma_wait3A_287 = tpu.memref_slice %arg8[%run_scoped3A_164, %dma_wait3A_286] : memref<16x125xi32, #tpu.memory_space<vmem>> -> memref<1x125xi32, #tpu.memory_space<vmem>>
        %dma_wait3A_288 = tpu.memref_squeeze %dma_wait3A_287 : memref<1x125xi32, #tpu.memory_space<vmem>> -> memref<125xi32, #tpu.memory_space<vmem>>
        %dma_wait3A_289 = arith.constant 0 : i32
        %dma_wait3A_290 = arith.constant 0 : i32
        %dma_wait3A_291 = tpu.memref_slice %arg6[%dma_wait3A_289, %dma_wait3A_290] : memref<10240x128xf32, #tpu.memory_space<vmem_shared>> -> memref<10240x128xf32, #tpu.memory_space<vmem_shared>>
        tpu.wait_indirect_dma semaphore(%run_scoped3A_279 : memref<!tpu.dma_semaphore, #tpu.memory_space<semaphore_mem>>) src(%arg10 : memref<125x128xf32, #tpu.memory_space<vmem>>) dst(%dma_wait3A_291 : memref<10240x128xf32, #tpu.memory_space<vmem_shared>>)
        tpu.yield
      }) : () -> ()
      %dma_start3A_165 = arith.constant 9 : i32
      %dma_start3A_166 = arith.constant 0 : i32
      %dma_start3A_167 = tpu.memref_slice %arg7[%dma_start3A_165, %dma_start3A_166] : memref<16x125xi32, #tpu.memory_space<vmem>> -> memref<1x125xi32, #tpu.memory_space<vmem>>
      %dma_start3A_168 = tpu.memref_squeeze %dma_start3A_167 : memref<1x125xi32, #tpu.memory_space<vmem>> -> memref<125xi32, #tpu.memory_space<vmem>>
      %dma_start3A_169 = arith.constant 0 : i32
      %dma_start3A_170 = arith.constant 0 : i32
      %dma_start3A_171 = tpu.memref_slice %arg4[%dma_start3A_169, %dma_start3A_170] : memref<10240x128xf32, #tpu.memory_space<hbm>> -> memref<10240x128xf32, #tpu.memory_space<hbm>>
      tpu.enqueue_indirect_dma source(%dma_start3A_171 : memref<10240x128xf32, #tpu.memory_space<hbm>>) target(%arg10 : memref<125x128xf32, #tpu.memory_space<vmem>>) offsets(%dma_start3A_168 : memref<125xi32, #tpu.memory_space<vmem>>) semaphore(%arg13 : memref<!tpu.dma_semaphore, #tpu.memory_space<semaphore_mem>>)
      %dma_wait3A_172 = arith.constant 8 : i32
      %dma_wait3A_173 = arith.constant 0 : i32
      %dma_wait3A_174 = tpu.memref_slice %arg7[%dma_wait3A_172, %dma_wait3A_173] : memref<16x125xi32, #tpu.memory_space<vmem>> -> memref<1x125xi32, #tpu.memory_space<vmem>>
      %dma_wait3A_175 = tpu.memref_squeeze %dma_wait3A_174 : memref<1x125xi32, #tpu.memory_space<vmem>> -> memref<125xi32, #tpu.memory_space<vmem>>
      %dma_wait3A_176 = arith.constant 0 : i32
      %dma_wait3A_177 = arith.constant 0 : i32
      %dma_wait3A_178 = tpu.memref_slice %arg4[%dma_wait3A_176, %dma_wait3A_177] : memref<10240x128xf32, #tpu.memory_space<hbm>> -> memref<10240x128xf32, #tpu.memory_space<hbm>>
      tpu.wait_indirect_dma semaphore(%arg12 : memref<!tpu.dma_semaphore, #tpu.memory_space<semaphore_mem>>) src(%dma_wait3A_178 : memref<10240x128xf32, #tpu.memory_space<hbm>>) dst(%arg9 : memref<125x128xf32, #tpu.memory_space<vmem>>)
      %run_scoped3A_179 = arith.constant 8 : i32
      "tpu.region"() ({
        %run_scoped3A_279 = tpu.sem_alloc : memref<!tpu.dma_semaphore, #tpu.memory_space<semaphore_mem>>
        %dma_start3A_280 = arith.constant 0 : i32
        %dma_start3A_281 = tpu.memref_slice %arg8[%run_scoped3A_179, %dma_start3A_280] : memref<16x125xi32, #tpu.memory_space<vmem>> -> memref<1x125xi32, #tpu.memory_space<vmem>>
        %dma_start3A_282 = tpu.memref_squeeze %dma_start3A_281 : memref<1x125xi32, #tpu.memory_space<vmem>> -> memref<125xi32, #tpu.memory_space<vmem>>
        %dma_start3A_283 = arith.constant 0 : i32
        %dma_start3A_284 = arith.constant 0 : i32
        %dma_start3A_285 = tpu.memref_slice %arg6[%dma_start3A_283, %dma_start3A_284] : memref<10240x128xf32, #tpu.memory_space<vmem_shared>> -> memref<10240x128xf32, #tpu.memory_space<vmem_shared>>
        tpu.enqueue_indirect_dma source(%arg9 : memref<125x128xf32, #tpu.memory_space<vmem>>) target(%dma_start3A_285 : memref<10240x128xf32, #tpu.memory_space<vmem_shared>>) offsets(%dma_start3A_282 : memref<125xi32, #tpu.memory_space<vmem>>) semaphore(%run_scoped3A_279 : memref<!tpu.dma_semaphore, #tpu.memory_space<semaphore_mem>>) {add = true}
        %dma_wait3A_286 = arith.constant 0 : i32
        %dma_wait3A_287 = tpu.memref_slice %arg8[%run_scoped3A_179, %dma_wait3A_286] : memref<16x125xi32, #tpu.memory_space<vmem>> -> memref<1x125xi32, #tpu.memory_space<vmem>>
        %dma_wait3A_288 = tpu.memref_squeeze %dma_wait3A_287 : memref<1x125xi32, #tpu.memory_space<vmem>> -> memref<125xi32, #tpu.memory_space<vmem>>
        %dma_wait3A_289 = arith.constant 0 : i32
        %dma_wait3A_290 = arith.constant 0 : i32
        %dma_wait3A_291 = tpu.memref_slice %arg6[%dma_wait3A_289, %dma_wait3A_290] : memref<10240x128xf32, #tpu.memory_space<vmem_shared>> -> memref<10240x128xf32, #tpu.memory_space<vmem_shared>>
        tpu.wait_indirect_dma semaphore(%run_scoped3A_279 : memref<!tpu.dma_semaphore, #tpu.memory_space<semaphore_mem>>) src(%arg9 : memref<125x128xf32, #tpu.memory_space<vmem>>) dst(%dma_wait3A_291 : memref<10240x128xf32, #tpu.memory_space<vmem_shared>>)
        tpu.yield
      }) : () -> ()
      %dma_start3A_180 = arith.constant 10 : i32
      %dma_start3A_181 = arith.constant 0 : i32
      %dma_start3A_182 = tpu.memref_slice %arg7[%dma_start3A_180, %dma_start3A_181] : memref<16x125xi32, #tpu.memory_space<vmem>> -> memref<1x125xi32, #tpu.memory_space<vmem>>
      %dma_start3A_183 = tpu.memref_squeeze %dma_start3A_182 : memref<1x125xi32, #tpu.memory_space<vmem>> -> memref<125xi32, #tpu.memory_space<vmem>>
      %dma_start3A_184 = arith.constant 0 : i32
      %dma_start3A_185 = arith.constant 0 : i32
      %dma_start3A_186 = tpu.memref_slice %arg4[%dma_start3A_184, %dma_start3A_185] : memref<10240x128xf32, #tpu.memory_space<hbm>> -> memref<10240x128xf32, #tpu.memory_space<hbm>>
      tpu.enqueue_indirect_dma source(%dma_start3A_186 : memref<10240x128xf32, #tpu.memory_space<hbm>>) target(%arg9 : memref<125x128xf32, #tpu.memory_space<vmem>>) offsets(%dma_start3A_183 : memref<125xi32, #tpu.memory_space<vmem>>) semaphore(%arg12 : memref<!tpu.dma_semaphore, #tpu.memory_space<semaphore_mem>>)
      %dma_wait3A_187 = arith.constant 9 : i32
      %dma_wait3A_188 = arith.constant 0 : i32
      %dma_wait3A_189 = tpu.memref_slice %arg7[%dma_wait3A_187, %dma_wait3A_188] : memref<16x125xi32, #tpu.memory_space<vmem>> -> memref<1x125xi32, #tpu.memory_space<vmem>>
      %dma_wait3A_190 = tpu.memref_squeeze %dma_wait3A_189 : memref<1x125xi32, #tpu.memory_space<vmem>> -> memref<125xi32, #tpu.memory_space<vmem>>
      %dma_wait3A_191 = arith.constant 0 : i32
      %dma_wait3A_192 = arith.constant 0 : i32
      %dma_wait3A_193 = tpu.memref_slice %arg4[%dma_wait3A_191, %dma_wait3A_192] : memref<10240x128xf32, #tpu.memory_space<hbm>> -> memref<10240x128xf32, #tpu.memory_space<hbm>>
      tpu.wait_indirect_dma semaphore(%arg13 : memref<!tpu.dma_semaphore, #tpu.memory_space<semaphore_mem>>) src(%dma_wait3A_193 : memref<10240x128xf32, #tpu.memory_space<hbm>>) dst(%arg10 : memref<125x128xf32, #tpu.memory_space<vmem>>)
      %run_scoped3A_194 = arith.constant 9 : i32
      "tpu.region"() ({
        %run_scoped3A_279 = tpu.sem_alloc : memref<!tpu.dma_semaphore, #tpu.memory_space<semaphore_mem>>
        %dma_start3A_280 = arith.constant 0 : i32
        %dma_start3A_281 = tpu.memref_slice %arg8[%run_scoped3A_194, %dma_start3A_280] : memref<16x125xi32, #tpu.memory_space<vmem>> -> memref<1x125xi32, #tpu.memory_space<vmem>>
        %dma_start3A_282 = tpu.memref_squeeze %dma_start3A_281 : memref<1x125xi32, #tpu.memory_space<vmem>> -> memref<125xi32, #tpu.memory_space<vmem>>
        %dma_start3A_283 = arith.constant 0 : i32
        %dma_start3A_284 = arith.constant 0 : i32
        %dma_start3A_285 = tpu.memref_slice %arg6[%dma_start3A_283, %dma_start3A_284] : memref<10240x128xf32, #tpu.memory_space<vmem_shared>> -> memref<10240x128xf32, #tpu.memory_space<vmem_shared>>
        tpu.enqueue_indirect_dma source(%arg10 : memref<125x128xf32, #tpu.memory_space<vmem>>) target(%dma_start3A_285 : memref<10240x128xf32, #tpu.memory_space<vmem_shared>>) offsets(%dma_start3A_282 : memref<125xi32, #tpu.memory_space<vmem>>) semaphore(%run_scoped3A_279 : memref<!tpu.dma_semaphore, #tpu.memory_space<semaphore_mem>>) {add = true}
        %dma_wait3A_286 = arith.constant 0 : i32
        %dma_wait3A_287 = tpu.memref_slice %arg8[%run_scoped3A_194, %dma_wait3A_286] : memref<16x125xi32, #tpu.memory_space<vmem>> -> memref<1x125xi32, #tpu.memory_space<vmem>>
        %dma_wait3A_288 = tpu.memref_squeeze %dma_wait3A_287 : memref<1x125xi32, #tpu.memory_space<vmem>> -> memref<125xi32, #tpu.memory_space<vmem>>
        %dma_wait3A_289 = arith.constant 0 : i32
        %dma_wait3A_290 = arith.constant 0 : i32
        %dma_wait3A_291 = tpu.memref_slice %arg6[%dma_wait3A_289, %dma_wait3A_290] : memref<10240x128xf32, #tpu.memory_space<vmem_shared>> -> memref<10240x128xf32, #tpu.memory_space<vmem_shared>>
        tpu.wait_indirect_dma semaphore(%run_scoped3A_279 : memref<!tpu.dma_semaphore, #tpu.memory_space<semaphore_mem>>) src(%arg10 : memref<125x128xf32, #tpu.memory_space<vmem>>) dst(%dma_wait3A_291 : memref<10240x128xf32, #tpu.memory_space<vmem_shared>>)
        tpu.yield
      }) : () -> ()
      %dma_start3A_195 = arith.constant 11 : i32
      %dma_start3A_196 = arith.constant 0 : i32
      %dma_start3A_197 = tpu.memref_slice %arg7[%dma_start3A_195, %dma_start3A_196] : memref<16x125xi32, #tpu.memory_space<vmem>> -> memref<1x125xi32, #tpu.memory_space<vmem>>
      %dma_start3A_198 = tpu.memref_squeeze %dma_start3A_197 : memref<1x125xi32, #tpu.memory_space<vmem>> -> memref<125xi32, #tpu.memory_space<vmem>>
      %dma_start3A_199 = arith.constant 0 : i32
      %dma_start3A_200 = arith.constant 0 : i32
      %dma_start3A_201 = tpu.memref_slice %arg4[%dma_start3A_199, %dma_start3A_200] : memref<10240x128xf32, #tpu.memory_space<hbm>> -> memref<10240x128xf32, #tpu.memory_space<hbm>>
      tpu.enqueue_indirect_dma source(%dma_start3A_201 : memref<10240x128xf32, #tpu.memory_space<hbm>>) target(%arg10 : memref<125x128xf32, #tpu.memory_space<vmem>>) offsets(%dma_start3A_198 : memref<125xi32, #tpu.memory_space<vmem>>) semaphore(%arg13 : memref<!tpu.dma_semaphore, #tpu.memory_space<semaphore_mem>>)
      %dma_wait3A_202 = arith.constant 10 : i32
      %dma_wait3A_203 = arith.constant 0 : i32
      %dma_wait3A_204 = tpu.memref_slice %arg7[%dma_wait3A_202, %dma_wait3A_203] : memref<16x125xi32, #tpu.memory_space<vmem>> -> memref<1x125xi32, #tpu.memory_space<vmem>>
      %dma_wait3A_205 = tpu.memref_squeeze %dma_wait3A_204 : memref<1x125xi32, #tpu.memory_space<vmem>> -> memref<125xi32, #tpu.memory_space<vmem>>
      %dma_wait3A_206 = arith.constant 0 : i32
      %dma_wait3A_207 = arith.constant 0 : i32
      %dma_wait3A_208 = tpu.memref_slice %arg4[%dma_wait3A_206, %dma_wait3A_207] : memref<10240x128xf32, #tpu.memory_space<hbm>> -> memref<10240x128xf32, #tpu.memory_space<hbm>>
      tpu.wait_indirect_dma semaphore(%arg12 : memref<!tpu.dma_semaphore, #tpu.memory_space<semaphore_mem>>) src(%dma_wait3A_208 : memref<10240x128xf32, #tpu.memory_space<hbm>>) dst(%arg9 : memref<125x128xf32, #tpu.memory_space<vmem>>)
      %run_scoped3A_209 = arith.constant 10 : i32
      "tpu.region"() ({
        %run_scoped3A_279 = tpu.sem_alloc : memref<!tpu.dma_semaphore, #tpu.memory_space<semaphore_mem>>
        %dma_start3A_280 = arith.constant 0 : i32
        %dma_start3A_281 = tpu.memref_slice %arg8[%run_scoped3A_209, %dma_start3A_280] : memref<16x125xi32, #tpu.memory_space<vmem>> -> memref<1x125xi32, #tpu.memory_space<vmem>>
        %dma_start3A_282 = tpu.memref_squeeze %dma_start3A_281 : memref<1x125xi32, #tpu.memory_space<vmem>> -> memref<125xi32, #tpu.memory_space<vmem>>
        %dma_start3A_283 = arith.constant 0 : i32
        %dma_start3A_284 = arith.constant 0 : i32
        %dma_start3A_285 = tpu.memref_slice %arg6[%dma_start3A_283, %dma_start3A_284] : memref<10240x128xf32, #tpu.memory_space<vmem_shared>> -> memref<10240x128xf32, #tpu.memory_space<vmem_shared>>
        tpu.enqueue_indirect_dma source(%arg9 : memref<125x128xf32, #tpu.memory_space<vmem>>) target(%dma_start3A_285 : memref<10240x128xf32, #tpu.memory_space<vmem_shared>>) offsets(%dma_start3A_282 : memref<125xi32, #tpu.memory_space<vmem>>) semaphore(%run_scoped3A_279 : memref<!tpu.dma_semaphore, #tpu.memory_space<semaphore_mem>>) {add = true}
        %dma_wait3A_286 = arith.constant 0 : i32
        %dma_wait3A_287 = tpu.memref_slice %arg8[%run_scoped3A_209, %dma_wait3A_286] : memref<16x125xi32, #tpu.memory_space<vmem>> -> memref<1x125xi32, #tpu.memory_space<vmem>>
        %dma_wait3A_288 = tpu.memref_squeeze %dma_wait3A_287 : memref<1x125xi32, #tpu.memory_space<vmem>> -> memref<125xi32, #tpu.memory_space<vmem>>
        %dma_wait3A_289 = arith.constant 0 : i32
        %dma_wait3A_290 = arith.constant 0 : i32
        %dma_wait3A_291 = tpu.memref_slice %arg6[%dma_wait3A_289, %dma_wait3A_290] : memref<10240x128xf32, #tpu.memory_space<vmem_shared>> -> memref<10240x128xf32, #tpu.memory_space<vmem_shared>>
        tpu.wait_indirect_dma semaphore(%run_scoped3A_279 : memref<!tpu.dma_semaphore, #tpu.memory_space<semaphore_mem>>) src(%arg9 : memref<125x128xf32, #tpu.memory_space<vmem>>) dst(%dma_wait3A_291 : memref<10240x128xf32, #tpu.memory_space<vmem_shared>>)
        tpu.yield
      }) : () -> ()
      %dma_start3A_210 = arith.constant 12 : i32
      %dma_start3A_211 = arith.constant 0 : i32
      %dma_start3A_212 = tpu.memref_slice %arg7[%dma_start3A_210, %dma_start3A_211] : memref<16x125xi32, #tpu.memory_space<vmem>> -> memref<1x125xi32, #tpu.memory_space<vmem>>
      %dma_start3A_213 = tpu.memref_squeeze %dma_start3A_212 : memref<1x125xi32, #tpu.memory_space<vmem>> -> memref<125xi32, #tpu.memory_space<vmem>>
      %dma_start3A_214 = arith.constant 0 : i32
      %dma_start3A_215 = arith.constant 0 : i32
      %dma_start3A_216 = tpu.memref_slice %arg4[%dma_start3A_214, %dma_start3A_215] : memref<10240x128xf32, #tpu.memory_space<hbm>> -> memref<10240x128xf32, #tpu.memory_space<hbm>>
      tpu.enqueue_indirect_dma source(%dma_start3A_216 : memref<10240x128xf32, #tpu.memory_space<hbm>>) target(%arg9 : memref<125x128xf32, #tpu.memory_space<vmem>>) offsets(%dma_start3A_213 : memref<125xi32, #tpu.memory_space<vmem>>) semaphore(%arg12 : memref<!tpu.dma_semaphore, #tpu.memory_space<semaphore_mem>>)
      %dma_wait3A_217 = arith.constant 11 : i32
      %dma_wait3A_218 = arith.constant 0 : i32
      %dma_wait3A_219 = tpu.memref_slice %arg7[%dma_wait3A_217, %dma_wait3A_218] : memref<16x125xi32, #tpu.memory_space<vmem>> -> memref<1x125xi32, #tpu.memory_space<vmem>>
      %dma_wait3A_220 = tpu.memref_squeeze %dma_wait3A_219 : memref<1x125xi32, #tpu.memory_space<vmem>> -> memref<125xi32, #tpu.memory_space<vmem>>
      %dma_wait3A_221 = arith.constant 0 : i32
      %dma_wait3A_222 = arith.constant 0 : i32
      %dma_wait3A_223 = tpu.memref_slice %arg4[%dma_wait3A_221, %dma_wait3A_222] : memref<10240x128xf32, #tpu.memory_space<hbm>> -> memref<10240x128xf32, #tpu.memory_space<hbm>>
      tpu.wait_indirect_dma semaphore(%arg13 : memref<!tpu.dma_semaphore, #tpu.memory_space<semaphore_mem>>) src(%dma_wait3A_223 : memref<10240x128xf32, #tpu.memory_space<hbm>>) dst(%arg10 : memref<125x128xf32, #tpu.memory_space<vmem>>)
      %run_scoped3A_224 = arith.constant 11 : i32
      "tpu.region"() ({
        %run_scoped3A_279 = tpu.sem_alloc : memref<!tpu.dma_semaphore, #tpu.memory_space<semaphore_mem>>
        %dma_start3A_280 = arith.constant 0 : i32
        %dma_start3A_281 = tpu.memref_slice %arg8[%run_scoped3A_224, %dma_start3A_280] : memref<16x125xi32, #tpu.memory_space<vmem>> -> memref<1x125xi32, #tpu.memory_space<vmem>>
        %dma_start3A_282 = tpu.memref_squeeze %dma_start3A_281 : memref<1x125xi32, #tpu.memory_space<vmem>> -> memref<125xi32, #tpu.memory_space<vmem>>
        %dma_start3A_283 = arith.constant 0 : i32
        %dma_start3A_284 = arith.constant 0 : i32
        %dma_start3A_285 = tpu.memref_slice %arg6[%dma_start3A_283, %dma_start3A_284] : memref<10240x128xf32, #tpu.memory_space<vmem_shared>> -> memref<10240x128xf32, #tpu.memory_space<vmem_shared>>
        tpu.enqueue_indirect_dma source(%arg10 : memref<125x128xf32, #tpu.memory_space<vmem>>) target(%dma_start3A_285 : memref<10240x128xf32, #tpu.memory_space<vmem_shared>>) offsets(%dma_start3A_282 : memref<125xi32, #tpu.memory_space<vmem>>) semaphore(%run_scoped3A_279 : memref<!tpu.dma_semaphore, #tpu.memory_space<semaphore_mem>>) {add = true}
        %dma_wait3A_286 = arith.constant 0 : i32
        %dma_wait3A_287 = tpu.memref_slice %arg8[%run_scoped3A_224, %dma_wait3A_286] : memref<16x125xi32, #tpu.memory_space<vmem>> -> memref<1x125xi32, #tpu.memory_space<vmem>>
        %dma_wait3A_288 = tpu.memref_squeeze %dma_wait3A_287 : memref<1x125xi32, #tpu.memory_space<vmem>> -> memref<125xi32, #tpu.memory_space<vmem>>
        %dma_wait3A_289 = arith.constant 0 : i32
        %dma_wait3A_290 = arith.constant 0 : i32
        %dma_wait3A_291 = tpu.memref_slice %arg6[%dma_wait3A_289, %dma_wait3A_290] : memref<10240x128xf32, #tpu.memory_space<vmem_shared>> -> memref<10240x128xf32, #tpu.memory_space<vmem_shared>>
        tpu.wait_indirect_dma semaphore(%run_scoped3A_279 : memref<!tpu.dma_semaphore, #tpu.memory_space<semaphore_mem>>) src(%arg10 : memref<125x128xf32, #tpu.memory_space<vmem>>) dst(%dma_wait3A_291 : memref<10240x128xf32, #tpu.memory_space<vmem_shared>>)
        tpu.yield
      }) : () -> ()
      %dma_start3A_225 = arith.constant 13 : i32
      %dma_start3A_226 = arith.constant 0 : i32
      %dma_start3A_227 = tpu.memref_slice %arg7[%dma_start3A_225, %dma_start3A_226] : memref<16x125xi32, #tpu.memory_space<vmem>> -> memref<1x125xi32, #tpu.memory_space<vmem>>
      %dma_start3A_228 = tpu.memref_squeeze %dma_start3A_227 : memref<1x125xi32, #tpu.memory_space<vmem>> -> memref<125xi32, #tpu.memory_space<vmem>>
      %dma_start3A_229 = arith.constant 0 : i32
      %dma_start3A_230 = arith.constant 0 : i32
      %dma_start3A_231 = tpu.memref_slice %arg4[%dma_start3A_229, %dma_start3A_230] : memref<10240x128xf32, #tpu.memory_space<hbm>> -> memref<10240x128xf32, #tpu.memory_space<hbm>>
      tpu.enqueue_indirect_dma source(%dma_start3A_231 : memref<10240x128xf32, #tpu.memory_space<hbm>>) target(%arg10 : memref<125x128xf32, #tpu.memory_space<vmem>>) offsets(%dma_start3A_228 : memref<125xi32, #tpu.memory_space<vmem>>) semaphore(%arg13 : memref<!tpu.dma_semaphore, #tpu.memory_space<semaphore_mem>>)
      %dma_wait3A_232 = arith.constant 12 : i32
      %dma_wait3A_233 = arith.constant 0 : i32
      %dma_wait3A_234 = tpu.memref_slice %arg7[%dma_wait3A_232, %dma_wait3A_233] : memref<16x125xi32, #tpu.memory_space<vmem>> -> memref<1x125xi32, #tpu.memory_space<vmem>>
      %dma_wait3A_235 = tpu.memref_squeeze %dma_wait3A_234 : memref<1x125xi32, #tpu.memory_space<vmem>> -> memref<125xi32, #tpu.memory_space<vmem>>
      %dma_wait3A_236 = arith.constant 0 : i32
      %dma_wait3A_237 = arith.constant 0 : i32
      %dma_wait3A_238 = tpu.memref_slice %arg4[%dma_wait3A_236, %dma_wait3A_237] : memref<10240x128xf32, #tpu.memory_space<hbm>> -> memref<10240x128xf32, #tpu.memory_space<hbm>>
      tpu.wait_indirect_dma semaphore(%arg12 : memref<!tpu.dma_semaphore, #tpu.memory_space<semaphore_mem>>) src(%dma_wait3A_238 : memref<10240x128xf32, #tpu.memory_space<hbm>>) dst(%arg9 : memref<125x128xf32, #tpu.memory_space<vmem>>)
      %run_scoped3A_239 = arith.constant 12 : i32
      "tpu.region"() ({
        %run_scoped3A_279 = tpu.sem_alloc : memref<!tpu.dma_semaphore, #tpu.memory_space<semaphore_mem>>
        %dma_start3A_280 = arith.constant 0 : i32
        %dma_start3A_281 = tpu.memref_slice %arg8[%run_scoped3A_239, %dma_start3A_280] : memref<16x125xi32, #tpu.memory_space<vmem>> -> memref<1x125xi32, #tpu.memory_space<vmem>>
        %dma_start3A_282 = tpu.memref_squeeze %dma_start3A_281 : memref<1x125xi32, #tpu.memory_space<vmem>> -> memref<125xi32, #tpu.memory_space<vmem>>
        %dma_start3A_283 = arith.constant 0 : i32
        %dma_start3A_284 = arith.constant 0 : i32
        %dma_start3A_285 = tpu.memref_slice %arg6[%dma_start3A_283, %dma_start3A_284] : memref<10240x128xf32, #tpu.memory_space<vmem_shared>> -> memref<10240x128xf32, #tpu.memory_space<vmem_shared>>
        tpu.enqueue_indirect_dma source(%arg9 : memref<125x128xf32, #tpu.memory_space<vmem>>) target(%dma_start3A_285 : memref<10240x128xf32, #tpu.memory_space<vmem_shared>>) offsets(%dma_start3A_282 : memref<125xi32, #tpu.memory_space<vmem>>) semaphore(%run_scoped3A_279 : memref<!tpu.dma_semaphore, #tpu.memory_space<semaphore_mem>>) {add = true}
        %dma_wait3A_286 = arith.constant 0 : i32
        %dma_wait3A_287 = tpu.memref_slice %arg8[%run_scoped3A_239, %dma_wait3A_286] : memref<16x125xi32, #tpu.memory_space<vmem>> -> memref<1x125xi32, #tpu.memory_space<vmem>>
        %dma_wait3A_288 = tpu.memref_squeeze %dma_wait3A_287 : memref<1x125xi32, #tpu.memory_space<vmem>> -> memref<125xi32, #tpu.memory_space<vmem>>
        %dma_wait3A_289 = arith.constant 0 : i32
        %dma_wait3A_290 = arith.constant 0 : i32
        %dma_wait3A_291 = tpu.memref_slice %arg6[%dma_wait3A_289, %dma_wait3A_290] : memref<10240x128xf32, #tpu.memory_space<vmem_shared>> -> memref<10240x128xf32, #tpu.memory_space<vmem_shared>>
        tpu.wait_indirect_dma semaphore(%run_scoped3A_279 : memref<!tpu.dma_semaphore, #tpu.memory_space<semaphore_mem>>) src(%arg9 : memref<125x128xf32, #tpu.memory_space<vmem>>) dst(%dma_wait3A_291 : memref<10240x128xf32, #tpu.memory_space<vmem_shared>>)
        tpu.yield
      }) : () -> ()
      %dma_start3A_240 = arith.constant 14 : i32
      %dma_start3A_241 = arith.constant 0 : i32
      %dma_start3A_242 = tpu.memref_slice %arg7[%dma_start3A_240, %dma_start3A_241] : memref<16x125xi32, #tpu.memory_space<vmem>> -> memref<1x125xi32, #tpu.memory_space<vmem>>
      %dma_start3A_243 = tpu.memref_squeeze %dma_start3A_242 : memref<1x125xi32, #tpu.memory_space<vmem>> -> memref<125xi32, #tpu.memory_space<vmem>>
      %dma_start3A_244 = arith.constant 0 : i32
      %dma_start3A_245 = arith.constant 0 : i32
      %dma_start3A_246 = tpu.memref_slice %arg4[%dma_start3A_244, %dma_start3A_245] : memref<10240x128xf32, #tpu.memory_space<hbm>> -> memref<10240x128xf32, #tpu.memory_space<hbm>>
      tpu.enqueue_indirect_dma source(%dma_start3A_246 : memref<10240x128xf32, #tpu.memory_space<hbm>>) target(%arg9 : memref<125x128xf32, #tpu.memory_space<vmem>>) offsets(%dma_start3A_243 : memref<125xi32, #tpu.memory_space<vmem>>) semaphore(%arg12 : memref<!tpu.dma_semaphore, #tpu.memory_space<semaphore_mem>>)
      %dma_wait3A_247 = arith.constant 13 : i32
      %dma_wait3A_248 = arith.constant 0 : i32
      %dma_wait3A_249 = tpu.memref_slice %arg7[%dma_wait3A_247, %dma_wait3A_248] : memref<16x125xi32, #tpu.memory_space<vmem>> -> memref<1x125xi32, #tpu.memory_space<vmem>>
      %dma_wait3A_250 = tpu.memref_squeeze %dma_wait3A_249 : memref<1x125xi32, #tpu.memory_space<vmem>> -> memref<125xi32, #tpu.memory_space<vmem>>
      %dma_wait3A_251 = arith.constant 0 : i32
      %dma_wait3A_252 = arith.constant 0 : i32
      %dma_wait3A_253 = tpu.memref_slice %arg4[%dma_wait3A_251, %dma_wait3A_252] : memref<10240x128xf32, #tpu.memory_space<hbm>> -> memref<10240x128xf32, #tpu.memory_space<hbm>>
      tpu.wait_indirect_dma semaphore(%arg13 : memref<!tpu.dma_semaphore, #tpu.memory_space<semaphore_mem>>) src(%dma_wait3A_253 : memref<10240x128xf32, #tpu.memory_space<hbm>>) dst(%arg10 : memref<125x128xf32, #tpu.memory_space<vmem>>)
      %run_scoped3A_254 = arith.constant 13 : i32
      "tpu.region"() ({
        %run_scoped3A_279 = tpu.sem_alloc : memref<!tpu.dma_semaphore, #tpu.memory_space<semaphore_mem>>
        %dma_start3A_280 = arith.constant 0 : i32
        %dma_start3A_281 = tpu.memref_slice %arg8[%run_scoped3A_254, %dma_start3A_280] : memref<16x125xi32, #tpu.memory_space<vmem>> -> memref<1x125xi32, #tpu.memory_space<vmem>>
        %dma_start3A_282 = tpu.memref_squeeze %dma_start3A_281 : memref<1x125xi32, #tpu.memory_space<vmem>> -> memref<125xi32, #tpu.memory_space<vmem>>
        %dma_start3A_283 = arith.constant 0 : i32
        %dma_start3A_284 = arith.constant 0 : i32
        %dma_start3A_285 = tpu.memref_slice %arg6[%dma_start3A_283, %dma_start3A_284] : memref<10240x128xf32, #tpu.memory_space<vmem_shared>> -> memref<10240x128xf32, #tpu.memory_space<vmem_shared>>
        tpu.enqueue_indirect_dma source(%arg10 : memref<125x128xf32, #tpu.memory_space<vmem>>) target(%dma_start3A_285 : memref<10240x128xf32, #tpu.memory_space<vmem_shared>>) offsets(%dma_start3A_282 : memref<125xi32, #tpu.memory_space<vmem>>) semaphore(%run_scoped3A_279 : memref<!tpu.dma_semaphore, #tpu.memory_space<semaphore_mem>>) {add = true}
        %dma_wait3A_286 = arith.constant 0 : i32
        %dma_wait3A_287 = tpu.memref_slice %arg8[%run_scoped3A_254, %dma_wait3A_286] : memref<16x125xi32, #tpu.memory_space<vmem>> -> memref<1x125xi32, #tpu.memory_space<vmem>>
        %dma_wait3A_288 = tpu.memref_squeeze %dma_wait3A_287 : memref<1x125xi32, #tpu.memory_space<vmem>> -> memref<125xi32, #tpu.memory_space<vmem>>
        %dma_wait3A_289 = arith.constant 0 : i32
        %dma_wait3A_290 = arith.constant 0 : i32
        %dma_wait3A_291 = tpu.memref_slice %arg6[%dma_wait3A_289, %dma_wait3A_290] : memref<10240x128xf32, #tpu.memory_space<vmem_shared>> -> memref<10240x128xf32, #tpu.memory_space<vmem_shared>>
        tpu.wait_indirect_dma semaphore(%run_scoped3A_279 : memref<!tpu.dma_semaphore, #tpu.memory_space<semaphore_mem>>) src(%arg10 : memref<125x128xf32, #tpu.memory_space<vmem>>) dst(%dma_wait3A_291 : memref<10240x128xf32, #tpu.memory_space<vmem_shared>>)
        tpu.yield
      }) : () -> ()
      %dma_start3A_255 = arith.constant 15 : i32
      %dma_start3A_256 = arith.constant 0 : i32
      %dma_start3A_257 = tpu.memref_slice %arg7[%dma_start3A_255, %dma_start3A_256] : memref<16x125xi32, #tpu.memory_space<vmem>> -> memref<1x125xi32, #tpu.memory_space<vmem>>
      %dma_start3A_258 = tpu.memref_squeeze %dma_start3A_257 : memref<1x125xi32, #tpu.memory_space<vmem>> -> memref<125xi32, #tpu.memory_space<vmem>>
      %dma_start3A_259 = arith.constant 0 : i32
      %dma_start3A_260 = arith.constant 0 : i32
      %dma_start3A_261 = tpu.memref_slice %arg4[%dma_start3A_259, %dma_start3A_260] : memref<10240x128xf32, #tpu.memory_space<hbm>> -> memref<10240x128xf32, #tpu.memory_space<hbm>>
      tpu.enqueue_indirect_dma source(%dma_start3A_261 : memref<10240x128xf32, #tpu.memory_space<hbm>>) target(%arg10 : memref<125x128xf32, #tpu.memory_space<vmem>>) offsets(%dma_start3A_258 : memref<125xi32, #tpu.memory_space<vmem>>) semaphore(%arg13 : memref<!tpu.dma_semaphore, #tpu.memory_space<semaphore_mem>>)
      %dma_wait3A_262 = arith.constant 14 : i32
      %dma_wait3A_263 = arith.constant 0 : i32
      %dma_wait3A_264 = tpu.memref_slice %arg7[%dma_wait3A_262, %dma_wait3A_263] : memref<16x125xi32, #tpu.memory_space<vmem>> -> memref<1x125xi32, #tpu.memory_space<vmem>>
      %dma_wait3A_265 = tpu.memref_squeeze %dma_wait3A_264 : memref<1x125xi32, #tpu.memory_space<vmem>> -> memref<125xi32, #tpu.memory_space<vmem>>
      %dma_wait3A_266 = arith.constant 0 : i32
      %dma_wait3A_267 = arith.constant 0 : i32
      %dma_wait3A_268 = tpu.memref_slice %arg4[%dma_wait3A_266, %dma_wait3A_267] : memref<10240x128xf32, #tpu.memory_space<hbm>> -> memref<10240x128xf32, #tpu.memory_space<hbm>>
      tpu.wait_indirect_dma semaphore(%arg12 : memref<!tpu.dma_semaphore, #tpu.memory_space<semaphore_mem>>) src(%dma_wait3A_268 : memref<10240x128xf32, #tpu.memory_space<hbm>>) dst(%arg9 : memref<125x128xf32, #tpu.memory_space<vmem>>)
      %run_scoped3A_269 = arith.constant 14 : i32
      "tpu.region"() ({
        %run_scoped3A_279 = tpu.sem_alloc : memref<!tpu.dma_semaphore, #tpu.memory_space<semaphore_mem>>
        %dma_start3A_280 = arith.constant 0 : i32
        %dma_start3A_281 = tpu.memref_slice %arg8[%run_scoped3A_269, %dma_start3A_280] : memref<16x125xi32, #tpu.memory_space<vmem>> -> memref<1x125xi32, #tpu.memory_space<vmem>>
        %dma_start3A_282 = tpu.memref_squeeze %dma_start3A_281 : memref<1x125xi32, #tpu.memory_space<vmem>> -> memref<125xi32, #tpu.memory_space<vmem>>
        %dma_start3A_283 = arith.constant 0 : i32
        %dma_start3A_284 = arith.constant 0 : i32
        %dma_start3A_285 = tpu.memref_slice %arg6[%dma_start3A_283, %dma_start3A_284] : memref<10240x128xf32, #tpu.memory_space<vmem_shared>> -> memref<10240x128xf32, #tpu.memory_space<vmem_shared>>
        tpu.enqueue_indirect_dma source(%arg9 : memref<125x128xf32, #tpu.memory_space<vmem>>) target(%dma_start3A_285 : memref<10240x128xf32, #tpu.memory_space<vmem_shared>>) offsets(%dma_start3A_282 : memref<125xi32, #tpu.memory_space<vmem>>) semaphore(%run_scoped3A_279 : memref<!tpu.dma_semaphore, #tpu.memory_space<semaphore_mem>>) {add = true}
        %dma_wait3A_286 = arith.constant 0 : i32
        %dma_wait3A_287 = tpu.memref_slice %arg8[%run_scoped3A_269, %dma_wait3A_286] : memref<16x125xi32, #tpu.memory_space<vmem>> -> memref<1x125xi32, #tpu.memory_space<vmem>>
        %dma_wait3A_288 = tpu.memref_squeeze %dma_wait3A_287 : memref<1x125xi32, #tpu.memory_space<vmem>> -> memref<125xi32, #tpu.memory_space<vmem>>
        %dma_wait3A_289 = arith.constant 0 : i32
        %dma_wait3A_290 = arith.constant 0 : i32
        %dma_wait3A_291 = tpu.memref_slice %arg6[%dma_wait3A_289, %dma_wait3A_290] : memref<10240x128xf32, #tpu.memory_space<vmem_shared>> -> memref<10240x128xf32, #tpu.memory_space<vmem_shared>>
        tpu.wait_indirect_dma semaphore(%run_scoped3A_279 : memref<!tpu.dma_semaphore, #tpu.memory_space<semaphore_mem>>) src(%arg9 : memref<125x128xf32, #tpu.memory_space<vmem>>) dst(%dma_wait3A_291 : memref<10240x128xf32, #tpu.memory_space<vmem_shared>>)
        tpu.yield
      }) : () -> ()
      %dma_wait3A_270 = arith.constant 15 : i32
      %dma_wait3A_271 = arith.constant 0 : i32
      %dma_wait3A_272 = tpu.memref_slice %arg7[%dma_wait3A_270, %dma_wait3A_271] : memref<16x125xi32, #tpu.memory_space<vmem>> -> memref<1x125xi32, #tpu.memory_space<vmem>>
      %dma_wait3A_273 = tpu.memref_squeeze %dma_wait3A_272 : memref<1x125xi32, #tpu.memory_space<vmem>> -> memref<125xi32, #tpu.memory_space<vmem>>
      %dma_wait3A_274 = arith.constant 0 : i32
      %dma_wait3A_275 = arith.constant 0 : i32
      %dma_wait3A_276 = tpu.memref_slice %arg4[%dma_wait3A_274, %dma_wait3A_275] : memref<10240x128xf32, #tpu.memory_space<hbm>> -> memref<10240x128xf32, #tpu.memory_space<hbm>>
      tpu.wait_indirect_dma semaphore(%arg13 : memref<!tpu.dma_semaphore, #tpu.memory_space<semaphore_mem>>) src(%dma_wait3A_276 : memref<10240x128xf32, #tpu.memory_space<hbm>>) dst(%arg10 : memref<125x128xf32, #tpu.memory_space<vmem>>)
      %run_scoped3A_277 = arith.constant 15 : i32
      "tpu.region"() ({
        %run_scoped3A_279 = tpu.sem_alloc : memref<!tpu.dma_semaphore, #tpu.memory_space<semaphore_mem>>
        %dma_start3A_280 = arith.constant 0 : i32
        %dma_start3A_281 = tpu.memref_slice %arg8[%run_scoped3A_277, %dma_start3A_280] : memref<16x125xi32, #tpu.memory_space<vmem>> -> memref<1x125xi32, #tpu.memory_space<vmem>>
        %dma_start3A_282 = tpu.memref_squeeze %dma_start3A_281 : memref<1x125xi32, #tpu.memory_space<vmem>> -> memref<125xi32, #tpu.memory_space<vmem>>
        %dma_start3A_283 = arith.constant 0 : i32
        %dma_start3A_284 = arith.constant 0 : i32
        %dma_start3A_285 = tpu.memref_slice %arg6[%dma_start3A_283, %dma_start3A_284] : memref<10240x128xf32, #tpu.memory_space<vmem_shared>> -> memref<10240x128xf32, #tpu.memory_space<vmem_shared>>
        tpu.enqueue_indirect_dma source(%arg10 : memref<125x128xf32, #tpu.memory_space<vmem>>) target(%dma_start3A_285 : memref<10240x128xf32, #tpu.memory_space<vmem_shared>>) offsets(%dma_start3A_282 : memref<125xi32, #tpu.memory_space<vmem>>) semaphore(%run_scoped3A_279 : memref<!tpu.dma_semaphore, #tpu.memory_space<semaphore_mem>>) {add = true}
        %dma_wait3A_286 = arith.constant 0 : i32
        %dma_wait3A_287 = tpu.memref_slice %arg8[%run_scoped3A_277, %dma_wait3A_286] : memref<16x125xi32, #tpu.memory_space<vmem>> -> memref<1x125xi32, #tpu.memory_space<vmem>>
        %dma_wait3A_288 = tpu.memref_squeeze %dma_wait3A_287 : memref<1x125xi32, #tpu.memory_space<vmem>> -> memref<125xi32, #tpu.memory_space<vmem>>
        %dma_wait3A_289 = arith.constant 0 : i32
        %dma_wait3A_290 = arith.constant 0 : i32
        %dma_wait3A_291 = tpu.memref_slice %arg6[%dma_wait3A_289, %dma_wait3A_290] : memref<10240x128xf32, #tpu.memory_space<vmem_shared>> -> memref<10240x128xf32, #tpu.memory_space<vmem_shared>>
        tpu.wait_indirect_dma semaphore(%run_scoped3A_279 : memref<!tpu.dma_semaphore, #tpu.memory_space<semaphore_mem>>) src(%arg10 : memref<125x128xf32, #tpu.memory_space<vmem>>) dst(%dma_wait3A_291 : memref<10240x128xf32, #tpu.memory_space<vmem_shared>>)
        tpu.yield
      }) : () -> ()
      %scan3A_278 = arith.constant 0 : i32
      scf.yield %scan3A_278 : i32
    }
    %scan3A_22 = arith.constant 5 : i32
    %barrier3A_23 = arith.constant 0 : index
    tpu.barrier barrier_id(%barrier3A_23)
    %mul3A_24 = arith.constant 640 : i32
    %mul3A_25 = arith.muli %arg1, %mul3A_24 : i32
    %scan3A_26 = arith.constant 0 : i32
    %scan3A_27 = arith.constant 0 : i32
    %scan3A_28 = arith.constant 20 : i32
    %scan3A_29 = arith.addi %scan3A_27, %scan3A_28 : i32
    %scan3A_30 = arith.constant 1 : i32
    %scan3A_31 = scf.for %scan3A_33 = %scan3A_27 to %scan3A_29 step %scan3A_30 iter_args(%scan3A_34 = %scan3A_26) -> (i32)  : i32 {
      %mul3A_35 = arith.constant 32 : i32
      %mul3A_36 = arith.muli %scan3A_33, %mul3A_35 : i32
      %add3A_37 = arith.addi %mul3A_25, %mul3A_36 : i32
      "tpu.region"() ({
        %run_scoped3A = tpu.sem_alloc : memref<!tpu.dma_semaphore, #tpu.memory_space<semaphore_mem>>
        %dma_start3A = arith.constant 0 : i32
        %dma_start3A_42 = tpu.memref_slice %arg6[%add3A_37, %dma_start3A] : memref<10240x128xf32, #tpu.memory_space<vmem_shared>> -> memref<32x128xf32, #tpu.memory_space<vmem_shared>>
        %dma_start3A_43 = arith.constant 0 : i32
        %dma_start3A_44 = tpu.memref_slice %arg6[%add3A_37, %dma_start3A_43] : memref<10240x128xf32, #tpu.memory_space<vmem_shared>> -> memref<32x128xf32, #tpu.memory_space<vmem_shared>>
        tpu.enqueue_dma source(%dma_start3A_44 : memref<32x128xf32, #tpu.memory_space<vmem_shared>>) target(%arg11 : memref<32x128xf32, #tpu.memory_space<vmem>>) target_semaphore(%run_scoped3A : memref<!tpu.dma_semaphore, #tpu.memory_space<semaphore_mem>>)
        %dma_wait3A = arith.constant 0 : i32
        %dma_wait3A_45 = tpu.memref_slice %arg6[%add3A_37, %dma_wait3A] : memref<10240x128xf32, #tpu.memory_space<vmem_shared>> -> memref<32x128xf32, #tpu.memory_space<vmem_shared>>
        %dma_wait3A_46 = arith.constant 0 : i32
        %dma_wait3A_47 = tpu.memref_slice %arg6[%add3A_37, %dma_wait3A_46] : memref<10240x128xf32, #tpu.memory_space<vmem_shared>> -> memref<32x128xf32, #tpu.memory_space<vmem_shared>>
        tpu.wait_dma2 semaphore(%run_scoped3A : memref<!tpu.dma_semaphore, #tpu.memory_space<semaphore_mem>>) src(%dma_wait3A_47 : memref<32x128xf32, #tpu.memory_space<vmem_shared>>) dst(%arg11 : memref<32x128xf32, #tpu.memory_space<vmem>>)
        tpu.yield
      }) : () -> ()
      %mul3A_38 = arith.constant 32 : i32
      %mul3A_39 = arith.muli %scan3A_33, %mul3A_38 : i32
      %add3A_40 = arith.addi %mul3A_25, %mul3A_39 : i32
      "tpu.region"() ({
        %run_scoped3A = tpu.sem_alloc : memref<!tpu.dma_semaphore, #tpu.memory_space<semaphore_mem>>
        %dma_start3A = arith.constant 0 : i32
        %dma_start3A_42 = tpu.memref_slice %arg5[%arg0, %add3A_40, %dma_start3A] : memref<2x10240x128xf32, #tpu.memory_space<hbm>> -> memref<1x32x128xf32, #tpu.memory_space<hbm>>
        %dma_start3A_43 = tpu.memref_squeeze %dma_start3A_42 : memref<1x32x128xf32, #tpu.memory_space<hbm>> -> memref<32x128xf32, #tpu.memory_space<hbm>>
        %dma_start3A_44 = arith.constant 0 : i32
        %dma_start3A_45 = tpu.memref_slice %arg5[%arg0, %add3A_40, %dma_start3A_44] : memref<2x10240x128xf32, #tpu.memory_space<hbm>> -> memref<1x32x128xf32, #tpu.memory_space<hbm>>
        %dma_start3A_46 = tpu.memref_squeeze %dma_start3A_45 : memref<1x32x128xf32, #tpu.memory_space<hbm>> -> memref<32x128xf32, #tpu.memory_space<hbm>>
        tpu.enqueue_dma source(%arg11 : memref<32x128xf32, #tpu.memory_space<vmem>>) target(%dma_start3A_46 : memref<32x128xf32, #tpu.memory_space<hbm>>) target_semaphore(%run_scoped3A : memref<!tpu.dma_semaphore, #tpu.memory_space<semaphore_mem>>)
        %dma_wait3A = arith.constant 0 : i32
        %dma_wait3A_47 = tpu.memref_slice %arg5[%arg0, %add3A_40, %dma_wait3A] : memref<2x10240x128xf32, #tpu.memory_space<hbm>> -> memref<1x32x128xf32, #tpu.memory_space<hbm>>
        %dma_wait3A_48 = tpu.memref_squeeze %dma_wait3A_47 : memref<1x32x128xf32, #tpu.memory_space<hbm>> -> memref<32x128xf32, #tpu.memory_space<hbm>>
        %dma_wait3A_49 = arith.constant 0 : i32
        %dma_wait3A_50 = tpu.memref_slice %arg5[%arg0, %add3A_40, %dma_wait3A_49] : memref<2x10240x128xf32, #tpu.memory_space<hbm>> -> memref<1x32x128xf32, #tpu.memory_space<hbm>>
        %dma_wait3A_51 = tpu.memref_squeeze %dma_wait3A_50 : memref<1x32x128xf32, #tpu.memory_space<hbm>> -> memref<32x128xf32, #tpu.memory_space<hbm>>
        tpu.wait_dma2 semaphore(%run_scoped3A : memref<!tpu.dma_semaphore, #tpu.memory_space<semaphore_mem>>) src(%arg11 : memref<32x128xf32, #tpu.memory_space<vmem>>) dst(%dma_wait3A_51 : memref<32x128xf32, #tpu.memory_space<hbm>>)
        tpu.yield
      }) : () -> ()
      %scan3A_41 = arith.constant 0 : i32
      scf.yield %scan3A_41 : i32
    }
    %scan3A_32 = arith.constant 20 : i32
    return
  }
}

#map = affine_map<(d0, d1) -> (0, 0)>
#map1 = affine_map<(d0, d1) -> (0, 0, 0)>
module attributes {stable_mosaic.version = 14 : i64} {
  func.func @_spmm_body(%arg0: i32, %arg1: i32, %arg2: memref<2560x125xi32, #tpu.memory_space<hbm>>, %arg3: memref<2560x125xi32, #tpu.memory_space<hbm>>, %arg4: memref<2x10240x80xf32, #tpu.memory_space<hbm>>, %arg5: memref<2x10240x80xf32, #tpu.memory_space<hbm>>, %arg6: memref<10240x80xf32, #tpu.memory_space<vmem_shared>>, %arg7: memref<16x125xi32, #tpu.memory_space<vmem>>, %arg8: memref<16x125xi32, #tpu.memory_space<vmem>>, %arg9: memref<125x80xf32, #tpu.memory_space<vmem>>, %arg10: memref<125x80xf32, #tpu.memory_space<vmem>>, %arg11: memref<32x80xf32, #tpu.memory_space<vmem>>, %arg12: memref<!tpu.dma_semaphore, #tpu.memory_space<semaphore_mem>>, %arg13: memref<!tpu.dma_semaphore, #tpu.memory_space<semaphore_mem>>, %arg14: memref<!tpu.dma_semaphore, #tpu.memory_space<semaphore_mem>>, %arg15: memref<!tpu.dma_semaphore, #tpu.memory_space<semaphore_mem>>) attributes {dimension_semantics = [#tpu.dimension_semantics<core_parallel>, #tpu.dimension_semantics<subcore_parallel>], iteration_bounds = array<i64: 2, 16>, scalar_prefetch = 0 : i64, scratch_operands = 10 : i64, tpu.core_type = #tpu.core_type<sc_vector_subcore>, window_params = [{transform_indices = #map}, {transform_indices = #map}, {transform_indices = #map1}, {transform_indices = #map1}]} {
    %scan3A = arith.constant 0 : i32
    %scan3A_0 = arith.constant 0 : i32
    %scan3A_1 = arith.constant 160 : i32
    %scan3A_2 = arith.addi %scan3A_0, %scan3A_1 : i32
    %scan3A_3 = arith.constant 1 : i32
    %scan3A_4 = scf.for %scan3A_31 = %scan3A_0 to %scan3A_2 step %scan3A_3 iter_args(%scan3A_32 = %scan3A) -> (i32)  : i32 {
      %jit3A = arith.constant 5 : i32
      %div3A = arith.divsi %scan3A_31, %jit3A : i32
      %sign3A = arith.constant 0 : i32
      %sign3A_33 = arith.cmpi sgt, %scan3A_31, %sign3A : i32
      %sign3A_34 = arith.extui %sign3A_33 : i1 to i32
      %sign3A_35 = arith.constant 0 : i32
      %sign3A_36 = arith.cmpi slt, %scan3A_31, %sign3A_35 : i32
      %sign3A_37 = arith.extui %sign3A_36 : i1 to i32
      %sign3A_38 = arith.subi %sign3A_34, %sign3A_37 : i32
      %sign3A_39 = arith.constant 0 : i32
      %sign3A_40 = arith.cmpi sgt, %jit3A, %sign3A_39 : i32
      %sign3A_41 = arith.extui %sign3A_40 : i1 to i32
      %sign3A_42 = arith.constant 0 : i32
      %sign3A_43 = arith.cmpi slt, %jit3A, %sign3A_42 : i32
      %sign3A_44 = arith.extui %sign3A_43 : i1 to i32
      %sign3A_45 = arith.subi %sign3A_41, %sign3A_44 : i32
      %ne3A = arith.cmpi ne, %sign3A_38, %sign3A_45 : i32
      %rem3A = arith.remsi %scan3A_31, %jit3A : i32
      %ne3A_46 = arith.constant 0 : i32
      %ne3A_47 = arith.cmpi ne, %rem3A, %ne3A_46 : i32
      %and3A = arith.andi %ne3A, %ne3A_47 : i1
      %sub3A = arith.constant 1 : i32
      %sub3A_48 = arith.subi %div3A, %sub3A : i32
      %select_n3A = arith.select %and3A, %sub3A_48, %div3A : i32
      %rem3A_49 = arith.constant 5 : i32
      %rem3A_50 = arith.remsi %scan3A_31, %rem3A_49 : i32
      %broadcast_in_dim3A = arith.constant 0.000000e+00 : f32
      %broadcast_in_dim3A_51 = vector.broadcast %broadcast_in_dim3A : f32 to vector<16xf32>
      %mul3A_52 = arith.constant 16 : i32
      %mul3A_53 = arith.muli %rem3A_50, %mul3A_52 : i32
      %swap3A = arith.index_cast %select_n3A : i32 to index
      %swap3A_54 = arith.index_cast %mul3A_53 : i32 to index
      %swap3A_55 = tpu.vector_load %arg11[%swap3A, %swap3A_54] {strides = array<i32>} : memref<32x80xf32, #tpu.memory_space<vmem>>, vector<1x16xf32>,
      %swap3A_56 = vector.shape_cast %swap3A_55 : vector<1x16xf32> to vector<16xf32>
      %swap3A_57 = vector.shape_cast %broadcast_in_dim3A_51 : vector<16xf32> to vector<1x16xf32>
      tpu.vector_store %arg11[%swap3A, %swap3A_54], %swap3A_57 {strides = array<i32>} : memref<32x80xf32, #tpu.memory_space<vmem>>, vector<1x16xf32>,
      %scan3A_58 = arith.constant 0 : i32
      scf.yield %scan3A_58 : i32
    }
    %scan3A_5 = arith.constant 160 : i32
    %scan3A_6 = arith.constant 0 : i32
    %scan3A_7 = arith.constant 0 : i32
    %scan3A_8 = arith.constant 20 : i32
    %scan3A_9 = arith.addi %scan3A_7, %scan3A_8 : i32
    %scan3A_10 = arith.constant 1 : i32
    %scan3A_11 = scf.for %scan3A_31 = %scan3A_7 to %scan3A_9 step %scan3A_10 iter_args(%scan3A_32 = %scan3A_6) -> (i32)  : i32 {
      %mul3A_33 = arith.constant 640 : i32
      %mul3A_34 = arith.muli %arg1, %mul3A_33 : i32
      %mul3A_35 = arith.constant 32 : i32
      %mul3A_36 = arith.muli %scan3A_31, %mul3A_35 : i32
      %add3A = arith.addi %mul3A_34, %mul3A_36 : i32
      "tpu.region"() ({
        %run_scoped3A = tpu.sem_alloc : memref<!tpu.dma_semaphore, #tpu.memory_space<semaphore_mem>>
        %dma_start3A = arith.constant 0 : i32
        %dma_start3A_38 = tpu.memref_slice %arg6[%add3A, %dma_start3A] : memref<10240x80xf32, #tpu.memory_space<vmem_shared>> -> memref<32x80xf32, #tpu.memory_space<vmem_shared>>
        %dma_start3A_39 = arith.constant 0 : i32
        %dma_start3A_40 = tpu.memref_slice %arg6[%add3A, %dma_start3A_39] : memref<10240x80xf32, #tpu.memory_space<vmem_shared>> -> memref<32x80xf32, #tpu.memory_space<vmem_shared>>
        tpu.enqueue_dma source(%arg11 : memref<32x80xf32, #tpu.memory_space<vmem>>) target(%dma_start3A_40 : memref<32x80xf32, #tpu.memory_space<vmem_shared>>) target_semaphore(%run_scoped3A : memref<!tpu.dma_semaphore, #tpu.memory_space<semaphore_mem>>)
        %dma_wait3A = arith.constant 0 : i32
        %dma_wait3A_41 = tpu.memref_slice %arg6[%add3A, %dma_wait3A] : memref<10240x80xf32, #tpu.memory_space<vmem_shared>> -> memref<32x80xf32, #tpu.memory_space<vmem_shared>>
        %dma_wait3A_42 = arith.constant 0 : i32
        %dma_wait3A_43 = tpu.memref_slice %arg6[%add3A, %dma_wait3A_42] : memref<10240x80xf32, #tpu.memory_space<vmem_shared>> -> memref<32x80xf32, #tpu.memory_space<vmem_shared>>
        tpu.wait_dma2 semaphore(%run_scoped3A : memref<!tpu.dma_semaphore, #tpu.memory_space<semaphore_mem>>) src(%arg11 : memref<32x80xf32, #tpu.memory_space<vmem>>) dst(%dma_wait3A_43 : memref<32x80xf32, #tpu.memory_space<vmem_shared>>)
        tpu.yield
      }) : () -> ()
      %scan3A_37 = arith.constant 0 : i32
      scf.yield %scan3A_37 : i32
    }
    %scan3A_12 = arith.constant 20 : i32
    %barrier3A = arith.constant 0 : index
    tpu.barrier barrier_id(%barrier3A)
    %mul3A = arith.constant 160 : i32
    %mul3A_13 = arith.muli %arg1, %mul3A : i32
    %scan3A_14 = arith.constant 0 : i32
    %scan3A_15 = arith.constant 0 : i32
    %scan3A_16 = arith.constant 10 : i32
    %scan3A_17 = arith.addi %scan3A_15, %scan3A_16 : i32
    %scan3A_18 = arith.constant 1 : i32
    %scan3A_19 = scf.for %scan3A_31 = %scan3A_15 to %scan3A_17 step %scan3A_18 iter_args(%scan3A_32 = %scan3A_14) -> (i32)  : i32 {
      %mul3A_33 = arith.constant 16 : i32
      %mul3A_34 = arith.muli %scan3A_31, %mul3A_33 : i32
      %add3A = arith.addi %mul3A_13, %mul3A_34 : i32
      "tpu.region"() ({
        %run_scoped3A_404 = tpu.sem_alloc : memref<!tpu.dma_semaphore, #tpu.memory_space<semaphore_mem>>
        %dma_start3A_405 = arith.constant 0 : i32
        %dma_start3A_406 = tpu.memref_slice %arg2[%add3A, %dma_start3A_405] : memref<2560x125xi32, #tpu.memory_space<hbm>> -> memref<16x125xi32, #tpu.memory_space<hbm>>
        %dma_start3A_407 = arith.constant 0 : i32
        %dma_start3A_408 = tpu.memref_slice %arg2[%add3A, %dma_start3A_407] : memref<2560x125xi32, #tpu.memory_space<hbm>> -> memref<16x125xi32, #tpu.memory_space<hbm>>
        tpu.enqueue_dma source(%dma_start3A_408 : memref<16x125xi32, #tpu.memory_space<hbm>>) target(%arg7 : memref<16x125xi32, #tpu.memory_space<vmem>>) target_semaphore(%run_scoped3A_404 : memref<!tpu.dma_semaphore, #tpu.memory_space<semaphore_mem>>)
        %dma_wait3A_409 = arith.constant 0 : i32
        %dma_wait3A_410 = tpu.memref_slice %arg2[%add3A, %dma_wait3A_409] : memref<2560x125xi32, #tpu.memory_space<hbm>> -> memref<16x125xi32, #tpu.memory_space<hbm>>
        %dma_wait3A_411 = arith.constant 0 : i32
        %dma_wait3A_412 = tpu.memref_slice %arg2[%add3A, %dma_wait3A_411] : memref<2560x125xi32, #tpu.memory_space<hbm>> -> memref<16x125xi32, #tpu.memory_space<hbm>>
        tpu.wait_dma2 semaphore(%run_scoped3A_404 : memref<!tpu.dma_semaphore, #tpu.memory_space<semaphore_mem>>) src(%dma_wait3A_412 : memref<16x125xi32, #tpu.memory_space<hbm>>) dst(%arg7 : memref<16x125xi32, #tpu.memory_space<vmem>>)
        tpu.yield
      }) : () -> ()
      %mul3A_35 = arith.constant 16 : i32
      %mul3A_36 = arith.muli %scan3A_31, %mul3A_35 : i32
      %add3A_37 = arith.addi %mul3A_13, %mul3A_36 : i32
      "tpu.region"() ({
        %run_scoped3A_404 = tpu.sem_alloc : memref<!tpu.dma_semaphore, #tpu.memory_space<semaphore_mem>>
        %dma_start3A_405 = arith.constant 0 : i32
        %dma_start3A_406 = tpu.memref_slice %arg3[%add3A_37, %dma_start3A_405] : memref<2560x125xi32, #tpu.memory_space<hbm>> -> memref<16x125xi32, #tpu.memory_space<hbm>>
        %dma_start3A_407 = arith.constant 0 : i32
        %dma_start3A_408 = tpu.memref_slice %arg3[%add3A_37, %dma_start3A_407] : memref<2560x125xi32, #tpu.memory_space<hbm>> -> memref<16x125xi32, #tpu.memory_space<hbm>>
        tpu.enqueue_dma source(%dma_start3A_408 : memref<16x125xi32, #tpu.memory_space<hbm>>) target(%arg8 : memref<16x125xi32, #tpu.memory_space<vmem>>) target_semaphore(%run_scoped3A_404 : memref<!tpu.dma_semaphore, #tpu.memory_space<semaphore_mem>>)
        %dma_wait3A_409 = arith.constant 0 : i32
        %dma_wait3A_410 = tpu.memref_slice %arg3[%add3A_37, %dma_wait3A_409] : memref<2560x125xi32, #tpu.memory_space<hbm>> -> memref<16x125xi32, #tpu.memory_space<hbm>>
        %dma_wait3A_411 = arith.constant 0 : i32
        %dma_wait3A_412 = tpu.memref_slice %arg3[%add3A_37, %dma_wait3A_411] : memref<2560x125xi32, #tpu.memory_space<hbm>> -> memref<16x125xi32, #tpu.memory_space<hbm>>
        tpu.wait_dma2 semaphore(%run_scoped3A_404 : memref<!tpu.dma_semaphore, #tpu.memory_space<semaphore_mem>>) src(%dma_wait3A_412 : memref<16x125xi32, #tpu.memory_space<hbm>>) dst(%arg8 : memref<16x125xi32, #tpu.memory_space<vmem>>)
        tpu.yield
      }) : () -> ()
      %dma_start3A = arith.constant 0 : i32
      %dma_start3A_38 = arith.constant 0 : i32
      %dma_start3A_39 = tpu.memref_slice %arg7[%dma_start3A, %dma_start3A_38] : memref<16x125xi32, #tpu.memory_space<vmem>> -> memref<1x125xi32, #tpu.memory_space<vmem>>
      %dma_start3A_40 = tpu.memref_squeeze %dma_start3A_39 : memref<1x125xi32, #tpu.memory_space<vmem>> -> memref<125xi32, #tpu.memory_space<vmem>>
      %dma_start3A_41 = arith.constant 0 : i32
      %dma_start3A_42 = arith.constant 0 : i32
      %dma_start3A_43 = tpu.memref_slice %arg4[%arg0, %dma_start3A_41, %dma_start3A_42] : memref<2x10240x80xf32, #tpu.memory_space<hbm>> -> memref<1x10240x80xf32, #tpu.memory_space<hbm>>
      %dma_start3A_44 = tpu.memref_squeeze %dma_start3A_43 : memref<1x10240x80xf32, #tpu.memory_space<hbm>> -> memref<10240x80xf32, #tpu.memory_space<hbm>>
      %dma_start3A_45 = arith.constant 0 : i32
      %dma_start3A_46 = arith.constant 0 : i32
      %dma_start3A_47 = tpu.memref_slice %dma_start3A_44[%dma_start3A_45, %dma_start3A_46] : memref<10240x80xf32, #tpu.memory_space<hbm>> -> memref<10240x80xf32, #tpu.memory_space<hbm>>
      tpu.enqueue_indirect_dma source(%dma_start3A_47 : memref<10240x80xf32, #tpu.memory_space<hbm>>) target(%arg9 : memref<125x80xf32, #tpu.memory_space<vmem>>) offsets(%dma_start3A_40 : memref<125xi32, #tpu.memory_space<vmem>>) semaphore(%arg12 : memref<!tpu.dma_semaphore, #tpu.memory_space<semaphore_mem>>)
      %dma_start3A_48 = arith.constant 1 : i32
      %dma_start3A_49 = arith.constant 0 : i32
      %dma_start3A_50 = tpu.memref_slice %arg7[%dma_start3A_48, %dma_start3A_49] : memref<16x125xi32, #tpu.memory_space<vmem>> -> memref<1x125xi32, #tpu.memory_space<vmem>>
      %dma_start3A_51 = tpu.memref_squeeze %dma_start3A_50 : memref<1x125xi32, #tpu.memory_space<vmem>> -> memref<125xi32, #tpu.memory_space<vmem>>
      %dma_start3A_52 = arith.constant 0 : i32
      %dma_start3A_53 = arith.constant 0 : i32
      %dma_start3A_54 = tpu.memref_slice %arg4[%arg0, %dma_start3A_52, %dma_start3A_53] : memref<2x10240x80xf32, #tpu.memory_space<hbm>> -> memref<1x10240x80xf32, #tpu.memory_space<hbm>>
      %dma_start3A_55 = tpu.memref_squeeze %dma_start3A_54 : memref<1x10240x80xf32, #tpu.memory_space<hbm>> -> memref<10240x80xf32, #tpu.memory_space<hbm>>
      %dma_start3A_56 = arith.constant 0 : i32
      %dma_start3A_57 = arith.constant 0 : i32
      %dma_start3A_58 = tpu.memref_slice %dma_start3A_55[%dma_start3A_56, %dma_start3A_57] : memref<10240x80xf32, #tpu.memory_space<hbm>> -> memref<10240x80xf32, #tpu.memory_space<hbm>>
      tpu.enqueue_indirect_dma source(%dma_start3A_58 : memref<10240x80xf32, #tpu.memory_space<hbm>>) target(%arg10 : memref<125x80xf32, #tpu.memory_space<vmem>>) offsets(%dma_start3A_51 : memref<125xi32, #tpu.memory_space<vmem>>) semaphore(%arg13 : memref<!tpu.dma_semaphore, #tpu.memory_space<semaphore_mem>>)
      %dma_wait3A = arith.constant 0 : i32
      %dma_wait3A_59 = arith.constant 0 : i32
      %dma_wait3A_60 = tpu.memref_slice %arg7[%dma_wait3A, %dma_wait3A_59] : memref<16x125xi32, #tpu.memory_space<vmem>> -> memref<1x125xi32, #tpu.memory_space<vmem>>
      %dma_wait3A_61 = tpu.memref_squeeze %dma_wait3A_60 : memref<1x125xi32, #tpu.memory_space<vmem>> -> memref<125xi32, #tpu.memory_space<vmem>>
      %dma_wait3A_62 = arith.constant 0 : i32
      %dma_wait3A_63 = arith.constant 0 : i32
      %dma_wait3A_64 = tpu.memref_slice %arg4[%arg0, %dma_wait3A_62, %dma_wait3A_63] : memref<2x10240x80xf32, #tpu.memory_space<hbm>> -> memref<1x10240x80xf32, #tpu.memory_space<hbm>>
      %dma_wait3A_65 = tpu.memref_squeeze %dma_wait3A_64 : memref<1x10240x80xf32, #tpu.memory_space<hbm>> -> memref<10240x80xf32, #tpu.memory_space<hbm>>
      %dma_wait3A_66 = arith.constant 0 : i32
      %dma_wait3A_67 = arith.constant 0 : i32
      %dma_wait3A_68 = tpu.memref_slice %dma_wait3A_65[%dma_wait3A_66, %dma_wait3A_67] : memref<10240x80xf32, #tpu.memory_space<hbm>> -> memref<10240x80xf32, #tpu.memory_space<hbm>>
      tpu.wait_indirect_dma semaphore(%arg12 : memref<!tpu.dma_semaphore, #tpu.memory_space<semaphore_mem>>) src(%dma_wait3A_68 : memref<10240x80xf32, #tpu.memory_space<hbm>>) dst(%arg9 : memref<125x80xf32, #tpu.memory_space<vmem>>)
      %run_scoped3A = arith.constant 0 : i32
      "tpu.region"() ({
        %run_scoped3A_404 = tpu.sem_alloc : memref<!tpu.dma_semaphore, #tpu.memory_space<semaphore_mem>>
        %dma_start3A_405 = arith.constant 0 : i32
        %dma_start3A_406 = tpu.memref_slice %arg8[%run_scoped3A, %dma_start3A_405] : memref<16x125xi32, #tpu.memory_space<vmem>> -> memref<1x125xi32, #tpu.memory_space<vmem>>
        %dma_start3A_407 = tpu.memref_squeeze %dma_start3A_406 : memref<1x125xi32, #tpu.memory_space<vmem>> -> memref<125xi32, #tpu.memory_space<vmem>>
        %dma_start3A_408 = arith.constant 0 : i32
        %dma_start3A_409 = arith.constant 0 : i32
        %dma_start3A_410 = tpu.memref_slice %arg6[%dma_start3A_408, %dma_start3A_409] : memref<10240x80xf32, #tpu.memory_space<vmem_shared>> -> memref<10240x80xf32, #tpu.memory_space<vmem_shared>>
        tpu.enqueue_indirect_dma source(%arg9 : memref<125x80xf32, #tpu.memory_space<vmem>>) target(%dma_start3A_410 : memref<10240x80xf32, #tpu.memory_space<vmem_shared>>) offsets(%dma_start3A_407 : memref<125xi32, #tpu.memory_space<vmem>>) semaphore(%run_scoped3A_404 : memref<!tpu.dma_semaphore, #tpu.memory_space<semaphore_mem>>) {add = true}
        %dma_wait3A_411 = arith.constant 0 : i32
        %dma_wait3A_412 = tpu.memref_slice %arg8[%run_scoped3A, %dma_wait3A_411] : memref<16x125xi32, #tpu.memory_space<vmem>> -> memref<1x125xi32, #tpu.memory_space<vmem>>
        %dma_wait3A_413 = tpu.memref_squeeze %dma_wait3A_412 : memref<1x125xi32, #tpu.memory_space<vmem>> -> memref<125xi32, #tpu.memory_space<vmem>>
        %dma_wait3A_414 = arith.constant 0 : i32
        %dma_wait3A_415 = arith.constant 0 : i32
        %dma_wait3A_416 = tpu.memref_slice %arg6[%dma_wait3A_414, %dma_wait3A_415] : memref<10240x80xf32, #tpu.memory_space<vmem_shared>> -> memref<10240x80xf32, #tpu.memory_space<vmem_shared>>
        tpu.wait_indirect_dma semaphore(%run_scoped3A_404 : memref<!tpu.dma_semaphore, #tpu.memory_space<semaphore_mem>>) src(%arg9 : memref<125x80xf32, #tpu.memory_space<vmem>>) dst(%dma_wait3A_416 : memref<10240x80xf32, #tpu.memory_space<vmem_shared>>)
        tpu.yield
      }) : () -> ()
      %dma_start3A_69 = arith.constant 2 : i32
      %dma_start3A_70 = arith.constant 0 : i32
      %dma_start3A_71 = tpu.memref_slice %arg7[%dma_start3A_69, %dma_start3A_70] : memref<16x125xi32, #tpu.memory_space<vmem>> -> memref<1x125xi32, #tpu.memory_space<vmem>>
      %dma_start3A_72 = tpu.memref_squeeze %dma_start3A_71 : memref<1x125xi32, #tpu.memory_space<vmem>> -> memref<125xi32, #tpu.memory_space<vmem>>
      %dma_start3A_73 = arith.constant 0 : i32
      %dma_start3A_74 = arith.constant 0 : i32
      %dma_start3A_75 = tpu.memref_slice %arg4[%arg0, %dma_start3A_73, %dma_start3A_74] : memref<2x10240x80xf32, #tpu.memory_space<hbm>> -> memref<1x10240x80xf32, #tpu.memory_space<hbm>>
      %dma_start3A_76 = tpu.memref_squeeze %dma_start3A_75 : memref<1x10240x80xf32, #tpu.memory_space<hbm>> -> memref<10240x80xf32, #tpu.memory_space<hbm>>
      %dma_start3A_77 = arith.constant 0 : i32
      %dma_start3A_78 = arith.constant 0 : i32
      %dma_start3A_79 = tpu.memref_slice %dma_start3A_76[%dma_start3A_77, %dma_start3A_78] : memref<10240x80xf32, #tpu.memory_space<hbm>> -> memref<10240x80xf32, #tpu.memory_space<hbm>>
      tpu.enqueue_indirect_dma source(%dma_start3A_79 : memref<10240x80xf32, #tpu.memory_space<hbm>>) target(%arg9 : memref<125x80xf32, #tpu.memory_space<vmem>>) offsets(%dma_start3A_72 : memref<125xi32, #tpu.memory_space<vmem>>) semaphore(%arg12 : memref<!tpu.dma_semaphore, #tpu.memory_space<semaphore_mem>>)
      %dma_wait3A_80 = arith.constant 1 : i32
      %dma_wait3A_81 = arith.constant 0 : i32
      %dma_wait3A_82 = tpu.memref_slice %arg7[%dma_wait3A_80, %dma_wait3A_81] : memref<16x125xi32, #tpu.memory_space<vmem>> -> memref<1x125xi32, #tpu.memory_space<vmem>>
      %dma_wait3A_83 = tpu.memref_squeeze %dma_wait3A_82 : memref<1x125xi32, #tpu.memory_space<vmem>> -> memref<125xi32, #tpu.memory_space<vmem>>
      %dma_wait3A_84 = arith.constant 0 : i32
      %dma_wait3A_85 = arith.constant 0 : i32
      %dma_wait3A_86 = tpu.memref_slice %arg4[%arg0, %dma_wait3A_84, %dma_wait3A_85] : memref<2x10240x80xf32, #tpu.memory_space<hbm>> -> memref<1x10240x80xf32, #tpu.memory_space<hbm>>
      %dma_wait3A_87 = tpu.memref_squeeze %dma_wait3A_86 : memref<1x10240x80xf32, #tpu.memory_space<hbm>> -> memref<10240x80xf32, #tpu.memory_space<hbm>>
      %dma_wait3A_88 = arith.constant 0 : i32
      %dma_wait3A_89 = arith.constant 0 : i32
      %dma_wait3A_90 = tpu.memref_slice %dma_wait3A_87[%dma_wait3A_88, %dma_wait3A_89] : memref<10240x80xf32, #tpu.memory_space<hbm>> -> memref<10240x80xf32, #tpu.memory_space<hbm>>
      tpu.wait_indirect_dma semaphore(%arg13 : memref<!tpu.dma_semaphore, #tpu.memory_space<semaphore_mem>>) src(%dma_wait3A_90 : memref<10240x80xf32, #tpu.memory_space<hbm>>) dst(%arg10 : memref<125x80xf32, #tpu.memory_space<vmem>>)
      %run_scoped3A_91 = arith.constant 1 : i32
      "tpu.region"() ({
        %run_scoped3A_404 = tpu.sem_alloc : memref<!tpu.dma_semaphore, #tpu.memory_space<semaphore_mem>>
        %dma_start3A_405 = arith.constant 0 : i32
        %dma_start3A_406 = tpu.memref_slice %arg8[%run_scoped3A_91, %dma_start3A_405] : memref<16x125xi32, #tpu.memory_space<vmem>> -> memref<1x125xi32, #tpu.memory_space<vmem>>
        %dma_start3A_407 = tpu.memref_squeeze %dma_start3A_406 : memref<1x125xi32, #tpu.memory_space<vmem>> -> memref<125xi32, #tpu.memory_space<vmem>>
        %dma_start3A_408 = arith.constant 0 : i32
        %dma_start3A_409 = arith.constant 0 : i32
        %dma_start3A_410 = tpu.memref_slice %arg6[%dma_start3A_408, %dma_start3A_409] : memref<10240x80xf32, #tpu.memory_space<vmem_shared>> -> memref<10240x80xf32, #tpu.memory_space<vmem_shared>>
        tpu.enqueue_indirect_dma source(%arg10 : memref<125x80xf32, #tpu.memory_space<vmem>>) target(%dma_start3A_410 : memref<10240x80xf32, #tpu.memory_space<vmem_shared>>) offsets(%dma_start3A_407 : memref<125xi32, #tpu.memory_space<vmem>>) semaphore(%run_scoped3A_404 : memref<!tpu.dma_semaphore, #tpu.memory_space<semaphore_mem>>) {add = true}
        %dma_wait3A_411 = arith.constant 0 : i32
        %dma_wait3A_412 = tpu.memref_slice %arg8[%run_scoped3A_91, %dma_wait3A_411] : memref<16x125xi32, #tpu.memory_space<vmem>> -> memref<1x125xi32, #tpu.memory_space<vmem>>
        %dma_wait3A_413 = tpu.memref_squeeze %dma_wait3A_412 : memref<1x125xi32, #tpu.memory_space<vmem>> -> memref<125xi32, #tpu.memory_space<vmem>>
        %dma_wait3A_414 = arith.constant 0 : i32
        %dma_wait3A_415 = arith.constant 0 : i32
        %dma_wait3A_416 = tpu.memref_slice %arg6[%dma_wait3A_414, %dma_wait3A_415] : memref<10240x80xf32, #tpu.memory_space<vmem_shared>> -> memref<10240x80xf32, #tpu.memory_space<vmem_shared>>
        tpu.wait_indirect_dma semaphore(%run_scoped3A_404 : memref<!tpu.dma_semaphore, #tpu.memory_space<semaphore_mem>>) src(%arg10 : memref<125x80xf32, #tpu.memory_space<vmem>>) dst(%dma_wait3A_416 : memref<10240x80xf32, #tpu.memory_space<vmem_shared>>)
        tpu.yield
      }) : () -> ()
      %dma_start3A_92 = arith.constant 3 : i32
      %dma_start3A_93 = arith.constant 0 : i32
      %dma_start3A_94 = tpu.memref_slice %arg7[%dma_start3A_92, %dma_start3A_93] : memref<16x125xi32, #tpu.memory_space<vmem>> -> memref<1x125xi32, #tpu.memory_space<vmem>>
      %dma_start3A_95 = tpu.memref_squeeze %dma_start3A_94 : memref<1x125xi32, #tpu.memory_space<vmem>> -> memref<125xi32, #tpu.memory_space<vmem>>
      %dma_start3A_96 = arith.constant 0 : i32
      %dma_start3A_97 = arith.constant 0 : i32
      %dma_start3A_98 = tpu.memref_slice %arg4[%arg0, %dma_start3A_96, %dma_start3A_97] : memref<2x10240x80xf32, #tpu.memory_space<hbm>> -> memref<1x10240x80xf32, #tpu.memory_space<hbm>>
      %dma_start3A_99 = tpu.memref_squeeze %dma_start3A_98 : memref<1x10240x80xf32, #tpu.memory_space<hbm>> -> memref<10240x80xf32, #tpu.memory_space<hbm>>
      %dma_start3A_100 = arith.constant 0 : i32
      %dma_start3A_101 = arith.constant 0 : i32
      %dma_start3A_102 = tpu.memref_slice %dma_start3A_99[%dma_start3A_100, %dma_start3A_101] : memref<10240x80xf32, #tpu.memory_space<hbm>> -> memref<10240x80xf32, #tpu.memory_space<hbm>>
      tpu.enqueue_indirect_dma source(%dma_start3A_102 : memref<10240x80xf32, #tpu.memory_space<hbm>>) target(%arg10 : memref<125x80xf32, #tpu.memory_space<vmem>>) offsets(%dma_start3A_95 : memref<125xi32, #tpu.memory_space<vmem>>) semaphore(%arg13 : memref<!tpu.dma_semaphore, #tpu.memory_space<semaphore_mem>>)
      %dma_wait3A_103 = arith.constant 2 : i32
      %dma_wait3A_104 = arith.constant 0 : i32
      %dma_wait3A_105 = tpu.memref_slice %arg7[%dma_wait3A_103, %dma_wait3A_104] : memref<16x125xi32, #tpu.memory_space<vmem>> -> memref<1x125xi32, #tpu.memory_space<vmem>>
      %dma_wait3A_106 = tpu.memref_squeeze %dma_wait3A_105 : memref<1x125xi32, #tpu.memory_space<vmem>> -> memref<125xi32, #tpu.memory_space<vmem>>
      %dma_wait3A_107 = arith.constant 0 : i32
      %dma_wait3A_108 = arith.constant 0 : i32
      %dma_wait3A_109 = tpu.memref_slice %arg4[%arg0, %dma_wait3A_107, %dma_wait3A_108] : memref<2x10240x80xf32, #tpu.memory_space<hbm>> -> memref<1x10240x80xf32, #tpu.memory_space<hbm>>
      %dma_wait3A_110 = tpu.memref_squeeze %dma_wait3A_109 : memref<1x10240x80xf32, #tpu.memory_space<hbm>> -> memref<10240x80xf32, #tpu.memory_space<hbm>>
      %dma_wait3A_111 = arith.constant 0 : i32
      %dma_wait3A_112 = arith.constant 0 : i32
      %dma_wait3A_113 = tpu.memref_slice %dma_wait3A_110[%dma_wait3A_111, %dma_wait3A_112] : memref<10240x80xf32, #tpu.memory_space<hbm>> -> memref<10240x80xf32, #tpu.memory_space<hbm>>
      tpu.wait_indirect_dma semaphore(%arg12 : memref<!tpu.dma_semaphore, #tpu.memory_space<semaphore_mem>>) src(%dma_wait3A_113 : memref<10240x80xf32, #tpu.memory_space<hbm>>) dst(%arg9 : memref<125x80xf32, #tpu.memory_space<vmem>>)
      %run_scoped3A_114 = arith.constant 2 : i32
      "tpu.region"() ({
        %run_scoped3A_404 = tpu.sem_alloc : memref<!tpu.dma_semaphore, #tpu.memory_space<semaphore_mem>>
        %dma_start3A_405 = arith.constant 0 : i32
        %dma_start3A_406 = tpu.memref_slice %arg8[%run_scoped3A_114, %dma_start3A_405] : memref<16x125xi32, #tpu.memory_space<vmem>> -> memref<1x125xi32, #tpu.memory_space<vmem>>
        %dma_start3A_407 = tpu.memref_squeeze %dma_start3A_406 : memref<1x125xi32, #tpu.memory_space<vmem>> -> memref<125xi32, #tpu.memory_space<vmem>>
        %dma_start3A_408 = arith.constant 0 : i32
        %dma_start3A_409 = arith.constant 0 : i32
        %dma_start3A_410 = tpu.memref_slice %arg6[%dma_start3A_408, %dma_start3A_409] : memref<10240x80xf32, #tpu.memory_space<vmem_shared>> -> memref<10240x80xf32, #tpu.memory_space<vmem_shared>>
        tpu.enqueue_indirect_dma source(%arg9 : memref<125x80xf32, #tpu.memory_space<vmem>>) target(%dma_start3A_410 : memref<10240x80xf32, #tpu.memory_space<vmem_shared>>) offsets(%dma_start3A_407 : memref<125xi32, #tpu.memory_space<vmem>>) semaphore(%run_scoped3A_404 : memref<!tpu.dma_semaphore, #tpu.memory_space<semaphore_mem>>) {add = true}
        %dma_wait3A_411 = arith.constant 0 : i32
        %dma_wait3A_412 = tpu.memref_slice %arg8[%run_scoped3A_114, %dma_wait3A_411] : memref<16x125xi32, #tpu.memory_space<vmem>> -> memref<1x125xi32, #tpu.memory_space<vmem>>
        %dma_wait3A_413 = tpu.memref_squeeze %dma_wait3A_412 : memref<1x125xi32, #tpu.memory_space<vmem>> -> memref<125xi32, #tpu.memory_space<vmem>>
        %dma_wait3A_414 = arith.constant 0 : i32
        %dma_wait3A_415 = arith.constant 0 : i32
        %dma_wait3A_416 = tpu.memref_slice %arg6[%dma_wait3A_414, %dma_wait3A_415] : memref<10240x80xf32, #tpu.memory_space<vmem_shared>> -> memref<10240x80xf32, #tpu.memory_space<vmem_shared>>
        tpu.wait_indirect_dma semaphore(%run_scoped3A_404 : memref<!tpu.dma_semaphore, #tpu.memory_space<semaphore_mem>>) src(%arg9 : memref<125x80xf32, #tpu.memory_space<vmem>>) dst(%dma_wait3A_416 : memref<10240x80xf32, #tpu.memory_space<vmem_shared>>)
        tpu.yield
      }) : () -> ()
      %dma_start3A_115 = arith.constant 4 : i32
      %dma_start3A_116 = arith.constant 0 : i32
      %dma_start3A_117 = tpu.memref_slice %arg7[%dma_start3A_115, %dma_start3A_116] : memref<16x125xi32, #tpu.memory_space<vmem>> -> memref<1x125xi32, #tpu.memory_space<vmem>>
      %dma_start3A_118 = tpu.memref_squeeze %dma_start3A_117 : memref<1x125xi32, #tpu.memory_space<vmem>> -> memref<125xi32, #tpu.memory_space<vmem>>
      %dma_start3A_119 = arith.constant 0 : i32
      %dma_start3A_120 = arith.constant 0 : i32
      %dma_start3A_121 = tpu.memref_slice %arg4[%arg0, %dma_start3A_119, %dma_start3A_120] : memref<2x10240x80xf32, #tpu.memory_space<hbm>> -> memref<1x10240x80xf32, #tpu.memory_space<hbm>>
      %dma_start3A_122 = tpu.memref_squeeze %dma_start3A_121 : memref<1x10240x80xf32, #tpu.memory_space<hbm>> -> memref<10240x80xf32, #tpu.memory_space<hbm>>
      %dma_start3A_123 = arith.constant 0 : i32
      %dma_start3A_124 = arith.constant 0 : i32
      %dma_start3A_125 = tpu.memref_slice %dma_start3A_122[%dma_start3A_123, %dma_start3A_124] : memref<10240x80xf32, #tpu.memory_space<hbm>> -> memref<10240x80xf32, #tpu.memory_space<hbm>>
      tpu.enqueue_indirect_dma source(%dma_start3A_125 : memref<10240x80xf32, #tpu.memory_space<hbm>>) target(%arg9 : memref<125x80xf32, #tpu.memory_space<vmem>>) offsets(%dma_start3A_118 : memref<125xi32, #tpu.memory_space<vmem>>) semaphore(%arg12 : memref<!tpu.dma_semaphore, #tpu.memory_space<semaphore_mem>>)
      %dma_wait3A_126 = arith.constant 3 : i32
      %dma_wait3A_127 = arith.constant 0 : i32
      %dma_wait3A_128 = tpu.memref_slice %arg7[%dma_wait3A_126, %dma_wait3A_127] : memref<16x125xi32, #tpu.memory_space<vmem>> -> memref<1x125xi32, #tpu.memory_space<vmem>>
      %dma_wait3A_129 = tpu.memref_squeeze %dma_wait3A_128 : memref<1x125xi32, #tpu.memory_space<vmem>> -> memref<125xi32, #tpu.memory_space<vmem>>
      %dma_wait3A_130 = arith.constant 0 : i32
      %dma_wait3A_131 = arith.constant 0 : i32
      %dma_wait3A_132 = tpu.memref_slice %arg4[%arg0, %dma_wait3A_130, %dma_wait3A_131] : memref<2x10240x80xf32, #tpu.memory_space<hbm>> -> memref<1x10240x80xf32, #tpu.memory_space<hbm>>
      %dma_wait3A_133 = tpu.memref_squeeze %dma_wait3A_132 : memref<1x10240x80xf32, #tpu.memory_space<hbm>> -> memref<10240x80xf32, #tpu.memory_space<hbm>>
      %dma_wait3A_134 = arith.constant 0 : i32
      %dma_wait3A_135 = arith.constant 0 : i32
      %dma_wait3A_136 = tpu.memref_slice %dma_wait3A_133[%dma_wait3A_134, %dma_wait3A_135] : memref<10240x80xf32, #tpu.memory_space<hbm>> -> memref<10240x80xf32, #tpu.memory_space<hbm>>
      tpu.wait_indirect_dma semaphore(%arg13 : memref<!tpu.dma_semaphore, #tpu.memory_space<semaphore_mem>>) src(%dma_wait3A_136 : memref<10240x80xf32, #tpu.memory_space<hbm>>) dst(%arg10 : memref<125x80xf32, #tpu.memory_space<vmem>>)
      %run_scoped3A_137 = arith.constant 3 : i32
      "tpu.region"() ({
        %run_scoped3A_404 = tpu.sem_alloc : memref<!tpu.dma_semaphore, #tpu.memory_space<semaphore_mem>>
        %dma_start3A_405 = arith.constant 0 : i32
        %dma_start3A_406 = tpu.memref_slice %arg8[%run_scoped3A_137, %dma_start3A_405] : memref<16x125xi32, #tpu.memory_space<vmem>> -> memref<1x125xi32, #tpu.memory_space<vmem>>
        %dma_start3A_407 = tpu.memref_squeeze %dma_start3A_406 : memref<1x125xi32, #tpu.memory_space<vmem>> -> memref<125xi32, #tpu.memory_space<vmem>>
        %dma_start3A_408 = arith.constant 0 : i32
        %dma_start3A_409 = arith.constant 0 : i32
        %dma_start3A_410 = tpu.memref_slice %arg6[%dma_start3A_408, %dma_start3A_409] : memref<10240x80xf32, #tpu.memory_space<vmem_shared>> -> memref<10240x80xf32, #tpu.memory_space<vmem_shared>>
        tpu.enqueue_indirect_dma source(%arg10 : memref<125x80xf32, #tpu.memory_space<vmem>>) target(%dma_start3A_410 : memref<10240x80xf32, #tpu.memory_space<vmem_shared>>) offsets(%dma_start3A_407 : memref<125xi32, #tpu.memory_space<vmem>>) semaphore(%run_scoped3A_404 : memref<!tpu.dma_semaphore, #tpu.memory_space<semaphore_mem>>) {add = true}
        %dma_wait3A_411 = arith.constant 0 : i32
        %dma_wait3A_412 = tpu.memref_slice %arg8[%run_scoped3A_137, %dma_wait3A_411] : memref<16x125xi32, #tpu.memory_space<vmem>> -> memref<1x125xi32, #tpu.memory_space<vmem>>
        %dma_wait3A_413 = tpu.memref_squeeze %dma_wait3A_412 : memref<1x125xi32, #tpu.memory_space<vmem>> -> memref<125xi32, #tpu.memory_space<vmem>>
        %dma_wait3A_414 = arith.constant 0 : i32
        %dma_wait3A_415 = arith.constant 0 : i32
        %dma_wait3A_416 = tpu.memref_slice %arg6[%dma_wait3A_414, %dma_wait3A_415] : memref<10240x80xf32, #tpu.memory_space<vmem_shared>> -> memref<10240x80xf32, #tpu.memory_space<vmem_shared>>
        tpu.wait_indirect_dma semaphore(%run_scoped3A_404 : memref<!tpu.dma_semaphore, #tpu.memory_space<semaphore_mem>>) src(%arg10 : memref<125x80xf32, #tpu.memory_space<vmem>>) dst(%dma_wait3A_416 : memref<10240x80xf32, #tpu.memory_space<vmem_shared>>)
        tpu.yield
      }) : () -> ()
      %dma_start3A_138 = arith.constant 5 : i32
      %dma_start3A_139 = arith.constant 0 : i32
      %dma_start3A_140 = tpu.memref_slice %arg7[%dma_start3A_138, %dma_start3A_139] : memref<16x125xi32, #tpu.memory_space<vmem>> -> memref<1x125xi32, #tpu.memory_space<vmem>>
      %dma_start3A_141 = tpu.memref_squeeze %dma_start3A_140 : memref<1x125xi32, #tpu.memory_space<vmem>> -> memref<125xi32, #tpu.memory_space<vmem>>
      %dma_start3A_142 = arith.constant 0 : i32
      %dma_start3A_143 = arith.constant 0 : i32
      %dma_start3A_144 = tpu.memref_slice %arg4[%arg0, %dma_start3A_142, %dma_start3A_143] : memref<2x10240x80xf32, #tpu.memory_space<hbm>> -> memref<1x10240x80xf32, #tpu.memory_space<hbm>>
      %dma_start3A_145 = tpu.memref_squeeze %dma_start3A_144 : memref<1x10240x80xf32, #tpu.memory_space<hbm>> -> memref<10240x80xf32, #tpu.memory_space<hbm>>
      %dma_start3A_146 = arith.constant 0 : i32
      %dma_start3A_147 = arith.constant 0 : i32
      %dma_start3A_148 = tpu.memref_slice %dma_start3A_145[%dma_start3A_146, %dma_start3A_147] : memref<10240x80xf32, #tpu.memory_space<hbm>> -> memref<10240x80xf32, #tpu.memory_space<hbm>>
      tpu.enqueue_indirect_dma source(%dma_start3A_148 : memref<10240x80xf32, #tpu.memory_space<hbm>>) target(%arg10 : memref<125x80xf32, #tpu.memory_space<vmem>>) offsets(%dma_start3A_141 : memref<125xi32, #tpu.memory_space<vmem>>) semaphore(%arg13 : memref<!tpu.dma_semaphore, #tpu.memory_space<semaphore_mem>>)
      %dma_wait3A_149 = arith.constant 4 : i32
      %dma_wait3A_150 = arith.constant 0 : i32
      %dma_wait3A_151 = tpu.memref_slice %arg7[%dma_wait3A_149, %dma_wait3A_150] : memref<16x125xi32, #tpu.memory_space<vmem>> -> memref<1x125xi32, #tpu.memory_space<vmem>>
      %dma_wait3A_152 = tpu.memref_squeeze %dma_wait3A_151 : memref<1x125xi32, #tpu.memory_space<vmem>> -> memref<125xi32, #tpu.memory_space<vmem>>
      %dma_wait3A_153 = arith.constant 0 : i32
      %dma_wait3A_154 = arith.constant 0 : i32
      %dma_wait3A_155 = tpu.memref_slice %arg4[%arg0, %dma_wait3A_153, %dma_wait3A_154] : memref<2x10240x80xf32, #tpu.memory_space<hbm>> -> memref<1x10240x80xf32, #tpu.memory_space<hbm>>
      %dma_wait3A_156 = tpu.memref_squeeze %dma_wait3A_155 : memref<1x10240x80xf32, #tpu.memory_space<hbm>> -> memref<10240x80xf32, #tpu.memory_space<hbm>>
      %dma_wait3A_157 = arith.constant 0 : i32
      %dma_wait3A_158 = arith.constant 0 : i32
      %dma_wait3A_159 = tpu.memref_slice %dma_wait3A_156[%dma_wait3A_157, %dma_wait3A_158] : memref<10240x80xf32, #tpu.memory_space<hbm>> -> memref<10240x80xf32, #tpu.memory_space<hbm>>
      tpu.wait_indirect_dma semaphore(%arg12 : memref<!tpu.dma_semaphore, #tpu.memory_space<semaphore_mem>>) src(%dma_wait3A_159 : memref<10240x80xf32, #tpu.memory_space<hbm>>) dst(%arg9 : memref<125x80xf32, #tpu.memory_space<vmem>>)
      %run_scoped3A_160 = arith.constant 4 : i32
      "tpu.region"() ({
        %run_scoped3A_404 = tpu.sem_alloc : memref<!tpu.dma_semaphore, #tpu.memory_space<semaphore_mem>>
        %dma_start3A_405 = arith.constant 0 : i32
        %dma_start3A_406 = tpu.memref_slice %arg8[%run_scoped3A_160, %dma_start3A_405] : memref<16x125xi32, #tpu.memory_space<vmem>> -> memref<1x125xi32, #tpu.memory_space<vmem>>
        %dma_start3A_407 = tpu.memref_squeeze %dma_start3A_406 : memref<1x125xi32, #tpu.memory_space<vmem>> -> memref<125xi32, #tpu.memory_space<vmem>>
        %dma_start3A_408 = arith.constant 0 : i32
        %dma_start3A_409 = arith.constant 0 : i32
        %dma_start3A_410 = tpu.memref_slice %arg6[%dma_start3A_408, %dma_start3A_409] : memref<10240x80xf32, #tpu.memory_space<vmem_shared>> -> memref<10240x80xf32, #tpu.memory_space<vmem_shared>>
        tpu.enqueue_indirect_dma source(%arg9 : memref<125x80xf32, #tpu.memory_space<vmem>>) target(%dma_start3A_410 : memref<10240x80xf32, #tpu.memory_space<vmem_shared>>) offsets(%dma_start3A_407 : memref<125xi32, #tpu.memory_space<vmem>>) semaphore(%run_scoped3A_404 : memref<!tpu.dma_semaphore, #tpu.memory_space<semaphore_mem>>) {add = true}
        %dma_wait3A_411 = arith.constant 0 : i32
        %dma_wait3A_412 = tpu.memref_slice %arg8[%run_scoped3A_160, %dma_wait3A_411] : memref<16x125xi32, #tpu.memory_space<vmem>> -> memref<1x125xi32, #tpu.memory_space<vmem>>
        %dma_wait3A_413 = tpu.memref_squeeze %dma_wait3A_412 : memref<1x125xi32, #tpu.memory_space<vmem>> -> memref<125xi32, #tpu.memory_space<vmem>>
        %dma_wait3A_414 = arith.constant 0 : i32
        %dma_wait3A_415 = arith.constant 0 : i32
        %dma_wait3A_416 = tpu.memref_slice %arg6[%dma_wait3A_414, %dma_wait3A_415] : memref<10240x80xf32, #tpu.memory_space<vmem_shared>> -> memref<10240x80xf32, #tpu.memory_space<vmem_shared>>
        tpu.wait_indirect_dma semaphore(%run_scoped3A_404 : memref<!tpu.dma_semaphore, #tpu.memory_space<semaphore_mem>>) src(%arg9 : memref<125x80xf32, #tpu.memory_space<vmem>>) dst(%dma_wait3A_416 : memref<10240x80xf32, #tpu.memory_space<vmem_shared>>)
        tpu.yield
      }) : () -> ()
      %dma_start3A_161 = arith.constant 6 : i32
      %dma_start3A_162 = arith.constant 0 : i32
      %dma_start3A_163 = tpu.memref_slice %arg7[%dma_start3A_161, %dma_start3A_162] : memref<16x125xi32, #tpu.memory_space<vmem>> -> memref<1x125xi32, #tpu.memory_space<vmem>>
      %dma_start3A_164 = tpu.memref_squeeze %dma_start3A_163 : memref<1x125xi32, #tpu.memory_space<vmem>> -> memref<125xi32, #tpu.memory_space<vmem>>
      %dma_start3A_165 = arith.constant 0 : i32
      %dma_start3A_166 = arith.constant 0 : i32
      %dma_start3A_167 = tpu.memref_slice %arg4[%arg0, %dma_start3A_165, %dma_start3A_166] : memref<2x10240x80xf32, #tpu.memory_space<hbm>> -> memref<1x10240x80xf32, #tpu.memory_space<hbm>>
      %dma_start3A_168 = tpu.memref_squeeze %dma_start3A_167 : memref<1x10240x80xf32, #tpu.memory_space<hbm>> -> memref<10240x80xf32, #tpu.memory_space<hbm>>
      %dma_start3A_169 = arith.constant 0 : i32
      %dma_start3A_170 = arith.constant 0 : i32
      %dma_start3A_171 = tpu.memref_slice %dma_start3A_168[%dma_start3A_169, %dma_start3A_170] : memref<10240x80xf32, #tpu.memory_space<hbm>> -> memref<10240x80xf32, #tpu.memory_space<hbm>>
      tpu.enqueue_indirect_dma source(%dma_start3A_171 : memref<10240x80xf32, #tpu.memory_space<hbm>>) target(%arg9 : memref<125x80xf32, #tpu.memory_space<vmem>>) offsets(%dma_start3A_164 : memref<125xi32, #tpu.memory_space<vmem>>) semaphore(%arg12 : memref<!tpu.dma_semaphore, #tpu.memory_space<semaphore_mem>>)
      %dma_wait3A_172 = arith.constant 5 : i32
      %dma_wait3A_173 = arith.constant 0 : i32
      %dma_wait3A_174 = tpu.memref_slice %arg7[%dma_wait3A_172, %dma_wait3A_173] : memref<16x125xi32, #tpu.memory_space<vmem>> -> memref<1x125xi32, #tpu.memory_space<vmem>>
      %dma_wait3A_175 = tpu.memref_squeeze %dma_wait3A_174 : memref<1x125xi32, #tpu.memory_space<vmem>> -> memref<125xi32, #tpu.memory_space<vmem>>
      %dma_wait3A_176 = arith.constant 0 : i32
      %dma_wait3A_177 = arith.constant 0 : i32
      %dma_wait3A_178 = tpu.memref_slice %arg4[%arg0, %dma_wait3A_176, %dma_wait3A_177] : memref<2x10240x80xf32, #tpu.memory_space<hbm>> -> memref<1x10240x80xf32, #tpu.memory_space<hbm>>
      %dma_wait3A_179 = tpu.memref_squeeze %dma_wait3A_178 : memref<1x10240x80xf32, #tpu.memory_space<hbm>> -> memref<10240x80xf32, #tpu.memory_space<hbm>>
      %dma_wait3A_180 = arith.constant 0 : i32
      %dma_wait3A_181 = arith.constant 0 : i32
      %dma_wait3A_182 = tpu.memref_slice %dma_wait3A_179[%dma_wait3A_180, %dma_wait3A_181] : memref<10240x80xf32, #tpu.memory_space<hbm>> -> memref<10240x80xf32, #tpu.memory_space<hbm>>
      tpu.wait_indirect_dma semaphore(%arg13 : memref<!tpu.dma_semaphore, #tpu.memory_space<semaphore_mem>>) src(%dma_wait3A_182 : memref<10240x80xf32, #tpu.memory_space<hbm>>) dst(%arg10 : memref<125x80xf32, #tpu.memory_space<vmem>>)
      %run_scoped3A_183 = arith.constant 5 : i32
      "tpu.region"() ({
        %run_scoped3A_404 = tpu.sem_alloc : memref<!tpu.dma_semaphore, #tpu.memory_space<semaphore_mem>>
        %dma_start3A_405 = arith.constant 0 : i32
        %dma_start3A_406 = tpu.memref_slice %arg8[%run_scoped3A_183, %dma_start3A_405] : memref<16x125xi32, #tpu.memory_space<vmem>> -> memref<1x125xi32, #tpu.memory_space<vmem>>
        %dma_start3A_407 = tpu.memref_squeeze %dma_start3A_406 : memref<1x125xi32, #tpu.memory_space<vmem>> -> memref<125xi32, #tpu.memory_space<vmem>>
        %dma_start3A_408 = arith.constant 0 : i32
        %dma_start3A_409 = arith.constant 0 : i32
        %dma_start3A_410 = tpu.memref_slice %arg6[%dma_start3A_408, %dma_start3A_409] : memref<10240x80xf32, #tpu.memory_space<vmem_shared>> -> memref<10240x80xf32, #tpu.memory_space<vmem_shared>>
        tpu.enqueue_indirect_dma source(%arg10 : memref<125x80xf32, #tpu.memory_space<vmem>>) target(%dma_start3A_410 : memref<10240x80xf32, #tpu.memory_space<vmem_shared>>) offsets(%dma_start3A_407 : memref<125xi32, #tpu.memory_space<vmem>>) semaphore(%run_scoped3A_404 : memref<!tpu.dma_semaphore, #tpu.memory_space<semaphore_mem>>) {add = true}
        %dma_wait3A_411 = arith.constant 0 : i32
        %dma_wait3A_412 = tpu.memref_slice %arg8[%run_scoped3A_183, %dma_wait3A_411] : memref<16x125xi32, #tpu.memory_space<vmem>> -> memref<1x125xi32, #tpu.memory_space<vmem>>
        %dma_wait3A_413 = tpu.memref_squeeze %dma_wait3A_412 : memref<1x125xi32, #tpu.memory_space<vmem>> -> memref<125xi32, #tpu.memory_space<vmem>>
        %dma_wait3A_414 = arith.constant 0 : i32
        %dma_wait3A_415 = arith.constant 0 : i32
        %dma_wait3A_416 = tpu.memref_slice %arg6[%dma_wait3A_414, %dma_wait3A_415] : memref<10240x80xf32, #tpu.memory_space<vmem_shared>> -> memref<10240x80xf32, #tpu.memory_space<vmem_shared>>
        tpu.wait_indirect_dma semaphore(%run_scoped3A_404 : memref<!tpu.dma_semaphore, #tpu.memory_space<semaphore_mem>>) src(%arg10 : memref<125x80xf32, #tpu.memory_space<vmem>>) dst(%dma_wait3A_416 : memref<10240x80xf32, #tpu.memory_space<vmem_shared>>)
        tpu.yield
      }) : () -> ()
      %dma_start3A_184 = arith.constant 7 : i32
      %dma_start3A_185 = arith.constant 0 : i32
      %dma_start3A_186 = tpu.memref_slice %arg7[%dma_start3A_184, %dma_start3A_185] : memref<16x125xi32, #tpu.memory_space<vmem>> -> memref<1x125xi32, #tpu.memory_space<vmem>>
      %dma_start3A_187 = tpu.memref_squeeze %dma_start3A_186 : memref<1x125xi32, #tpu.memory_space<vmem>> -> memref<125xi32, #tpu.memory_space<vmem>>
      %dma_start3A_188 = arith.constant 0 : i32
      %dma_start3A_189 = arith.constant 0 : i32
      %dma_start3A_190 = tpu.memref_slice %arg4[%arg0, %dma_start3A_188, %dma_start3A_189] : memref<2x10240x80xf32, #tpu.memory_space<hbm>> -> memref<1x10240x80xf32, #tpu.memory_space<hbm>>
      %dma_start3A_191 = tpu.memref_squeeze %dma_start3A_190 : memref<1x10240x80xf32, #tpu.memory_space<hbm>> -> memref<10240x80xf32, #tpu.memory_space<hbm>>
      %dma_start3A_192 = arith.constant 0 : i32
      %dma_start3A_193 = arith.constant 0 : i32
      %dma_start3A_194 = tpu.memref_slice %dma_start3A_191[%dma_start3A_192, %dma_start3A_193] : memref<10240x80xf32, #tpu.memory_space<hbm>> -> memref<10240x80xf32, #tpu.memory_space<hbm>>
      tpu.enqueue_indirect_dma source(%dma_start3A_194 : memref<10240x80xf32, #tpu.memory_space<hbm>>) target(%arg10 : memref<125x80xf32, #tpu.memory_space<vmem>>) offsets(%dma_start3A_187 : memref<125xi32, #tpu.memory_space<vmem>>) semaphore(%arg13 : memref<!tpu.dma_semaphore, #tpu.memory_space<semaphore_mem>>)
      %dma_wait3A_195 = arith.constant 6 : i32
      %dma_wait3A_196 = arith.constant 0 : i32
      %dma_wait3A_197 = tpu.memref_slice %arg7[%dma_wait3A_195, %dma_wait3A_196] : memref<16x125xi32, #tpu.memory_space<vmem>> -> memref<1x125xi32, #tpu.memory_space<vmem>>
      %dma_wait3A_198 = tpu.memref_squeeze %dma_wait3A_197 : memref<1x125xi32, #tpu.memory_space<vmem>> -> memref<125xi32, #tpu.memory_space<vmem>>
      %dma_wait3A_199 = arith.constant 0 : i32
      %dma_wait3A_200 = arith.constant 0 : i32
      %dma_wait3A_201 = tpu.memref_slice %arg4[%arg0, %dma_wait3A_199, %dma_wait3A_200] : memref<2x10240x80xf32, #tpu.memory_space<hbm>> -> memref<1x10240x80xf32, #tpu.memory_space<hbm>>
      %dma_wait3A_202 = tpu.memref_squeeze %dma_wait3A_201 : memref<1x10240x80xf32, #tpu.memory_space<hbm>> -> memref<10240x80xf32, #tpu.memory_space<hbm>>
      %dma_wait3A_203 = arith.constant 0 : i32
      %dma_wait3A_204 = arith.constant 0 : i32
      %dma_wait3A_205 = tpu.memref_slice %dma_wait3A_202[%dma_wait3A_203, %dma_wait3A_204] : memref<10240x80xf32, #tpu.memory_space<hbm>> -> memref<10240x80xf32, #tpu.memory_space<hbm>>
      tpu.wait_indirect_dma semaphore(%arg12 : memref<!tpu.dma_semaphore, #tpu.memory_space<semaphore_mem>>) src(%dma_wait3A_205 : memref<10240x80xf32, #tpu.memory_space<hbm>>) dst(%arg9 : memref<125x80xf32, #tpu.memory_space<vmem>>)
      %run_scoped3A_206 = arith.constant 6 : i32
      "tpu.region"() ({
        %run_scoped3A_404 = tpu.sem_alloc : memref<!tpu.dma_semaphore, #tpu.memory_space<semaphore_mem>>
        %dma_start3A_405 = arith.constant 0 : i32
        %dma_start3A_406 = tpu.memref_slice %arg8[%run_scoped3A_206, %dma_start3A_405] : memref<16x125xi32, #tpu.memory_space<vmem>> -> memref<1x125xi32, #tpu.memory_space<vmem>>
        %dma_start3A_407 = tpu.memref_squeeze %dma_start3A_406 : memref<1x125xi32, #tpu.memory_space<vmem>> -> memref<125xi32, #tpu.memory_space<vmem>>
        %dma_start3A_408 = arith.constant 0 : i32
        %dma_start3A_409 = arith.constant 0 : i32
        %dma_start3A_410 = tpu.memref_slice %arg6[%dma_start3A_408, %dma_start3A_409] : memref<10240x80xf32, #tpu.memory_space<vmem_shared>> -> memref<10240x80xf32, #tpu.memory_space<vmem_shared>>
        tpu.enqueue_indirect_dma source(%arg9 : memref<125x80xf32, #tpu.memory_space<vmem>>) target(%dma_start3A_410 : memref<10240x80xf32, #tpu.memory_space<vmem_shared>>) offsets(%dma_start3A_407 : memref<125xi32, #tpu.memory_space<vmem>>) semaphore(%run_scoped3A_404 : memref<!tpu.dma_semaphore, #tpu.memory_space<semaphore_mem>>) {add = true}
        %dma_wait3A_411 = arith.constant 0 : i32
        %dma_wait3A_412 = tpu.memref_slice %arg8[%run_scoped3A_206, %dma_wait3A_411] : memref<16x125xi32, #tpu.memory_space<vmem>> -> memref<1x125xi32, #tpu.memory_space<vmem>>
        %dma_wait3A_413 = tpu.memref_squeeze %dma_wait3A_412 : memref<1x125xi32, #tpu.memory_space<vmem>> -> memref<125xi32, #tpu.memory_space<vmem>>
        %dma_wait3A_414 = arith.constant 0 : i32
        %dma_wait3A_415 = arith.constant 0 : i32
        %dma_wait3A_416 = tpu.memref_slice %arg6[%dma_wait3A_414, %dma_wait3A_415] : memref<10240x80xf32, #tpu.memory_space<vmem_shared>> -> memref<10240x80xf32, #tpu.memory_space<vmem_shared>>
        tpu.wait_indirect_dma semaphore(%run_scoped3A_404 : memref<!tpu.dma_semaphore, #tpu.memory_space<semaphore_mem>>) src(%arg9 : memref<125x80xf32, #tpu.memory_space<vmem>>) dst(%dma_wait3A_416 : memref<10240x80xf32, #tpu.memory_space<vmem_shared>>)
        tpu.yield
      }) : () -> ()
      %dma_start3A_207 = arith.constant 8 : i32
      %dma_start3A_208 = arith.constant 0 : i32
      %dma_start3A_209 = tpu.memref_slice %arg7[%dma_start3A_207, %dma_start3A_208] : memref<16x125xi32, #tpu.memory_space<vmem>> -> memref<1x125xi32, #tpu.memory_space<vmem>>
      %dma_start3A_210 = tpu.memref_squeeze %dma_start3A_209 : memref<1x125xi32, #tpu.memory_space<vmem>> -> memref<125xi32, #tpu.memory_space<vmem>>
      %dma_start3A_211 = arith.constant 0 : i32
      %dma_start3A_212 = arith.constant 0 : i32
      %dma_start3A_213 = tpu.memref_slice %arg4[%arg0, %dma_start3A_211, %dma_start3A_212] : memref<2x10240x80xf32, #tpu.memory_space<hbm>> -> memref<1x10240x80xf32, #tpu.memory_space<hbm>>
      %dma_start3A_214 = tpu.memref_squeeze %dma_start3A_213 : memref<1x10240x80xf32, #tpu.memory_space<hbm>> -> memref<10240x80xf32, #tpu.memory_space<hbm>>
      %dma_start3A_215 = arith.constant 0 : i32
      %dma_start3A_216 = arith.constant 0 : i32
      %dma_start3A_217 = tpu.memref_slice %dma_start3A_214[%dma_start3A_215, %dma_start3A_216] : memref<10240x80xf32, #tpu.memory_space<hbm>> -> memref<10240x80xf32, #tpu.memory_space<hbm>>
      tpu.enqueue_indirect_dma source(%dma_start3A_217 : memref<10240x80xf32, #tpu.memory_space<hbm>>) target(%arg9 : memref<125x80xf32, #tpu.memory_space<vmem>>) offsets(%dma_start3A_210 : memref<125xi32, #tpu.memory_space<vmem>>) semaphore(%arg12 : memref<!tpu.dma_semaphore, #tpu.memory_space<semaphore_mem>>)
      %dma_wait3A_218 = arith.constant 7 : i32
      %dma_wait3A_219 = arith.constant 0 : i32
      %dma_wait3A_220 = tpu.memref_slice %arg7[%dma_wait3A_218, %dma_wait3A_219] : memref<16x125xi32, #tpu.memory_space<vmem>> -> memref<1x125xi32, #tpu.memory_space<vmem>>
      %dma_wait3A_221 = tpu.memref_squeeze %dma_wait3A_220 : memref<1x125xi32, #tpu.memory_space<vmem>> -> memref<125xi32, #tpu.memory_space<vmem>>
      %dma_wait3A_222 = arith.constant 0 : i32
      %dma_wait3A_223 = arith.constant 0 : i32
      %dma_wait3A_224 = tpu.memref_slice %arg4[%arg0, %dma_wait3A_222, %dma_wait3A_223] : memref<2x10240x80xf32, #tpu.memory_space<hbm>> -> memref<1x10240x80xf32, #tpu.memory_space<hbm>>
      %dma_wait3A_225 = tpu.memref_squeeze %dma_wait3A_224 : memref<1x10240x80xf32, #tpu.memory_space<hbm>> -> memref<10240x80xf32, #tpu.memory_space<hbm>>
      %dma_wait3A_226 = arith.constant 0 : i32
      %dma_wait3A_227 = arith.constant 0 : i32
      %dma_wait3A_228 = tpu.memref_slice %dma_wait3A_225[%dma_wait3A_226, %dma_wait3A_227] : memref<10240x80xf32, #tpu.memory_space<hbm>> -> memref<10240x80xf32, #tpu.memory_space<hbm>>
      tpu.wait_indirect_dma semaphore(%arg13 : memref<!tpu.dma_semaphore, #tpu.memory_space<semaphore_mem>>) src(%dma_wait3A_228 : memref<10240x80xf32, #tpu.memory_space<hbm>>) dst(%arg10 : memref<125x80xf32, #tpu.memory_space<vmem>>)
      %run_scoped3A_229 = arith.constant 7 : i32
      "tpu.region"() ({
        %run_scoped3A_404 = tpu.sem_alloc : memref<!tpu.dma_semaphore, #tpu.memory_space<semaphore_mem>>
        %dma_start3A_405 = arith.constant 0 : i32
        %dma_start3A_406 = tpu.memref_slice %arg8[%run_scoped3A_229, %dma_start3A_405] : memref<16x125xi32, #tpu.memory_space<vmem>> -> memref<1x125xi32, #tpu.memory_space<vmem>>
        %dma_start3A_407 = tpu.memref_squeeze %dma_start3A_406 : memref<1x125xi32, #tpu.memory_space<vmem>> -> memref<125xi32, #tpu.memory_space<vmem>>
        %dma_start3A_408 = arith.constant 0 : i32
        %dma_start3A_409 = arith.constant 0 : i32
        %dma_start3A_410 = tpu.memref_slice %arg6[%dma_start3A_408, %dma_start3A_409] : memref<10240x80xf32, #tpu.memory_space<vmem_shared>> -> memref<10240x80xf32, #tpu.memory_space<vmem_shared>>
        tpu.enqueue_indirect_dma source(%arg10 : memref<125x80xf32, #tpu.memory_space<vmem>>) target(%dma_start3A_410 : memref<10240x80xf32, #tpu.memory_space<vmem_shared>>) offsets(%dma_start3A_407 : memref<125xi32, #tpu.memory_space<vmem>>) semaphore(%run_scoped3A_404 : memref<!tpu.dma_semaphore, #tpu.memory_space<semaphore_mem>>) {add = true}
        %dma_wait3A_411 = arith.constant 0 : i32
        %dma_wait3A_412 = tpu.memref_slice %arg8[%run_scoped3A_229, %dma_wait3A_411] : memref<16x125xi32, #tpu.memory_space<vmem>> -> memref<1x125xi32, #tpu.memory_space<vmem>>
        %dma_wait3A_413 = tpu.memref_squeeze %dma_wait3A_412 : memref<1x125xi32, #tpu.memory_space<vmem>> -> memref<125xi32, #tpu.memory_space<vmem>>
        %dma_wait3A_414 = arith.constant 0 : i32
        %dma_wait3A_415 = arith.constant 0 : i32
        %dma_wait3A_416 = tpu.memref_slice %arg6[%dma_wait3A_414, %dma_wait3A_415] : memref<10240x80xf32, #tpu.memory_space<vmem_shared>> -> memref<10240x80xf32, #tpu.memory_space<vmem_shared>>
        tpu.wait_indirect_dma semaphore(%run_scoped3A_404 : memref<!tpu.dma_semaphore, #tpu.memory_space<semaphore_mem>>) src(%arg10 : memref<125x80xf32, #tpu.memory_space<vmem>>) dst(%dma_wait3A_416 : memref<10240x80xf32, #tpu.memory_space<vmem_shared>>)
        tpu.yield
      }) : () -> ()
      %dma_start3A_230 = arith.constant 9 : i32
      %dma_start3A_231 = arith.constant 0 : i32
      %dma_start3A_232 = tpu.memref_slice %arg7[%dma_start3A_230, %dma_start3A_231] : memref<16x125xi32, #tpu.memory_space<vmem>> -> memref<1x125xi32, #tpu.memory_space<vmem>>
      %dma_start3A_233 = tpu.memref_squeeze %dma_start3A_232 : memref<1x125xi32, #tpu.memory_space<vmem>> -> memref<125xi32, #tpu.memory_space<vmem>>
      %dma_start3A_234 = arith.constant 0 : i32
      %dma_start3A_235 = arith.constant 0 : i32
      %dma_start3A_236 = tpu.memref_slice %arg4[%arg0, %dma_start3A_234, %dma_start3A_235] : memref<2x10240x80xf32, #tpu.memory_space<hbm>> -> memref<1x10240x80xf32, #tpu.memory_space<hbm>>
      %dma_start3A_237 = tpu.memref_squeeze %dma_start3A_236 : memref<1x10240x80xf32, #tpu.memory_space<hbm>> -> memref<10240x80xf32, #tpu.memory_space<hbm>>
      %dma_start3A_238 = arith.constant 0 : i32
      %dma_start3A_239 = arith.constant 0 : i32
      %dma_start3A_240 = tpu.memref_slice %dma_start3A_237[%dma_start3A_238, %dma_start3A_239] : memref<10240x80xf32, #tpu.memory_space<hbm>> -> memref<10240x80xf32, #tpu.memory_space<hbm>>
      tpu.enqueue_indirect_dma source(%dma_start3A_240 : memref<10240x80xf32, #tpu.memory_space<hbm>>) target(%arg10 : memref<125x80xf32, #tpu.memory_space<vmem>>) offsets(%dma_start3A_233 : memref<125xi32, #tpu.memory_space<vmem>>) semaphore(%arg13 : memref<!tpu.dma_semaphore, #tpu.memory_space<semaphore_mem>>)
      %dma_wait3A_241 = arith.constant 8 : i32
      %dma_wait3A_242 = arith.constant 0 : i32
      %dma_wait3A_243 = tpu.memref_slice %arg7[%dma_wait3A_241, %dma_wait3A_242] : memref<16x125xi32, #tpu.memory_space<vmem>> -> memref<1x125xi32, #tpu.memory_space<vmem>>
      %dma_wait3A_244 = tpu.memref_squeeze %dma_wait3A_243 : memref<1x125xi32, #tpu.memory_space<vmem>> -> memref<125xi32, #tpu.memory_space<vmem>>
      %dma_wait3A_245 = arith.constant 0 : i32
      %dma_wait3A_246 = arith.constant 0 : i32
      %dma_wait3A_247 = tpu.memref_slice %arg4[%arg0, %dma_wait3A_245, %dma_wait3A_246] : memref<2x10240x80xf32, #tpu.memory_space<hbm>> -> memref<1x10240x80xf32, #tpu.memory_space<hbm>>
      %dma_wait3A_248 = tpu.memref_squeeze %dma_wait3A_247 : memref<1x10240x80xf32, #tpu.memory_space<hbm>> -> memref<10240x80xf32, #tpu.memory_space<hbm>>
      %dma_wait3A_249 = arith.constant 0 : i32
      %dma_wait3A_250 = arith.constant 0 : i32
      %dma_wait3A_251 = tpu.memref_slice %dma_wait3A_248[%dma_wait3A_249, %dma_wait3A_250] : memref<10240x80xf32, #tpu.memory_space<hbm>> -> memref<10240x80xf32, #tpu.memory_space<hbm>>
      tpu.wait_indirect_dma semaphore(%arg12 : memref<!tpu.dma_semaphore, #tpu.memory_space<semaphore_mem>>) src(%dma_wait3A_251 : memref<10240x80xf32, #tpu.memory_space<hbm>>) dst(%arg9 : memref<125x80xf32, #tpu.memory_space<vmem>>)
      %run_scoped3A_252 = arith.constant 8 : i32
      "tpu.region"() ({
        %run_scoped3A_404 = tpu.sem_alloc : memref<!tpu.dma_semaphore, #tpu.memory_space<semaphore_mem>>
        %dma_start3A_405 = arith.constant 0 : i32
        %dma_start3A_406 = tpu.memref_slice %arg8[%run_scoped3A_252, %dma_start3A_405] : memref<16x125xi32, #tpu.memory_space<vmem>> -> memref<1x125xi32, #tpu.memory_space<vmem>>
        %dma_start3A_407 = tpu.memref_squeeze %dma_start3A_406 : memref<1x125xi32, #tpu.memory_space<vmem>> -> memref<125xi32, #tpu.memory_space<vmem>>
        %dma_start3A_408 = arith.constant 0 : i32
        %dma_start3A_409 = arith.constant 0 : i32
        %dma_start3A_410 = tpu.memref_slice %arg6[%dma_start3A_408, %dma_start3A_409] : memref<10240x80xf32, #tpu.memory_space<vmem_shared>> -> memref<10240x80xf32, #tpu.memory_space<vmem_shared>>
        tpu.enqueue_indirect_dma source(%arg9 : memref<125x80xf32, #tpu.memory_space<vmem>>) target(%dma_start3A_410 : memref<10240x80xf32, #tpu.memory_space<vmem_shared>>) offsets(%dma_start3A_407 : memref<125xi32, #tpu.memory_space<vmem>>) semaphore(%run_scoped3A_404 : memref<!tpu.dma_semaphore, #tpu.memory_space<semaphore_mem>>) {add = true}
        %dma_wait3A_411 = arith.constant 0 : i32
        %dma_wait3A_412 = tpu.memref_slice %arg8[%run_scoped3A_252, %dma_wait3A_411] : memref<16x125xi32, #tpu.memory_space<vmem>> -> memref<1x125xi32, #tpu.memory_space<vmem>>
        %dma_wait3A_413 = tpu.memref_squeeze %dma_wait3A_412 : memref<1x125xi32, #tpu.memory_space<vmem>> -> memref<125xi32, #tpu.memory_space<vmem>>
        %dma_wait3A_414 = arith.constant 0 : i32
        %dma_wait3A_415 = arith.constant 0 : i32
        %dma_wait3A_416 = tpu.memref_slice %arg6[%dma_wait3A_414, %dma_wait3A_415] : memref<10240x80xf32, #tpu.memory_space<vmem_shared>> -> memref<10240x80xf32, #tpu.memory_space<vmem_shared>>
        tpu.wait_indirect_dma semaphore(%run_scoped3A_404 : memref<!tpu.dma_semaphore, #tpu.memory_space<semaphore_mem>>) src(%arg9 : memref<125x80xf32, #tpu.memory_space<vmem>>) dst(%dma_wait3A_416 : memref<10240x80xf32, #tpu.memory_space<vmem_shared>>)
        tpu.yield
      }) : () -> ()
      %dma_start3A_253 = arith.constant 10 : i32
      %dma_start3A_254 = arith.constant 0 : i32
      %dma_start3A_255 = tpu.memref_slice %arg7[%dma_start3A_253, %dma_start3A_254] : memref<16x125xi32, #tpu.memory_space<vmem>> -> memref<1x125xi32, #tpu.memory_space<vmem>>
      %dma_start3A_256 = tpu.memref_squeeze %dma_start3A_255 : memref<1x125xi32, #tpu.memory_space<vmem>> -> memref<125xi32, #tpu.memory_space<vmem>>
      %dma_start3A_257 = arith.constant 0 : i32
      %dma_start3A_258 = arith.constant 0 : i32
      %dma_start3A_259 = tpu.memref_slice %arg4[%arg0, %dma_start3A_257, %dma_start3A_258] : memref<2x10240x80xf32, #tpu.memory_space<hbm>> -> memref<1x10240x80xf32, #tpu.memory_space<hbm>>
      %dma_start3A_260 = tpu.memref_squeeze %dma_start3A_259 : memref<1x10240x80xf32, #tpu.memory_space<hbm>> -> memref<10240x80xf32, #tpu.memory_space<hbm>>
      %dma_start3A_261 = arith.constant 0 : i32
      %dma_start3A_262 = arith.constant 0 : i32
      %dma_start3A_263 = tpu.memref_slice %dma_start3A_260[%dma_start3A_261, %dma_start3A_262] : memref<10240x80xf32, #tpu.memory_space<hbm>> -> memref<10240x80xf32, #tpu.memory_space<hbm>>
      tpu.enqueue_indirect_dma source(%dma_start3A_263 : memref<10240x80xf32, #tpu.memory_space<hbm>>) target(%arg9 : memref<125x80xf32, #tpu.memory_space<vmem>>) offsets(%dma_start3A_256 : memref<125xi32, #tpu.memory_space<vmem>>) semaphore(%arg12 : memref<!tpu.dma_semaphore, #tpu.memory_space<semaphore_mem>>)
      %dma_wait3A_264 = arith.constant 9 : i32
      %dma_wait3A_265 = arith.constant 0 : i32
      %dma_wait3A_266 = tpu.memref_slice %arg7[%dma_wait3A_264, %dma_wait3A_265] : memref<16x125xi32, #tpu.memory_space<vmem>> -> memref<1x125xi32, #tpu.memory_space<vmem>>
      %dma_wait3A_267 = tpu.memref_squeeze %dma_wait3A_266 : memref<1x125xi32, #tpu.memory_space<vmem>> -> memref<125xi32, #tpu.memory_space<vmem>>
      %dma_wait3A_268 = arith.constant 0 : i32
      %dma_wait3A_269 = arith.constant 0 : i32
      %dma_wait3A_270 = tpu.memref_slice %arg4[%arg0, %dma_wait3A_268, %dma_wait3A_269] : memref<2x10240x80xf32, #tpu.memory_space<hbm>> -> memref<1x10240x80xf32, #tpu.memory_space<hbm>>
      %dma_wait3A_271 = tpu.memref_squeeze %dma_wait3A_270 : memref<1x10240x80xf32, #tpu.memory_space<hbm>> -> memref<10240x80xf32, #tpu.memory_space<hbm>>
      %dma_wait3A_272 = arith.constant 0 : i32
      %dma_wait3A_273 = arith.constant 0 : i32
      %dma_wait3A_274 = tpu.memref_slice %dma_wait3A_271[%dma_wait3A_272, %dma_wait3A_273] : memref<10240x80xf32, #tpu.memory_space<hbm>> -> memref<10240x80xf32, #tpu.memory_space<hbm>>
      tpu.wait_indirect_dma semaphore(%arg13 : memref<!tpu.dma_semaphore, #tpu.memory_space<semaphore_mem>>) src(%dma_wait3A_274 : memref<10240x80xf32, #tpu.memory_space<hbm>>) dst(%arg10 : memref<125x80xf32, #tpu.memory_space<vmem>>)
      %run_scoped3A_275 = arith.constant 9 : i32
      "tpu.region"() ({
        %run_scoped3A_404 = tpu.sem_alloc : memref<!tpu.dma_semaphore, #tpu.memory_space<semaphore_mem>>
        %dma_start3A_405 = arith.constant 0 : i32
        %dma_start3A_406 = tpu.memref_slice %arg8[%run_scoped3A_275, %dma_start3A_405] : memref<16x125xi32, #tpu.memory_space<vmem>> -> memref<1x125xi32, #tpu.memory_space<vmem>>
        %dma_start3A_407 = tpu.memref_squeeze %dma_start3A_406 : memref<1x125xi32, #tpu.memory_space<vmem>> -> memref<125xi32, #tpu.memory_space<vmem>>
        %dma_start3A_408 = arith.constant 0 : i32
        %dma_start3A_409 = arith.constant 0 : i32
        %dma_start3A_410 = tpu.memref_slice %arg6[%dma_start3A_408, %dma_start3A_409] : memref<10240x80xf32, #tpu.memory_space<vmem_shared>> -> memref<10240x80xf32, #tpu.memory_space<vmem_shared>>
        tpu.enqueue_indirect_dma source(%arg10 : memref<125x80xf32, #tpu.memory_space<vmem>>) target(%dma_start3A_410 : memref<10240x80xf32, #tpu.memory_space<vmem_shared>>) offsets(%dma_start3A_407 : memref<125xi32, #tpu.memory_space<vmem>>) semaphore(%run_scoped3A_404 : memref<!tpu.dma_semaphore, #tpu.memory_space<semaphore_mem>>) {add = true}
        %dma_wait3A_411 = arith.constant 0 : i32
        %dma_wait3A_412 = tpu.memref_slice %arg8[%run_scoped3A_275, %dma_wait3A_411] : memref<16x125xi32, #tpu.memory_space<vmem>> -> memref<1x125xi32, #tpu.memory_space<vmem>>
        %dma_wait3A_413 = tpu.memref_squeeze %dma_wait3A_412 : memref<1x125xi32, #tpu.memory_space<vmem>> -> memref<125xi32, #tpu.memory_space<vmem>>
        %dma_wait3A_414 = arith.constant 0 : i32
        %dma_wait3A_415 = arith.constant 0 : i32
        %dma_wait3A_416 = tpu.memref_slice %arg6[%dma_wait3A_414, %dma_wait3A_415] : memref<10240x80xf32, #tpu.memory_space<vmem_shared>> -> memref<10240x80xf32, #tpu.memory_space<vmem_shared>>
        tpu.wait_indirect_dma semaphore(%run_scoped3A_404 : memref<!tpu.dma_semaphore, #tpu.memory_space<semaphore_mem>>) src(%arg10 : memref<125x80xf32, #tpu.memory_space<vmem>>) dst(%dma_wait3A_416 : memref<10240x80xf32, #tpu.memory_space<vmem_shared>>)
        tpu.yield
      }) : () -> ()
      %dma_start3A_276 = arith.constant 11 : i32
      %dma_start3A_277 = arith.constant 0 : i32
      %dma_start3A_278 = tpu.memref_slice %arg7[%dma_start3A_276, %dma_start3A_277] : memref<16x125xi32, #tpu.memory_space<vmem>> -> memref<1x125xi32, #tpu.memory_space<vmem>>
      %dma_start3A_279 = tpu.memref_squeeze %dma_start3A_278 : memref<1x125xi32, #tpu.memory_space<vmem>> -> memref<125xi32, #tpu.memory_space<vmem>>
      %dma_start3A_280 = arith.constant 0 : i32
      %dma_start3A_281 = arith.constant 0 : i32
      %dma_start3A_282 = tpu.memref_slice %arg4[%arg0, %dma_start3A_280, %dma_start3A_281] : memref<2x10240x80xf32, #tpu.memory_space<hbm>> -> memref<1x10240x80xf32, #tpu.memory_space<hbm>>
      %dma_start3A_283 = tpu.memref_squeeze %dma_start3A_282 : memref<1x10240x80xf32, #tpu.memory_space<hbm>> -> memref<10240x80xf32, #tpu.memory_space<hbm>>
      %dma_start3A_284 = arith.constant 0 : i32
      %dma_start3A_285 = arith.constant 0 : i32
      %dma_start3A_286 = tpu.memref_slice %dma_start3A_283[%dma_start3A_284, %dma_start3A_285] : memref<10240x80xf32, #tpu.memory_space<hbm>> -> memref<10240x80xf32, #tpu.memory_space<hbm>>
      tpu.enqueue_indirect_dma source(%dma_start3A_286 : memref<10240x80xf32, #tpu.memory_space<hbm>>) target(%arg10 : memref<125x80xf32, #tpu.memory_space<vmem>>) offsets(%dma_start3A_279 : memref<125xi32, #tpu.memory_space<vmem>>) semaphore(%arg13 : memref<!tpu.dma_semaphore, #tpu.memory_space<semaphore_mem>>)
      %dma_wait3A_287 = arith.constant 10 : i32
      %dma_wait3A_288 = arith.constant 0 : i32
      %dma_wait3A_289 = tpu.memref_slice %arg7[%dma_wait3A_287, %dma_wait3A_288] : memref<16x125xi32, #tpu.memory_space<vmem>> -> memref<1x125xi32, #tpu.memory_space<vmem>>
      %dma_wait3A_290 = tpu.memref_squeeze %dma_wait3A_289 : memref<1x125xi32, #tpu.memory_space<vmem>> -> memref<125xi32, #tpu.memory_space<vmem>>
      %dma_wait3A_291 = arith.constant 0 : i32
      %dma_wait3A_292 = arith.constant 0 : i32
      %dma_wait3A_293 = tpu.memref_slice %arg4[%arg0, %dma_wait3A_291, %dma_wait3A_292] : memref<2x10240x80xf32, #tpu.memory_space<hbm>> -> memref<1x10240x80xf32, #tpu.memory_space<hbm>>
      %dma_wait3A_294 = tpu.memref_squeeze %dma_wait3A_293 : memref<1x10240x80xf32, #tpu.memory_space<hbm>> -> memref<10240x80xf32, #tpu.memory_space<hbm>>
      %dma_wait3A_295 = arith.constant 0 : i32
      %dma_wait3A_296 = arith.constant 0 : i32
      %dma_wait3A_297 = tpu.memref_slice %dma_wait3A_294[%dma_wait3A_295, %dma_wait3A_296] : memref<10240x80xf32, #tpu.memory_space<hbm>> -> memref<10240x80xf32, #tpu.memory_space<hbm>>
      tpu.wait_indirect_dma semaphore(%arg12 : memref<!tpu.dma_semaphore, #tpu.memory_space<semaphore_mem>>) src(%dma_wait3A_297 : memref<10240x80xf32, #tpu.memory_space<hbm>>) dst(%arg9 : memref<125x80xf32, #tpu.memory_space<vmem>>)
      %run_scoped3A_298 = arith.constant 10 : i32
      "tpu.region"() ({
        %run_scoped3A_404 = tpu.sem_alloc : memref<!tpu.dma_semaphore, #tpu.memory_space<semaphore_mem>>
        %dma_start3A_405 = arith.constant 0 : i32
        %dma_start3A_406 = tpu.memref_slice %arg8[%run_scoped3A_298, %dma_start3A_405] : memref<16x125xi32, #tpu.memory_space<vmem>> -> memref<1x125xi32, #tpu.memory_space<vmem>>
        %dma_start3A_407 = tpu.memref_squeeze %dma_start3A_406 : memref<1x125xi32, #tpu.memory_space<vmem>> -> memref<125xi32, #tpu.memory_space<vmem>>
        %dma_start3A_408 = arith.constant 0 : i32
        %dma_start3A_409 = arith.constant 0 : i32
        %dma_start3A_410 = tpu.memref_slice %arg6[%dma_start3A_408, %dma_start3A_409] : memref<10240x80xf32, #tpu.memory_space<vmem_shared>> -> memref<10240x80xf32, #tpu.memory_space<vmem_shared>>
        tpu.enqueue_indirect_dma source(%arg9 : memref<125x80xf32, #tpu.memory_space<vmem>>) target(%dma_start3A_410 : memref<10240x80xf32, #tpu.memory_space<vmem_shared>>) offsets(%dma_start3A_407 : memref<125xi32, #tpu.memory_space<vmem>>) semaphore(%run_scoped3A_404 : memref<!tpu.dma_semaphore, #tpu.memory_space<semaphore_mem>>) {add = true}
        %dma_wait3A_411 = arith.constant 0 : i32
        %dma_wait3A_412 = tpu.memref_slice %arg8[%run_scoped3A_298, %dma_wait3A_411] : memref<16x125xi32, #tpu.memory_space<vmem>> -> memref<1x125xi32, #tpu.memory_space<vmem>>
        %dma_wait3A_413 = tpu.memref_squeeze %dma_wait3A_412 : memref<1x125xi32, #tpu.memory_space<vmem>> -> memref<125xi32, #tpu.memory_space<vmem>>
        %dma_wait3A_414 = arith.constant 0 : i32
        %dma_wait3A_415 = arith.constant 0 : i32
        %dma_wait3A_416 = tpu.memref_slice %arg6[%dma_wait3A_414, %dma_wait3A_415] : memref<10240x80xf32, #tpu.memory_space<vmem_shared>> -> memref<10240x80xf32, #tpu.memory_space<vmem_shared>>
        tpu.wait_indirect_dma semaphore(%run_scoped3A_404 : memref<!tpu.dma_semaphore, #tpu.memory_space<semaphore_mem>>) src(%arg9 : memref<125x80xf32, #tpu.memory_space<vmem>>) dst(%dma_wait3A_416 : memref<10240x80xf32, #tpu.memory_space<vmem_shared>>)
        tpu.yield
      }) : () -> ()
      %dma_start3A_299 = arith.constant 12 : i32
      %dma_start3A_300 = arith.constant 0 : i32
      %dma_start3A_301 = tpu.memref_slice %arg7[%dma_start3A_299, %dma_start3A_300] : memref<16x125xi32, #tpu.memory_space<vmem>> -> memref<1x125xi32, #tpu.memory_space<vmem>>
      %dma_start3A_302 = tpu.memref_squeeze %dma_start3A_301 : memref<1x125xi32, #tpu.memory_space<vmem>> -> memref<125xi32, #tpu.memory_space<vmem>>
      %dma_start3A_303 = arith.constant 0 : i32
      %dma_start3A_304 = arith.constant 0 : i32
      %dma_start3A_305 = tpu.memref_slice %arg4[%arg0, %dma_start3A_303, %dma_start3A_304] : memref<2x10240x80xf32, #tpu.memory_space<hbm>> -> memref<1x10240x80xf32, #tpu.memory_space<hbm>>
      %dma_start3A_306 = tpu.memref_squeeze %dma_start3A_305 : memref<1x10240x80xf32, #tpu.memory_space<hbm>> -> memref<10240x80xf32, #tpu.memory_space<hbm>>
      %dma_start3A_307 = arith.constant 0 : i32
      %dma_start3A_308 = arith.constant 0 : i32
      %dma_start3A_309 = tpu.memref_slice %dma_start3A_306[%dma_start3A_307, %dma_start3A_308] : memref<10240x80xf32, #tpu.memory_space<hbm>> -> memref<10240x80xf32, #tpu.memory_space<hbm>>
      tpu.enqueue_indirect_dma source(%dma_start3A_309 : memref<10240x80xf32, #tpu.memory_space<hbm>>) target(%arg9 : memref<125x80xf32, #tpu.memory_space<vmem>>) offsets(%dma_start3A_302 : memref<125xi32, #tpu.memory_space<vmem>>) semaphore(%arg12 : memref<!tpu.dma_semaphore, #tpu.memory_space<semaphore_mem>>)
      %dma_wait3A_310 = arith.constant 11 : i32
      %dma_wait3A_311 = arith.constant 0 : i32
      %dma_wait3A_312 = tpu.memref_slice %arg7[%dma_wait3A_310, %dma_wait3A_311] : memref<16x125xi32, #tpu.memory_space<vmem>> -> memref<1x125xi32, #tpu.memory_space<vmem>>
      %dma_wait3A_313 = tpu.memref_squeeze %dma_wait3A_312 : memref<1x125xi32, #tpu.memory_space<vmem>> -> memref<125xi32, #tpu.memory_space<vmem>>
      %dma_wait3A_314 = arith.constant 0 : i32
      %dma_wait3A_315 = arith.constant 0 : i32
      %dma_wait3A_316 = tpu.memref_slice %arg4[%arg0, %dma_wait3A_314, %dma_wait3A_315] : memref<2x10240x80xf32, #tpu.memory_space<hbm>> -> memref<1x10240x80xf32, #tpu.memory_space<hbm>>
      %dma_wait3A_317 = tpu.memref_squeeze %dma_wait3A_316 : memref<1x10240x80xf32, #tpu.memory_space<hbm>> -> memref<10240x80xf32, #tpu.memory_space<hbm>>
      %dma_wait3A_318 = arith.constant 0 : i32
      %dma_wait3A_319 = arith.constant 0 : i32
      %dma_wait3A_320 = tpu.memref_slice %dma_wait3A_317[%dma_wait3A_318, %dma_wait3A_319] : memref<10240x80xf32, #tpu.memory_space<hbm>> -> memref<10240x80xf32, #tpu.memory_space<hbm>>
      tpu.wait_indirect_dma semaphore(%arg13 : memref<!tpu.dma_semaphore, #tpu.memory_space<semaphore_mem>>) src(%dma_wait3A_320 : memref<10240x80xf32, #tpu.memory_space<hbm>>) dst(%arg10 : memref<125x80xf32, #tpu.memory_space<vmem>>)
      %run_scoped3A_321 = arith.constant 11 : i32
      "tpu.region"() ({
        %run_scoped3A_404 = tpu.sem_alloc : memref<!tpu.dma_semaphore, #tpu.memory_space<semaphore_mem>>
        %dma_start3A_405 = arith.constant 0 : i32
        %dma_start3A_406 = tpu.memref_slice %arg8[%run_scoped3A_321, %dma_start3A_405] : memref<16x125xi32, #tpu.memory_space<vmem>> -> memref<1x125xi32, #tpu.memory_space<vmem>>
        %dma_start3A_407 = tpu.memref_squeeze %dma_start3A_406 : memref<1x125xi32, #tpu.memory_space<vmem>> -> memref<125xi32, #tpu.memory_space<vmem>>
        %dma_start3A_408 = arith.constant 0 : i32
        %dma_start3A_409 = arith.constant 0 : i32
        %dma_start3A_410 = tpu.memref_slice %arg6[%dma_start3A_408, %dma_start3A_409] : memref<10240x80xf32, #tpu.memory_space<vmem_shared>> -> memref<10240x80xf32, #tpu.memory_space<vmem_shared>>
        tpu.enqueue_indirect_dma source(%arg10 : memref<125x80xf32, #tpu.memory_space<vmem>>) target(%dma_start3A_410 : memref<10240x80xf32, #tpu.memory_space<vmem_shared>>) offsets(%dma_start3A_407 : memref<125xi32, #tpu.memory_space<vmem>>) semaphore(%run_scoped3A_404 : memref<!tpu.dma_semaphore, #tpu.memory_space<semaphore_mem>>) {add = true}
        %dma_wait3A_411 = arith.constant 0 : i32
        %dma_wait3A_412 = tpu.memref_slice %arg8[%run_scoped3A_321, %dma_wait3A_411] : memref<16x125xi32, #tpu.memory_space<vmem>> -> memref<1x125xi32, #tpu.memory_space<vmem>>
        %dma_wait3A_413 = tpu.memref_squeeze %dma_wait3A_412 : memref<1x125xi32, #tpu.memory_space<vmem>> -> memref<125xi32, #tpu.memory_space<vmem>>
        %dma_wait3A_414 = arith.constant 0 : i32
        %dma_wait3A_415 = arith.constant 0 : i32
        %dma_wait3A_416 = tpu.memref_slice %arg6[%dma_wait3A_414, %dma_wait3A_415] : memref<10240x80xf32, #tpu.memory_space<vmem_shared>> -> memref<10240x80xf32, #tpu.memory_space<vmem_shared>>
        tpu.wait_indirect_dma semaphore(%run_scoped3A_404 : memref<!tpu.dma_semaphore, #tpu.memory_space<semaphore_mem>>) src(%arg10 : memref<125x80xf32, #tpu.memory_space<vmem>>) dst(%dma_wait3A_416 : memref<10240x80xf32, #tpu.memory_space<vmem_shared>>)
        tpu.yield
      }) : () -> ()
      %dma_start3A_322 = arith.constant 13 : i32
      %dma_start3A_323 = arith.constant 0 : i32
      %dma_start3A_324 = tpu.memref_slice %arg7[%dma_start3A_322, %dma_start3A_323] : memref<16x125xi32, #tpu.memory_space<vmem>> -> memref<1x125xi32, #tpu.memory_space<vmem>>
      %dma_start3A_325 = tpu.memref_squeeze %dma_start3A_324 : memref<1x125xi32, #tpu.memory_space<vmem>> -> memref<125xi32, #tpu.memory_space<vmem>>
      %dma_start3A_326 = arith.constant 0 : i32
      %dma_start3A_327 = arith.constant 0 : i32
      %dma_start3A_328 = tpu.memref_slice %arg4[%arg0, %dma_start3A_326, %dma_start3A_327] : memref<2x10240x80xf32, #tpu.memory_space<hbm>> -> memref<1x10240x80xf32, #tpu.memory_space<hbm>>
      %dma_start3A_329 = tpu.memref_squeeze %dma_start3A_328 : memref<1x10240x80xf32, #tpu.memory_space<hbm>> -> memref<10240x80xf32, #tpu.memory_space<hbm>>
      %dma_start3A_330 = arith.constant 0 : i32
      %dma_start3A_331 = arith.constant 0 : i32
      %dma_start3A_332 = tpu.memref_slice %dma_start3A_329[%dma_start3A_330, %dma_start3A_331] : memref<10240x80xf32, #tpu.memory_space<hbm>> -> memref<10240x80xf32, #tpu.memory_space<hbm>>
      tpu.enqueue_indirect_dma source(%dma_start3A_332 : memref<10240x80xf32, #tpu.memory_space<hbm>>) target(%arg10 : memref<125x80xf32, #tpu.memory_space<vmem>>) offsets(%dma_start3A_325 : memref<125xi32, #tpu.memory_space<vmem>>) semaphore(%arg13 : memref<!tpu.dma_semaphore, #tpu.memory_space<semaphore_mem>>)
      %dma_wait3A_333 = arith.constant 12 : i32
      %dma_wait3A_334 = arith.constant 0 : i32
      %dma_wait3A_335 = tpu.memref_slice %arg7[%dma_wait3A_333, %dma_wait3A_334] : memref<16x125xi32, #tpu.memory_space<vmem>> -> memref<1x125xi32, #tpu.memory_space<vmem>>
      %dma_wait3A_336 = tpu.memref_squeeze %dma_wait3A_335 : memref<1x125xi32, #tpu.memory_space<vmem>> -> memref<125xi32, #tpu.memory_space<vmem>>
      %dma_wait3A_337 = arith.constant 0 : i32
      %dma_wait3A_338 = arith.constant 0 : i32
      %dma_wait3A_339 = tpu.memref_slice %arg4[%arg0, %dma_wait3A_337, %dma_wait3A_338] : memref<2x10240x80xf32, #tpu.memory_space<hbm>> -> memref<1x10240x80xf32, #tpu.memory_space<hbm>>
      %dma_wait3A_340 = tpu.memref_squeeze %dma_wait3A_339 : memref<1x10240x80xf32, #tpu.memory_space<hbm>> -> memref<10240x80xf32, #tpu.memory_space<hbm>>
      %dma_wait3A_341 = arith.constant 0 : i32
      %dma_wait3A_342 = arith.constant 0 : i32
      %dma_wait3A_343 = tpu.memref_slice %dma_wait3A_340[%dma_wait3A_341, %dma_wait3A_342] : memref<10240x80xf32, #tpu.memory_space<hbm>> -> memref<10240x80xf32, #tpu.memory_space<hbm>>
      tpu.wait_indirect_dma semaphore(%arg12 : memref<!tpu.dma_semaphore, #tpu.memory_space<semaphore_mem>>) src(%dma_wait3A_343 : memref<10240x80xf32, #tpu.memory_space<hbm>>) dst(%arg9 : memref<125x80xf32, #tpu.memory_space<vmem>>)
      %run_scoped3A_344 = arith.constant 12 : i32
      "tpu.region"() ({
        %run_scoped3A_404 = tpu.sem_alloc : memref<!tpu.dma_semaphore, #tpu.memory_space<semaphore_mem>>
        %dma_start3A_405 = arith.constant 0 : i32
        %dma_start3A_406 = tpu.memref_slice %arg8[%run_scoped3A_344, %dma_start3A_405] : memref<16x125xi32, #tpu.memory_space<vmem>> -> memref<1x125xi32, #tpu.memory_space<vmem>>
        %dma_start3A_407 = tpu.memref_squeeze %dma_start3A_406 : memref<1x125xi32, #tpu.memory_space<vmem>> -> memref<125xi32, #tpu.memory_space<vmem>>
        %dma_start3A_408 = arith.constant 0 : i32
        %dma_start3A_409 = arith.constant 0 : i32
        %dma_start3A_410 = tpu.memref_slice %arg6[%dma_start3A_408, %dma_start3A_409] : memref<10240x80xf32, #tpu.memory_space<vmem_shared>> -> memref<10240x80xf32, #tpu.memory_space<vmem_shared>>
        tpu.enqueue_indirect_dma source(%arg9 : memref<125x80xf32, #tpu.memory_space<vmem>>) target(%dma_start3A_410 : memref<10240x80xf32, #tpu.memory_space<vmem_shared>>) offsets(%dma_start3A_407 : memref<125xi32, #tpu.memory_space<vmem>>) semaphore(%run_scoped3A_404 : memref<!tpu.dma_semaphore, #tpu.memory_space<semaphore_mem>>) {add = true}
        %dma_wait3A_411 = arith.constant 0 : i32
        %dma_wait3A_412 = tpu.memref_slice %arg8[%run_scoped3A_344, %dma_wait3A_411] : memref<16x125xi32, #tpu.memory_space<vmem>> -> memref<1x125xi32, #tpu.memory_space<vmem>>
        %dma_wait3A_413 = tpu.memref_squeeze %dma_wait3A_412 : memref<1x125xi32, #tpu.memory_space<vmem>> -> memref<125xi32, #tpu.memory_space<vmem>>
        %dma_wait3A_414 = arith.constant 0 : i32
        %dma_wait3A_415 = arith.constant 0 : i32
        %dma_wait3A_416 = tpu.memref_slice %arg6[%dma_wait3A_414, %dma_wait3A_415] : memref<10240x80xf32, #tpu.memory_space<vmem_shared>> -> memref<10240x80xf32, #tpu.memory_space<vmem_shared>>
        tpu.wait_indirect_dma semaphore(%run_scoped3A_404 : memref<!tpu.dma_semaphore, #tpu.memory_space<semaphore_mem>>) src(%arg9 : memref<125x80xf32, #tpu.memory_space<vmem>>) dst(%dma_wait3A_416 : memref<10240x80xf32, #tpu.memory_space<vmem_shared>>)
        tpu.yield
      }) : () -> ()
      %dma_start3A_345 = arith.constant 14 : i32
      %dma_start3A_346 = arith.constant 0 : i32
      %dma_start3A_347 = tpu.memref_slice %arg7[%dma_start3A_345, %dma_start3A_346] : memref<16x125xi32, #tpu.memory_space<vmem>> -> memref<1x125xi32, #tpu.memory_space<vmem>>
      %dma_start3A_348 = tpu.memref_squeeze %dma_start3A_347 : memref<1x125xi32, #tpu.memory_space<vmem>> -> memref<125xi32, #tpu.memory_space<vmem>>
      %dma_start3A_349 = arith.constant 0 : i32
      %dma_start3A_350 = arith.constant 0 : i32
      %dma_start3A_351 = tpu.memref_slice %arg4[%arg0, %dma_start3A_349, %dma_start3A_350] : memref<2x10240x80xf32, #tpu.memory_space<hbm>> -> memref<1x10240x80xf32, #tpu.memory_space<hbm>>
      %dma_start3A_352 = tpu.memref_squeeze %dma_start3A_351 : memref<1x10240x80xf32, #tpu.memory_space<hbm>> -> memref<10240x80xf32, #tpu.memory_space<hbm>>
      %dma_start3A_353 = arith.constant 0 : i32
      %dma_start3A_354 = arith.constant 0 : i32
      %dma_start3A_355 = tpu.memref_slice %dma_start3A_352[%dma_start3A_353, %dma_start3A_354] : memref<10240x80xf32, #tpu.memory_space<hbm>> -> memref<10240x80xf32, #tpu.memory_space<hbm>>
      tpu.enqueue_indirect_dma source(%dma_start3A_355 : memref<10240x80xf32, #tpu.memory_space<hbm>>) target(%arg9 : memref<125x80xf32, #tpu.memory_space<vmem>>) offsets(%dma_start3A_348 : memref<125xi32, #tpu.memory_space<vmem>>) semaphore(%arg12 : memref<!tpu.dma_semaphore, #tpu.memory_space<semaphore_mem>>)
      %dma_wait3A_356 = arith.constant 13 : i32
      %dma_wait3A_357 = arith.constant 0 : i32
      %dma_wait3A_358 = tpu.memref_slice %arg7[%dma_wait3A_356, %dma_wait3A_357] : memref<16x125xi32, #tpu.memory_space<vmem>> -> memref<1x125xi32, #tpu.memory_space<vmem>>
      %dma_wait3A_359 = tpu.memref_squeeze %dma_wait3A_358 : memref<1x125xi32, #tpu.memory_space<vmem>> -> memref<125xi32, #tpu.memory_space<vmem>>
      %dma_wait3A_360 = arith.constant 0 : i32
      %dma_wait3A_361 = arith.constant 0 : i32
      %dma_wait3A_362 = tpu.memref_slice %arg4[%arg0, %dma_wait3A_360, %dma_wait3A_361] : memref<2x10240x80xf32, #tpu.memory_space<hbm>> -> memref<1x10240x80xf32, #tpu.memory_space<hbm>>
      %dma_wait3A_363 = tpu.memref_squeeze %dma_wait3A_362 : memref<1x10240x80xf32, #tpu.memory_space<hbm>> -> memref<10240x80xf32, #tpu.memory_space<hbm>>
      %dma_wait3A_364 = arith.constant 0 : i32
      %dma_wait3A_365 = arith.constant 0 : i32
      %dma_wait3A_366 = tpu.memref_slice %dma_wait3A_363[%dma_wait3A_364, %dma_wait3A_365] : memref<10240x80xf32, #tpu.memory_space<hbm>> -> memref<10240x80xf32, #tpu.memory_space<hbm>>
      tpu.wait_indirect_dma semaphore(%arg13 : memref<!tpu.dma_semaphore, #tpu.memory_space<semaphore_mem>>) src(%dma_wait3A_366 : memref<10240x80xf32, #tpu.memory_space<hbm>>) dst(%arg10 : memref<125x80xf32, #tpu.memory_space<vmem>>)
      %run_scoped3A_367 = arith.constant 13 : i32
      "tpu.region"() ({
        %run_scoped3A_404 = tpu.sem_alloc : memref<!tpu.dma_semaphore, #tpu.memory_space<semaphore_mem>>
        %dma_start3A_405 = arith.constant 0 : i32
        %dma_start3A_406 = tpu.memref_slice %arg8[%run_scoped3A_367, %dma_start3A_405] : memref<16x125xi32, #tpu.memory_space<vmem>> -> memref<1x125xi32, #tpu.memory_space<vmem>>
        %dma_start3A_407 = tpu.memref_squeeze %dma_start3A_406 : memref<1x125xi32, #tpu.memory_space<vmem>> -> memref<125xi32, #tpu.memory_space<vmem>>
        %dma_start3A_408 = arith.constant 0 : i32
        %dma_start3A_409 = arith.constant 0 : i32
        %dma_start3A_410 = tpu.memref_slice %arg6[%dma_start3A_408, %dma_start3A_409] : memref<10240x80xf32, #tpu.memory_space<vmem_shared>> -> memref<10240x80xf32, #tpu.memory_space<vmem_shared>>
        tpu.enqueue_indirect_dma source(%arg10 : memref<125x80xf32, #tpu.memory_space<vmem>>) target(%dma_start3A_410 : memref<10240x80xf32, #tpu.memory_space<vmem_shared>>) offsets(%dma_start3A_407 : memref<125xi32, #tpu.memory_space<vmem>>) semaphore(%run_scoped3A_404 : memref<!tpu.dma_semaphore, #tpu.memory_space<semaphore_mem>>) {add = true}
        %dma_wait3A_411 = arith.constant 0 : i32
        %dma_wait3A_412 = tpu.memref_slice %arg8[%run_scoped3A_367, %dma_wait3A_411] : memref<16x125xi32, #tpu.memory_space<vmem>> -> memref<1x125xi32, #tpu.memory_space<vmem>>
        %dma_wait3A_413 = tpu.memref_squeeze %dma_wait3A_412 : memref<1x125xi32, #tpu.memory_space<vmem>> -> memref<125xi32, #tpu.memory_space<vmem>>
        %dma_wait3A_414 = arith.constant 0 : i32
        %dma_wait3A_415 = arith.constant 0 : i32
        %dma_wait3A_416 = tpu.memref_slice %arg6[%dma_wait3A_414, %dma_wait3A_415] : memref<10240x80xf32, #tpu.memory_space<vmem_shared>> -> memref<10240x80xf32, #tpu.memory_space<vmem_shared>>
        tpu.wait_indirect_dma semaphore(%run_scoped3A_404 : memref<!tpu.dma_semaphore, #tpu.memory_space<semaphore_mem>>) src(%arg10 : memref<125x80xf32, #tpu.memory_space<vmem>>) dst(%dma_wait3A_416 : memref<10240x80xf32, #tpu.memory_space<vmem_shared>>)
        tpu.yield
      }) : () -> ()
      %dma_start3A_368 = arith.constant 15 : i32
      %dma_start3A_369 = arith.constant 0 : i32
      %dma_start3A_370 = tpu.memref_slice %arg7[%dma_start3A_368, %dma_start3A_369] : memref<16x125xi32, #tpu.memory_space<vmem>> -> memref<1x125xi32, #tpu.memory_space<vmem>>
      %dma_start3A_371 = tpu.memref_squeeze %dma_start3A_370 : memref<1x125xi32, #tpu.memory_space<vmem>> -> memref<125xi32, #tpu.memory_space<vmem>>
      %dma_start3A_372 = arith.constant 0 : i32
      %dma_start3A_373 = arith.constant 0 : i32
      %dma_start3A_374 = tpu.memref_slice %arg4[%arg0, %dma_start3A_372, %dma_start3A_373] : memref<2x10240x80xf32, #tpu.memory_space<hbm>> -> memref<1x10240x80xf32, #tpu.memory_space<hbm>>
      %dma_start3A_375 = tpu.memref_squeeze %dma_start3A_374 : memref<1x10240x80xf32, #tpu.memory_space<hbm>> -> memref<10240x80xf32, #tpu.memory_space<hbm>>
      %dma_start3A_376 = arith.constant 0 : i32
      %dma_start3A_377 = arith.constant 0 : i32
      %dma_start3A_378 = tpu.memref_slice %dma_start3A_375[%dma_start3A_376, %dma_start3A_377] : memref<10240x80xf32, #tpu.memory_space<hbm>> -> memref<10240x80xf32, #tpu.memory_space<hbm>>
      tpu.enqueue_indirect_dma source(%dma_start3A_378 : memref<10240x80xf32, #tpu.memory_space<hbm>>) target(%arg10 : memref<125x80xf32, #tpu.memory_space<vmem>>) offsets(%dma_start3A_371 : memref<125xi32, #tpu.memory_space<vmem>>) semaphore(%arg13 : memref<!tpu.dma_semaphore, #tpu.memory_space<semaphore_mem>>)
      %dma_wait3A_379 = arith.constant 14 : i32
      %dma_wait3A_380 = arith.constant 0 : i32
      %dma_wait3A_381 = tpu.memref_slice %arg7[%dma_wait3A_379, %dma_wait3A_380] : memref<16x125xi32, #tpu.memory_space<vmem>> -> memref<1x125xi32, #tpu.memory_space<vmem>>
      %dma_wait3A_382 = tpu.memref_squeeze %dma_wait3A_381 : memref<1x125xi32, #tpu.memory_space<vmem>> -> memref<125xi32, #tpu.memory_space<vmem>>
      %dma_wait3A_383 = arith.constant 0 : i32
      %dma_wait3A_384 = arith.constant 0 : i32
      %dma_wait3A_385 = tpu.memref_slice %arg4[%arg0, %dma_wait3A_383, %dma_wait3A_384] : memref<2x10240x80xf32, #tpu.memory_space<hbm>> -> memref<1x10240x80xf32, #tpu.memory_space<hbm>>
      %dma_wait3A_386 = tpu.memref_squeeze %dma_wait3A_385 : memref<1x10240x80xf32, #tpu.memory_space<hbm>> -> memref<10240x80xf32, #tpu.memory_space<hbm>>
      %dma_wait3A_387 = arith.constant 0 : i32
      %dma_wait3A_388 = arith.constant 0 : i32
      %dma_wait3A_389 = tpu.memref_slice %dma_wait3A_386[%dma_wait3A_387, %dma_wait3A_388] : memref<10240x80xf32, #tpu.memory_space<hbm>> -> memref<10240x80xf32, #tpu.memory_space<hbm>>
      tpu.wait_indirect_dma semaphore(%arg12 : memref<!tpu.dma_semaphore, #tpu.memory_space<semaphore_mem>>) src(%dma_wait3A_389 : memref<10240x80xf32, #tpu.memory_space<hbm>>) dst(%arg9 : memref<125x80xf32, #tpu.memory_space<vmem>>)
      %run_scoped3A_390 = arith.constant 14 : i32
      "tpu.region"() ({
        %run_scoped3A_404 = tpu.sem_alloc : memref<!tpu.dma_semaphore, #tpu.memory_space<semaphore_mem>>
        %dma_start3A_405 = arith.constant 0 : i32
        %dma_start3A_406 = tpu.memref_slice %arg8[%run_scoped3A_390, %dma_start3A_405] : memref<16x125xi32, #tpu.memory_space<vmem>> -> memref<1x125xi32, #tpu.memory_space<vmem>>
        %dma_start3A_407 = tpu.memref_squeeze %dma_start3A_406 : memref<1x125xi32, #tpu.memory_space<vmem>> -> memref<125xi32, #tpu.memory_space<vmem>>
        %dma_start3A_408 = arith.constant 0 : i32
        %dma_start3A_409 = arith.constant 0 : i32
        %dma_start3A_410 = tpu.memref_slice %arg6[%dma_start3A_408, %dma_start3A_409] : memref<10240x80xf32, #tpu.memory_space<vmem_shared>> -> memref<10240x80xf32, #tpu.memory_space<vmem_shared>>
        tpu.enqueue_indirect_dma source(%arg9 : memref<125x80xf32, #tpu.memory_space<vmem>>) target(%dma_start3A_410 : memref<10240x80xf32, #tpu.memory_space<vmem_shared>>) offsets(%dma_start3A_407 : memref<125xi32, #tpu.memory_space<vmem>>) semaphore(%run_scoped3A_404 : memref<!tpu.dma_semaphore, #tpu.memory_space<semaphore_mem>>) {add = true}
        %dma_wait3A_411 = arith.constant 0 : i32
        %dma_wait3A_412 = tpu.memref_slice %arg8[%run_scoped3A_390, %dma_wait3A_411] : memref<16x125xi32, #tpu.memory_space<vmem>> -> memref<1x125xi32, #tpu.memory_space<vmem>>
        %dma_wait3A_413 = tpu.memref_squeeze %dma_wait3A_412 : memref<1x125xi32, #tpu.memory_space<vmem>> -> memref<125xi32, #tpu.memory_space<vmem>>
        %dma_wait3A_414 = arith.constant 0 : i32
        %dma_wait3A_415 = arith.constant 0 : i32
        %dma_wait3A_416 = tpu.memref_slice %arg6[%dma_wait3A_414, %dma_wait3A_415] : memref<10240x80xf32, #tpu.memory_space<vmem_shared>> -> memref<10240x80xf32, #tpu.memory_space<vmem_shared>>
        tpu.wait_indirect_dma semaphore(%run_scoped3A_404 : memref<!tpu.dma_semaphore, #tpu.memory_space<semaphore_mem>>) src(%arg9 : memref<125x80xf32, #tpu.memory_space<vmem>>) dst(%dma_wait3A_416 : memref<10240x80xf32, #tpu.memory_space<vmem_shared>>)
        tpu.yield
      }) : () -> ()
      %dma_wait3A_391 = arith.constant 15 : i32
      %dma_wait3A_392 = arith.constant 0 : i32
      %dma_wait3A_393 = tpu.memref_slice %arg7[%dma_wait3A_391, %dma_wait3A_392] : memref<16x125xi32, #tpu.memory_space<vmem>> -> memref<1x125xi32, #tpu.memory_space<vmem>>
      %dma_wait3A_394 = tpu.memref_squeeze %dma_wait3A_393 : memref<1x125xi32, #tpu.memory_space<vmem>> -> memref<125xi32, #tpu.memory_space<vmem>>
      %dma_wait3A_395 = arith.constant 0 : i32
      %dma_wait3A_396 = arith.constant 0 : i32
      %dma_wait3A_397 = tpu.memref_slice %arg4[%arg0, %dma_wait3A_395, %dma_wait3A_396] : memref<2x10240x80xf32, #tpu.memory_space<hbm>> -> memref<1x10240x80xf32, #tpu.memory_space<hbm>>
      %dma_wait3A_398 = tpu.memref_squeeze %dma_wait3A_397 : memref<1x10240x80xf32, #tpu.memory_space<hbm>> -> memref<10240x80xf32, #tpu.memory_space<hbm>>
      %dma_wait3A_399 = arith.constant 0 : i32
      %dma_wait3A_400 = arith.constant 0 : i32
      %dma_wait3A_401 = tpu.memref_slice %dma_wait3A_398[%dma_wait3A_399, %dma_wait3A_400] : memref<10240x80xf32, #tpu.memory_space<hbm>> -> memref<10240x80xf32, #tpu.memory_space<hbm>>
      tpu.wait_indirect_dma semaphore(%arg13 : memref<!tpu.dma_semaphore, #tpu.memory_space<semaphore_mem>>) src(%dma_wait3A_401 : memref<10240x80xf32, #tpu.memory_space<hbm>>) dst(%arg10 : memref<125x80xf32, #tpu.memory_space<vmem>>)
      %run_scoped3A_402 = arith.constant 15 : i32
      "tpu.region"() ({
        %run_scoped3A_404 = tpu.sem_alloc : memref<!tpu.dma_semaphore, #tpu.memory_space<semaphore_mem>>
        %dma_start3A_405 = arith.constant 0 : i32
        %dma_start3A_406 = tpu.memref_slice %arg8[%run_scoped3A_402, %dma_start3A_405] : memref<16x125xi32, #tpu.memory_space<vmem>> -> memref<1x125xi32, #tpu.memory_space<vmem>>
        %dma_start3A_407 = tpu.memref_squeeze %dma_start3A_406 : memref<1x125xi32, #tpu.memory_space<vmem>> -> memref<125xi32, #tpu.memory_space<vmem>>
        %dma_start3A_408 = arith.constant 0 : i32
        %dma_start3A_409 = arith.constant 0 : i32
        %dma_start3A_410 = tpu.memref_slice %arg6[%dma_start3A_408, %dma_start3A_409] : memref<10240x80xf32, #tpu.memory_space<vmem_shared>> -> memref<10240x80xf32, #tpu.memory_space<vmem_shared>>
        tpu.enqueue_indirect_dma source(%arg10 : memref<125x80xf32, #tpu.memory_space<vmem>>) target(%dma_start3A_410 : memref<10240x80xf32, #tpu.memory_space<vmem_shared>>) offsets(%dma_start3A_407 : memref<125xi32, #tpu.memory_space<vmem>>) semaphore(%run_scoped3A_404 : memref<!tpu.dma_semaphore, #tpu.memory_space<semaphore_mem>>) {add = true}
        %dma_wait3A_411 = arith.constant 0 : i32
        %dma_wait3A_412 = tpu.memref_slice %arg8[%run_scoped3A_402, %dma_wait3A_411] : memref<16x125xi32, #tpu.memory_space<vmem>> -> memref<1x125xi32, #tpu.memory_space<vmem>>
        %dma_wait3A_413 = tpu.memref_squeeze %dma_wait3A_412 : memref<1x125xi32, #tpu.memory_space<vmem>> -> memref<125xi32, #tpu.memory_space<vmem>>
        %dma_wait3A_414 = arith.constant 0 : i32
        %dma_wait3A_415 = arith.constant 0 : i32
        %dma_wait3A_416 = tpu.memref_slice %arg6[%dma_wait3A_414, %dma_wait3A_415] : memref<10240x80xf32, #tpu.memory_space<vmem_shared>> -> memref<10240x80xf32, #tpu.memory_space<vmem_shared>>
        tpu.wait_indirect_dma semaphore(%run_scoped3A_404 : memref<!tpu.dma_semaphore, #tpu.memory_space<semaphore_mem>>) src(%arg10 : memref<125x80xf32, #tpu.memory_space<vmem>>) dst(%dma_wait3A_416 : memref<10240x80xf32, #tpu.memory_space<vmem_shared>>)
        tpu.yield
      }) : () -> ()
      %scan3A_403 = arith.constant 0 : i32
      scf.yield %scan3A_403 : i32
    }
    %scan3A_20 = arith.constant 10 : i32
    %barrier3A_21 = arith.constant 0 : index
    tpu.barrier barrier_id(%barrier3A_21)
    %mul3A_22 = arith.constant 640 : i32
    %mul3A_23 = arith.muli %arg1, %mul3A_22 : i32
    %scan3A_24 = arith.constant 0 : i32
    %scan3A_25 = arith.constant 0 : i32
    %scan3A_26 = arith.constant 20 : i32
    %scan3A_27 = arith.addi %scan3A_25, %scan3A_26 : i32
    %scan3A_28 = arith.constant 1 : i32
    %scan3A_29 = scf.for %scan3A_31 = %scan3A_25 to %scan3A_27 step %scan3A_28 iter_args(%scan3A_32 = %scan3A_24) -> (i32)  : i32 {
      %mul3A_33 = arith.constant 32 : i32
      %mul3A_34 = arith.muli %scan3A_31, %mul3A_33 : i32
      %add3A = arith.addi %mul3A_23, %mul3A_34 : i32
      "tpu.region"() ({
        %run_scoped3A = tpu.sem_alloc : memref<!tpu.dma_semaphore, #tpu.memory_space<semaphore_mem>>
        %dma_start3A = arith.constant 0 : i32
        %dma_start3A_39 = tpu.memref_slice %arg6[%add3A, %dma_start3A] : memref<10240x80xf32, #tpu.memory_space<vmem_shared>> -> memref<32x80xf32, #tpu.memory_space<vmem_shared>>
        %dma_start3A_40 = arith.constant 0 : i32
        %dma_start3A_41 = tpu.memref_slice %arg6[%add3A, %dma_start3A_40] : memref<10240x80xf32, #tpu.memory_space<vmem_shared>> -> memref<32x80xf32, #tpu.memory_space<vmem_shared>>
        tpu.enqueue_dma source(%dma_start3A_41 : memref<32x80xf32, #tpu.memory_space<vmem_shared>>) target(%arg11 : memref<32x80xf32, #tpu.memory_space<vmem>>) target_semaphore(%run_scoped3A : memref<!tpu.dma_semaphore, #tpu.memory_space<semaphore_mem>>)
        %dma_wait3A = arith.constant 0 : i32
        %dma_wait3A_42 = tpu.memref_slice %arg6[%add3A, %dma_wait3A] : memref<10240x80xf32, #tpu.memory_space<vmem_shared>> -> memref<32x80xf32, #tpu.memory_space<vmem_shared>>
        %dma_wait3A_43 = arith.constant 0 : i32
        %dma_wait3A_44 = tpu.memref_slice %arg6[%add3A, %dma_wait3A_43] : memref<10240x80xf32, #tpu.memory_space<vmem_shared>> -> memref<32x80xf32, #tpu.memory_space<vmem_shared>>
        tpu.wait_dma2 semaphore(%run_scoped3A : memref<!tpu.dma_semaphore, #tpu.memory_space<semaphore_mem>>) src(%dma_wait3A_44 : memref<32x80xf32, #tpu.memory_space<vmem_shared>>) dst(%arg11 : memref<32x80xf32, #tpu.memory_space<vmem>>)
        tpu.yield
      }) : () -> ()
      %mul3A_35 = arith.constant 32 : i32
      %mul3A_36 = arith.muli %scan3A_31, %mul3A_35 : i32
      %add3A_37 = arith.addi %mul3A_23, %mul3A_36 : i32
      "tpu.region"() ({
        %run_scoped3A = tpu.sem_alloc : memref<!tpu.dma_semaphore, #tpu.memory_space<semaphore_mem>>
        %dma_start3A = arith.constant 0 : i32
        %dma_start3A_39 = tpu.memref_slice %arg5[%arg0, %add3A_37, %dma_start3A] : memref<2x10240x80xf32, #tpu.memory_space<hbm>> -> memref<1x32x80xf32, #tpu.memory_space<hbm>>
        %dma_start3A_40 = tpu.memref_squeeze %dma_start3A_39 : memref<1x32x80xf32, #tpu.memory_space<hbm>> -> memref<32x80xf32, #tpu.memory_space<hbm>>
        %dma_start3A_41 = arith.constant 0 : i32
        %dma_start3A_42 = tpu.memref_slice %arg5[%arg0, %add3A_37, %dma_start3A_41] : memref<2x10240x80xf32, #tpu.memory_space<hbm>> -> memref<1x32x80xf32, #tpu.memory_space<hbm>>
        %dma_start3A_43 = tpu.memref_squeeze %dma_start3A_42 : memref<1x32x80xf32, #tpu.memory_space<hbm>> -> memref<32x80xf32, #tpu.memory_space<hbm>>
        tpu.enqueue_dma source(%arg11 : memref<32x80xf32, #tpu.memory_space<vmem>>) target(%dma_start3A_43 : memref<32x80xf32, #tpu.memory_space<hbm>>) target_semaphore(%run_scoped3A : memref<!tpu.dma_semaphore, #tpu.memory_space<semaphore_mem>>)
        %dma_wait3A = arith.constant 0 : i32
        %dma_wait3A_44 = tpu.memref_slice %arg5[%arg0, %add3A_37, %dma_wait3A] : memref<2x10240x80xf32, #tpu.memory_space<hbm>> -> memref<1x32x80xf32, #tpu.memory_space<hbm>>
        %dma_wait3A_45 = tpu.memref_squeeze %dma_wait3A_44 : memref<1x32x80xf32, #tpu.memory_space<hbm>> -> memref<32x80xf32, #tpu.memory_space<hbm>>
        %dma_wait3A_46 = arith.constant 0 : i32
        %dma_wait3A_47 = tpu.memref_slice %arg5[%arg0, %add3A_37, %dma_wait3A_46] : memref<2x10240x80xf32, #tpu.memory_space<hbm>> -> memref<1x32x80xf32, #tpu.memory_space<hbm>>
        %dma_wait3A_48 = tpu.memref_squeeze %dma_wait3A_47 : memref<1x32x80xf32, #tpu.memory_space<hbm>> -> memref<32x80xf32, #tpu.memory_space<hbm>>
        tpu.wait_dma2 semaphore(%run_scoped3A : memref<!tpu.dma_semaphore, #tpu.memory_space<semaphore_mem>>) src(%arg11 : memref<32x80xf32, #tpu.memory_space<vmem>>) dst(%dma_wait3A_48 : memref<32x80xf32, #tpu.memory_space<hbm>>)
        tpu.yield
      }) : () -> ()
      %scan3A_38 = arith.constant 0 : i32
      scf.yield %scan3A_38 : i32
    }
    %scan3A_30 = arith.constant 20 : i32
    return
  }
}

module attributes {stable_mosaic.version = 14 : i64} {
  func.func @_enc_body(%arg0: i32, %arg1: memref<1024x128xf32, #tpu.memory_space<vmem>>, %arg2: memref<1024x1xf32, #tpu.memory_space<vmem>>, %arg3: memref<1024x1xf32, #tpu.memory_space<vmem>>, %arg4: memref<1024x128xf32, #tpu.memory_space<vmem>>, %arg5: memref<1024x1xf32, #tpu.memory_space<vmem>>) attributes {dimension_semantics = [#tpu.dimension_semantics<arbitrary>], iteration_bounds = array<i64: 10>, scalar_prefetch = 0 : i64, scratch_operands = 0 : i64, tpu.core_type = #tpu.core_type<tc>, window_params = [{transform_indices = @transform_0, window_bounds = array<i64: 1024, 128>}, {transform_indices = @transform_1, window_bounds = array<i64: 1024, 1>}, {transform_indices = @transform_2, window_bounds = array<i64: 1024, 1>}, {transform_indices = @transform_3, window_bounds = array<i64: 1024, 128>}, {transform_indices = @transform_4, window_bounds = array<i64: 1024, 1>}]} {
    %get3A = arith.constant 0 : index
    %get3A_0 = arith.constant 0 : index
    %get3A_1 = vector.load %arg2[%get3A, %get3A_0] : memref<1024x1xf32, #tpu.memory_space<vmem>>, vector<1024x1xf32>
    %get3A_2 = arith.constant 0 : index
    %get3A_3 = arith.constant 0 : index
    %get3A_4 = vector.load %arg3[%get3A_2, %get3A_3] : memref<1024x1xf32, #tpu.memory_space<vmem>>, vector<1024x1xf32>
    %add3A = arith.addf %get3A_1, %get3A_4 : vector<1024x1xf32>
    %add3A_5 = arith.constant 1.000000e+00 : f32
    %add3A_6 = vector.broadcast %add3A_5 : f32 to vector<1024x1xf32>
    %add3A_7 = arith.addf %add3A, %add3A_6 : vector<1024x1xf32>
    %max3A = arith.constant 1.000000e+00 : f32
    %max3A_8 = vector.broadcast %max3A : f32 to vector<1024x1xf32>
    %max3A_9 = arith.maximumf %add3A_7, %max3A_8 : vector<1024x1xf32>
    %rsqrt3A = math.rsqrt %max3A_9 : vector<1024x1xf32>
    %get3A_10 = arith.constant 0 : index
    %get3A_11 = arith.constant 0 : index
    %get3A_12 = vector.load %arg1[%get3A_10, %get3A_11] : memref<1024x128xf32, #tpu.memory_space<vmem>>, vector<1024x128xf32>
    %log1p3A = math.log1p %get3A_12 : vector<1024x128xf32>
    %mul3A = vector.broadcast %rsqrt3A : vector<1024x1xf32> to vector<1024x128xf32>
    %mul3A_13 = arith.mulf %mul3A, %log1p3A : vector<1024x128xf32>
    %swap3A = arith.constant 0 : index
    %swap3A_14 = arith.constant 0 : index
    %swap3A_15 = vector.load %arg4[%swap3A, %swap3A_14] : memref<1024x128xf32, #tpu.memory_space<vmem>>, vector<1024x128xf32>
    tpu.vector_store %arg4[%swap3A, %swap3A_14], %mul3A_13 {strides = array<i32>} : memref<1024x128xf32, #tpu.memory_space<vmem>>, vector<1024x128xf32>,
    %swap3A_16 = arith.constant 0 : index
    %swap3A_17 = arith.constant 0 : index
    %swap3A_18 = vector.load %arg5[%swap3A_16, %swap3A_17] : memref<1024x1xf32, #tpu.memory_space<vmem>>, vector<1024x1xf32>
    tpu.vector_store %arg5[%swap3A_16, %swap3A_17], %rsqrt3A {strides = array<i32>} : memref<1024x1xf32, #tpu.memory_space<vmem>>, vector<1024x1xf32>,
    return
  }
  func.func @transform_0(%arg0: i32) -> (i32, i32) {
    %c0_i32 = arith.constant 0 : i32
    %c0_i32_0 = arith.constant 0 : i32
    return %arg0, %c0_i32 : i32, i32
  }
  func.func @transform_1(%arg0: i32) -> (i32, i32) {
    %c0_i32 = arith.constant 0 : i32
    %c0_i32_0 = arith.constant 0 : i32
    return %arg0, %c0_i32 : i32, i32
  }
  func.func @transform_2(%arg0: i32) -> (i32, i32) {
    %c0_i32 = arith.constant 0 : i32
    %c0_i32_0 = arith.constant 0 : i32
    return %arg0, %c0_i32 : i32, i32
  }
  func.func @transform_3(%arg0: i32) -> (i32, i32) {
    %c0_i32 = arith.constant 0 : i32
    %c0_i32_0 = arith.constant 0 : i32
    return %arg0, %c0_i32 : i32, i32
  }
  func.func @transform_4(%arg0: i32) -> (i32, i32) {
    %c0_i32 = arith.constant 0 : i32
    %c0_i32_0 = arith.constant 0 : i32
    return %arg0, %c0_i32 : i32, i32
  }
}

module attributes {stable_mosaic.version = 14 : i64} {
  func.func @_mid_body(%arg0: i32, %arg1: memref<2x1024x128xf32, #tpu.memory_space<vmem>>, %arg2: memref<1024x128xf32, #tpu.memory_space<vmem>>, %arg3: memref<1024x1xf32, #tpu.memory_space<vmem>>, %arg4: memref<1x256xf32, #tpu.memory_space<vmem>>, %arg5: memref<128x256xf32, #tpu.memory_space<vmem>>, %arg6: memref<256x160xf32, #tpu.memory_space<vmem>>, %arg7: memref<2x1024x80xf32, #tpu.memory_space<vmem>>) attributes {dimension_semantics = [#tpu.dimension_semantics<arbitrary>], iteration_bounds = array<i64: 10>, scalar_prefetch = 0 : i64, scratch_operands = 0 : i64, tpu.core_type = #tpu.core_type<tc>, window_params = [{transform_indices = @transform_0, window_bounds = array<i64: 2, 1024, 128>}, {transform_indices = @transform_1, window_bounds = array<i64: 1024, 128>}, {transform_indices = @transform_2, window_bounds = array<i64: 1024, 1>}, {pipeline_mode = #tpu.pipeline_mode<synchronous>, transform_indices = @transform_3, window_bounds = array<i64: 1, 256>}, {pipeline_mode = #tpu.pipeline_mode<synchronous>, transform_indices = @transform_4, window_bounds = array<i64: 128, 256>}, {pipeline_mode = #tpu.pipeline_mode<synchronous>, transform_indices = @transform_5, window_bounds = array<i64: 256, 160>}, {transform_indices = @transform_6, window_bounds = array<i64: 2, 1024, 80>}]} {
    %get3A = arith.constant 0 : index
    %get3A_0 = arith.constant 0 : index
    %get3A_1 = arith.constant 0 : index
    %get3A_2 = vector.load %arg1[%get3A, %get3A_0, %get3A_1] : memref<2x1024x128xf32, #tpu.memory_space<vmem>>, vector<1x1024x128xf32>
    %get3A_3 = vector.shape_cast %get3A_2 : vector<1x1024x128xf32> to vector<1024x128xf32>
    %get3A_4 = arith.constant 1 : index
    %get3A_5 = arith.constant 0 : index
    %get3A_6 = arith.constant 0 : index
    %get3A_7 = vector.load %arg1[%get3A_4, %get3A_5, %get3A_6] : memref<2x1024x128xf32, #tpu.memory_space<vmem>>, vector<1x1024x128xf32>
    %get3A_8 = vector.shape_cast %get3A_7 : vector<1x1024x128xf32> to vector<1024x128xf32>
    %add3A = arith.addf %get3A_3, %get3A_8 : vector<1024x128xf32>
    %get3A_9 = arith.constant 0 : index
    %get3A_10 = arith.constant 0 : index
    %get3A_11 = vector.load %arg2[%get3A_9, %get3A_10] : memref<1024x128xf32, #tpu.memory_space<vmem>>, vector<1024x128xf32>
    %add3A_12 = arith.addf %add3A, %get3A_11 : vector<1024x128xf32>
    %get3A_13 = arith.constant 0 : index
    %get3A_14 = arith.constant 0 : index
    %get3A_15 = vector.load %arg5[%get3A_13, %get3A_14] : memref<128x256xf32, #tpu.memory_space<vmem>>, vector<128x256xf32>
    %dot_general3A = arith.constant dense<0.000000e+00> : vector<1024x256xf32>
    %dot_general3A_16 = tpu.matmul %add3A_12, %get3A_15, %dot_general3A {dimension_numbers = #tpu.dot_dimension_numbers<[1], [0], [0], [1], [0, 0, 1, 1], [], []>, transpose_lhs_hint = false} : vector<1024x128xf32>, vector<128x256xf32>, vector<1024x256xf32> -> vector<1024x256xf32>
    %get3A_17 = arith.constant 0 : index
    %get3A_18 = arith.constant 0 : index
    %get3A_19 = vector.load %arg3[%get3A_17, %get3A_18] : memref<1024x1xf32, #tpu.memory_space<vmem>>, vector<1024x1xf32>
    %mul3A = vector.broadcast %get3A_19 : vector<1024x1xf32> to vector<1024x256xf32>
    %mul3A_20 = arith.mulf %mul3A, %dot_general3A_16 : vector<1024x256xf32>
    %get3A_21 = arith.constant 0 : index
    %get3A_22 = arith.constant 0 : index
    %get3A_23 = vector.load %arg4[%get3A_21, %get3A_22] : memref<1x256xf32, #tpu.memory_space<vmem>>, vector<1x256xf32>
    %add3A_24 = vector.broadcast %get3A_23 : vector<1x256xf32> to vector<1024x256xf32>
    %add3A_25 = arith.addf %mul3A_20, %add3A_24 : vector<1024x256xf32>
    %max3A = arith.constant 0.000000e+00 : f32
    %max3A_26 = vector.broadcast %max3A : f32 to vector<1024x256xf32>
    %max3A_27 = arith.maximumf %add3A_25, %max3A_26 : vector<1024x256xf32>
    %get3A_28 = arith.constant 0 : index
    %get3A_29 = arith.constant 0 : index
    %get3A_30 = vector.load %arg3[%get3A_28, %get3A_29] : memref<1024x1xf32, #tpu.memory_space<vmem>>, vector<1024x1xf32>
    %get3A_31 = arith.constant 0 : index
    %get3A_32 = arith.constant 0 : index
    %get3A_33 = vector.load %arg6[%get3A_31, %get3A_32] : memref<256x160xf32, #tpu.memory_space<vmem>>, vector<256x160xf32>
    %dot_general3A_34 = arith.constant dense<0.000000e+00> : vector<1024x160xf32>
    %dot_general3A_35 = tpu.matmul %max3A_27, %get3A_33, %dot_general3A_34 {dimension_numbers = #tpu.dot_dimension_numbers<[1], [0], [0], [1], [0, 0, 1, 1], [], []>, transpose_lhs_hint = false} : vector<1024x256xf32>, vector<256x160xf32>, vector<1024x160xf32> -> vector<1024x160xf32>
    %mul3A_36 = vector.broadcast %get3A_30 : vector<1024x1xf32> to vector<1024x160xf32>
    %mul3A_37 = arith.mulf %mul3A_36, %dot_general3A_35 : vector<1024x160xf32>
    %slice3A = vector.extract_strided_slice %mul3A_37 {offsets = [0, 0], sizes = [1024, 80], strides = [1, 1]} : vector<1024x160xf32> to vector<1024x80xf32>
    %swap3A = arith.constant 0 : index
    %swap3A_38 = arith.constant 0 : index
    %swap3A_39 = arith.constant 0 : index
    %swap3A_40 = vector.load %arg7[%swap3A, %swap3A_38, %swap3A_39] : memref<2x1024x80xf32, #tpu.memory_space<vmem>>, vector<1x1024x80xf32>
    %swap3A_41 = vector.shape_cast %swap3A_40 : vector<1x1024x80xf32> to vector<1024x80xf32>
    %swap3A_42 = vector.shape_cast %slice3A : vector<1024x80xf32> to vector<1x1024x80xf32>
    tpu.vector_store %arg7[%swap3A, %swap3A_38, %swap3A_39], %swap3A_42 {strides = array<i32>} : memref<2x1024x80xf32, #tpu.memory_space<vmem>>, vector<1x1024x80xf32>,
    %slice3A_43 = vector.extract_strided_slice %mul3A_37 {offsets = [0, 80], sizes = [1024, 80], strides = [1, 1]} : vector<1024x160xf32> to vector<1024x80xf32>
    %swap3A_44 = arith.constant 1 : index
    %swap3A_45 = arith.constant 0 : index
    %swap3A_46 = arith.constant 0 : index
    %swap3A_47 = vector.load %arg7[%swap3A_44, %swap3A_45, %swap3A_46] : memref<2x1024x80xf32, #tpu.memory_space<vmem>>, vector<1x1024x80xf32>
    %swap3A_48 = vector.shape_cast %swap3A_47 : vector<1x1024x80xf32> to vector<1024x80xf32>
    %swap3A_49 = vector.shape_cast %slice3A_43 : vector<1024x80xf32> to vector<1x1024x80xf32>
    tpu.vector_store %arg7[%swap3A_44, %swap3A_45, %swap3A_46], %swap3A_49 {strides = array<i32>} : memref<2x1024x80xf32, #tpu.memory_space<vmem>>, vector<1x1024x80xf32>,
    return
  }
  func.func @transform_0(%arg0: i32) -> (i32, i32, i32) {
    %c0_i32 = arith.constant 0 : i32
    %c0_i32_0 = arith.constant 0 : i32
    %c0_i32_1 = arith.constant 0 : i32
    return %c0_i32, %arg0, %c0_i32_0 : i32, i32, i32
  }
  func.func @transform_1(%arg0: i32) -> (i32, i32) {
    %c0_i32 = arith.constant 0 : i32
    %c0_i32_0 = arith.constant 0 : i32
    return %arg0, %c0_i32 : i32, i32
  }
  func.func @transform_2(%arg0: i32) -> (i32, i32) {
    %c0_i32 = arith.constant 0 : i32
    %c0_i32_0 = arith.constant 0 : i32
    return %arg0, %c0_i32 : i32, i32
  }
  func.func @transform_3(%arg0: i32) -> (i32, i32) {
    %c0_i32 = arith.constant 0 : i32
    %c0_i32_0 = arith.constant 0 : i32
    %c0_i32_1 = arith.constant 0 : i32
    return %c0_i32, %c0_i32_0 : i32, i32
  }
  func.func @transform_4(%arg0: i32) -> (i32, i32) {
    %c0_i32 = arith.constant 0 : i32
    %c0_i32_0 = arith.constant 0 : i32
    %c0_i32_1 = arith.constant 0 : i32
    return %c0_i32, %c0_i32_0 : i32, i32
  }
  func.func @transform_5(%arg0: i32) -> (i32, i32) {
    %c0_i32 = arith.constant 0 : i32
    %c0_i32_0 = arith.constant 0 : i32
    %c0_i32_1 = arith.constant 0 : i32
    return %c0_i32, %c0_i32_0 : i32, i32
  }
  func.func @transform_6(%arg0: i32) -> (i32, i32, i32) {
    %c0_i32 = arith.constant 0 : i32
    %c0_i32_0 = arith.constant 0 : i32
    %c0_i32_1 = arith.constant 0 : i32
    return %c0_i32, %arg0, %c0_i32_0 : i32, i32, i32
  }
}

module attributes {stable_mosaic.version = 14 : i64} {
  func.func @_fin_body(%arg0: i32, %arg1: memref<2x1024x80xf32, #tpu.memory_space<vmem>>, %arg2: memref<2x1024x80xf32, #tpu.memory_space<vmem>>, %arg3: memref<1024x1xf32, #tpu.memory_space<vmem>>, %arg4: memref<1x80xf32, #tpu.memory_space<vmem>>, %arg5: memref<1x80xf32, #tpu.memory_space<vmem>>, %arg6: memref<1024x80xf32, #tpu.memory_space<vmem>>, %arg7: memref<1024x80xf32, #tpu.memory_space<vmem>>, %arg8: memref<1024x80xf32, #tpu.memory_space<vmem>>, %arg9: memref<1024x128xf32, #tpu.memory_space<vmem>>) attributes {dimension_semantics = [#tpu.dimension_semantics<arbitrary>], iteration_bounds = array<i64: 10>, scalar_prefetch = 0 : i64, scratch_operands = 0 : i64, tpu.core_type = #tpu.core_type<tc>, window_params = [{transform_indices = @transform_0, window_bounds = array<i64: 2, 1024, 80>}, {transform_indices = @transform_1, window_bounds = array<i64: 2, 1024, 80>}, {transform_indices = @transform_2, window_bounds = array<i64: 1024, 1>}, {pipeline_mode = #tpu.pipeline_mode<synchronous>, transform_indices = @transform_3, window_bounds = array<i64: 1, 80>}, {pipeline_mode = #tpu.pipeline_mode<synchronous>, transform_indices = @transform_4, window_bounds = array<i64: 1, 80>}, {transform_indices = @transform_5, window_bounds = array<i64: 1024, 80>}, {transform_indices = @transform_6, window_bounds = array<i64: 1024, 80>}, {transform_indices = @transform_7, window_bounds = array<i64: 1024, 80>}, {transform_indices = @transform_8, window_bounds = array<i64: 1024, 128>}]} {
    %get3A = arith.constant 0 : index
    %get3A_0 = arith.constant 0 : index
    %get3A_1 = vector.load %arg3[%get3A, %get3A_0] : memref<1024x1xf32, #tpu.memory_space<vmem>>, vector<1024x1xf32>
    %get3A_2 = arith.constant 0 : index
    %get3A_3 = arith.constant 0 : index
    %get3A_4 = arith.constant 0 : index
    %get3A_5 = vector.load %arg1[%get3A_2, %get3A_3, %get3A_4] : memref<2x1024x80xf32, #tpu.memory_space<vmem>>, vector<1x1024x80xf32>
    %get3A_6 = vector.shape_cast %get3A_5 : vector<1x1024x80xf32> to vector<1024x80xf32>
    %get3A_7 = arith.constant 0 : index
    %get3A_8 = arith.constant 0 : index
    %get3A_9 = arith.constant 0 : index
    %get3A_10 = vector.load %arg2[%get3A_7, %get3A_8, %get3A_9] : memref<2x1024x80xf32, #tpu.memory_space<vmem>>, vector<1x1024x80xf32>
    %get3A_11 = vector.shape_cast %get3A_10 : vector<1x1024x80xf32> to vector<1024x80xf32>
    %add3A = arith.addf %get3A_6, %get3A_11 : vector<1024x80xf32>
    %mul3A = vector.broadcast %get3A_1 : vector<1024x1xf32> to vector<1024x80xf32>
    %mul3A_12 = arith.mulf %mul3A, %add3A : vector<1024x80xf32>
    %get3A_13 = arith.constant 0 : index
    %get3A_14 = arith.constant 0 : index
    %get3A_15 = vector.load %arg4[%get3A_13, %get3A_14] : memref<1x80xf32, #tpu.memory_space<vmem>>, vector<1x80xf32>
    %add3A_16 = vector.broadcast %get3A_15 : vector<1x80xf32> to vector<1024x80xf32>
    %add3A_17 = arith.addf %mul3A_12, %add3A_16 : vector<1024x80xf32>
    %get3A_18 = arith.constant 1 : index
    %get3A_19 = arith.constant 0 : index
    %get3A_20 = arith.constant 0 : index
    %get3A_21 = vector.load %arg1[%get3A_18, %get3A_19, %get3A_20] : memref<2x1024x80xf32, #tpu.memory_space<vmem>>, vector<1x1024x80xf32>
    %get3A_22 = vector.shape_cast %get3A_21 : vector<1x1024x80xf32> to vector<1024x80xf32>
    %get3A_23 = arith.constant 1 : index
    %get3A_24 = arith.constant 0 : index
    %get3A_25 = arith.constant 0 : index
    %get3A_26 = vector.load %arg2[%get3A_23, %get3A_24, %get3A_25] : memref<2x1024x80xf32, #tpu.memory_space<vmem>>, vector<1x1024x80xf32>
    %get3A_27 = vector.shape_cast %get3A_26 : vector<1x1024x80xf32> to vector<1024x80xf32>
    %add3A_28 = arith.addf %get3A_22, %get3A_27 : vector<1024x80xf32>
    %mul3A_29 = vector.broadcast %get3A_1 : vector<1024x1xf32> to vector<1024x80xf32>
    %mul3A_30 = arith.mulf %mul3A_29, %add3A_28 : vector<1024x80xf32>
    %get3A_31 = arith.constant 0 : index
    %get3A_32 = arith.constant 0 : index
    %get3A_33 = vector.load %arg5[%get3A_31, %get3A_32] : memref<1x80xf32, #tpu.memory_space<vmem>>, vector<1x80xf32>
    %add3A_34 = vector.broadcast %get3A_33 : vector<1x80xf32> to vector<1024x80xf32>
    %add3A_35 = arith.addf %mul3A_30, %add3A_34 : vector<1024x80xf32>
    %get3A_36 = arith.constant 0 : index
    %get3A_37 = arith.constant 0 : index
    %get3A_38 = vector.load %arg6[%get3A_36, %get3A_37] : memref<1024x80xf32, #tpu.memory_space<vmem>>, vector<1024x80xf32>
    %exp3A = math.exp %add3A_35 : vector<1024x80xf32>
    %mul3A_39 = arith.mulf %get3A_38, %exp3A : vector<1024x80xf32>
    %add3A_40 = arith.addf %add3A_17, %mul3A_39 : vector<1024x80xf32>
    %swap3A = arith.constant 0 : index
    %swap3A_41 = arith.constant 0 : index
    %swap3A_42 = vector.load %arg7[%swap3A, %swap3A_41] : memref<1024x80xf32, #tpu.memory_space<vmem>>, vector<1024x80xf32>
    tpu.vector_store %arg7[%swap3A, %swap3A_41], %add3A_17 {strides = array<i32>} : memref<1024x80xf32, #tpu.memory_space<vmem>>, vector<1024x80xf32>,
    %swap3A_43 = arith.constant 0 : index
    %swap3A_44 = arith.constant 0 : index
    %swap3A_45 = vector.load %arg8[%swap3A_43, %swap3A_44] : memref<1024x80xf32, #tpu.memory_space<vmem>>, vector<1024x80xf32>
    tpu.vector_store %arg8[%swap3A_43, %swap3A_44], %add3A_35 {strides = array<i32>} : memref<1024x80xf32, #tpu.memory_space<vmem>>, vector<1024x80xf32>,
    %broadcast_in_dim3A = arith.constant 0.000000e+00 : f32
    %broadcast_in_dim3A_46 = vector.broadcast %broadcast_in_dim3A : f32 to vector<1024x48xf32>
    %concatenate3A = tpu.concatenate %add3A_40, %broadcast_in_dim3A_46 in 1 : vector<1024x80xf32>, vector<1024x48xf32> -> vector<1024x128xf32>
    %swap3A_47 = arith.constant 0 : index
    %swap3A_48 = arith.constant 0 : index
    %swap3A_49 = vector.load %arg9[%swap3A_47, %swap3A_48] : memref<1024x128xf32, #tpu.memory_space<vmem>>, vector<1024x128xf32>
    tpu.vector_store %arg9[%swap3A_47, %swap3A_48], %concatenate3A {strides = array<i32>} : memref<1024x128xf32, #tpu.memory_space<vmem>>, vector<1024x128xf32>,
    return
  }
  func.func @transform_0(%arg0: i32) -> (i32, i32, i32) {
    %c0_i32 = arith.constant 0 : i32
    %c0_i32_0 = arith.constant 0 : i32
    %c0_i32_1 = arith.constant 0 : i32
    return %c0_i32, %arg0, %c0_i32_0 : i32, i32, i32
  }
  func.func @transform_1(%arg0: i32) -> (i32, i32, i32) {
    %c0_i32 = arith.constant 0 : i32
    %c0_i32_0 = arith.constant 0 : i32
    %c0_i32_1 = arith.constant 0 : i32
    return %c0_i32, %arg0, %c0_i32_0 : i32, i32, i32
  }
  func.func @transform_2(%arg0: i32) -> (i32, i32) {
    %c0_i32 = arith.constant 0 : i32
    %c0_i32_0 = arith.constant 0 : i32
    return %arg0, %c0_i32 : i32, i32
  }
  func.func @transform_3(%arg0: i32) -> (i32, i32) {
    %c0_i32 = arith.constant 0 : i32
    %c0_i32_0 = arith.constant 0 : i32
    %c0_i32_1 = arith.constant 0 : i32
    return %c0_i32, %c0_i32_0 : i32, i32
  }
  func.func @transform_4(%arg0: i32) -> (i32, i32) {
    %c0_i32 = arith.constant 0 : i32
    %c0_i32_0 = arith.constant 0 : i32
    %c0_i32_1 = arith.constant 0 : i32
    return %c0_i32, %c0_i32_0 : i32, i32
  }
  func.func @transform_5(%arg0: i32) -> (i32, i32) {
    %c0_i32 = arith.constant 0 : i32
    %c0_i32_0 = arith.constant 0 : i32
    return %arg0, %c0_i32 : i32, i32
  }
  func.func @transform_6(%arg0: i32) -> (i32, i32) {
    %c0_i32 = arith.constant 0 : i32
    %c0_i32_0 = arith.constant 0 : i32
    return %arg0, %c0_i32 : i32, i32
  }
  func.func @transform_7(%arg0: i32) -> (i32, i32) {
    %c0_i32 = arith.constant 0 : i32
    %c0_i32_0 = arith.constant 0 : i32
    return %arg0, %c0_i32 : i32, i32
  }
  func.func @transform_8(%arg0: i32) -> (i32, i32) {
    %c0_i32 = arith.constant 0 : i32
    %c0_i32_0 = arith.constant 0 : i32
    return %arg0, %c0_i32 : i32, i32
  }
}

module attributes {stable_mosaic.version = 14 : i64} {
  func.func @_adj_body(%arg0: i32, %arg1: memref<400x128xf32, #tpu.memory_space<vmem>>, %arg2: memref<10000x128xf32, #tpu.memory_space<vmem>>, %arg3: memref<400x10000xf32, #tpu.memory_space<vmem>>) attributes {dimension_semantics = [#tpu.dimension_semantics<arbitrary>], iteration_bounds = array<i64: 25>, scalar_prefetch = 0 : i64, scratch_operands = 0 : i64, tpu.core_type = #tpu.core_type<tc>, window_params = [{transform_indices = @transform_0, window_bounds = array<i64: 400, 128>}, {pipeline_mode = #tpu.pipeline_mode<synchronous>, transform_indices = @transform_1, window_bounds = array<i64: 10000, 128>}, {transform_indices = @transform_2, window_bounds = array<i64: 400, 10000>}]} {
    %get3A = arith.constant 0 : index
    %get3A_0 = arith.constant 0 : index
    %get3A_1 = vector.load %arg1[%get3A, %get3A_0] : memref<400x128xf32, #tpu.memory_space<vmem>>, vector<400x128xf32>
    %get3A_2 = arith.constant 0 : index
    %get3A_3 = arith.constant 0 : index
    %get3A_4 = vector.load %arg2[%get3A_2, %get3A_3] : memref<10000x128xf32, #tpu.memory_space<vmem>>, vector<10000x128xf32>
    %dot_general3A = arith.constant dense<0.000000e+00> : vector<400x10000xf32>
    %dot_general3A_5 = tpu.matmul %get3A_1, %get3A_4, %dot_general3A {dimension_numbers = #tpu.dot_dimension_numbers<[1], [1], [0], [0], [0, 0, 1, 0], [], []>, transpose_lhs_hint = false} : vector<400x128xf32>, vector<10000x128xf32>, vector<400x10000xf32> -> vector<400x10000xf32>
    %swap3A = arith.constant 0 : index
    %swap3A_6 = arith.constant 0 : index
    %swap3A_7 = vector.load %arg3[%swap3A, %swap3A_6] : memref<400x10000xf32, #tpu.memory_space<vmem>>, vector<400x10000xf32>
    tpu.vector_store %arg3[%swap3A, %swap3A_6], %dot_general3A_5 {strides = array<i32>} : memref<400x10000xf32, #tpu.memory_space<vmem>>, vector<400x10000xf32>,
    return
  }
  func.func @transform_0(%arg0: i32) -> (i32, i32) {
    %c0_i32 = arith.constant 0 : i32
    %c0_i32_0 = arith.constant 0 : i32
    return %arg0, %c0_i32 : i32, i32
  }
  func.func @transform_1(%arg0: i32) -> (i32, i32) {
    %c0_i32 = arith.constant 0 : i32
    %c0_i32_0 = arith.constant 0 : i32
    %c0_i32_1 = arith.constant 0 : i32
    return %c0_i32, %c0_i32_0 : i32, i32
  }
  func.func @transform_2(%arg0: i32) -> (i32, i32) {
    %c0_i32 = arith.constant 0 : i32
    %c0_i32_0 = arith.constant 0 : i32
    return %arg0, %c0_i32 : i32, i32
  }
}

</mosaic_0001>

<sc_bundles>
// kernel: kernel.12.cloned.1.call-start
scs
__scs_entry_jumppad:
0x0: {  	(pc) =	sbr.rel $0x88, $3  }
0x1: {  	(tag) =	ssettag $0x0;
	lr =	simm.s32 $0x1  }
0x2: {  	[smem:$0x3F94] =	sst lr;
	_ =	strace $0xD0000000  }
0x3: {  	_ = 	snop  }
0x4: {  	_ = 	snop  }
0x5: {  	_ = 	snop  }
0x6: {  	_ = 	snop  }
0x7: {  	_ = 	snop  }
__scs_overlays_trampoline_lowered:
0x8: {  	[smem:$0x3FA3] =	sst s0  }
0x9: {  	[smem:$0x3FA4] =	sst s1  }
0xa: {  	[smem:$0x3FA5] =	sst s2  }
0xb: {  	[smem:$0x3FA6] =	sst s3  }
0xc: {  	[smem:$0x3FA7] =	sst s4  }
0xd: {  	[smem:$0x3FA8] =	sst s5  }
0xe: {  	[smem:$0x3FA9] =	sst s6  }
0xf: {  	[smem:$0x3FAA] =	sst s7  }
0x10: {  	[smem:$0x3FAB] =	sst s8  }
0x11: {  	[smem:$0x3FAC] =	sst s9;
	s0 =	simm.s32 @!p0 $0x0  }
0x12: {  	s1 =	sld [smem:$0x3F92];
	s0 =	simm.s32 @p0 $0x1  }
0x13: {  	[smem:$0x3FAD] =	sst s0;
	s0 =	simm.s32 @!p1 $0x0  }
0x14: {  	s2 =	sld [smem:$0x3F91];
	s0 =	simm.s32 @p1 $0x1  }
0x15: {  	[smem:$0x3FAE] =	sst s0;
	s0 =	simm.s32 @!p2 $0x0  }
0x16: {  	s3 =	sld [smem:$0x3FDB];
	s0 =	simm.s32 @p2 $0x1  }
0x17: {  	s4 =	simm.s32 $0x1BF5;
	[smem:$0x3FB0] =	sst s0  }
0x18: {  	s0 =	sld [smem:$0x3F93];
	_ =	swait.ge [sflag:s4], $0x0  }
0x19: {  	s7 =	sld [smem:$0x3F94]  }
0x1a: {  	s8 =	sadd.s32 $0xFFFFE003, lr  }
0x1b: {  	s9 =	sadd.s32 $0xFFFFFEF7, lr;
	s5 =	simm.s32 $0xFFFFFFFF;
	p2 =	slt.u32 s8, $0xFFFFF086  }
0x1c: {  	p1 =	slt.u32 s9, $0xF7A;
	s5 =	simm.s32 @!p2 $0x0  }
0x1d: {  	s5 =	simm.s32 @p1 $0x1;
	p0 =	seq.s32 s7, s2  }
0x1e: {  	s7 =	smul.u32 @!p0 $0xF7A, s2;
	p2 =	seq.s32 @!p0 s5, $0x0  }
0x1f: {  	s9 =	smul.u32 $0xF7A, s1;
	s8 =	simm.s32 @!p0 $0x1BF5;
	p2 =	por !p2, p0  }
0x20: {  	[sflag:s8] =	ssyncset.s32 @!p0 $0xFFFFF086;
	s6 =	sadd.s32 @!p0 s3, s7;
	s7 =	simm.s32 @!p0 $0x108  }
0x21: {  	s3 =	sadd.s32 s3, s9;
	s6 =	sadd.s32 @!p0 $0x88, s6;
	s7 =	simm.s32 @p2 $0x1082  }
0x22: {  	[simem:s7], [sflag:s8] =	dma.local @!p0 [hbm:s6], $0xF7A  }
0x23: {  	s9 =	sor.u32 $0xD0000000, s2;
	s6 =	simm.s32 $0x108;
	_ =	swait.ge @!p0 [sflag:s8], $0x0  }
0x24: {  	s3 =	sadd.s32 $0x88, s3;
	s6 =	simm.s32 @!p1 $0x1082;
	[sflag:s4] =	ssyncset.s32 $0xFFFFF086  }
0x25: {  	[simem:s6], [sflag:s4] =	dma.local [hbm:s3], $0xF7A  }
0x26: {  	[smem:$0x3F94] =	sst s1;
	(tag) =	ssettag s2;
	_ =	strace s9  }
0x27: {  	s1 =	sld [smem:$0x3FA4]  }
0x28: {  	s2 =	sld [smem:$0x3FA5]  }
0x29: {  	s4 =	sld [smem:$0x3FA7]  }
0x2a: {  	p0 =	seq.s32 s5, $0x0;
	s5 =	sld [smem:$0x3FA8]  }
0x2b: {  	s6 =	sld [smem:$0x3FA9]  }
0x2c: {  	s7 =	sld [smem:$0x3FAA]  }
0x2d: {  	s3 =	simm.s32 $0x108;
	s8 =	sld [smem:$0x3FAB]  }
0x2e: {  	s3 =	simm.s32 @!p0 $0x1082;
	s9 =	sld [smem:$0x3FAC]  }
0x2f: {  	lr =	sadd.s32 s0, s3;
	s0 =	sld [smem:$0x3FA3]  }
0x30: {  	s3 =	sld [smem:$0x3FA6]  }
0x31: {  	[smem:$0x3FAF] =	sst s10  }
0x32: {  	s10 =	sld [smem:$0x3FAD];
	_ =	sdelay $0x3  }
0x33: {  	p0 =	seq.s32 s10, $0x1;
	s10 =	sld [smem:$0x3FAF];
	_ =	sdelay $0x3  }
0x34: {  	[smem:$0x3FAF] =	sst s10  }
0x35: {  	s10 =	sld [smem:$0x3FAE];
	_ =	sdelay $0x3  }
0x36: {  	p1 =	seq.s32 s10, $0x1;
	s10 =	sld [smem:$0x3FAF];
	_ =	sdelay $0x3  }
0x37: {  	[smem:$0x3FAF] =	sst s10  }
0x38: {  	s10 =	sld [smem:$0x3FB0]  }
0x39: {  	_ = 	snop;
	(pc) =	sbr.ind lr, $3  }
0x3a: {  	_ = 	snop  }
0x3b: {  	_ = 	snop  }
0x3c: {  	p2 =	seq.s32 s10, $0x1;
	s10 =	sld [smem:$0x3FAF]  }
0x3d: {  	_ =	shalt  }
0x3e: {  	_ =	shalt  }
0x3f: {  	_ =	shalt  }
0x40: {  	_ =	shalt  }
0x41: {  	_ =	shalt  }
0x42: {  	_ =	shalt  }
0x43: {  	_ =	shalt  }
0x44: {  	_ =	shalt  }
0x45: {  	_ =	shalt  }
0x46: {  	_ =	shalt  }
0x47: {  	_ =	shalt  }
0x48: {  	_ =	shalt  }
0x49: {  	_ =	shalt  }
0x4a: {  	_ =	shalt  }
0x4b: {  	_ =	shalt  }
0x4c: {  	_ =	shalt  }
0x4d: {  	_ =	shalt  }
0x4e: {  	_ =	shalt  }
0x4f: {  	_ =	shalt  }
0x50: {  	_ =	shalt  }
0x51: {  	_ =	shalt  }
0x52: {  	_ =	shalt  }
0x53: {  	_ =	shalt  }
0x54: {  	_ =	shalt  }
0x55: {  	_ =	shalt  }
0x56: {  	_ =	shalt  }
0x57: {  	_ =	shalt  }
0x58: {  	_ =	shalt  }
0x59: {  	_ =	shalt  }
0x5a: {  	_ =	shalt  }
0x5b: {  	_ =	shalt  }
0x5c: {  	_ =	shalt  }
0x5d: {  	_ =	shalt  }
0x5e: {  	_ =	shalt  }
0x5f: {  	_ =	shalt  }
0x60: {  	_ =	shalt  }
0x61: {  	_ =	shalt  }
0x62: {  	_ =	shalt  }
0x63: {  	_ =	shalt  }
0x64: {  	_ =	shalt  }
0x65: {  	_ =	shalt  }
0x66: {  	_ =	shalt  }
0x67: {  	_ =	shalt  }
0x68: {  	_ =	shalt  }
0x69: {  	_ =	shalt  }
0x6a: {  	_ =	shalt  }
0x6b: {  	_ =	shalt  }
0x6c: {  	_ =	shalt  }
0x6d: {  	_ =	shalt  }
0x6e: {  	_ =	shalt  }
0x6f: {  	_ =	shalt  }
0x70: {  	_ =	shalt  }
0x71: {  	_ =	shalt  }
0x72: {  	_ =	shalt  }
0x73: {  	_ =	shalt  }
0x74: {  	_ =	shalt  }
0x75: {  	_ =	shalt  }
0x76: {  	_ =	shalt  }
0x77: {  	_ =	shalt  }
0x78: {  	_ =	shalt  }
0x79: {  	_ =	shalt  }
0x7a: {  	_ =	shalt  }
0x7b: {  	_ =	shalt  }
0x7c: {  	_ =	shalt  }
0x7d: {  	_ =	shalt  }
0x7e: {  	_ =	shalt  }
0x7f: {  	_ =	shalt  }
0x80: {  	_ =	shalt  }
0x81: {  	_ =	shalt  }
0x82: {  	_ =	shalt  }
0x83: {  	_ =	shalt  }
0x84: {  	_ =	shalt  }
0x85: {  	_ =	shalt  }
0x86: {  	_ =	shalt  }
0x87: {  	_ =	shalt  }
.Lfunc_end0:
.L_simem_size_0:
called_computation.1_lowered:
.L_overlay_start_0:
0x88: {  	s2 =	sld [smem:$0x3FD9]  }
0x89: {  	s3 =	sld [smem:$0x3FFE];
	_ =	sdelay $0x1  }
0x8a: {  	s1 =	srdreg.scid  }
0x8b: {  	s0 =	sand.u32 $0x1, s1  }
0x8c: {  	s14 =	sshll.u32 s0, $0xA;
	s2 =	sadd.s32 s3, s2  }
0x8d: {  	s2 =	sadd.s32 s2, s14  }
0x8e: {  	[smem:$0x3FBB] =	sst s2  }
0x8f: {  	_ = 	snop  }
0x90: {  	s2 =	sld [smem:$0x3FD0];
	_ =	sdelay $0x2  }
0x91: {  	s15 =	simm.s32 $0xA;
	s4 =	simm.s32 $0x10  }
0x92: {  	[smem:s4], [sflag:s15] =	dma.local [hbm:s2], $0x1  }
0x93: {  	_ =	swait.eq [sflag:s15], $0x1  }
0x94: {  	[sflag:s15] =	ssyncset.done $0x0  }
0x95: {  	s16 =	sld [smem:$0x10];
	[sflag:s15] =	ssyncadd.s32 $0xFFFFFFFF  }
0x96: {  	s17 =	sld [smem:$0x12];
	(tm) =	ssettm $0x1  }
0x97: {  	s18 =	sld [smem:$0x3FFB];
	_ =	sdelay $0x3  }
0x98: {  	_ =	strace s18  }
0x99: {  	s4 =	sld [smem:$0x3FFC];
	_ =	sdelay $0x3  }
0x9a: {  	_ =	strace s4  }
0x9b: {  	s4 =	sld [smem:$0x3FFD];
	_ =	sdelay $0x3  }
0x9c: {  	_ =	strace s4  }
0x9d: {  	_ =	strace $0x8FFFFFFF  }
0x9e: {  	s19 =	sld [smem:$0x3FDB];
	_ =	sdelay $0x1  }
0x9f: {  	s5 =	simm.s32 $_scs_section_size  }
0xa0: {  	s6 =	simm.s32 $_size__tile_overlayer_lowered;
	s7 =	simm.s32 $_tile_overlayer_lowered  }
0xa1: {  	s22 =	simm.s32 $0x1BFF;
	s21 =	sshll.u32 s7, $0x1;
	s4 =	sadd.s32 s5, s19  }
0xa2: {  	s8 =	simm.s32 $0x0;
	s20 =	sshll.u32 s6, $0x1;
	s6 =	sadd.s32 s21, s4  }
0xa3: {  	[timem:s8], [sflag:s22] =	dma.local [hbm:s6], s20  }
0xa4: {  	_ =	swait.ge [sflag:s22], s20  }
0xa5: {  	s5 =	ssub.s32 $0x0, s20;
	[sflag:s22] =	ssyncset.done $0x0  }
0xa6: {  	[sflag:s22] =	ssyncadd.s32 s5;
	_ =	sdelay $0x1  }
0xa7: {  	s23 =	simm.s32 $0x1B8B  }
0xa8: {  	_ =	swait.ge [sflag:s23], $0x1  }
0xa9: {  	[sflag:s23] =	ssyncset.done $0x0  }
0xaa: {  	s25 =	simm.s32 $0x1B8E;
	s24 =	sld [smem:$0x3FFE];
	[sflag:s23] =	ssyncadd.s32 $0xFFFFFFFF  }
0xab: {  	s26 =	simm.s32 $execute0_lowered;
	[smem:$0x3FD2] =	sst s25  }
0xac: {  	s6 =	sshll.u32 s26, $0x1;
	_ =	strace $0x80000049;
	[dreg:$0x1] =	wrdreg $0xFFFFFFFF  }
0xad: {  	s28 =	simm.s32 $_size_execute0_lowered;
	s4 =	sadd.s32 s4, s6;
	[dreg:$0x0] =	wrdreg $0x0  }
0xae: {  	s6 =	sshll.u32 s28, $0x1;
	[dreg:$0x2] =	wrdreg s4  }
0xaf: {  	[dreg:$0x3] =	wrdreg s6  }
0xb0: {  	[dreg:$0x4] =	wrdreg $0xC0  }
0xb1: {  	_ =	task [dreg:s8], $0x5FFFF  }
0xb2: {  	[dreg:$0x1] =	wrdreg $0xFFFFFFFF  }
0xb3: {  	[dreg:$0x0] =	wrdreg $0x60  }
0xb4: {  	[dreg:$0x2] =	wrdreg s17  }
0xb5: {  	[dreg:$0x3] =	wrdreg s24  }
0xb6: {  	[dreg:$0x4] =	wrdreg s16  }
0xb7: {  	[dreg:$0x5] =	wrdreg $0x0  }
0xb8: {  	[dreg:$0x6] =	wrdreg $0x9  }
0xb9: {  	_ =	task.clear_ibuf [dreg:s8], $0x7FFFF;
	_ =	strace $0x90000049  }
0xba: {  	s29 =	simm.s32 $0x9;
	_ =	strace $0x8000004B  }
0xbb: {  	_ =	swait.ge [sflag:s29], $0x1  }
0xbc: {  	[sflag:s29] =	ssyncadd.s32 $0xFFFFFFFF  }
0xbd: {  	_ =	strace $0x9000004B  }
0xbe: {  	_ =	sfence  }
0xbf: {  	s30 =	sld [smem:$0x0];
	_ =	sdelay $0x2  }
0xc0: {  	s31 =	sshll.u32 s1, $0xD;
	s1 =	sshrl.u32 s1, $0x2  }
0xc1: {  	s3 =	sand.u32 $0x4000, s31;
	s1 =	sadd.s32 s1, s30  }
0xc2: {  	s0 =	sor.u32 s3, s0;
	s1 =	sshll.u32 s1, $0x11  }
0xc3: {  	s0 =	sor.u32 s1, s0  }
0xc4: {  	s0 =	sadd.s32 $0x8F2B, s0  }
0xc5: {  	[sflag:s0] =	ssyncadd.remote.s32 $0x1  }
0xc6: {  	_ =	sfence.sel $0xFFFF  }
0xc7: {  	[dreg:$0x0] =	wrdreg $0xFFFFFFFF;
	(pc) =	sbr.abs _section_cstart, $3  }
0xc8: {  	[dreg:$0x1] =	wrdreg $0xFFFFFFFF  }
0xc9: {  	_ =	task.clear_ibuf [dreg:s8], $0x2FFFF;
	_ =	strace $0x9FFFFFFF  }
0xca: {  	(tm) =	ssettm $0x7FFFFFFF  }
0xcb: {  	_ =	shalt  }
tec
execute0_lowered:
.L_overlay_start_1:
0x0: {  	(tag) =	ssettag $0x1  }
0x1: {  	s2 =	rddreg [dreg:$0x0]  }
0x2: {  	s4 =	rddreg [dreg:$0x1]  }
0x3: {  	s0 =	rddreg [dreg:$0x2]  }
0x4: {  	s1 =	rddreg [dreg:$0x3];
	s3 =	srdreg.scid  }
0x5: {  	s11 =	stileid.u32;
	s5 =	sand.u32 $0x1, s3;
	s3 =	simm.s32 $0x0  }
0x6: {  	s17 =	simm.s32 $0x14080;
	s19 =	simm.s32 $0x14100;
	[smem:$0x7FF] =	sst s3  }
0x7: {  	s21 =	simm.s32 $0x14880;
	_ =	strace $0x8000004A;
	[dreg:$0x7] =	wrdreg s17  }
0x8: {  	s8 =	smul.u32 $0x50000, s11;
	s7 =	ssub.s32 $0x2, s5;
	[dreg:$0x8] =	wrdreg s19  }
0x9: {  	s10 =	sshrl.u32 s7, $0x1;
	[dreg:$0x9] =	wrdreg s21;
	s17 =	simm.s32 $0x14300  }
0xa: {  	s8 =	sshrl.u32 s8, $0x2;
	s21 =	simm.s32 $0x14B00;
	[dreg:$0x10] =	wrdreg s17  }
0xb: {  	s7 =	ssub.s32 s7, s10;
	s10 =	simm.s32 $0x14980;
	[dreg:$0x13] =	wrdreg s21  }
0xc: {  	s8 =	sadd.s32 s8, s1;
	[dreg:$0xd] =	wrdreg s10  }
0xd: {  	s7 =	smax.u32 s7, $0x1;
	[dreg:$0x15] =	wrdreg s8  }
0xe: {  	s22 =	sadd.s32 $0x1000, s8;
	[dreg:$0x16] =	wrdreg s7  }
0xf: {  	s23 =	sadd.s32 $0x2000, s8;
	[dreg:$0x17] =	wrdreg s22  }
0x10: {  	s25 =	sadd.s32 $0x3000, s8;
	[dreg:$0x18] =	wrdreg s23  }
0x11: {  	s6 =	smul.u32 $0x5000, s5;
	s26 =	sadd.s32 $0x4000, s8;
	[dreg:$0x19] =	wrdreg s25  }
0x12: {  	s24 =	smul.u32 $0x500, s11;
	s12 =	sadd.s32 $0x5000, s8;
	[dreg:$0x1a] =	wrdreg s26  }
0x13: {  	s2 =	sadd.s32 s6, s2;
	s14 =	sadd.s32 $0x6000, s8;
	[dreg:$0x1b] =	wrdreg s12  }
0x14: {  	s2 =	sadd.s32 s24, s2;
	[dreg:$0x1c] =	wrdreg s14  }
0x15: {  	s16 =	sadd.s32 $0x7000, s8;
	[dreg:$0x5] =	wrdreg s2  }
0x16: {  	s28 =	simm.s32 $0x1D000;
	s18 =	sadd.s32 $0x8000, s8;
	[dreg:$0x1d] =	wrdreg s16  }
0x17: {  	s9 =	sadd.s32 s6, s4;
	s20 =	sadd.s32 $0x9000, s8;
	[dreg:$0x1e] =	wrdreg s18  }
0x18: {  	s13 =	sadd.s32 s24, s9;
	s24 =	sadd.s32 $0xB000, s8;
	[dreg:$0x1f] =	wrdreg s20  }
0x19: {  	s29 =	simm.s32 $0x3;
	s9 =	sadd.s32 $0xD000, s8;
	[smem:$0x7F5] =	sst s24  }
0x1a: {  	s30 =	simm.s32 $0x14000;
	s19 =	sadd.s32 $0x10000, s8;
	[smem:$0x7F7] =	sst s9  }
0x1b: {  	s31 =	simm.s32 $0x14800;
	s15 =	sadd.s32 $0x4400, s13;
	[smem:$0x7FA] =	sst s19  }
0x1c: {  	s5 =	smul.u32 $0x140000, s5;
	s22 =	sadd.s32 $0xA000, s8;
	[dreg:$0x6] =	wrdreg s15  }
0x1d: {  	s4 =	sadd.s32 $0xE400, s4;
	s23 =	simm.s32 $0x14180;
	[smem:$0x7F4] =	sst s22  }
0x1e: {  	s6 =	simm.s32 $0x19000;
	s26 =	sadd.s32 $0xC000, s8;
	[dreg:$0xa] =	wrdreg s23  }
0x1f: {  	s17 =	simm.s32 $0x14600;
	s25 =	simm.s32 $0x14900;
	[smem:$0x7F6] =	sst s26  }
0x20: {  	s21 =	simm.s32 $0x14700;
	s7 =	simm.s32 $0x14200;
	[dreg:$0xb] =	wrdreg s25  }
0x21: {  	s12 =	sadd.s32 $0xE000, s8;
	s13 =	simm.s32 $0x14280;
	[dreg:$0xc] =	wrdreg s7  }
0x22: {  	s14 =	smul.u32 $0x14000, s11;
	s16 =	sadd.s32 $0xF000, s8;
	[smem:$0x7F8] =	sst s12  }
0x23: {  	s18 =	simm.s32 $0x14A80;
	s20 =	simm.s32 $0x14380;
	[dreg:$0xe] =	wrdreg s13  }
0x24: {  	s24 =	sadd.s32 $0x11000, s8;
	s2 =	simm.s32 $0x15000;
	[smem:$0x7F9] =	sst s16  }
0x25: {  	s9 =	simm.s32 $0x0;
	s11 =	simm.s32 $0x14480;
	[dreg:$0x11] =	wrdreg s18  }
0x26: {  	s19 =	simm.s32 $0x14680;
	s15 =	simm.s32 $0x14A00;
	[dreg:$0x12] =	wrdreg s20  }
0x27: {  	s22 =	simm.s32 $0x14400;
	[smem:$0x7FB] =	sst s24;
	s25 =	sadd.s32 $0x12000, s8  }
0x28: {  	s26 =	sadd.s32 $0x13000, s8;
	s7 =	simm.s32 $0x1;
	s8 =	simm.s32 $0x2  }
0x29: {  	s12 =	simm.s32 $0x14C00;
	s13 =	simm.s32 $0x14500;
	[dreg:$0xf] =	wrdreg s15  }
0x2a: {  	s16 =	simm.s32 $0x14D00;
	s18 =	simm.s32 $0x14D80;
	[dreg:$0x14] =	wrdreg s22  }
0x2b: {  	s20 =	simm.s32 $0x14E00;
	s24 =	simm.s32 $0x14780;
	[smem:$0x7FC] =	sst s25  }
0x2c: {  	s5 =	sadd.s32 s14, s5;
	[smem:$0x7FD] =	sst s26;
	s14 =	simm.s32 $0x14C80  }
0x2d: {  	s15 =	simm.s32 $0x14580;
	s22 =	simm.s32 $0x14E80;
	s5 =	sshrl.u32 s5, $0x3  }
0x2e: {  	v0 =	vimm.f32 $0.0e+00;
	s25 =	simm.s32 $0x14F00;
	s23 =	sadd.s32 s5, s0;
	s0 =	simm.s32 $0x7D  }
.LBB2_1:
0x2f: {  	s5 =	sand.u32 $0x3E00, s3  }
0x30: {  	[smem:$0x7F3] =	sst s9;
	s10 =	sand.u32 $0x70, s3;
	s26 =	sshrl.u32 s5, $0x2  }
0x31: {  	s5 =	simm.s32 $0x40;
	s9 =	sor.u32 s10, s26;
	s26 =	simm.s32 $0x0  }
.LBB2_2:
0x32: {  	p0 =	sne.s32 s5, $0x3FC0  }
0x33: {  	[tilespmem:s9+$0x1D000] =	vst v0;
	s26 =	sadd.s32 $0x10, s26;
	s9 =	smov.u32 s5;
	s5 =	sadd.s32 $0x40, s5  }
.Ltmp0:
0x34: {  	(pc) =	sbr.rel @p0 .LBB2_2-.Ltmp0, $4  }
0x35: {  	_ = 	snop  }
0x36: {  	s9 =	sand.u32 $0x3E00, s9  }
0x37: {  	s10 =	sand.u32 $0x70, s26;
	s9 =	sshrl.u32 s9, $0x2  }
0x38: {  	s9 =	sor.u32 s10, s9  }
0x39: {  	[tilespmem:s9+$0x1D000] =	vst v0;
	s5 =	rddreg [dreg:$0x15]  }
0x3a: {  	[spmem:s5] =	stream.linear.scatter [tilespmem:s28], [sflag:$0x3], $0x1000, $0x38;
	[tilespmem:$0x1E000] =	vst v63  }
0x3b: {  	_ =	swait.ge [sflag:s29], $0x1000  }
0x3c: {  	[sflag:s29] =	ssyncset.done $0x0  }
0x3d: {  	s26 =	rddreg [dreg:$0x17];
	[sflag:s29] =	ssyncadd.s32 $0xFFFFF000  }
0x3e: {  	[spmem:s26] =	stream.linear.scatter [tilespmem:s28], [sflag:$0x3], $0x1000, $0x38;
	[tilespmem:$0x1E000] =	vst v63  }
0x3f: {  	_ =	swait.ge [sflag:s29], $0x1000  }
0x40: {  	[sflag:s29] =	ssyncset.done $0x0  }
0x41: {  	s9 =	rddreg [dreg:$0x18];
	[sflag:s29] =	ssyncadd.s32 $0xFFFFF000  }
0x42: {  	[spmem:s9] =	stream.linear.scatter [tilespmem:s28], [sflag:$0x3], $0x1000, $0x38;
	[tilespmem:$0x1E000] =	vst v63  }
0x43: {  	_ =	swait.ge [sflag:s29], $0x1000  }
0x44: {  	[sflag:s29] =	ssyncset.done $0x0  }
0x45: {  	s10 =	rddreg [dreg:$0x19];
	[sflag:s29] =	ssyncadd.s32 $0xFFFFF000  }
0x46: {  	[spmem:s10] =	stream.linear.scatter [tilespmem:s28], [sflag:$0x3], $0x1000, $0x38;
	[tilespmem:$0x1E000] =	vst v63  }
0x47: {  	_ =	swait.ge [sflag:s29], $0x1000  }
0x48: {  	[sflag:s29] =	ssyncset.done $0x0  }
0x49: {  	s26 =	rddreg [dreg:$0x1a];
	[sflag:s29] =	ssyncadd.s32 $0xFFFFF000  }
0x4a: {  	[spmem:s26] =	stream.linear.scatter [tilespmem:s28], [sflag:$0x3], $0x1000, $0x38;
	[tilespmem:$0x1E000] =	vst v63  }
0x4b: {  	_ =	swait.ge [sflag:s29], $0x1000  }
0x4c: {  	[sflag:s29] =	ssyncset.done $0x0  }
0x4d: {  	s9 =	rddreg [dreg:$0x1b];
	[sflag:s29] =	ssyncadd.s32 $0xFFFFF000  }
0x4e: {  	[spmem:s9] =	stream.linear.scatter [tilespmem:s28], [sflag:$0x3], $0x1000, $0x38;
	[tilespmem:$0x1E000] =	vst v63  }
0x4f: {  	_ =	swait.ge [sflag:s29], $0x1000  }
0x50: {  	[sflag:s29] =	ssyncset.done $0x0  }
0x51: {  	s10 =	rddreg [dreg:$0x1c];
	[sflag:s29] =	ssyncadd.s32 $0xFFFFF000  }
0x52: {  	[spmem:s10] =	stream.linear.scatter [tilespmem:s28], [sflag:$0x3], $0x1000, $0x38;
	[tilespmem:$0x1E000] =	vst v63  }
0x53: {  	_ =	swait.ge [sflag:s29], $0x1000  }
0x54: {  	[sflag:s29] =	ssyncset.done $0x0  }
0x55: {  	s26 =	rddreg [dreg:$0x1d];
	[sflag:s29] =	ssyncadd.s32 $0xFFFFF000  }
0x56: {  	[spmem:s26] =	stream.linear.scatter [tilespmem:s28], [sflag:$0x3], $0x1000, $0x38;
	[tilespmem:$0x1E000] =	vst v63  }
0x57: {  	_ =	swait.ge [sflag:s29], $0x1000  }
0x58: {  	[sflag:s29] =	ssyncset.done $0x0  }
0x59: {  	s9 =	rddreg [dreg:$0x1e];
	[sflag:s29] =	ssyncadd.s32 $0xFFFFF000  }
0x5a: {  	[spmem:s9] =	stream.linear.scatter [tilespmem:s28], [sflag:$0x3], $0x1000, $0x38;
	[tilespmem:$0x1E000] =	vst v63  }
0x5b: {  	_ =	swait.ge [sflag:s29], $0x1000  }
0x5c: {  	[sflag:s29] =	ssyncset.done $0x0  }
0x5d: {  	s10 =	rddreg [dreg:$0x1f];
	[sflag:s29] =	ssyncadd.s32 $0xFFFFF000  }
0x5e: {  	[spmem:s10] =	stream.linear.scatter [tilespmem:s28], [sflag:$0x3], $0x1000, $0x38;
	[tilespmem:$0x1E000] =	vst v63  }
0x5f: {  	_ =	swait.ge [sflag:s29], $0x1000  }
0x60: {  	s26 =	sld [smem:$0x7F4]  }
0x61: {  	[sflag:s29] =	ssyncset.done $0x0  }
0x62: {  	[sflag:s29] =	ssyncadd.s32 $0xFFFFF000  }
0x63: {  	[spmem:s26] =	stream.linear.scatter [tilespmem:s28], [sflag:$0x3], $0x1000, $0x38;
	[tilespmem:$0x1E000] =	vst v63  }
0x64: {  	_ =	swait.ge [sflag:s29], $0x1000  }
0x65: {  	s9 =	sld [smem:$0x7F5]  }
0x66: {  	[sflag:s29] =	ssyncset.done $0x0  }
0x67: {  	[sflag:s29] =	ssyncadd.s32 $0xFFFFF000  }
0x68: {  	[spmem:s9] =	stream.linear.scatter [tilespmem:s28], [sflag:$0x3], $0x1000, $0x38;
	[tilespmem:$0x1E000] =	vst v63  }
0x69: {  	_ =	swait.ge [sflag:s29], $0x1000  }
0x6a: {  	s10 =	sld [smem:$0x7F6]  }
0x6b: {  	[sflag:s29] =	ssyncset.done $0x0  }
0x6c: {  	[sflag:s29] =	ssyncadd.s32 $0xFFFFF000  }
0x6d: {  	[spmem:s10] =	stream.linear.scatter [tilespmem:s28], [sflag:$0x3], $0x1000, $0x38;
	[tilespmem:$0x1E000] =	vst v63  }
0x6e: {  	_ =	swait.ge [sflag:s29], $0x1000  }
0x6f: {  	s26 =	sld [smem:$0x7F7]  }
0x70: {  	[sflag:s29] =	ssyncset.done $0x0  }
0x71: {  	[sflag:s29] =	ssyncadd.s32 $0xFFFFF000  }
0x72: {  	[spmem:s26] =	stream.linear.scatter [tilespmem:s28], [sflag:$0x3], $0x1000, $0x38;
	[tilespmem:$0x1E000] =	vst v63  }
0x73: {  	_ =	swait.ge [sflag:s29], $0x1000  }
0x74: {  	s9 =	sld [smem:$0x7F8]  }
0x75: {  	[sflag:s29] =	ssyncset.done $0x0  }
0x76: {  	[sflag:s29] =	ssyncadd.s32 $0xFFFFF000  }
0x77: {  	[spmem:s9] =	stream.linear.scatter [tilespmem:s28], [sflag:$0x3], $0x1000, $0x38;
	[tilespmem:$0x1E000] =	vst v63  }
0x78: {  	_ =	swait.ge [sflag:s29], $0x1000  }
0x79: {  	s10 =	sld [smem:$0x7F9]  }
0x7a: {  	[sflag:s29] =	ssyncset.done $0x0  }
0x7b: {  	[sflag:s29] =	ssyncadd.s32 $0xFFFFF000  }
0x7c: {  	[spmem:s10] =	stream.linear.scatter [tilespmem:s28], [sflag:$0x3], $0x1000, $0x38;
	[tilespmem:$0x1E000] =	vst v63  }
0x7d: {  	_ =	swait.ge [sflag:s29], $0x1000  }
0x7e: {  	s26 =	sld [smem:$0x7FA]  }
0x7f: {  	[sflag:s29] =	ssyncset.done $0x0  }
0x80: {  	[sflag:s29] =	ssyncadd.s32 $0xFFFFF000  }
0x81: {  	[spmem:s26] =	stream.linear.scatter [tilespmem:s28], [sflag:$0x3], $0x1000, $0x38;
	[tilespmem:$0x1E000] =	vst v63  }
0x82: {  	_ =	swait.ge [sflag:s29], $0x1000  }
0x83: {  	s9 =	sld [smem:$0x7FB]  }
0x84: {  	[sflag:s29] =	ssyncset.done $0x0  }
0x85: {  	[sflag:s29] =	ssyncadd.s32 $0xFFFFF000  }
0x86: {  	[spmem:s9] =	stream.linear.scatter [tilespmem:s28], [sflag:$0x3], $0x1000, $0x38;
	[tilespmem:$0x1E000] =	vst v63  }
0x87: {  	_ =	swait.ge [sflag:s29], $0x1000  }
0x88: {  	s10 =	sld [smem:$0x7FC]  }
0x89: {  	[sflag:s29] =	ssyncset.done $0x0  }
0x8a: {  	[sflag:s29] =	ssyncadd.s32 $0xFFFFF000  }
0x8b: {  	[spmem:s10] =	stream.linear.scatter [tilespmem:s28], [sflag:$0x3], $0x1000, $0x38;
	[tilespmem:$0x1E000] =	vst v63  }
0x8c: {  	_ =	swait.ge [sflag:s29], $0x1000  }
0x8d: {  	s26 =	sld [smem:$0x7FD]  }
0x8e: {  	[sflag:s29] =	ssyncset.done $0x0  }
0x8f: {  	[sflag:s29] =	ssyncadd.s32 $0xFFFFF000  }
0x90: {  	[spmem:s26] =	stream.linear.scatter [tilespmem:s28], [sflag:$0x3], $0x1000, $0x38;
	[tilespmem:$0x1E000] =	vst v63  }
0x91: {  	_ =	swait.ge [sflag:s29], $0x1000  }
0x92: {  	[sflag:s29] =	ssyncset.done $0x0  }
0x93: {  	[sflag:s29] =	ssyncadd.s32 $0xFFFFF000  }
0x94: {  	[bflag:$0x0] =	sbarrier.arrive $0xFFFF  }
0x95: {  	s9 =	rddreg [dreg:$0x5]  }
0x96: {  	s5 =	sadd.s32 $0x0, s9  }
0x97: {  	[tilespmem:s30], [sflag:$0x3] =	stream.linear.gather [hbm4b:s5+s3], $0x800, $0x38;
	[tilespmem:$0x1E000] =	vst v63  }
0x98: {  	_ =	swait.ge [sflag:s29], $0x800  }
0x99: {  	s10 =	rddreg [dreg:$0x6];
	[sflag:s29] =	ssyncset.done $0x0  }
0x9a: {  	[sflag:s29] =	ssyncadd.s32 $0xFFFFF800;
	s5 =	sadd.s32 $0x0, s10  }
0x9b: {  	[tilespmem:s31], [sflag:$0x3] =	stream.linear.gather [hbm4b:s5+s3], $0x800, $0x38;
	[tilespmem:$0x1E000] =	vst v63  }
0x9c: {  	_ =	swait.ge [sflag:s29], $0x800  }
0x9d: {  	[sflag:s29] =	ssyncset.done $0x0  }
0x9e: {  	[sflag:s29] =	ssyncadd.s32 $0xFFFFF800  }
0x9f: {  	[tilespmem:s2], [sflag:$0x1] =	stream.indirect.gather [hbm4b:s4+s0], $0x80, s30, s0, $0xb8;
	[tilespmem:$0x1E000] =	vst v63  }
0xa0: {  	s26 =	rddreg [dreg:$0x7]  }
0xa1: {  	[tilespmem:s6], [sflag:$0x2] =	stream.indirect.gather [hbm4b:s4+s0], $0x80, s26, s0, $0xb8;
	[tilespmem:$0x1E000] =	vst v63  }
0xa2: {  	_ =	swait.ge [sflag:s7], $0x3E80  }
0xa3: {  	[sflag:s7] =	ssyncset.done $0x0  }
0xa4: {  	[sflag:s7] =	ssyncadd.s32 $0xFFFFC180  }
0xa5: {  	[spmem:s1] =	stream.indirect.scatter.add.f32 [tilespmem:s2], [sflag:$0x3], $0x80, s31, s0, $0xb8;
	[tilespmem:$0x1E000] =	vst v63  }
0xa6: {  	_ =	swait.ge [sflag:s29], $0x3E80  }
0xa7: {  	[sflag:s29] =	ssyncset.done $0x0  }
0xa8: {  	s9 =	rddreg [dreg:$0x8];
	[sflag:s29] =	ssyncadd.s32 $0xFFFFC180  }
0xa9: {  	[tilespmem:s2], [sflag:$0x1] =	stream.indirect.gather [hbm4b:s4+s0], $0x80, s9, s0, $0xb8;
	[tilespmem:$0x1E000] =	vst v63  }
0xaa: {  	_ =	swait.ge [sflag:s8], $0x3E80  }
0xab: {  	[sflag:s8] =	ssyncset.done $0x0  }
0xac: {  	s10 =	rddreg [dreg:$0x9];
	[sflag:s8] =	ssyncadd.s32 $0xFFFFC180  }
0xad: {  	[spmem:s1] =	stream.indirect.scatter.add.f32 [tilespmem:s6], [sflag:$0x3], $0x80, s10, s0, $0xb8;
	[tilespmem:$0x1E000] =	vst v63  }
0xae: {  	_ =	swait.ge [sflag:s29], $0x3E80  }
0xaf: {  	[sflag:s29] =	ssyncset.done $0x0  }
0xb0: {  	s26 =	rddreg [dreg:$0xa];
	[sflag:s29] =	ssyncadd.s32 $0xFFFFC180  }
0xb1: {  	[tilespmem:s6], [sflag:$0x2] =	stream.indirect.gather [hbm4b:s4+s0], $0x80, s26, s0, $0xb8;
	[tilespmem:$0x1E000] =	vst v63  }
0xb2: {  	_ =	swait.ge [sflag:s7], $0x3E80  }
0xb3: {  	[sflag:s7] =	ssyncset.done $0x0  }
0xb4: {  	s9 =	rddreg [dreg:$0xb];
	[sflag:s7] =	ssyncadd.s32 $0xFFFFC180  }
0xb5: {  	[spmem:s1] =	stream.indirect.scatter.add.f32 [tilespmem:s2], [sflag:$0x3], $0x80, s9, s0, $0xb8;
	[tilespmem:$0x1E000] =	vst v63  }
0xb6: {  	_ =	swait.ge [sflag:s29], $0x3E80  }
0xb7: {  	[sflag:s29] =	ssyncset.done $0x0  }
0xb8: {  	s10 =	rddreg [dreg:$0xc];
	[sflag:s29] =	ssyncadd.s32 $0xFFFFC180  }
0xb9: {  	[tilespmem:s2], [sflag:$0x1] =	stream.indirect.gather [hbm4b:s4+s0], $0x80, s10, s0, $0xb8;
	[tilespmem:$0x1E000] =	vst v63  }
0xba: {  	_ =	swait.ge [sflag:s8], $0x3E80  }
0xbb: {  	[sflag:s8] =	ssyncset.done $0x0  }
0xbc: {  	s26 =	rddreg [dreg:$0xd];
	[sflag:s8] =	ssyncadd.s32 $0xFFFFC180  }
0xbd: {  	[spmem:s1] =	stream.indirect.scatter.add.f32 [tilespmem:s6], [sflag:$0x3], $0x80, s26, s0, $0xb8;
	[tilespmem:$0x1E000] =	vst v63  }
0xbe: {  	_ =	swait.ge [sflag:s29], $0x3E80  }
0xbf: {  	[sflag:s29] =	ssyncset.done $0x0  }
0xc0: {  	s9 =	rddreg [dreg:$0xe];
	[sflag:s29] =	ssyncadd.s32 $0xFFFFC180  }
0xc1: {  	[tilespmem:s6], [sflag:$0x2] =	stream.indirect.gather [hbm4b:s4+s0], $0x80, s9, s0, $0xb8;
	[tilespmem:$0x1E000] =	vst v63  }
0xc2: {  	_ =	swait.ge [sflag:s7], $0x3E80  }
0xc3: {  	[sflag:s7] =	ssyncset.done $0x0  }
0xc4: {  	s10 =	rddreg [dreg:$0xf];
	[sflag:s7] =	ssyncadd.s32 $0xFFFFC180  }
0xc5: {  	[spmem:s1] =	stream.indirect.scatter.add.f32 [tilespmem:s2], [sflag:$0x3], $0x80, s10, s0, $0xb8;
	[tilespmem:$0x1E000] =	vst v63  }
0xc6: {  	_ =	swait.ge [sflag:s29], $0x3E80  }
0xc7: {  	[sflag:s29] =	ssyncset.done $0x0  }
0xc8: {  	s26 =	rddreg [dreg:$0x10];
	[sflag:s29] =	ssyncadd.s32 $0xFFFFC180  }
0xc9: {  	[tilespmem:s2], [sflag:$0x1] =	stream.indirect.gather [hbm4b:s4+s0], $0x80, s26, s0, $0xb8;
	[tilespmem:$0x1E000] =	vst v63  }
0xca: {  	_ =	swait.ge [sflag:s8], $0x3E80  }
0xcb: {  	[sflag:s8] =	ssyncset.done $0x0  }
0xcc: {  	s9 =	rddreg [dreg:$0x11];
	[sflag:s8] =	ssyncadd.s32 $0xFFFFC180  }
0xcd: {  	[spmem:s1] =	stream.indirect.scatter.add.f32 [tilespmem:s6], [sflag:$0x3], $0x80, s9, s0, $0xb8;
	[tilespmem:$0x1E000] =	vst v63  }
0xce: {  	_ =	swait.ge [sflag:s29], $0x3E80  }
0xcf: {  	[sflag:s29] =	ssyncset.done $0x0  }
0xd0: {  	s10 =	rddreg [dreg:$0x12];
	[sflag:s29] =	ssyncadd.s32 $0xFFFFC180  }
0xd1: {  	[tilespmem:s6], [sflag:$0x2] =	stream.indirect.gather [hbm4b:s4+s0], $0x80, s10, s0, $0xb8;
	[tilespmem:$0x1E000] =	vst v63  }
0xd2: {  	_ =	swait.ge [sflag:s7], $0x3E80  }
0xd3: {  	[sflag:s7] =	ssyncset.done $0x0  }
0xd4: {  	s26 =	rddreg [dreg:$0x13];
	[sflag:s7] =	ssyncadd.s32 $0xFFFFC180  }
0xd5: {  	[spmem:s1] =	stream.indirect.scatter.add.f32 [tilespmem:s2], [sflag:$0x3], $0x80, s26, s0, $0xb8;
	[tilespmem:$0x1E000] =	vst v63  }
0xd6: {  	_ =	swait.ge [sflag:s29], $0x3E80  }
0xd7: {  	[sflag:s29] =	ssyncset.done $0x0  }
0xd8: {  	s9 =	rddreg [dreg:$0x14];
	[sflag:s29] =	ssyncadd.s32 $0xFFFFC180  }
0xd9: {  	[tilespmem:s2], [sflag:$0x1] =	stream.indirect.gather [hbm4b:s4+s0], $0x80, s9, s0, $0xb8;
	[tilespmem:$0x1E000] =	vst v63  }
0xda: {  	_ =	swait.ge [sflag:s8], $0x3E80  }
0xdb: {  	[sflag:s8] =	ssyncset.done $0x0  }
0xdc: {  	s10 =	simm.s32 $0x14B80;
	[sflag:s8] =	ssyncadd.s32 $0xFFFFC180  }
0xdd: {  	[spmem:s1] =	stream.indirect.scatter.add.f32 [tilespmem:s6], [sflag:$0x3], $0x80, s10, s0, $0xb8;
	[tilespmem:$0x1E000] =	vst v63  }
0xde: {  	_ =	swait.ge [sflag:s29], $0x3E80  }
0xdf: {  	[sflag:s29] =	ssyncset.done $0x0  }
0xe0: {  	[sflag:s29] =	ssyncadd.s32 $0xFFFFC180  }
0xe1: {  	[tilespmem:s6], [sflag:$0x2] =	stream.indirect.gather [hbm4b:s4+s0], $0x80, s11, s0, $0xb8;
	[tilespmem:$0x1E000] =	vst v63  }
0xe2: {  	_ =	swait.ge [sflag:s7], $0x3E80  }
0xe3: {  	[sflag:s7] =	ssyncset.done $0x0  }
0xe4: {  	[sflag:s7] =	ssyncadd.s32 $0xFFFFC180  }
0xe5: {  	[spmem:s1] =	stream.indirect.scatter.add.f32 [tilespmem:s2], [sflag:$0x3], $0x80, s12, s0, $0xb8;
	[tilespmem:$0x1E000] =	vst v63  }
0xe6: {  	_ =	swait.ge [sflag:s29], $0x3E80  }
0xe7: {  	[sflag:s29] =	ssyncset.done $0x0  }
0xe8: {  	[sflag:s29] =	ssyncadd.s32 $0xFFFFC180  }
0xe9: {  	[tilespmem:s2], [sflag:$0x1] =	stream.indirect.gather [hbm4b:s4+s0], $0x80, s13, s0, $0xb8;
	[tilespmem:$0x1E000] =	vst v63  }
0xea: {  	_ =	swait.ge [sflag:s8], $0x3E80  }
0xeb: {  	[sflag:s8] =	ssyncset.done $0x0  }
0xec: {  	[sflag:s8] =	ssyncadd.s32 $0xFFFFC180  }
0xed: {  	[spmem:s1] =	stream.indirect.scatter.add.f32 [tilespmem:s6], [sflag:$0x3], $0x80, s14, s0, $0xb8;
	[tilespmem:$0x1E000] =	vst v63  }
0xee: {  	_ =	swait.ge [sflag:s29], $0x3E80  }
0xef: {  	[sflag:s29] =	ssyncset.done $0x0  }
0xf0: {  	[sflag:s29] =	ssyncadd.s32 $0xFFFFC180  }
0xf1: {  	[tilespmem:s6], [sflag:$0x2] =	stream.indirect.gather [hbm4b:s4+s0], $0x80, s15, s0, $0xb8;
	[tilespmem:$0x1E000] =	vst v63  }
0xf2: {  	_ =	swait.ge [sflag:s7], $0x3E80  }
0xf3: {  	[sflag:s7] =	ssyncset.done $0x0  }
0xf4: {  	[sflag:s7] =	ssyncadd.s32 $0xFFFFC180  }
0xf5: {  	[spmem:s1] =	stream.indirect.scatter.add.f32 [tilespmem:s2], [sflag:$0x3], $0x80, s16, s0, $0xb8;
	[tilespmem:$0x1E000] =	vst v63  }
0xf6: {  	_ =	swait.ge [sflag:s29], $0x3E80  }
0xf7: {  	[sflag:s29] =	ssyncset.done $0x0  }
0xf8: {  	[sflag:s29] =	ssyncadd.s32 $0xFFFFC180  }
0xf9: {  	[tilespmem:s2], [sflag:$0x1] =	stream.indirect.gather [hbm4b:s4+s0], $0x80, s17, s0, $0xb8;
	[tilespmem:$0x1E000] =	vst v63  }
0xfa: {  	_ =	swait.ge [sflag:s8], $0x3E80  }
0xfb: {  	[sflag:s8] =	ssyncset.done $0x0  }
0xfc: {  	[sflag:s8] =	ssyncadd.s32 $0xFFFFC180  }
0xfd: {  	[spmem:s1] =	stream.indirect.scatter.add.f32 [tilespmem:s6], [sflag:$0x3], $0x80, s18, s0, $0xb8;
	[tilespmem:$0x1E000] =	vst v63  }
0xfe: {  	_ =	swait.ge [sflag:s29], $0x3E80  }
0xff: {  	[sflag:s29] =	ssyncset.done $0x0  }
0x100: {  	[sflag:s29] =	ssyncadd.s32 $0xFFFFC180  }
0x101: {  	[tilespmem:s6], [sflag:$0x2] =	stream.indirect.gather [hbm4b:s4+s0], $0x80, s19, s0, $0xb8;
	[tilespmem:$0x1E000] =	vst v63  }
0x102: {  	_ =	swait.ge [sflag:s7], $0x3E80  }
0x103: {  	[sflag:s7] =	ssyncset.done $0x0  }
0x104: {  	[sflag:s7] =	ssyncadd.s32 $0xFFFFC180  }
0x105: {  	[spmem:s1] =	stream.indirect.scatter.add.f32 [tilespmem:s2], [sflag:$0x3], $0x80, s20, s0, $0xb8;
	[tilespmem:$0x1E000] =	vst v63  }
0x106: {  	_ =	swait.ge [sflag:s29], $0x3E80  }
0x107: {  	[sflag:s29] =	ssyncset.done $0x0  }
0x108: {  	[sflag:s29] =	ssyncadd.s32 $0xFFFFC180  }
0x109: {  	[tilespmem:s2], [sflag:$0x1] =	stream.indirect.gather [hbm4b:s4+s0], $0x80, s21, s0, $0xb8;
	[tilespmem:$0x1E000] =	vst v63  }
0x10a: {  	_ =	swait.ge [sflag:s8], $0x3E80  }
0x10b: {  	[sflag:s8] =	ssyncset.done $0x0  }
0x10c: {  	[sflag:s8] =	ssyncadd.s32 $0xFFFFC180  }
0x10d: {  	[spmem:s1] =	stream.indirect.scatter.add.f32 [tilespmem:s6], [sflag:$0x3], $0x80, s22, s0, $0xb8;
	[tilespmem:$0x1E000] =	vst v63  }
0x10e: {  	_ =	swait.ge [sflag:s29], $0x3E80  }
0x10f: {  	[sflag:s29] =	ssyncset.done $0x0  }
0x110: {  	[sflag:s29] =	ssyncadd.s32 $0xFFFFC180  }
0x111: {  	[tilespmem:s6], [sflag:$0x2] =	stream.indirect.gather [hbm4b:s4+s0], $0x80, s24, s0, $0xb8;
	[tilespmem:$0x1E000] =	vst v63  }
0x112: {  	_ =	swait.ge [sflag:s7], $0x3E80  }
0x113: {  	[sflag:s7] =	ssyncset.done $0x0  }
0x114: {  	[sflag:s7] =	ssyncadd.s32 $0xFFFFC180  }
0x115: {  	[spmem:s1] =	stream.indirect.scatter.add.f32 [tilespmem:s2], [sflag:$0x3], $0x80, s25, s0, $0xb8;
	[tilespmem:$0x1E000] =	vst v63  }
0x116: {  	_ =	swait.ge [sflag:s29], $0x3E80  }
0x117: {  	[sflag:s29] =	ssyncset.done $0x0  }
0x118: {  	[sflag:s29] =	ssyncadd.s32 $0xFFFFC180  }
0x119: {  	_ =	swait.ge [sflag:s8], $0x3E80  }
0x11a: {  	[sflag:s8] =	ssyncset.done $0x0  }
0x11b: {  	s26 =	simm.s32 $0x14F80;
	[sflag:s8] =	ssyncadd.s32 $0xFFFFC180  }
0x11c: {  	[spmem:s1] =	stream.indirect.scatter.add.f32 [tilespmem:s6], [sflag:$0x3], $0x80, s26, s0, $0xb8;
	[tilespmem:$0x1E000] =	vst v63  }
0x11d: {  	s5 =	simm.s32 $0x100;
	_ =	swait.ge [sflag:s29], $0x3E80  }
0x11e: {  	s26 =	simm.s32 $0x200;
	s9 =	rddreg [dreg:$0x5];
	[sflag:s29] =	ssyncset.done $0x0  }
.LBB2_4:
0x11f: {  	[sflag:s29] =	ssyncadd.s32 $0xFFFFC180;
	s9 =	sadd.s32 s5, s9  }
0x120: {  	[tilespmem:s30], [sflag:$0x3] =	stream.linear.gather [hbm4b:s9+s3], $0x800, $0x38;
	[tilespmem:$0x1E000] =	vst v63  }
0x121: {  	_ =	swait.ge [sflag:s29], $0x800  }
0x122: {  	s9 =	rddreg [dreg:$0x6];
	[sflag:s29] =	ssyncset.done $0x0  }
0x123: {  	[sflag:s29] =	ssyncadd.s32 $0xFFFFF800;
	s9 =	sadd.s32 s5, s9  }
0x124: {  	[tilespmem:s31], [sflag:$0x3] =	stream.linear.gather [hbm4b:s9+s3], $0x800, $0x38;
	[tilespmem:$0x1E000] =	vst v63  }
0x125: {  	_ =	swait.ge [sflag:s29], $0x800  }
0x126: {  	[sflag:s29] =	ssyncset.done $0x0  }
0x127: {  	[sflag:s29] =	ssyncadd.s32 $0xFFFFF800  }
0x128: {  	[tilespmem:s2], [sflag:$0x1] =	stream.indirect.gather [hbm4b:s4+s0], $0x80, s30, s0, $0xb8;
	[tilespmem:$0x1E000] =	vst v63  }
0x129: {  	s9 =	rddreg [dreg:$0x7]  }
0x12a: {  	[tilespmem:s6], [sflag:$0x2] =	stream.indirect.gather [hbm4b:s4+s0], $0x80, s9, s0, $0xb8;
	[tilespmem:$0x1E000] =	vst v63  }
0x12b: {  	_ =	swait.ge [sflag:s7], $0x3E80  }
0x12c: {  	[sflag:s7] =	ssyncset.done $0x0  }
0x12d: {  	[sflag:s7] =	ssyncadd.s32 $0xFFFFC180  }
0x12e: {  	[spmem:s1] =	stream.indirect.scatter.add.f32 [tilespmem:s2], [sflag:$0x3], $0x80, s31, s0, $0xb8;
	[tilespmem:$0x1E000] =	vst v63  }
0x12f: {  	_ =	swait.ge [sflag:s29], $0x3E80  }
0x130: {  	[sflag:s29] =	ssyncset.done $0x0  }
0x131: {  	s9 =	rddreg [dreg:$0x8];
	[sflag:s29] =	ssyncadd.s32 $0xFFFFC180  }
0x132: {  	[tilespmem:s2], [sflag:$0x1] =	stream.indirect.gather [hbm4b:s4+s0], $0x80, s9, s0, $0xb8;
	[tilespmem:$0x1E000] =	vst v63  }
0x133: {  	_ =	swait.ge [sflag:s8], $0x3E80  }
0x134: {  	[sflag:s8] =	ssyncset.done $0x0  }
0x135: {  	s9 =	rddreg [dreg:$0x9];
	[sflag:s8] =	ssyncadd.s32 $0xFFFFC180  }
0x136: {  	[spmem:s1] =	stream.indirect.scatter.add.f32 [tilespmem:s6], [sflag:$0x3], $0x80, s9, s0, $0xb8;
	[tilespmem:$0x1E000] =	vst v63  }
0x137: {  	_ =	swait.ge [sflag:s29], $0x3E80  }
0x138: {  	[sflag:s29] =	ssyncset.done $0x0  }
0x139: {  	s9 =	rddreg [dreg:$0xa];
	[sflag:s29] =	ssyncadd.s32 $0xFFFFC180  }
0x13a: {  	[tilespmem:s6], [sflag:$0x2] =	stream.indirect.gather [hbm4b:s4+s0], $0x80, s9, s0, $0xb8;
	[tilespmem:$0x1E000] =	vst v63  }
0x13b: {  	_ =	swait.ge [sflag:s7], $0x3E80  }
0x13c: {  	[sflag:s7] =	ssyncset.done $0x0  }
0x13d: {  	s9 =	rddreg [dreg:$0xb];
	[sflag:s7] =	ssyncadd.s32 $0xFFFFC180  }
0x13e: {  	[spmem:s1] =	stream.indirect.scatter.add.f32 [tilespmem:s2], [sflag:$0x3], $0x80, s9, s0, $0xb8;
	[tilespmem:$0x1E000] =	vst v63  }
0x13f: {  	_ =	swait.ge [sflag:s29], $0x3E80  }
0x140: {  	[sflag:s29] =	ssyncset.done $0x0  }
0x141: {  	s9 =	rddreg [dreg:$0xc];
	[sflag:s29] =	ssyncadd.s32 $0xFFFFC180  }
0x142: {  	[tilespmem:s2], [sflag:$0x1] =	stream.indirect.gather [hbm4b:s4+s0], $0x80, s9, s0, $0xb8;
	[tilespmem:$0x1E000] =	vst v63  }
0x143: {  	_ =	swait.ge [sflag:s8], $0x3E80  }
0x144: {  	[sflag:s8] =	ssyncset.done $0x0  }
0x145: {  	s9 =	rddreg [dreg:$0xd];
	[sflag:s8] =	ssyncadd.s32 $0xFFFFC180  }
0x146: {  	[spmem:s1] =	stream.indirect.scatter.add.f32 [tilespmem:s6], [sflag:$0x3], $0x80, s9, s0, $0xb8;
	[tilespmem:$0x1E000] =	vst v63  }
0x147: {  	_ =	swait.ge [sflag:s29], $0x3E80  }
0x148: {  	[sflag:s29] =	ssyncset.done $0x0  }
0x149: {  	s9 =	rddreg [dreg:$0xe];
	[sflag:s29] =	ssyncadd.s32 $0xFFFFC180  }
0x14a: {  	[tilespmem:s6], [sflag:$0x2] =	stream.indirect.gather [hbm4b:s4+s0], $0x80, s9, s0, $0xb8;
	[tilespmem:$0x1E000] =	vst v63  }
0x14b: {  	_ =	swait.ge [sflag:s7], $0x3E80  }
0x14c: {  	[sflag:s7] =	ssyncset.done $0x0  }
0x14d: {  	s9 =	rddreg [dreg:$0xf];
	[sflag:s7] =	ssyncadd.s32 $0xFFFFC180  }
0x14e: {  	[spmem:s1] =	stream.indirect.scatter.add.f32 [tilespmem:s2], [sflag:$0x3], $0x80, s9, s0, $0xb8;
	[tilespmem:$0x1E000] =	vst v63  }
0x14f: {  	_ =	swait.ge [sflag:s29], $0x3E80  }
0x150: {  	[sflag:s29] =	ssyncset.done $0x0  }
0x151: {  	s9 =	rddreg [dreg:$0x10];
	[sflag:s29] =	ssyncadd.s32 $0xFFFFC180  }
0x152: {  	[tilespmem:s2], [sflag:$0x1] =	stream.indirect.gather [hbm4b:s4+s0], $0x80, s9, s0, $0xb8;
	[tilespmem:$0x1E000] =	vst v63  }
0x153: {  	_ =	swait.ge [sflag:s8], $0x3E80  }
0x154: {  	[sflag:s8] =	ssyncset.done $0x0  }
0x155: {  	s9 =	rddreg [dreg:$0x11];
	[sflag:s8] =	ssyncadd.s32 $0xFFFFC180  }
0x156: {  	[spmem:s1] =	stream.indirect.scatter.add.f32 [tilespmem:s6], [sflag:$0x3], $0x80, s9, s0, $0xb8;
	[tilespmem:$0x1E000] =	vst v63  }
0x157: {  	_ =	swait.ge [sflag:s29], $0x3E80  }
0x158: {  	[sflag:s29] =	ssyncset.done $0x0  }
0x159: {  	s9 =	rddreg [dreg:$0x12];
	[sflag:s29] =	ssyncadd.s32 $0xFFFFC180  }
0x15a: {  	[tilespmem:s6], [sflag:$0x2] =	stream.indirect.gather [hbm4b:s4+s0], $0x80, s9, s0, $0xb8;
	[tilespmem:$0x1E000] =	vst v63  }
0x15b: {  	_ =	swait.ge [sflag:s7], $0x3E80  }
0x15c: {  	[sflag:s7] =	ssyncset.done $0x0  }
0x15d: {  	s9 =	rddreg [dreg:$0x13];
	[sflag:s7] =	ssyncadd.s32 $0xFFFFC180  }
0x15e: {  	[spmem:s1] =	stream.indirect.scatter.add.f32 [tilespmem:s2], [sflag:$0x3], $0x80, s9, s0, $0xb8;
	[tilespmem:$0x1E000] =	vst v63  }
0x15f: {  	_ =	swait.ge [sflag:s29], $0x3E80  }
0x160: {  	[sflag:s29] =	ssyncset.done $0x0  }
0x161: {  	s9 =	rddreg [dreg:$0x14];
	[sflag:s29] =	ssyncadd.s32 $0xFFFFC180  }
0x162: {  	[tilespmem:s2], [sflag:$0x1] =	stream.indirect.gather [hbm4b:s4+s0], $0x80, s9, s0, $0xb8;
	[tilespmem:$0x1E000] =	vst v63  }
0x163: {  	_ =	swait.ge [sflag:s8], $0x3E80  }
0x164: {  	s10 =	smov.u32 s26;
	[sflag:s8] =	ssyncset.done $0x0  }
0x165: {  	s5 =	smov.u32 s10;
	s10 =	simm.s32 $0x14B80;
	[sflag:s8] =	ssyncadd.s32 $0xFFFFC180  }
0x166: {  	[spmem:s1] =	stream.indirect.scatter.add.f32 [tilespmem:s6], [sflag:$0x3], $0x80, s10, s0, $0xb8;
	[tilespmem:$0x1E000] =	vst v63  }
0x167: {  	_ =	swait.ge [sflag:s29], $0x3E80  }
0x168: {  	[sflag:s29] =	ssyncset.done $0x0  }
0x169: {  	[sflag:s29] =	ssyncadd.s32 $0xFFFFC180  }
0x16a: {  	[tilespmem:s6], [sflag:$0x2] =	stream.indirect.gather [hbm4b:s4+s0], $0x80, s11, s0, $0xb8;
	[tilespmem:$0x1E000] =	vst v63  }
0x16b: {  	_ =	swait.ge [sflag:s7], $0x3E80  }
0x16c: {  	[sflag:s7] =	ssyncset.done $0x0  }
0x16d: {  	[sflag:s7] =	ssyncadd.s32 $0xFFFFC180  }
0x16e: {  	[spmem:s1] =	stream.indirect.scatter.add.f32 [tilespmem:s2], [sflag:$0x3], $0x80, s12, s0, $0xb8;
	[tilespmem:$0x1E000] =	vst v63  }
0x16f: {  	_ =	swait.ge [sflag:s29], $0x3E80  }
0x170: {  	[sflag:s29] =	ssyncset.done $0x0  }
0x171: {  	[sflag:s29] =	ssyncadd.s32 $0xFFFFC180  }
0x172: {  	[tilespmem:s2], [sflag:$0x1] =	stream.indirect.gather [hbm4b:s4+s0], $0x80, s13, s0, $0xb8;
	[tilespmem:$0x1E000] =	vst v63  }
0x173: {  	_ =	swait.ge [sflag:s8], $0x3E80  }
0x174: {  	[sflag:s8] =	ssyncset.done $0x0  }
0x175: {  	[sflag:s8] =	ssyncadd.s32 $0xFFFFC180  }
0x176: {  	[spmem:s1] =	stream.indirect.scatter.add.f32 [tilespmem:s6], [sflag:$0x3], $0x80, s14, s0, $0xb8;
	[tilespmem:$0x1E000] =	vst v63  }
0x177: {  	_ =	swait.ge [sflag:s29], $0x3E80  }
0x178: {  	[sflag:s29] =	ssyncset.done $0x0  }
0x179: {  	[sflag:s29] =	ssyncadd.s32 $0xFFFFC180  }
0x17a: {  	[tilespmem:s6], [sflag:$0x2] =	stream.indirect.gather [hbm4b:s4+s0], $0x80, s15, s0, $0xb8;
	[tilespmem:$0x1E000] =	vst v63  }
0x17b: {  	_ =	swait.ge [sflag:s7], $0x3E80  }
0x17c: {  	[sflag:s7] =	ssyncset.done $0x0  }
0x17d: {  	[sflag:s7] =	ssyncadd.s32 $0xFFFFC180  }
0x17e: {  	[spmem:s1] =	stream.indirect.scatter.add.f32 [tilespmem:s2], [sflag:$0x3], $0x80, s16, s0, $0xb8;
	[tilespmem:$0x1E000] =	vst v63  }
0x17f: {  	_ =	swait.ge [sflag:s29], $0x3E80  }
0x180: {  	[sflag:s29] =	ssyncset.done $0x0  }
0x181: {  	[sflag:s29] =	ssyncadd.s32 $0xFFFFC180  }
0x182: {  	[tilespmem:s2], [sflag:$0x1] =	stream.indirect.gather [hbm4b:s4+s0], $0x80, s17, s0, $0xb8;
	[tilespmem:$0x1E000] =	vst v63  }
0x183: {  	_ =	swait.ge [sflag:s8], $0x3E80  }
0x184: {  	[sflag:s8] =	ssyncset.done $0x0  }
0x185: {  	[sflag:s8] =	ssyncadd.s32 $0xFFFFC180  }
0x186: {  	[spmem:s1] =	stream.indirect.scatter.add.f32 [tilespmem:s6], [sflag:$0x3], $0x80, s18, s0, $0xb8;
	[tilespmem:$0x1E000] =	vst v63  }
0x187: {  	_ =	swait.ge [sflag:s29], $0x3E80  }
0x188: {  	[sflag:s29] =	ssyncset.done $0x0  }
0x189: {  	[sflag:s29] =	ssyncadd.s32 $0xFFFFC180  }
0x18a: {  	[tilespmem:s6], [sflag:$0x2] =	stream.indirect.gather [hbm4b:s4+s0], $0x80, s19, s0, $0xb8;
	[tilespmem:$0x1E000] =	vst v63  }
0x18b: {  	_ =	swait.ge [sflag:s7], $0x3E80  }
0x18c: {  	[sflag:s7] =	ssyncset.done $0x0  }
0x18d: {  	[sflag:s7] =	ssyncadd.s32 $0xFFFFC180  }
0x18e: {  	[spmem:s1] =	stream.indirect.scatter.add.f32 [tilespmem:s2], [sflag:$0x3], $0x80, s20, s0, $0xb8;
	[tilespmem:$0x1E000] =	vst v63  }
0x18f: {  	_ =	swait.ge [sflag:s29], $0x3E80  }
0x190: {  	[sflag:s29] =	ssyncset.done $0x0  }
0x191: {  	[sflag:s29] =	ssyncadd.s32 $0xFFFFC180  }
0x192: {  	[tilespmem:s2], [sflag:$0x1] =	stream.indirect.gather [hbm4b:s4+s0], $0x80, s21, s0, $0xb8;
	[tilespmem:$0x1E000] =	vst v63  }
0x193: {  	_ =	swait.ge [sflag:s8], $0x3E80  }
0x194: {  	[sflag:s8] =	ssyncset.done $0x0  }
0x195: {  	[sflag:s8] =	ssyncadd.s32 $0xFFFFC180  }
0x196: {  	[spmem:s1] =	stream.indirect.scatter.add.f32 [tilespmem:s6], [sflag:$0x3], $0x80, s22, s0, $0xb8;
	[tilespmem:$0x1E000] =	vst v63  }
0x197: {  	_ =	swait.ge [sflag:s29], $0x3E80  }
0x198: {  	[sflag:s29] =	ssyncset.done $0x0  }
0x199: {  	[sflag:s29] =	ssyncadd.s32 $0xFFFFC180  }
0x19a: {  	[tilespmem:s6], [sflag:$0x2] =	stream.indirect.gather [hbm4b:s4+s0], $0x80, s24, s0, $0xb8;
	[tilespmem:$0x1E000] =	vst v63  }
0x19b: {  	_ =	swait.ge [sflag:s7], $0x3E80  }
0x19c: {  	[sflag:s7] =	ssyncset.done $0x0  }
0x19d: {  	[sflag:s7] =	ssyncadd.s32 $0xFFFFC180  }
0x19e: {  	[spmem:s1] =	stream.indirect.scatter.add.f32 [tilespmem:s2], [sflag:$0x3], $0x80, s25, s0, $0xb8;
	[tilespmem:$0x1E000] =	vst v63  }
0x19f: {  	_ =	swait.ge [sflag:s29], $0x3E80  }
0x1a0: {  	[sflag:s29] =	ssyncset.done $0x0  }
0x1a1: {  	[sflag:s29] =	ssyncadd.s32 $0xFFFFC180  }
0x1a2: {  	p0 =	sne.s32 s26, $0x400;
	_ =	swait.ge [sflag:s8], $0x3E80  }
.Ltmp1:
0x1a3: {  	[sflag:s8] =	ssyncset.done $0x0;
	(pc) =	sbr.rel @p0 .LBB2_4-.Ltmp1, $4  }
0x1a4: {  	s9 =	simm.s32 $0x14F80;
	[sflag:s8] =	ssyncadd.s32 $0xFFFFC180  }
0x1a5: {  	[spmem:s1] =	stream.indirect.scatter.add.f32 [tilespmem:s6], [sflag:$0x3], $0x80, s9, s0, $0xb8;
	[tilespmem:$0x1E000] =	vst v63  }
0x1a6: {  	_ =	swait.ge [sflag:s29], $0x3E80  }
0x1a7: {  	s26 =	sadd.s32 $0x100, s26;
	s9 =	rddreg [dreg:$0x5];
	[sflag:s29] =	ssyncset.done $0x0  }
0x1a8: {  	[sflag:s29] =	ssyncadd.s32 $0xFFFFC180;
	s9 =	sadd.s32 s5, s9  }
0x1a9: {  	[tilespmem:s30], [sflag:$0x3] =	stream.linear.gather [hbm4b:s9+s3], $0x800, $0x38;
	[tilespmem:$0x1E000] =	vst v63  }
0x1aa: {  	_ =	swait.ge [sflag:s29], $0x800  }
0x1ab: {  	s26 =	rddreg [dreg:$0x6];
	[sflag:s29] =	ssyncset.done $0x0  }
0x1ac: {  	[sflag:s29] =	ssyncadd.s32 $0xFFFFF800;
	s26 =	sadd.s32 s5, s26  }
0x1ad: {  	[tilespmem:s31], [sflag:$0x3] =	stream.linear.gather [hbm4b:s26+s3], $0x800, $0x38;
	[tilespmem:$0x1E000] =	vst v63  }
0x1ae: {  	_ =	swait.ge [sflag:s29], $0x800  }
0x1af: {  	[sflag:s29] =	ssyncset.done $0x0  }
0x1b0: {  	[sflag:s29] =	ssyncadd.s32 $0xFFFFF800  }
0x1b1: {  	[tilespmem:s2], [sflag:$0x1] =	stream.indirect.gather [hbm4b:s4+s0], $0x80, s30, s0, $0xb8;
	[tilespmem:$0x1E000] =	vst v63  }
0x1b2: {  	s9 =	rddreg [dreg:$0x7]  }
0x1b3: {  	[tilespmem:s6], [sflag:$0x2] =	stream.indirect.gather [hbm4b:s4+s0], $0x80, s9, s0, $0xb8;
	[tilespmem:$0x1E000] =	vst v63  }
0x1b4: {  	_ =	swait.ge [sflag:s7], $0x3E80  }
0x1b5: {  	[sflag:s7] =	ssyncset.done $0x0  }
0x1b6: {  	[sflag:s7] =	ssyncadd.s32 $0xFFFFC180  }
0x1b7: {  	[spmem:s1] =	stream.indirect.scatter.add.f32 [tilespmem:s2], [sflag:$0x3], $0x80, s31, s0, $0xb8;
	[tilespmem:$0x1E000] =	vst v63  }
0x1b8: {  	_ =	swait.ge [sflag:s29], $0x3E80  }
0x1b9: {  	[sflag:s29] =	ssyncset.done $0x0  }
0x1ba: {  	s26 =	rddreg [dreg:$0x8];
	[sflag:s29] =	ssyncadd.s32 $0xFFFFC180  }
0x1bb: {  	[tilespmem:s2], [sflag:$0x1] =	stream.indirect.gather [hbm4b:s4+s0], $0x80, s26, s0, $0xb8;
	[tilespmem:$0x1E000] =	vst v63  }
0x1bc: {  	_ =	swait.ge [sflag:s8], $0x3E80  }
0x1bd: {  	[sflag:s8] =	ssyncset.done $0x0  }
0x1be: {  	s9 =	rddreg [dreg:$0x9];
	[sflag:s8] =	ssyncadd.s32 $0xFFFFC180  }
0x1bf: {  	[spmem:s1] =	stream.indirect.scatter.add.f32 [tilespmem:s6], [sflag:$0x3], $0x80, s9, s0, $0xb8;
	[tilespmem:$0x1E000] =	vst v63  }
0x1c0: {  	_ =	swait.ge [sflag:s29], $0x3E80  }
0x1c1: {  	[sflag:s29] =	ssyncset.done $0x0  }
0x1c2: {  	s26 =	rddreg [dreg:$0xa];
	[sflag:s29] =	ssyncadd.s32 $0xFFFFC180  }
0x1c3: {  	[tilespmem:s6], [sflag:$0x2] =	stream.indirect.gather [hbm4b:s4+s0], $0x80, s26, s0, $0xb8;
	[tilespmem:$0x1E000] =	vst v63  }
0x1c4: {  	_ =	swait.ge [sflag:s7], $0x3E80  }
0x1c5: {  	[sflag:s7] =	ssyncset.done $0x0  }
0x1c6: {  	s9 =	rddreg [dreg:$0xb];
	[sflag:s7] =	ssyncadd.s32 $0xFFFFC180  }
0x1c7: {  	[spmem:s1] =	stream.indirect.scatter.add.f32 [tilespmem:s2], [sflag:$0x3], $0x80, s9, s0, $0xb8;
	[tilespmem:$0x1E000] =	vst v63  }
0x1c8: {  	_ =	swait.ge [sflag:s29], $0x3E80  }
0x1c9: {  	[sflag:s29] =	ssyncset.done $0x0  }
0x1ca: {  	s26 =	rddreg [dreg:$0xc];
	[sflag:s29] =	ssyncadd.s32 $0xFFFFC180  }
0x1cb: {  	[tilespmem:s2], [sflag:$0x1] =	stream.indirect.gather [hbm4b:s4+s0], $0x80, s26, s0, $0xb8;
	[tilespmem:$0x1E000] =	vst v63  }
0x1cc: {  	_ =	swait.ge [sflag:s8], $0x3E80  }
0x1cd: {  	[sflag:s8] =	ssyncset.done $0x0  }
0x1ce: {  	s9 =	rddreg [dreg:$0xd];
	[sflag:s8] =	ssyncadd.s32 $0xFFFFC180  }
0x1cf: {  	[spmem:s1] =	stream.indirect.scatter.add.f32 [tilespmem:s6], [sflag:$0x3], $0x80, s9, s0, $0xb8;
	[tilespmem:$0x1E000] =	vst v63  }
0x1d0: {  	_ =	swait.ge [sflag:s29], $0x3E80  }
0x1d1: {  	[sflag:s29] =	ssyncset.done $0x0  }
0x1d2: {  	s26 =	rddreg [dreg:$0xe];
	[sflag:s29] =	ssyncadd.s32 $0xFFFFC180  }
0x1d3: {  	[tilespmem:s6], [sflag:$0x2] =	stream.indirect.gather [hbm4b:s4+s0], $0x80, s26, s0, $0xb8;
	[tilespmem:$0x1E000] =	vst v63  }
0x1d4: {  	_ =	swait.ge [sflag:s7], $0x3E80  }
0x1d5: {  	[sflag:s7] =	ssyncset.done $0x0  }
0x1d6: {  	s9 =	rddreg [dreg:$0xf];
	[sflag:s7] =	ssyncadd.s32 $0xFFFFC180  }
0x1d7: {  	[spmem:s1] =	stream.indirect.scatter.add.f32 [tilespmem:s2], [sflag:$0x3], $0x80, s9, s0, $0xb8;
	[tilespmem:$0x1E000] =	vst v63  }
0x1d8: {  	_ =	swait.ge [sflag:s29], $0x3E80  }
0x1d9: {  	[sflag:s29] =	ssyncset.done $0x0  }
0x1da: {  	s26 =	rddreg [dreg:$0x10];
	[sflag:s29] =	ssyncadd.s32 $0xFFFFC180  }
0x1db: {  	[tilespmem:s2], [sflag:$0x1] =	stream.indirect.gather [hbm4b:s4+s0], $0x80, s26, s0, $0xb8;
	[tilespmem:$0x1E000] =	vst v63  }
0x1dc: {  	_ =	swait.ge [sflag:s8], $0x3E80  }
0x1dd: {  	[sflag:s8] =	ssyncset.done $0x0  }
0x1de: {  	s9 =	rddreg [dreg:$0x11];
	[sflag:s8] =	ssyncadd.s32 $0xFFFFC180  }
0x1df: {  	[spmem:s1] =	stream.indirect.scatter.add.f32 [tilespmem:s6], [sflag:$0x3], $0x80, s9, s0, $0xb8;
	[tilespmem:$0x1E000] =	vst v63  }
0x1e0: {  	_ =	swait.ge [sflag:s29], $0x3E80  }
0x1e1: {  	[sflag:s29] =	ssyncset.done $0x0  }
0x1e2: {  	s26 =	rddreg [dreg:$0x12];
	[sflag:s29] =	ssyncadd.s32 $0xFFFFC180  }
0x1e3: {  	[tilespmem:s6], [sflag:$0x2] =	stream.indirect.gather [hbm4b:s4+s0], $0x80, s26, s0, $0xb8;
	[tilespmem:$0x1E000] =	vst v63  }
0x1e4: {  	_ =	swait.ge [sflag:s7], $0x3E80  }
0x1e5: {  	[sflag:s7] =	ssyncset.done $0x0  }
0x1e6: {  	s9 =	rddreg [dreg:$0x13];
	[sflag:s7] =	ssyncadd.s32 $0xFFFFC180  }
0x1e7: {  	[spmem:s1] =	stream.indirect.scatter.add.f32 [tilespmem:s2], [sflag:$0x3], $0x80, s9, s0, $0xb8;
	[tilespmem:$0x1E000] =	vst v63  }
0x1e8: {  	_ =	swait.ge [sflag:s29], $0x3E80  }
0x1e9: {  	[sflag:s29] =	ssyncset.done $0x0  }
0x1ea: {  	s26 =	rddreg [dreg:$0x14];
	[sflag:s29] =	ssyncadd.s32 $0xFFFFC180  }
0x1eb: {  	[tilespmem:s2], [sflag:$0x1] =	stream.indirect.gather [hbm4b:s4+s0], $0x80, s26, s0, $0xb8;
	[tilespmem:$0x1E000] =	vst v63  }
0x1ec: {  	_ =	swait.ge [sflag:s8], $0x3E80  }
0x1ed: {  	[sflag:s8] =	ssyncset.done $0x0  }
0x1ee: {  	[sflag:s8] =	ssyncadd.s32 $0xFFFFC180  }
0x1ef: {  	[spmem:s1] =	stream.indirect.scatter.add.f32 [tilespmem:s6], [sflag:$0x3], $0x80, s10, s0, $0xb8;
	[tilespmem:$0x1E000] =	vst v63  }
0x1f0: {  	_ =	swait.ge [sflag:s29], $0x3E80  }
0x1f1: {  	[sflag:s29] =	ssyncset.done $0x0  }
0x1f2: {  	[sflag:s29] =	ssyncadd.s32 $0xFFFFC180  }
0x1f3: {  	[tilespmem:s6], [sflag:$0x2] =	stream.indirect.gather [hbm4b:s4+s0], $0x80, s11, s0, $0xb8;
	[tilespmem:$0x1E000] =	vst v63  }
0x1f4: {  	_ =	swait.ge [sflag:s7], $0x3E80  }
0x1f5: {  	[sflag:s7] =	ssyncset.done $0x0  }
0x1f6: {  	[sflag:s7] =	ssyncadd.s32 $0xFFFFC180  }
0x1f7: {  	[spmem:s1] =	stream.indirect.scatter.add.f32 [tilespmem:s2], [sflag:$0x3], $0x80, s12, s0, $0xb8;
	[tilespmem:$0x1E000] =	vst v63  }
0x1f8: {  	_ =	swait.ge [sflag:s29], $0x3E80  }
0x1f9: {  	[sflag:s29] =	ssyncset.done $0x0  }
0x1fa: {  	[sflag:s29] =	ssyncadd.s32 $0xFFFFC180  }
0x1fb: {  	[tilespmem:s2], [sflag:$0x1] =	stream.indirect.gather [hbm4b:s4+s0], $0x80, s13, s0, $0xb8;
	[tilespmem:$0x1E000] =	vst v63  }
0x1fc: {  	_ =	swait.ge [sflag:s8], $0x3E80  }
0x1fd: {  	[sflag:s8] =	ssyncset.done $0x0  }
0x1fe: {  	[sflag:s8] =	ssyncadd.s32 $0xFFFFC180  }
0x1ff: {  	[spmem:s1] =	stream.indirect.scatter.add.f32 [tilespmem:s6], [sflag:$0x3], $0x80, s14, s0, $0xb8;
	[tilespmem:$0x1E000] =	vst v63  }
0x200: {  	_ =	swait.ge [sflag:s29], $0x3E80  }
0x201: {  	[sflag:s29] =	ssyncset.done $0x0  }
0x202: {  	[sflag:s29] =	ssyncadd.s32 $0xFFFFC180  }
0x203: {  	[tilespmem:s6], [sflag:$0x2] =	stream.indirect.gather [hbm4b:s4+s0], $0x80, s15, s0, $0xb8;
	[tilespmem:$0x1E000] =	vst v63  }
0x204: {  	_ =	swait.ge [sflag:s7], $0x3E80  }
0x205: {  	[sflag:s7] =	ssyncset.done $0x0  }
0x206: {  	[sflag:s7] =	ssyncadd.s32 $0xFFFFC180  }
0x207: {  	[spmem:s1] =	stream.indirect.scatter.add.f32 [tilespmem:s2], [sflag:$0x3], $0x80, s16, s0, $0xb8;
	[tilespmem:$0x1E000] =	vst v63  }
0x208: {  	_ =	swait.ge [sflag:s29], $0x3E80  }
0x209: {  	[sflag:s29] =	ssyncset.done $0x0  }
0x20a: {  	[sflag:s29] =	ssyncadd.s32 $0xFFFFC180  }
0x20b: {  	[tilespmem:s2], [sflag:$0x1] =	stream.indirect.gather [hbm4b:s4+s0], $0x80, s17, s0, $0xb8;
	[tilespmem:$0x1E000] =	vst v63  }
0x20c: {  	_ =	swait.ge [sflag:s8], $0x3E80  }
0x20d: {  	[sflag:s8] =	ssyncset.done $0x0  }
0x20e: {  	[sflag:s8] =	ssyncadd.s32 $0xFFFFC180  }
0x20f: {  	[spmem:s1] =	stream.indirect.scatter.add.f32 [tilespmem:s6], [sflag:$0x3], $0x80, s18, s0, $0xb8;
	[tilespmem:$0x1E000] =	vst v63  }
0x210: {  	_ =	swait.ge [sflag:s29], $0x3E80  }
0x211: {  	[sflag:s29] =	ssyncset.done $0x0  }
0x212: {  	[sflag:s29] =	ssyncadd.s32 $0xFFFFC180  }
0x213: {  	[tilespmem:s6], [sflag:$0x2] =	stream.indirect.gather [hbm4b:s4+s0], $0x80, s19, s0, $0xb8;
	[tilespmem:$0x1E000] =	vst v63  }
0x214: {  	_ =	swait.ge [sflag:s7], $0x3E80  }
0x215: {  	[sflag:s7] =	ssyncset.done $0x0  }
0x216: {  	[sflag:s7] =	ssyncadd.s32 $0xFFFFC180  }
0x217: {  	[spmem:s1] =	stream.indirect.scatter.add.f32 [tilespmem:s2], [sflag:$0x3], $0x80, s20, s0, $0xb8;
	[tilespmem:$0x1E000] =	vst v63  }
0x218: {  	_ =	swait.ge [sflag:s29], $0x3E80  }
0x219: {  	[sflag:s29] =	ssyncset.done $0x0  }
0x21a: {  	[sflag:s29] =	ssyncadd.s32 $0xFFFFC180  }
0x21b: {  	[tilespmem:s2], [sflag:$0x1] =	stream.indirect.gather [hbm4b:s4+s0], $0x80, s21, s0, $0xb8;
	[tilespmem:$0x1E000] =	vst v63  }
0x21c: {  	_ =	swait.ge [sflag:s8], $0x3E80  }
0x21d: {  	[sflag:s8] =	ssyncset.done $0x0  }
0x21e: {  	[sflag:s8] =	ssyncadd.s32 $0xFFFFC180  }
0x21f: {  	[spmem:s1] =	stream.indirect.scatter.add.f32 [tilespmem:s6], [sflag:$0x3], $0x80, s22, s0, $0xb8;
	[tilespmem:$0x1E000] =	vst v63  }
0x220: {  	_ =	swait.ge [sflag:s29], $0x3E80  }
0x221: {  	[sflag:s29] =	ssyncset.done $0x0  }
0x222: {  	[sflag:s29] =	ssyncadd.s32 $0xFFFFC180  }
0x223: {  	[tilespmem:s6], [sflag:$0x2] =	stream.indirect.gather [hbm4b:s4+s0], $0x80, s24, s0, $0xb8;
	[tilespmem:$0x1E000] =	vst v63  }
0x224: {  	_ =	swait.ge [sflag:s7], $0x3E80  }
0x225: {  	[sflag:s7] =	ssyncset.done $0x0  }
0x226: {  	[sflag:s7] =	ssyncadd.s32 $0xFFFFC180  }
0x227: {  	[spmem:s1] =	stream.indirect.scatter.add.f32 [tilespmem:s2], [sflag:$0x3], $0x80, s25, s0, $0xb8;
	[tilespmem:$0x1E000] =	vst v63  }
0x228: {  	_ =	swait.ge [sflag:s29], $0x3E80  }
0x229: {  	[sflag:s29] =	ssyncset.done $0x0  }
0x22a: {  	[sflag:s29] =	ssyncadd.s32 $0xFFFFC180  }
0x22b: {  	_ =	swait.ge [sflag:s8], $0x3E80  }
0x22c: {  	[sflag:s8] =	ssyncset.done $0x0  }
0x22d: {  	s9 =	simm.s32 $0x14F80;
	[sflag:s8] =	ssyncadd.s32 $0xFFFFC180  }
0x22e: {  	[spmem:s1] =	stream.indirect.scatter.add.f32 [tilespmem:s6], [sflag:$0x3], $0x80, s9, s0, $0xb8;
	[tilespmem:$0x1E000] =	vst v63  }
0x22f: {  	_ =	swait.ge [sflag:s29], $0x3E80  }
0x230: {  	[sflag:s29] =	ssyncset.done $0x0  }
0x231: {  	[sflag:s29] =	ssyncadd.s32 $0xFFFFC180  }
0x232: {  	[bflag:$0x0] =	sbarrier.arrive $0xFFFF  }
0x233: {  	s26 =	rddreg [dreg:$0x15]  }
0x234: {  	[tilespmem:s28], [sflag:$0x3] =	stream.linear.gather [spmem:s26], $0x1000, $0x38;
	[tilespmem:$0x1E000] =	vst v63  }
0x235: {  	_ =	swait.ge [sflag:s29], $0x1000  }
0x236: {  	[sflag:s29] =	ssyncset.done $0x0  }
0x237: {  	s10 =	sadd.s32 $0x0, s23;
	[sflag:s29] =	ssyncadd.s32 $0xFFFFF000  }
0x238: {  	[hbm4b:s10+s3] =	stream.linear.scatter [tilespmem:s28], [sflag:$0x3], $0x1000, $0x38;
	[tilespmem:$0x1E000] =	vst v63  }
0x239: {  	_ =	swait.ge [sflag:s29], $0x1000  }
0x23a: {  	s5 =	simm.s32 $0x200;
	[sflag:s29] =	ssyncset.done $0x0  }
.LBB2_6:
0x23b: {  	p0 =	sne.s32 s5, $0x2600;
	[sflag:s29] =	ssyncadd.s32 $0xFFFFF000;
	s26 =	sadd.s32 $0x1000, s26  }
0x23c: {  	[tilespmem:s28], [sflag:$0x3] =	stream.linear.gather [spmem:s26], $0x1000, $0x38;
	[tilespmem:$0x1E000] =	vst v63  }
0x23d: {  	s9 =	smov.u32 s5;
	s5 =	sadd.s32 $0x200, s5;
	_ =	swait.ge [sflag:s29], $0x1000  }
.Ltmp2:
0x23e: {  	[sflag:s29] =	ssyncset.done $0x0;
	(pc) =	sbr.rel @p0 .LBB2_6-.Ltmp2, $4  }
0x23f: {  	s9 =	sadd.s32 s9, s23;
	[sflag:s29] =	ssyncadd.s32 $0xFFFFF000  }
0x240: {  	[hbm4b:s9+s3] =	stream.linear.scatter [tilespmem:s28], [sflag:$0x3], $0x1000, $0x38;
	[tilespmem:$0x1E000] =	vst v63  }
0x241: {  	_ =	swait.ge [sflag:s29], $0x1000  }
0x242: {  	[sflag:s29] =	ssyncset.done $0x0  }
0x243: {  	s9 =	sld [smem:$0x7F3];
	_ =	sdelay $0x2  }
0x244: {  	s5 =	rddreg [dreg:$0x16];
	s9 =	sadd.s32 $0x1, s9  }
0x245: {  	p0 =	sne.s32 s9, s5  }
.Ltmp3:
0x246: {  	_ = 	snop;
	(pc) =	sbr.rel @p0 .LBB2_1-.Ltmp3, $2  }
0x247: {  	_ =	sdelay $0x2  }
0x248: {  	[sflag:s29] =	ssyncadd.s32 $0xFFFFF000  }
0x249: {  	_ =	sfence.sel $0x180000  }
0x24a: {  	[bflag:$0x0] =	sbarrier.arrive $0xFFFF  }
0x24b: {  	_ =	strace $0x9000004A  }
0x24c: {  	s0 =	stileid.u32;
	[bflag:$0x2] =	sbarrier.arrive $0xFFFF  }
0x24d: {  	p0 =	sne.s32 s0, $0x0;
	s0 =	rddreg [dreg:$0x4]  }
0x24e: {  	s0 =	sadd.s32 @!p0 $0x100000, s0  }
0x24f: {  	[sflag:s0] =	ssyncadd.tile.s32 @!p0 $0x1;
	_ =	shalt  }
.Lfunc_end2:
_tile_overlayer_lowered:
.L_overlay_start_2:
0x250: {  	(tag) =	ssettag $0x2  }
0x251: {  	s0 =	rddreg [dreg:$0x0];
	s2 =	stileid.u32  }
0x252: {  	s1 =	rddreg [dreg:$0x1];
	p0 =	sne.s32 s2, $0x0  }
0x253: {  	s3 =	rddreg [dreg:$0x2];
	[bflag:$0x3] =	sbarrier.arrive $0xFFFF;
	s2 =	simm.s32 @!p0 $0x1C03  }
0x254: {  	[timem:s3], [sflag:s2] =	dma.local @!p0 [hbm:s0], s1  }
0x255: {  	s0 =	simm.s32 @!p0 $0x3  }
0x256: {  	_ =	swait.ge @!p0 [sflag:s0], s1  }
0x257: {  	s1 =	ssub.s32 @!p0 $0x0, s1;
	[sflag:s0] =	ssyncset.done @!p0 $0x0  }
0x258: {  	[sflag:s0] =	ssyncadd.s32 @!p0 s1  }
0x259: {  	[bflag:$0x3] =	sbarrier.arrive $0xFFFF  }
0x25a: {  	_ =	shalt  }

// kernel: kernel.15.cloned.1.call-start
scs
__scs_entry_jumppad:
0x0: {  	(pc) =	sbr.rel $0x88, $3  }
0x1: {  	(tag) =	ssettag $0x0;
	lr =	simm.s32 $0x1  }
0x2: {  	[smem:$0x3F94] =	sst lr;
	_ =	strace $0xD0000000  }
0x3: {  	_ = 	snop  }
0x4: {  	_ = 	snop  }
0x5: {  	_ = 	snop  }
0x6: {  	_ = 	snop  }
0x7: {  	_ = 	snop  }
__scs_overlays_trampoline_lowered:
0x8: {  	[smem:$0x3FA3] =	sst s0  }
0x9: {  	[smem:$0x3FA4] =	sst s1  }
0xa: {  	[smem:$0x3FA5] =	sst s2  }
0xb: {  	[smem:$0x3FA6] =	sst s3  }
0xc: {  	[smem:$0x3FA7] =	sst s4  }
0xd: {  	[smem:$0x3FA8] =	sst s5  }
0xe: {  	[smem:$0x3FA9] =	sst s6  }
0xf: {  	[smem:$0x3FAA] =	sst s7  }
0x10: {  	[smem:$0x3FAB] =	sst s8  }
0x11: {  	[smem:$0x3FAC] =	sst s9;
	s0 =	simm.s32 @!p0 $0x0  }
0x12: {  	s1 =	sld [smem:$0x3F92];
	s0 =	simm.s32 @p0 $0x1  }
0x13: {  	[smem:$0x3FAD] =	sst s0;
	s0 =	simm.s32 @!p1 $0x0  }
0x14: {  	s2 =	sld [smem:$0x3F91];
	s0 =	simm.s32 @p1 $0x1  }
0x15: {  	[smem:$0x3FAE] =	sst s0;
	s0 =	simm.s32 @!p2 $0x0  }
0x16: {  	s3 =	sld [smem:$0x3FDB];
	s0 =	simm.s32 @p2 $0x1  }
0x17: {  	s4 =	simm.s32 $0x1BF5;
	[smem:$0x3FB0] =	sst s0  }
0x18: {  	s0 =	sld [smem:$0x3F93];
	_ =	swait.ge [sflag:s4], $0x0  }
0x19: {  	s7 =	sld [smem:$0x3F94]  }
0x1a: {  	s8 =	sadd.s32 $0xFFFFE003, lr  }
0x1b: {  	s9 =	sadd.s32 $0xFFFFFEF7, lr;
	s5 =	simm.s32 $0xFFFFFFFF;
	p2 =	slt.u32 s8, $0xFFFFF086  }
0x1c: {  	p1 =	slt.u32 s9, $0xF7A;
	s5 =	simm.s32 @!p2 $0x0  }
0x1d: {  	s5 =	simm.s32 @p1 $0x1;
	p0 =	seq.s32 s7, s2  }
0x1e: {  	s7 =	smul.u32 @!p0 $0xF7A, s2;
	p2 =	seq.s32 @!p0 s5, $0x0  }
0x1f: {  	s9 =	smul.u32 $0xF7A, s1;
	s8 =	simm.s32 @!p0 $0x1BF5;
	p2 =	por !p2, p0  }
0x20: {  	[sflag:s8] =	ssyncset.s32 @!p0 $0xFFFFF086;
	s6 =	sadd.s32 @!p0 s3, s7;
	s7 =	simm.s32 @!p0 $0x108  }
0x21: {  	s3 =	sadd.s32 s3, s9;
	s6 =	sadd.s32 @!p0 $0x88, s6;
	s7 =	simm.s32 @p2 $0x1082  }
0x22: {  	[simem:s7], [sflag:s8] =	dma.local @!p0 [hbm:s6], $0xF7A  }
0x23: {  	s9 =	sor.u32 $0xD0000000, s2;
	s6 =	simm.s32 $0x108;
	_ =	swait.ge @!p0 [sflag:s8], $0x0  }
0x24: {  	s3 =	sadd.s32 $0x88, s3;
	s6 =	simm.s32 @!p1 $0x1082;
	[sflag:s4] =	ssyncset.s32 $0xFFFFF086  }
0x25: {  	[simem:s6], [sflag:s4] =	dma.local [hbm:s3], $0xF7A  }
0x26: {  	[smem:$0x3F94] =	sst s1;
	(tag) =	ssettag s2;
	_ =	strace s9  }
0x27: {  	s1 =	sld [smem:$0x3FA4]  }
0x28: {  	s2 =	sld [smem:$0x3FA5]  }
0x29: {  	s4 =	sld [smem:$0x3FA7]  }
0x2a: {  	p0 =	seq.s32 s5, $0x0;
	s5 =	sld [smem:$0x3FA8]  }
0x2b: {  	s6 =	sld [smem:$0x3FA9]  }
0x2c: {  	s7 =	sld [smem:$0x3FAA]  }
0x2d: {  	s3 =	simm.s32 $0x108;
	s8 =	sld [smem:$0x3FAB]  }
0x2e: {  	s3 =	simm.s32 @!p0 $0x1082;
	s9 =	sld [smem:$0x3FAC]  }
0x2f: {  	lr =	sadd.s32 s0, s3;
	s0 =	sld [smem:$0x3FA3]  }
0x30: {  	s3 =	sld [smem:$0x3FA6]  }
0x31: {  	[smem:$0x3FAF] =	sst s10  }
0x32: {  	s10 =	sld [smem:$0x3FAD];
	_ =	sdelay $0x3  }
0x33: {  	p0 =	seq.s32 s10, $0x1;
	s10 =	sld [smem:$0x3FAF];
	_ =	sdelay $0x3  }
0x34: {  	[smem:$0x3FAF] =	sst s10  }
0x35: {  	s10 =	sld [smem:$0x3FAE];
	_ =	sdelay $0x3  }
0x36: {  	p1 =	seq.s32 s10, $0x1;
	s10 =	sld [smem:$0x3FAF];
	_ =	sdelay $0x3  }
0x37: {  	[smem:$0x3FAF] =	sst s10  }
0x38: {  	s10 =	sld [smem:$0x3FB0]  }
0x39: {  	_ = 	snop;
	(pc) =	sbr.ind lr, $3  }
0x3a: {  	_ = 	snop  }
0x3b: {  	_ = 	snop  }
0x3c: {  	p2 =	seq.s32 s10, $0x1;
	s10 =	sld [smem:$0x3FAF]  }
0x3d: {  	_ =	shalt  }
0x3e: {  	_ =	shalt  }
0x3f: {  	_ =	shalt  }
0x40: {  	_ =	shalt  }
0x41: {  	_ =	shalt  }
0x42: {  	_ =	shalt  }
0x43: {  	_ =	shalt  }
0x44: {  	_ =	shalt  }
0x45: {  	_ =	shalt  }
0x46: {  	_ =	shalt  }
0x47: {  	_ =	shalt  }
0x48: {  	_ =	shalt  }
0x49: {  	_ =	shalt  }
0x4a: {  	_ =	shalt  }
0x4b: {  	_ =	shalt  }
0x4c: {  	_ =	shalt  }
0x4d: {  	_ =	shalt  }
0x4e: {  	_ =	shalt  }
0x4f: {  	_ =	shalt  }
0x50: {  	_ =	shalt  }
0x51: {  	_ =	shalt  }
0x52: {  	_ =	shalt  }
0x53: {  	_ =	shalt  }
0x54: {  	_ =	shalt  }
0x55: {  	_ =	shalt  }
0x56: {  	_ =	shalt  }
0x57: {  	_ =	shalt  }
0x58: {  	_ =	shalt  }
0x59: {  	_ =	shalt  }
0x5a: {  	_ =	shalt  }
0x5b: {  	_ =	shalt  }
0x5c: {  	_ =	shalt  }
0x5d: {  	_ =	shalt  }
0x5e: {  	_ =	shalt  }
0x5f: {  	_ =	shalt  }
0x60: {  	_ =	shalt  }
0x61: {  	_ =	shalt  }
0x62: {  	_ =	shalt  }
0x63: {  	_ =	shalt  }
0x64: {  	_ =	shalt  }
0x65: {  	_ =	shalt  }
0x66: {  	_ =	shalt  }
0x67: {  	_ =	shalt  }
0x68: {  	_ =	shalt  }
0x69: {  	_ =	shalt  }
0x6a: {  	_ =	shalt  }
0x6b: {  	_ =	shalt  }
0x6c: {  	_ =	shalt  }
0x6d: {  	_ =	shalt  }
0x6e: {  	_ =	shalt  }
0x6f: {  	_ =	shalt  }
0x70: {  	_ =	shalt  }
0x71: {  	_ =	shalt  }
0x72: {  	_ =	shalt  }
0x73: {  	_ =	shalt  }
0x74: {  	_ =	shalt  }
0x75: {  	_ =	shalt  }
0x76: {  	_ =	shalt  }
0x77: {  	_ =	shalt  }
0x78: {  	_ =	shalt  }
0x79: {  	_ =	shalt  }
0x7a: {  	_ =	shalt  }
0x7b: {  	_ =	shalt  }
0x7c: {  	_ =	shalt  }
0x7d: {  	_ =	shalt  }
0x7e: {  	_ =	shalt  }
0x7f: {  	_ =	shalt  }
0x80: {  	_ =	shalt  }
0x81: {  	_ =	shalt  }
0x82: {  	_ =	shalt  }
0x83: {  	_ =	shalt  }
0x84: {  	_ =	shalt  }
0x85: {  	_ =	shalt  }
0x86: {  	_ =	shalt  }
0x87: {  	_ =	shalt  }
.Lfunc_end0:
.L_simem_size_0:
called_computation.2_lowered:
.L_overlay_start_0:
0x88: {  	s2 =	sld [smem:$0x3FD9]  }
0x89: {  	s3 =	sld [smem:$0x3FFE];
	_ =	sdelay $0x1  }
0x8a: {  	s1 =	srdreg.scid  }
0x8b: {  	s0 =	sand.u32 $0x1, s1  }
0x8c: {  	s14 =	sshll.u32 s0, $0xA;
	s2 =	sadd.s32 s3, s2  }
0x8d: {  	s2 =	sadd.s32 s2, s14  }
0x8e: {  	[smem:$0x3FBB] =	sst s2  }
0x8f: {  	_ = 	snop  }
0x90: {  	s2 =	sld [smem:$0x3FD0];
	_ =	sdelay $0x2  }
0x91: {  	s15 =	simm.s32 $0xA;
	s4 =	simm.s32 $0x10  }
0x92: {  	[smem:s4], [sflag:s15] =	dma.local [hbm:s2], $0x1  }
0x93: {  	_ =	swait.eq [sflag:s15], $0x1  }
0x94: {  	[sflag:s15] =	ssyncset.done $0x0  }
0x95: {  	s16 =	sld [smem:$0x10];
	[sflag:s15] =	ssyncadd.s32 $0xFFFFFFFF  }
0x96: {  	s17 =	sld [smem:$0x11];
	(tm) =	ssettm $0x1  }
0x97: {  	s18 =	sld [smem:$0x3FFB];
	_ =	sdelay $0x3  }
0x98: {  	_ =	strace s18  }
0x99: {  	s4 =	sld [smem:$0x3FFC];
	_ =	sdelay $0x3  }
0x9a: {  	_ =	strace s4  }
0x9b: {  	s4 =	sld [smem:$0x3FFD];
	_ =	sdelay $0x3  }
0x9c: {  	_ =	strace s4  }
0x9d: {  	_ =	strace $0x8FFFFFFF  }
0x9e: {  	s19 =	sld [smem:$0x3FDB];
	_ =	sdelay $0x1  }
0x9f: {  	s5 =	simm.s32 $_scs_section_size  }
0xa0: {  	s6 =	simm.s32 $_size__tile_overlayer_lowered;
	s7 =	simm.s32 $_tile_overlayer_lowered  }
0xa1: {  	s22 =	simm.s32 $0x1BFF;
	s21 =	sshll.u32 s7, $0x1;
	s4 =	sadd.s32 s5, s19  }
0xa2: {  	s8 =	simm.s32 $0x0;
	s20 =	sshll.u32 s6, $0x1;
	s6 =	sadd.s32 s21, s4  }
0xa3: {  	[timem:s8], [sflag:s22] =	dma.local [hbm:s6], s20  }
0xa4: {  	_ =	swait.ge [sflag:s22], s20  }
0xa5: {  	s5 =	ssub.s32 $0x0, s20;
	[sflag:s22] =	ssyncset.done $0x0  }
0xa6: {  	[sflag:s22] =	ssyncadd.s32 s5;
	_ =	sdelay $0x1  }
0xa7: {  	s23 =	simm.s32 $0x1B8B  }
0xa8: {  	_ =	swait.ge [sflag:s23], $0x1  }
0xa9: {  	[sflag:s23] =	ssyncset.done $0x0  }
0xaa: {  	s25 =	simm.s32 $0x1B8E;
	s24 =	sld [smem:$0x3FFE];
	[sflag:s23] =	ssyncadd.s32 $0xFFFFFFFF  }
0xab: {  	s26 =	simm.s32 $execute0_lowered;
	[smem:$0x3FD2] =	sst s25  }
0xac: {  	s6 =	sshll.u32 s26, $0x1;
	_ =	strace $0x8000004C;
	[dreg:$0x1] =	wrdreg $0xFFFFFFFF  }
0xad: {  	s28 =	simm.s32 $_size_execute0_lowered;
	s4 =	sadd.s32 s4, s6;
	[dreg:$0x0] =	wrdreg $0x0  }
0xae: {  	s6 =	sshll.u32 s28, $0x1;
	[dreg:$0x2] =	wrdreg s4  }
0xaf: {  	[dreg:$0x3] =	wrdreg s6  }
0xb0: {  	[dreg:$0x4] =	wrdreg $0xC0  }
0xb1: {  	_ =	task [dreg:s8], $0x5FFFF  }
0xb2: {  	[dreg:$0x1] =	wrdreg $0xFFFFFFFF  }
0xb3: {  	[dreg:$0x0] =	wrdreg $0x60  }
0xb4: {  	[dreg:$0x2] =	wrdreg s17  }
0xb5: {  	[dreg:$0x3] =	wrdreg s24  }
0xb6: {  	[dreg:$0x4] =	wrdreg s16  }
0xb7: {  	[dreg:$0x5] =	wrdreg $0x0  }
0xb8: {  	[dreg:$0x6] =	wrdreg $0x9  }
0xb9: {  	_ =	task.clear_ibuf [dreg:s8], $0x7FFFF;
	_ =	strace $0x9000004C  }
0xba: {  	s29 =	simm.s32 $0x9;
	_ =	strace $0x8000004E  }
0xbb: {  	_ =	swait.ge [sflag:s29], $0x1  }
0xbc: {  	[sflag:s29] =	ssyncadd.s32 $0xFFFFFFFF  }
0xbd: {  	_ =	strace $0x9000004E  }
0xbe: {  	_ =	sfence  }
0xbf: {  	s30 =	sld [smem:$0x0];
	_ =	sdelay $0x2  }
0xc0: {  	s31 =	sshll.u32 s1, $0xD;
	s1 =	sshrl.u32 s1, $0x2  }
0xc1: {  	s3 =	sand.u32 $0x4000, s31;
	s1 =	sadd.s32 s1, s30  }
0xc2: {  	s0 =	sor.u32 s3, s0;
	s1 =	sshll.u32 s1, $0x11  }
0xc3: {  	s0 =	sor.u32 s1, s0  }
0xc4: {  	s0 =	sadd.s32 $0x8F2B, s0  }
0xc5: {  	[sflag:s0] =	ssyncadd.remote.s32 $0x1  }
0xc6: {  	_ =	sfence.sel $0xFFFF  }
0xc7: {  	[dreg:$0x0] =	wrdreg $0xFFFFFFFF;
	(pc) =	sbr.abs _section_cstart, $3  }
0xc8: {  	[dreg:$0x1] =	wrdreg $0xFFFFFFFF  }
0xc9: {  	_ =	task.clear_ibuf [dreg:s8], $0x2FFFF;
	_ =	strace $0x9FFFFFFF  }
0xca: {  	(tm) =	ssettm $0x7FFFFFFF  }
0xcb: {  	_ =	shalt  }
tec
execute0_lowered:
.L_overlay_start_1:
0x0: {  	(tag) =	ssettag $0x1  }
0x1: {  	s0 =	rddreg [dreg:$0x0]  }
0x2: {  	s1 =	rddreg [dreg:$0x1]  }
0x3: {  	s4 =	rddreg [dreg:$0x2];
	s11 =	stileid.u32  }
0x4: {  	s3 =	srdreg.scid;
	s2 =	rddreg [dreg:$0x3];
	s12 =	simm.s32 $0xC880  }
0x5: {  	s14 =	simm.s32 $0xC900;
	s15 =	simm.s32 $0xD080;
	s16 =	simm.s32 $0xC980  }
0x6: {  	s17 =	simm.s32 $0xD100;
	s6 =	sand.u32 $0x1, s3;
	s3 =	simm.s32 $0x0  }
0x7: {  	s18 =	simm.s32 $0xCA00;
	s19 =	simm.s32 $0xD180;
	[smem:$0x7FF] =	sst s3  }
0x8: {  	s20 =	simm.s32 $0xCA80;
	_ =	strace $0x8000004D;
	[dreg:$0x7] =	wrdreg s12  }
0x9: {  	s21 =	simm.s32 $0xD200;
	s22 =	simm.s32 $0xCB00;
	[dreg:$0x8] =	wrdreg s14  }
0xa: {  	s23 =	simm.s32 $0xD280;
	s24 =	simm.s32 $0xCB80;
	[dreg:$0x9] =	wrdreg s15  }
0xb: {  	s28 =	simm.s32 $0xD580;
	s5 =	smul.u32 $0xA00, s11;
	[dreg:$0xa] =	wrdreg s16  }
0xc: {  	s29 =	simm.s32 $0xCE80;
	s8 =	smul.u32 $0xC800, s11;
	[dreg:$0xb] =	wrdreg s17  }
0xd: {  	s30 =	simm.s32 $0xD600;
	s11 =	smul.u32 $0x32000, s11;
	[dreg:$0xc] =	wrdreg s18  }
0xe: {  	s31 =	simm.s32 $0xCF00;
	s7 =	smul.u32 $0xC8000, s6;
	[dreg:$0xd] =	wrdreg s19  }
0xf: {  	s25 =	ssub.s32 $0x2, s6;
	s6 =	smul.u32 $0x19000, s6;
	[dreg:$0xe] =	wrdreg s20  }
0x10: {  	s9 =	sadd.s32 s5, s1;
	s10 =	sshrl.u32 s25, $0x1;
	[dreg:$0xf] =	wrdreg s21  }
0x11: {  	s0 =	sadd.s32 s5, s0;
	s5 =	sshrl.u32 s11, $0x2;
	[dreg:$0x10] =	wrdreg s22  }
0x12: {  	s11 =	simm.s32 $0xD000;
	s12 =	simm.s32 $0x7D;
	[dreg:$0x11] =	wrdreg s23  }
0x13: {  	s14 =	simm.s32 $0xFF10;
	s15 =	simm.s32 $0x1;
	[dreg:$0x12] =	wrdreg s24  }
0x14: {  	s16 =	simm.s32 $0x2;
	s22 =	simm.s32 $0xCD00;
	s23 =	simm.s32 $0xD480  }
0x15: {  	s24 =	simm.s32 $0xCD80;
	s7 =	sadd.s32 s8, s7;
	s26 =	ssub.s32 s25, s10  }
0x16: {  	s10 =	sadd.s32 $0x5E400, s9;
	s4 =	sadd.s32 s4, s6;
	[dreg:$0x6] =	wrdreg s0  }
0x17: {  	s6 =	sadd.s32 s5, s2;
	s8 =	simm.s32 $0x12620;
	s9 =	simm.s32 $0x3  }
0x18: {  	s25 =	simm.s32 $0xD300;
	s0 =	simm.s32 $0x0;
	s7 =	sshrl.u32 s7, $0x3  }
0x19: {  	[dreg:$0x5] =	wrdreg s10;
	s13 =	smax.u32 s26, $0x1;
	s10 =	simm.s32 $0xC800  }
0x1a: {  	[dreg:$0x13] =	wrdreg s25;
	s26 =	simm.s32 $0xCC00;
	s25 =	simm.s32 $0xD500  }
0x1b: {  	s1 =	sadd.s32 s7, s1;
	[dreg:$0x15] =	wrdreg s13;
	s13 =	simm.s32 $0xD800  }
0x1c: {  	v0 =	vimm.f32 $0.0e+00;
	[dreg:$0x14] =	wrdreg s26;
	s26 =	simm.s32 $0xCE00;
	s7 =	sadd.s32 $0x4400, s1  }
.LBB2_1:
0x1d: {  	s5 =	smul.u32 $0xCD, s3;
	_ =	sdelay $0x1  }
0x1e: {  	s5 =	sshrl.u32 s5, $0xA  }
0x1f: {  	s17 =	sand.u32 $0x3F, s5  }
0x20: {  	s5 =	simm.s32 $0x1;
	s18 =	smul.u32 $0x5, s17  }
0x21: {  	s20 =	smul.u32 $0xCD, s5  }
0x22: {  	s1 =	smul.u32 $0x140, s17;
	s18 =	ssub.s32 $0x0, s18  }
0x23: {  	s17 =	simm.s32 $0x2;
	s19 =	sand.u32 $0xFF, s18  }
0x24: {  	s20 =	sshrl.u32 s20, $0xA;
	s18 =	sshrl.u32 s1, $0x2;
	s19 =	sshll.u32 s19, $0x4  }
.LBB2_2:
0x25: {  	s21 =	smul.u32 $0xCD, s17;
	s20 =	sand.u32 $0x3F, s20  }
0x26: {  	s18 =	sadd.s32 s19, s18;
	p0 =	sne.s32 s17, $0x9F;
	s19 =	smul.u32 $0x5, s20  }
.Ltmp0:
0x27: {  	[tilespmem:s18+$0x12620] =	vst v0;
	(pc) =	sbr.rel @p0 .LBB2_2-.Ltmp0, $4  }
0x28: {  	s18 =	smul.u32 $0x140, s20;
	s20 =	smov.u32 s17  }
0x29: {  	s17 =	sadd.s32 $0x1, s17;
	s5 =	ssub.s32 s5, s19  }
0x2a: {  	s19 =	sand.u32 $0xFF, s5;
	s5 =	smov.u32 s20  }
0x2b: {  	s18 =	sshrl.u32 s18, $0x2;
	s20 =	sshrl.u32 s21, $0xA;
	s19 =	sshll.u32 s19, $0x4  }
0x2c: {  	s17 =	sand.u32 $0x3F, s20  }
0x2d: {  	s20 =	smul.u32 $0x5, s17;
	_ =	sdelay $0x1  }
0x2e: {  	s17 =	smul.u32 $0x140, s17;
	s5 =	ssub.s32 s5, s20  }
0x2f: {  	s5 =	sand.u32 $0xFF, s5  }
0x30: {  	s18 =	sadd.s32 s19, s18;
	s17 =	sshrl.u32 s17, $0x2;
	s5 =	sshll.u32 s5, $0x4  }
0x31: {  	[tilespmem:s18+$0x12620] =	vst v0;
	s5 =	sadd.s32 s5, s17  }
0x32: {  	[dreg:$0x16] =	wrdreg s0;
	s21 =	sadd.s32 $0x0, s6;
	[tilespmem:s5+$0x12620] =	vst v0  }
0x33: {  	[spmem:s21] =	stream.linear.scatter [tilespmem:s8], [sflag:$0x3], $0xA00, $0x38;
	[tilespmem:$0x13020] =	vst v63  }
0x34: {  	s5 =	simm.s32 $0x2800;
	_ =	swait.ge [sflag:s9], $0xA00  }
.LBB2_4:
0x35: {  	s17 =	sshra.s32 s5, $0x2;
	[sflag:s9] =	ssyncset.done $0x0;
	p0 =	sne.s32 s5, $0x2F800  }
.Ltmp1:
0x36: {  	s17 =	sadd.s32 s17, s6;
	[sflag:s9] =	ssyncadd.s32 $0xFFFFF600;
	(pc) =	sbr.rel @p0 .LBB2_4-.Ltmp1, $3  }
0x37: {  	[spmem:s17] =	stream.linear.scatter [tilespmem:s8], [sflag:$0x3], $0xA00, $0x38;
	[tilespmem:$0x13020] =	vst v63  }
0x38: {  	s5 =	sadd.s32 $0x2800, s5;
	_ =	sdelay $0x1  }
0x39: {  	_ =	swait.ge [sflag:s9], $0xA00  }
0x3a: {  	[sflag:s9] =	ssyncset.done $0x0  }
0x3b: {  	[sflag:s9] =	ssyncadd.s32 $0xFFFFF600  }
0x3c: {  	[bflag:$0x0] =	sbarrier.arrive $0xFFFF  }
0x3d: {  	s5 =	rddreg [dreg:$0x6]  }
0x3e: {  	s5 =	sadd.s32 $0x0, s5  }
0x3f: {  	[tilespmem:s10], [sflag:$0x3] =	stream.linear.gather [hbm4b:s5+s3], $0x800, $0x38;
	[tilespmem:$0x13020] =	vst v63  }
0x40: {  	_ =	swait.ge [sflag:s9], $0x800  }
0x41: {  	s1 =	rddreg [dreg:$0x5];
	[sflag:s9] =	ssyncset.done $0x0  }
0x42: {  	[sflag:s9] =	ssyncadd.s32 $0xFFFFF800;
	s5 =	sadd.s32 $0x0, s1  }
0x43: {  	[tilespmem:s11], [sflag:$0x3] =	stream.linear.gather [hbm4b:s5+s3], $0x800, $0x38;
	[tilespmem:$0x13020] =	vst v63  }
0x44: {  	_ =	swait.ge [sflag:s9], $0x800  }
0x45: {  	[sflag:s9] =	ssyncset.done $0x0  }
0x46: {  	[sflag:s9] =	ssyncadd.s32 $0xFFFFF800  }
0x47: {  	[tilespmem:s13], [sflag:$0x1] =	stream.indirect.gather [hbm4b:s4+s12], $0x50, s10, s12, $0xb8;
	[tilespmem:$0x13020] =	vst v63  }
0x48: {  	s17 =	rddreg [dreg:$0x7]  }
0x49: {  	[tilespmem:s14], [sflag:$0x2] =	stream.indirect.gather [hbm4b:s4+s12], $0x50, s17, s12, $0xb8;
	[tilespmem:$0x13020] =	vst v63  }
0x4a: {  	_ =	swait.ge [sflag:s15], $0x2710  }
0x4b: {  	[sflag:s15] =	ssyncset.done $0x0  }
0x4c: {  	[sflag:s15] =	ssyncadd.s32 $0xFFFFD8F0  }
0x4d: {  	[spmem:s2] =	stream.indirect.scatter.add.f32 [tilespmem:s13], [sflag:$0x3], $0x50, s11, s12, $0xb8;
	[tilespmem:$0x13020] =	vst v63  }
0x4e: {  	_ =	swait.ge [sflag:s9], $0x2710  }
0x4f: {  	[sflag:s9] =	ssyncset.done $0x0  }
0x50: {  	s18 =	rddreg [dreg:$0x8];
	[sflag:s9] =	ssyncadd.s32 $0xFFFFD8F0  }
0x51: {  	[tilespmem:s13], [sflag:$0x1] =	stream.indirect.gather [hbm4b:s4+s12], $0x50, s18, s12, $0xb8;
	[tilespmem:$0x13020] =	vst v63  }
0x52: {  	_ =	swait.ge [sflag:s16], $0x2710  }
0x53: {  	[sflag:s16] =	ssyncset.done $0x0  }
0x54: {  	s19 =	rddreg [dreg:$0x9];
	[sflag:s16] =	ssyncadd.s32 $0xFFFFD8F0  }
0x55: {  	[spmem:s2] =	stream.indirect.scatter.add.f32 [tilespmem:s14], [sflag:$0x3], $0x50, s19, s12, $0xb8;
	[tilespmem:$0x13020] =	vst v63  }
0x56: {  	_ =	swait.ge [sflag:s9], $0x2710  }
0x57: {  	[sflag:s9] =	ssyncset.done $0x0  }
0x58: {  	s20 =	rddreg [dreg:$0xa];
	[sflag:s9] =	ssyncadd.s32 $0xFFFFD8F0  }
0x59: {  	[tilespmem:s14], [sflag:$0x2] =	stream.indirect.gather [hbm4b:s4+s12], $0x50, s20, s12, $0xb8;
	[tilespmem:$0x13020] =	vst v63  }
0x5a: {  	_ =	swait.ge [sflag:s15], $0x2710  }
0x5b: {  	[sflag:s15] =	ssyncset.done $0x0  }
0x5c: {  	s21 =	rddreg [dreg:$0xb];
	[sflag:s15] =	ssyncadd.s32 $0xFFFFD8F0  }
0x5d: {  	[spmem:s2] =	stream.indirect.scatter.add.f32 [tilespmem:s13], [sflag:$0x3], $0x50, s21, s12, $0xb8;
	[tilespmem:$0x13020] =	vst v63  }
0x5e: {  	_ =	swait.ge [sflag:s9], $0x2710  }
0x5f: {  	[sflag:s9] =	ssyncset.done $0x0  }
0x60: {  	s0 =	rddreg [dreg:$0xc];
	[sflag:s9] =	ssyncadd.s32 $0xFFFFD8F0  }
0x61: {  	[tilespmem:s13], [sflag:$0x1] =	stream.indirect.gather [hbm4b:s4+s12], $0x50, s0, s12, $0xb8;
	[tilespmem:$0x13020] =	vst v63  }
0x62: {  	_ =	swait.ge [sflag:s16], $0x2710  }
0x63: {  	[sflag:s16] =	ssyncset.done $0x0  }
0x64: {  	s1 =	rddreg [dreg:$0xd];
	[sflag:s16] =	ssyncadd.s32 $0xFFFFD8F0  }
0x65: {  	[spmem:s2] =	stream.indirect.scatter.add.f32 [tilespmem:s14], [sflag:$0x3], $0x50, s1, s12, $0xb8;
	[tilespmem:$0x13020] =	vst v63  }
0x66: {  	_ =	swait.ge [sflag:s9], $0x2710  }
0x67: {  	[sflag:s9] =	ssyncset.done $0x0  }
0x68: {  	s17 =	rddreg [dreg:$0xe];
	[sflag:s9] =	ssyncadd.s32 $0xFFFFD8F0  }
0x69: {  	[tilespmem:s14], [sflag:$0x2] =	stream.indirect.gather [hbm4b:s4+s12], $0x50, s17, s12, $0xb8;
	[tilespmem:$0x13020] =	vst v63  }
0x6a: {  	_ =	swait.ge [sflag:s15], $0x2710  }
0x6b: {  	[sflag:s15] =	ssyncset.done $0x0  }
0x6c: {  	s18 =	rddreg [dreg:$0xf];
	[sflag:s15] =	ssyncadd.s32 $0xFFFFD8F0  }
0x6d: {  	[spmem:s2] =	stream.indirect.scatter.add.f32 [tilespmem:s13], [sflag:$0x3], $0x50, s18, s12, $0xb8;
	[tilespmem:$0x13020] =	vst v63  }
0x6e: {  	_ =	swait.ge [sflag:s9], $0x2710  }
0x6f: {  	[sflag:s9] =	ssyncset.done $0x0  }
0x70: {  	s19 =	rddreg [dreg:$0x10];
	[sflag:s9] =	ssyncadd.s32 $0xFFFFD8F0  }
0x71: {  	[tilespmem:s13], [sflag:$0x1] =	stream.indirect.gather [hbm4b:s4+s12], $0x50, s19, s12, $0xb8;
	[tilespmem:$0x13020] =	vst v63  }
0x72: {  	_ =	swait.ge [sflag:s16], $0x2710  }
0x73: {  	[sflag:s16] =	ssyncset.done $0x0  }
0x74: {  	s20 =	rddreg [dreg:$0x11];
	[sflag:s16] =	ssyncadd.s32 $0xFFFFD8F0  }
0x75: {  	[spmem:s2] =	stream.indirect.scatter.add.f32 [tilespmem:s14], [sflag:$0x3], $0x50, s20, s12, $0xb8;
	[tilespmem:$0x13020] =	vst v63  }
0x76: {  	_ =	swait.ge [sflag:s9], $0x2710  }
0x77: {  	[sflag:s9] =	ssyncset.done $0x0  }
0x78: {  	s21 =	rddreg [dreg:$0x12];
	[sflag:s9] =	ssyncadd.s32 $0xFFFFD8F0  }
0x79: {  	[tilespmem:s14], [sflag:$0x2] =	stream.indirect.gather [hbm4b:s4+s12], $0x50, s21, s12, $0xb8;
	[tilespmem:$0x13020] =	vst v63  }
0x7a: {  	_ =	swait.ge [sflag:s15], $0x2710  }
0x7b: {  	[sflag:s15] =	ssyncset.done $0x0  }
0x7c: {  	s0 =	rddreg [dreg:$0x13];
	[sflag:s15] =	ssyncadd.s32 $0xFFFFD8F0  }
0x7d: {  	[spmem:s2] =	stream.indirect.scatter.add.f32 [tilespmem:s13], [sflag:$0x3], $0x50, s0, s12, $0xb8;
	[tilespmem:$0x13020] =	vst v63  }
0x7e: {  	_ =	swait.ge [sflag:s9], $0x2710  }
0x7f: {  	[sflag:s9] =	ssyncset.done $0x0  }
0x80: {  	s1 =	rddreg [dreg:$0x14];
	[sflag:s9] =	ssyncadd.s32 $0xFFFFD8F0  }
0x81: {  	[tilespmem:s13], [sflag:$0x1] =	stream.indirect.gather [hbm4b:s4+s12], $0x50, s1, s12, $0xb8;
	[tilespmem:$0x13020] =	vst v63  }
0x82: {  	_ =	swait.ge [sflag:s16], $0x2710  }
0x83: {  	[sflag:s16] =	ssyncset.done $0x0  }
0x84: {  	s20 =	simm.s32 $0xD380;
	[sflag:s16] =	ssyncadd.s32 $0xFFFFD8F0  }
0x85: {  	[spmem:s2] =	stream.indirect.scatter.add.f32 [tilespmem:s14], [sflag:$0x3], $0x50, s20, s12, $0xb8;
	[tilespmem:$0x13020] =	vst v63  }
0x86: {  	_ =	swait.ge [sflag:s9], $0x2710  }
0x87: {  	[sflag:s9] =	ssyncset.done $0x0  }
0x88: {  	s21 =	simm.s32 $0xCC80;
	[sflag:s9] =	ssyncadd.s32 $0xFFFFD8F0  }
0x89: {  	[tilespmem:s14], [sflag:$0x2] =	stream.indirect.gather [hbm4b:s4+s12], $0x50, s21, s12, $0xb8;
	[tilespmem:$0x13020] =	vst v63  }
0x8a: {  	_ =	swait.ge [sflag:s15], $0x2710  }
0x8b: {  	[sflag:s15] =	ssyncset.done $0x0  }
0x8c: {  	s17 =	simm.s32 $0xD400;
	[sflag:s15] =	ssyncadd.s32 $0xFFFFD8F0  }
0x8d: {  	[spmem:s2] =	stream.indirect.scatter.add.f32 [tilespmem:s13], [sflag:$0x3], $0x50, s17, s12, $0xb8;
	[tilespmem:$0x13020] =	vst v63  }
0x8e: {  	_ =	swait.ge [sflag:s9], $0x2710  }
0x8f: {  	[sflag:s9] =	ssyncset.done $0x0  }
0x90: {  	[sflag:s9] =	ssyncadd.s32 $0xFFFFD8F0  }
0x91: {  	[tilespmem:s13], [sflag:$0x1] =	stream.indirect.gather [hbm4b:s4+s12], $0x50, s22, s12, $0xb8;
	[tilespmem:$0x13020] =	vst v63  }
0x92: {  	_ =	swait.ge [sflag:s16], $0x2710  }
0x93: {  	[sflag:s16] =	ssyncset.done $0x0  }
0x94: {  	[sflag:s16] =	ssyncadd.s32 $0xFFFFD8F0  }
0x95: {  	[spmem:s2] =	stream.indirect.scatter.add.f32 [tilespmem:s14], [sflag:$0x3], $0x50, s23, s12, $0xb8;
	[tilespmem:$0x13020] =	vst v63  }
0x96: {  	_ =	swait.ge [sflag:s9], $0x2710  }
0x97: {  	[sflag:s9] =	ssyncset.done $0x0  }
0x98: {  	[sflag:s9] =	ssyncadd.s32 $0xFFFFD8F0  }
0x99: {  	[tilespmem:s14], [sflag:$0x2] =	stream.indirect.gather [hbm4b:s4+s12], $0x50, s24, s12, $0xb8;
	[tilespmem:$0x13020] =	vst v63  }
0x9a: {  	_ =	swait.ge [sflag:s15], $0x2710  }
0x9b: {  	[sflag:s15] =	ssyncset.done $0x0  }
0x9c: {  	[sflag:s15] =	ssyncadd.s32 $0xFFFFD8F0  }
0x9d: {  	[spmem:s2] =	stream.indirect.scatter.add.f32 [tilespmem:s13], [sflag:$0x3], $0x50, s25, s12, $0xb8;
	[tilespmem:$0x13020] =	vst v63  }
0x9e: {  	_ =	swait.ge [sflag:s9], $0x2710  }
0x9f: {  	[sflag:s9] =	ssyncset.done $0x0  }
0xa0: {  	[sflag:s9] =	ssyncadd.s32 $0xFFFFD8F0  }
0xa1: {  	[tilespmem:s13], [sflag:$0x1] =	stream.indirect.gather [hbm4b:s4+s12], $0x50, s26, s12, $0xb8;
	[tilespmem:$0x13020] =	vst v63  }
0xa2: {  	_ =	swait.ge [sflag:s16], $0x2710  }
0xa3: {  	[sflag:s16] =	ssyncset.done $0x0  }
0xa4: {  	[sflag:s16] =	ssyncadd.s32 $0xFFFFD8F0  }
0xa5: {  	[spmem:s2] =	stream.indirect.scatter.add.f32 [tilespmem:s14], [sflag:$0x3], $0x50, s28, s12, $0xb8;
	[tilespmem:$0x13020] =	vst v63  }
0xa6: {  	_ =	swait.ge [sflag:s9], $0x2710  }
0xa7: {  	[sflag:s9] =	ssyncset.done $0x0  }
0xa8: {  	[sflag:s9] =	ssyncadd.s32 $0xFFFFD8F0  }
0xa9: {  	[tilespmem:s14], [sflag:$0x2] =	stream.indirect.gather [hbm4b:s4+s12], $0x50, s29, s12, $0xb8;
	[tilespmem:$0x13020] =	vst v63  }
0xaa: {  	_ =	swait.ge [sflag:s15], $0x2710  }
0xab: {  	[sflag:s15] =	ssyncset.done $0x0  }
0xac: {  	[sflag:s15] =	ssyncadd.s32 $0xFFFFD8F0  }
0xad: {  	[spmem:s2] =	stream.indirect.scatter.add.f32 [tilespmem:s13], [sflag:$0x3], $0x50, s30, s12, $0xb8;
	[tilespmem:$0x13020] =	vst v63  }
0xae: {  	_ =	swait.ge [sflag:s9], $0x2710  }
0xaf: {  	[sflag:s9] =	ssyncset.done $0x0  }
0xb0: {  	[sflag:s9] =	ssyncadd.s32 $0xFFFFD8F0  }
0xb1: {  	[tilespmem:s13], [sflag:$0x1] =	stream.indirect.gather [hbm4b:s4+s12], $0x50, s31, s12, $0xb8;
	[tilespmem:$0x13020] =	vst v63  }
0xb2: {  	_ =	swait.ge [sflag:s16], $0x2710  }
0xb3: {  	[sflag:s16] =	ssyncset.done $0x0  }
0xb4: {  	s1 =	simm.s32 $0xD680;
	[sflag:s16] =	ssyncadd.s32 $0xFFFFD8F0  }
0xb5: {  	[spmem:s2] =	stream.indirect.scatter.add.f32 [tilespmem:s14], [sflag:$0x3], $0x50, s1, s12, $0xb8;
	[tilespmem:$0x13020] =	vst v63  }
0xb6: {  	_ =	swait.ge [sflag:s9], $0x2710  }
0xb7: {  	[sflag:s9] =	ssyncset.done $0x0  }
0xb8: {  	s0 =	simm.s32 $0xCF80;
	[sflag:s9] =	ssyncadd.s32 $0xFFFFD8F0  }
0xb9: {  	[tilespmem:s14], [sflag:$0x2] =	stream.indirect.gather [hbm4b:s4+s12], $0x50, s0, s12, $0xb8;
	[tilespmem:$0x13020] =	vst v63  }
0xba: {  	_ =	swait.ge [sflag:s15], $0x2710  }
0xbb: {  	[sflag:s15] =	ssyncset.done $0x0  }
0xbc: {  	s18 =	simm.s32 $0xD700;
	[sflag:s15] =	ssyncadd.s32 $0xFFFFD8F0  }
0xbd: {  	[spmem:s2] =	stream.indirect.scatter.add.f32 [tilespmem:s13], [sflag:$0x3], $0x50, s18, s12, $0xb8;
	[tilespmem:$0x13020] =	vst v63  }
0xbe: {  	_ =	swait.ge [sflag:s9], $0x2710  }
0xbf: {  	[sflag:s9] =	ssyncset.done $0x0  }
0xc0: {  	[sflag:s9] =	ssyncadd.s32 $0xFFFFD8F0  }
0xc1: {  	_ =	swait.ge [sflag:s16], $0x2710  }
0xc2: {  	[sflag:s16] =	ssyncset.done $0x0  }
0xc3: {  	s19 =	simm.s32 $0xD780;
	[sflag:s16] =	ssyncadd.s32 $0xFFFFD8F0  }
0xc4: {  	[spmem:s2] =	stream.indirect.scatter.add.f32 [tilespmem:s14], [sflag:$0x3], $0x50, s19, s12, $0xb8;
	[tilespmem:$0x13020] =	vst v63  }
0xc5: {  	s5 =	simm.s32 $0x100;
	_ =	swait.ge [sflag:s9], $0x2710  }
0xc6: {  	s17 =	simm.s32 $0x200;
	s18 =	rddreg [dreg:$0x6];
	[sflag:s9] =	ssyncset.done $0x0  }
.LBB2_6:
0xc7: {  	[sflag:s9] =	ssyncadd.s32 $0xFFFFD8F0;
	s18 =	sadd.s32 s5, s18  }
0xc8: {  	[tilespmem:s10], [sflag:$0x3] =	stream.linear.gather [hbm4b:s18+s3], $0x800, $0x38;
	[tilespmem:$0x13020] =	vst v63  }
0xc9: {  	_ =	swait.ge [sflag:s9], $0x800  }
0xca: {  	s18 =	rddreg [dreg:$0x5];
	[sflag:s9] =	ssyncset.done $0x0  }
0xcb: {  	[sflag:s9] =	ssyncadd.s32 $0xFFFFF800;
	s18 =	sadd.s32 s5, s18  }
0xcc: {  	[tilespmem:s11], [sflag:$0x3] =	stream.linear.gather [hbm4b:s18+s3], $0x800, $0x38;
	[tilespmem:$0x13020] =	vst v63  }
0xcd: {  	_ =	swait.ge [sflag:s9], $0x800  }
0xce: {  	[sflag:s9] =	ssyncset.done $0x0  }
0xcf: {  	[sflag:s9] =	ssyncadd.s32 $0xFFFFF800  }
0xd0: {  	[tilespmem:s13], [sflag:$0x1] =	stream.indirect.gather [hbm4b:s4+s12], $0x50, s10, s12, $0xb8;
	[tilespmem:$0x13020] =	vst v63  }
0xd1: {  	s18 =	rddreg [dreg:$0x7]  }
0xd2: {  	[tilespmem:s14], [sflag:$0x2] =	stream.indirect.gather [hbm4b:s4+s12], $0x50, s18, s12, $0xb8;
	[tilespmem:$0x13020] =	vst v63  }
0xd3: {  	_ =	swait.ge [sflag:s15], $0x2710  }
0xd4: {  	[sflag:s15] =	ssyncset.done $0x0  }
0xd5: {  	[sflag:s15] =	ssyncadd.s32 $0xFFFFD8F0  }
0xd6: {  	[spmem:s2] =	stream.indirect.scatter.add.f32 [tilespmem:s13], [sflag:$0x3], $0x50, s11, s12, $0xb8;
	[tilespmem:$0x13020] =	vst v63  }
0xd7: {  	_ =	swait.ge [sflag:s9], $0x2710  }
0xd8: {  	[sflag:s9] =	ssyncset.done $0x0  }
0xd9: {  	s18 =	rddreg [dreg:$0x8];
	[sflag:s9] =	ssyncadd.s32 $0xFFFFD8F0  }
0xda: {  	[tilespmem:s13], [sflag:$0x1] =	stream.indirect.gather [hbm4b:s4+s12], $0x50, s18, s12, $0xb8;
	[tilespmem:$0x13020] =	vst v63  }
0xdb: {  	_ =	swait.ge [sflag:s16], $0x2710  }
0xdc: {  	[sflag:s16] =	ssyncset.done $0x0  }
0xdd: {  	s18 =	rddreg [dreg:$0x9];
	[sflag:s16] =	ssyncadd.s32 $0xFFFFD8F0  }
0xde: {  	[spmem:s2] =	stream.indirect.scatter.add.f32 [tilespmem:s14], [sflag:$0x3], $0x50, s18, s12, $0xb8;
	[tilespmem:$0x13020] =	vst v63  }
0xdf: {  	_ =	swait.ge [sflag:s9], $0x2710  }
0xe0: {  	[sflag:s9] =	ssyncset.done $0x0  }
0xe1: {  	s18 =	rddreg [dreg:$0xa];
	[sflag:s9] =	ssyncadd.s32 $0xFFFFD8F0  }
0xe2: {  	[tilespmem:s14], [sflag:$0x2] =	stream.indirect.gather [hbm4b:s4+s12], $0x50, s18, s12, $0xb8;
	[tilespmem:$0x13020] =	vst v63  }
0xe3: {  	_ =	swait.ge [sflag:s15], $0x2710  }
0xe4: {  	[sflag:s15] =	ssyncset.done $0x0  }
0xe5: {  	s18 =	rddreg [dreg:$0xb];
	[sflag:s15] =	ssyncadd.s32 $0xFFFFD8F0  }
0xe6: {  	[spmem:s2] =	stream.indirect.scatter.add.f32 [tilespmem:s13], [sflag:$0x3], $0x50, s18, s12, $0xb8;
	[tilespmem:$0x13020] =	vst v63  }
0xe7: {  	_ =	swait.ge [sflag:s9], $0x2710  }
0xe8: {  	[sflag:s9] =	ssyncset.done $0x0  }
0xe9: {  	s18 =	rddreg [dreg:$0xc];
	[sflag:s9] =	ssyncadd.s32 $0xFFFFD8F0  }
0xea: {  	[tilespmem:s13], [sflag:$0x1] =	stream.indirect.gather [hbm4b:s4+s12], $0x50, s18, s12, $0xb8;
	[tilespmem:$0x13020] =	vst v63  }
0xeb: {  	_ =	swait.ge [sflag:s16], $0x2710  }
0xec: {  	[sflag:s16] =	ssyncset.done $0x0  }
0xed: {  	s18 =	rddreg [dreg:$0xd];
	[sflag:s16] =	ssyncadd.s32 $0xFFFFD8F0  }
0xee: {  	[spmem:s2] =	stream.indirect.scatter.add.f32 [tilespmem:s14], [sflag:$0x3], $0x50, s18, s12, $0xb8;
	[tilespmem:$0x13020] =	vst v63  }
0xef: {  	_ =	swait.ge [sflag:s9], $0x2710  }
0xf0: {  	[sflag:s9] =	ssyncset.done $0x0  }
0xf1: {  	s18 =	rddreg [dreg:$0xe];
	[sflag:s9] =	ssyncadd.s32 $0xFFFFD8F0  }
0xf2: {  	[tilespmem:s14], [sflag:$0x2] =	stream.indirect.gather [hbm4b:s4+s12], $0x50, s18, s12, $0xb8;
	[tilespmem:$0x13020] =	vst v63  }
0xf3: {  	_ =	swait.ge [sflag:s15], $0x2710  }
0xf4: {  	[sflag:s15] =	ssyncset.done $0x0  }
0xf5: {  	s18 =	rddreg [dreg:$0xf];
	[sflag:s15] =	ssyncadd.s32 $0xFFFFD8F0  }
0xf6: {  	[spmem:s2] =	stream.indirect.scatter.add.f32 [tilespmem:s13], [sflag:$0x3], $0x50, s18, s12, $0xb8;
	[tilespmem:$0x13020] =	vst v63  }
0xf7: {  	_ =	swait.ge [sflag:s9], $0x2710  }
0xf8: {  	[sflag:s9] =	ssyncset.done $0x0  }
0xf9: {  	s18 =	rddreg [dreg:$0x10];
	[sflag:s9] =	ssyncadd.s32 $0xFFFFD8F0  }
0xfa: {  	[tilespmem:s13], [sflag:$0x1] =	stream.indirect.gather [hbm4b:s4+s12], $0x50, s18, s12, $0xb8;
	[tilespmem:$0x13020] =	vst v63  }
0xfb: {  	_ =	swait.ge [sflag:s16], $0x2710  }
0xfc: {  	[sflag:s16] =	ssyncset.done $0x0  }
0xfd: {  	s18 =	rddreg [dreg:$0x11];
	[sflag:s16] =	ssyncadd.s32 $0xFFFFD8F0  }
0xfe: {  	[spmem:s2] =	stream.indirect.scatter.add.f32 [tilespmem:s14], [sflag:$0x3], $0x50, s18, s12, $0xb8;
	[tilespmem:$0x13020] =	vst v63  }
0xff: {  	_ =	swait.ge [sflag:s9], $0x2710  }
0x100: {  	[sflag:s9] =	ssyncset.done $0x0  }
0x101: {  	s18 =	rddreg [dreg:$0x12];
	[sflag:s9] =	ssyncadd.s32 $0xFFFFD8F0  }
0x102: {  	[tilespmem:s14], [sflag:$0x2] =	stream.indirect.gather [hbm4b:s4+s12], $0x50, s18, s12, $0xb8;
	[tilespmem:$0x13020] =	vst v63  }
0x103: {  	_ =	swait.ge [sflag:s15], $0x2710  }
0x104: {  	[sflag:s15] =	ssyncset.done $0x0  }
0x105: {  	s18 =	rddreg [dreg:$0x13];
	[sflag:s15] =	ssyncadd.s32 $0xFFFFD8F0  }
0x106: {  	[spmem:s2] =	stream.indirect.scatter.add.f32 [tilespmem:s13], [sflag:$0x3], $0x50, s18, s12, $0xb8;
	[tilespmem:$0x13020] =	vst v63  }
0x107: {  	_ =	swait.ge [sflag:s9], $0x2710  }
0x108: {  	[sflag:s9] =	ssyncset.done $0x0  }
0x109: {  	s18 =	rddreg [dreg:$0x14];
	[sflag:s9] =	ssyncadd.s32 $0xFFFFD8F0  }
0x10a: {  	[tilespmem:s13], [sflag:$0x1] =	stream.indirect.gather [hbm4b:s4+s12], $0x50, s18, s12, $0xb8;
	[tilespmem:$0x13020] =	vst v63  }
0x10b: {  	_ =	swait.ge [sflag:s16], $0x2710  }
0x10c: {  	[sflag:s16] =	ssyncset.done $0x0  }
0x10d: {  	[sflag:s16] =	ssyncadd.s32 $0xFFFFD8F0  }
0x10e: {  	[spmem:s2] =	stream.indirect.scatter.add.f32 [tilespmem:s14], [sflag:$0x3], $0x50, s20, s12, $0xb8;
	[tilespmem:$0x13020] =	vst v63  }
0x10f: {  	_ =	swait.ge [sflag:s9], $0x2710  }
0x110: {  	[sflag:s9] =	ssyncset.done $0x0  }
0x111: {  	[sflag:s9] =	ssyncadd.s32 $0xFFFFD8F0  }
0x112: {  	[tilespmem:s14], [sflag:$0x2] =	stream.indirect.gather [hbm4b:s4+s12], $0x50, s21, s12, $0xb8;
	[tilespmem:$0x13020] =	vst v63  }
0x113: {  	_ =	swait.ge [sflag:s15], $0x2710  }
0x114: {  	s19 =	smov.u32 s17;
	[sflag:s15] =	ssyncset.done $0x0  }
0x115: {  	s5 =	smov.u32 s19;
	s19 =	simm.s32 $0xD400;
	[sflag:s15] =	ssyncadd.s32 $0xFFFFD8F0  }
0x116: {  	[spmem:s2] =	stream.indirect.scatter.add.f32 [tilespmem:s13], [sflag:$0x3], $0x50, s19, s12, $0xb8;
	[tilespmem:$0x13020] =	vst v63  }
0x117: {  	_ =	swait.ge [sflag:s9], $0x2710  }
0x118: {  	[sflag:s9] =	ssyncset.done $0x0  }
0x119: {  	[sflag:s9] =	ssyncadd.s32 $0xFFFFD8F0  }
0x11a: {  	[tilespmem:s13], [sflag:$0x1] =	stream.indirect.gather [hbm4b:s4+s12], $0x50, s22, s12, $0xb8;
	[tilespmem:$0x13020] =	vst v63  }
0x11b: {  	_ =	swait.ge [sflag:s16], $0x2710  }
0x11c: {  	[sflag:s16] =	ssyncset.done $0x0  }
0x11d: {  	[sflag:s16] =	ssyncadd.s32 $0xFFFFD8F0  }
0x11e: {  	[spmem:s2] =	stream.indirect.scatter.add.f32 [tilespmem:s14], [sflag:$0x3], $0x50, s23, s12, $0xb8;
	[tilespmem:$0x13020] =	vst v63  }
0x11f: {  	_ =	swait.ge [sflag:s9], $0x2710  }
0x120: {  	[sflag:s9] =	ssyncset.done $0x0  }
0x121: {  	[sflag:s9] =	ssyncadd.s32 $0xFFFFD8F0  }
0x122: {  	[tilespmem:s14], [sflag:$0x2] =	stream.indirect.gather [hbm4b:s4+s12], $0x50, s24, s12, $0xb8;
	[tilespmem:$0x13020] =	vst v63  }
0x123: {  	_ =	swait.ge [sflag:s15], $0x2710  }
0x124: {  	[sflag:s15] =	ssyncset.done $0x0  }
0x125: {  	[sflag:s15] =	ssyncadd.s32 $0xFFFFD8F0  }
0x126: {  	[spmem:s2] =	stream.indirect.scatter.add.f32 [tilespmem:s13], [sflag:$0x3], $0x50, s25, s12, $0xb8;
	[tilespmem:$0x13020] =	vst v63  }
0x127: {  	_ =	swait.ge [sflag:s9], $0x2710  }
0x128: {  	[sflag:s9] =	ssyncset.done $0x0  }
0x129: {  	[sflag:s9] =	ssyncadd.s32 $0xFFFFD8F0  }
0x12a: {  	[tilespmem:s13], [sflag:$0x1] =	stream.indirect.gather [hbm4b:s4+s12], $0x50, s26, s12, $0xb8;
	[tilespmem:$0x13020] =	vst v63  }
0x12b: {  	_ =	swait.ge [sflag:s16], $0x2710  }
0x12c: {  	[sflag:s16] =	ssyncset.done $0x0  }
0x12d: {  	[sflag:s16] =	ssyncadd.s32 $0xFFFFD8F0  }
0x12e: {  	[spmem:s2] =	stream.indirect.scatter.add.f32 [tilespmem:s14], [sflag:$0x3], $0x50, s28, s12, $0xb8;
	[tilespmem:$0x13020] =	vst v63  }
0x12f: {  	_ =	swait.ge [sflag:s9], $0x2710  }
0x130: {  	[sflag:s9] =	ssyncset.done $0x0  }
0x131: {  	[sflag:s9] =	ssyncadd.s32 $0xFFFFD8F0  }
0x132: {  	[tilespmem:s14], [sflag:$0x2] =	stream.indirect.gather [hbm4b:s4+s12], $0x50, s29, s12, $0xb8;
	[tilespmem:$0x13020] =	vst v63  }
0x133: {  	_ =	swait.ge [sflag:s15], $0x2710  }
0x134: {  	[sflag:s15] =	ssyncset.done $0x0  }
0x135: {  	[sflag:s15] =	ssyncadd.s32 $0xFFFFD8F0  }
0x136: {  	[spmem:s2] =	stream.indirect.scatter.add.f32 [tilespmem:s13], [sflag:$0x3], $0x50, s30, s12, $0xb8;
	[tilespmem:$0x13020] =	vst v63  }
0x137: {  	_ =	swait.ge [sflag:s9], $0x2710  }
0x138: {  	[sflag:s9] =	ssyncset.done $0x0  }
0x139: {  	[sflag:s9] =	ssyncadd.s32 $0xFFFFD8F0  }
0x13a: {  	[tilespmem:s13], [sflag:$0x1] =	stream.indirect.gather [hbm4b:s4+s12], $0x50, s31, s12, $0xb8;
	[tilespmem:$0x13020] =	vst v63  }
0x13b: {  	_ =	swait.ge [sflag:s16], $0x2710  }
0x13c: {  	[sflag:s16] =	ssyncset.done $0x0  }
0x13d: {  	[sflag:s16] =	ssyncadd.s32 $0xFFFFD8F0  }
0x13e: {  	[spmem:s2] =	stream.indirect.scatter.add.f32 [tilespmem:s14], [sflag:$0x3], $0x50, s1, s12, $0xb8;
	[tilespmem:$0x13020] =	vst v63  }
0x13f: {  	_ =	swait.ge [sflag:s9], $0x2710  }
0x140: {  	[sflag:s9] =	ssyncset.done $0x0  }
0x141: {  	[sflag:s9] =	ssyncadd.s32 $0xFFFFD8F0  }
0x142: {  	[tilespmem:s14], [sflag:$0x2] =	stream.indirect.gather [hbm4b:s4+s12], $0x50, s0, s12, $0xb8;
	[tilespmem:$0x13020] =	vst v63  }
0x143: {  	_ =	swait.ge [sflag:s15], $0x2710  }
0x144: {  	[sflag:s15] =	ssyncset.done $0x0  }
0x145: {  	s18 =	simm.s32 $0xD700;
	[sflag:s15] =	ssyncadd.s32 $0xFFFFD8F0  }
0x146: {  	[spmem:s2] =	stream.indirect.scatter.add.f32 [tilespmem:s13], [sflag:$0x3], $0x50, s18, s12, $0xb8;
	[tilespmem:$0x13020] =	vst v63  }
0x147: {  	_ =	swait.ge [sflag:s9], $0x2710  }
0x148: {  	[sflag:s9] =	ssyncset.done $0x0  }
0x149: {  	[sflag:s9] =	ssyncadd.s32 $0xFFFFD8F0  }
0x14a: {  	p0 =	sne.s32 s17, $0x900;
	_ =	swait.ge [sflag:s16], $0x2710  }
.Ltmp2:
0x14b: {  	[sflag:s16] =	ssyncset.done $0x0;
	(pc) =	sbr.rel @p0 .LBB2_6-.Ltmp2, $4  }
0x14c: {  	s18 =	simm.s32 $0xD780;
	[sflag:s16] =	ssyncadd.s32 $0xFFFFD8F0  }
0x14d: {  	[spmem:s2] =	stream.indirect.scatter.add.f32 [tilespmem:s14], [sflag:$0x3], $0x50, s18, s12, $0xb8;
	[tilespmem:$0x13020] =	vst v63  }
0x14e: {  	_ =	swait.ge [sflag:s9], $0x2710  }
0x14f: {  	s17 =	sadd.s32 $0x100, s17;
	s18 =	rddreg [dreg:$0x6];
	[sflag:s9] =	ssyncset.done $0x0  }
0x150: {  	[sflag:s9] =	ssyncadd.s32 $0xFFFFD8F0;
	s17 =	sadd.s32 s5, s18  }
0x151: {  	[tilespmem:s10], [sflag:$0x3] =	stream.linear.gather [hbm4b:s17+s3], $0x800, $0x38;
	[tilespmem:$0x13020] =	vst v63  }
0x152: {  	_ =	swait.ge [sflag:s9], $0x800  }
0x153: {  	s18 =	rddreg [dreg:$0x5];
	[sflag:s9] =	ssyncset.done $0x0  }
0x154: {  	[sflag:s9] =	ssyncadd.s32 $0xFFFFF800;
	s18 =	sadd.s32 s5, s18  }
0x155: {  	[tilespmem:s11], [sflag:$0x3] =	stream.linear.gather [hbm4b:s18+s3], $0x800, $0x38;
	[tilespmem:$0x13020] =	vst v63  }
0x156: {  	_ =	swait.ge [sflag:s9], $0x800  }
0x157: {  	[sflag:s9] =	ssyncset.done $0x0  }
0x158: {  	[sflag:s9] =	ssyncadd.s32 $0xFFFFF800  }
0x159: {  	[tilespmem:s13], [sflag:$0x1] =	stream.indirect.gather [hbm4b:s4+s12], $0x50, s10, s12, $0xb8;
	[tilespmem:$0x13020] =	vst v63  }
0x15a: {  	s17 =	rddreg [dreg:$0x7]  }
0x15b: {  	[tilespmem:s14], [sflag:$0x2] =	stream.indirect.gather [hbm4b:s4+s12], $0x50, s17, s12, $0xb8;
	[tilespmem:$0x13020] =	vst v63  }
0x15c: {  	_ =	swait.ge [sflag:s15], $0x2710  }
0x15d: {  	[sflag:s15] =	ssyncset.done $0x0  }
0x15e: {  	[sflag:s15] =	ssyncadd.s32 $0xFFFFD8F0  }
0x15f: {  	[spmem:s2] =	stream.indirect.scatter.add.f32 [tilespmem:s13], [sflag:$0x3], $0x50, s11, s12, $0xb8;
	[tilespmem:$0x13020] =	vst v63  }
0x160: {  	_ =	swait.ge [sflag:s9], $0x2710  }
0x161: {  	[sflag:s9] =	ssyncset.done $0x0  }
0x162: {  	s18 =	rddreg [dreg:$0x8];
	[sflag:s9] =	ssyncadd.s32 $0xFFFFD8F0  }
0x163: {  	[tilespmem:s13], [sflag:$0x1] =	stream.indirect.gather [hbm4b:s4+s12], $0x50, s18, s12, $0xb8;
	[tilespmem:$0x13020] =	vst v63  }
0x164: {  	_ =	swait.ge [sflag:s16], $0x2710  }
0x165: {  	[sflag:s16] =	ssyncset.done $0x0  }
0x166: {  	s17 =	rddreg [dreg:$0x9];
	[sflag:s16] =	ssyncadd.s32 $0xFFFFD8F0  }
0x167: {  	[spmem:s2] =	stream.indirect.scatter.add.f32 [tilespmem:s14], [sflag:$0x3], $0x50, s17, s12, $0xb8;
	[tilespmem:$0x13020] =	vst v63  }
0x168: {  	_ =	swait.ge [sflag:s9], $0x2710  }
0x169: {  	[sflag:s9] =	ssyncset.done $0x0  }
0x16a: {  	s18 =	rddreg [dreg:$0xa];
	[sflag:s9] =	ssyncadd.s32 $0xFFFFD8F0  }
0x16b: {  	[tilespmem:s14], [sflag:$0x2] =	stream.indirect.gather [hbm4b:s4+s12], $0x50, s18, s12, $0xb8;
	[tilespmem:$0x13020] =	vst v63  }
0x16c: {  	_ =	swait.ge [sflag:s15], $0x2710  }
0x16d: {  	[sflag:s15] =	ssyncset.done $0x0  }
0x16e: {  	s17 =	rddreg [dreg:$0xb];
	[sflag:s15] =	ssyncadd.s32 $0xFFFFD8F0  }
0x16f: {  	[spmem:s2] =	stream.indirect.scatter.add.f32 [tilespmem:s13], [sflag:$0x3], $0x50, s17, s12, $0xb8;
	[tilespmem:$0x13020] =	vst v63  }
0x170: {  	_ =	swait.ge [sflag:s9], $0x2710  }
0x171: {  	[sflag:s9] =	ssyncset.done $0x0  }
0x172: {  	s18 =	rddreg [dreg:$0xc];
	[sflag:s9] =	ssyncadd.s32 $0xFFFFD8F0  }
0x173: {  	[tilespmem:s13], [sflag:$0x1] =	stream.indirect.gather [hbm4b:s4+s12], $0x50, s18, s12, $0xb8;
	[tilespmem:$0x13020] =	vst v63  }
0x174: {  	_ =	swait.ge [sflag:s16], $0x2710  }
0x175: {  	[sflag:s16] =	ssyncset.done $0x0  }
0x176: {  	s17 =	rddreg [dreg:$0xd];
	[sflag:s16] =	ssyncadd.s32 $0xFFFFD8F0  }
0x177: {  	[spmem:s2] =	stream.indirect.scatter.add.f32 [tilespmem:s14], [sflag:$0x3], $0x50, s17, s12, $0xb8;
	[tilespmem:$0x13020] =	vst v63  }
0x178: {  	_ =	swait.ge [sflag:s9], $0x2710  }
0x179: {  	[sflag:s9] =	ssyncset.done $0x0  }
0x17a: {  	s18 =	rddreg [dreg:$0xe];
	[sflag:s9] =	ssyncadd.s32 $0xFFFFD8F0  }
0x17b: {  	[tilespmem:s14], [sflag:$0x2] =	stream.indirect.gather [hbm4b:s4+s12], $0x50, s18, s12, $0xb8;
	[tilespmem:$0x13020] =	vst v63  }
0x17c: {  	_ =	swait.ge [sflag:s15], $0x2710  }
0x17d: {  	[sflag:s15] =	ssyncset.done $0x0  }
0x17e: {  	s17 =	rddreg [dreg:$0xf];
	[sflag:s15] =	ssyncadd.s32 $0xFFFFD8F0  }
0x17f: {  	[spmem:s2] =	stream.indirect.scatter.add.f32 [tilespmem:s13], [sflag:$0x3], $0x50, s17, s12, $0xb8;
	[tilespmem:$0x13020] =	vst v63  }
0x180: {  	_ =	swait.ge [sflag:s9], $0x2710  }
0x181: {  	[sflag:s9] =	ssyncset.done $0x0  }
0x182: {  	s18 =	rddreg [dreg:$0x10];
	[sflag:s9] =	ssyncadd.s32 $0xFFFFD8F0  }
0x183: {  	[tilespmem:s13], [sflag:$0x1] =	stream.indirect.gather [hbm4b:s4+s12], $0x50, s18, s12, $0xb8;
	[tilespmem:$0x13020] =	vst v63  }
0x184: {  	_ =	swait.ge [sflag:s16], $0x2710  }
0x185: {  	[sflag:s16] =	ssyncset.done $0x0  }
0x186: {  	s17 =	rddreg [dreg:$0x11];
	[sflag:s16] =	ssyncadd.s32 $0xFFFFD8F0  }
0x187: {  	[spmem:s2] =	stream.indirect.scatter.add.f32 [tilespmem:s14], [sflag:$0x3], $0x50, s17, s12, $0xb8;
	[tilespmem:$0x13020] =	vst v63  }
0x188: {  	_ =	swait.ge [sflag:s9], $0x2710  }
0x189: {  	[sflag:s9] =	ssyncset.done $0x0  }
0x18a: {  	s18 =	rddreg [dreg:$0x12];
	[sflag:s9] =	ssyncadd.s32 $0xFFFFD8F0  }
0x18b: {  	[tilespmem:s14], [sflag:$0x2] =	stream.indirect.gather [hbm4b:s4+s12], $0x50, s18, s12, $0xb8;
	[tilespmem:$0x13020] =	vst v63  }
0x18c: {  	_ =	swait.ge [sflag:s15], $0x2710  }
0x18d: {  	[sflag:s15] =	ssyncset.done $0x0  }
0x18e: {  	s17 =	rddreg [dreg:$0x13];
	[sflag:s15] =	ssyncadd.s32 $0xFFFFD8F0  }
0x18f: {  	[spmem:s2] =	stream.indirect.scatter.add.f32 [tilespmem:s13], [sflag:$0x3], $0x50, s17, s12, $0xb8;
	[tilespmem:$0x13020] =	vst v63  }
0x190: {  	_ =	swait.ge [sflag:s9], $0x2710  }
0x191: {  	[sflag:s9] =	ssyncset.done $0x0  }
0x192: {  	s18 =	rddreg [dreg:$0x14];
	[sflag:s9] =	ssyncadd.s32 $0xFFFFD8F0  }
0x193: {  	[tilespmem:s13], [sflag:$0x1] =	stream.indirect.gather [hbm4b:s4+s12], $0x50, s18, s12, $0xb8;
	[tilespmem:$0x13020] =	vst v63  }
0x194: {  	_ =	swait.ge [sflag:s16], $0x2710  }
0x195: {  	[sflag:s16] =	ssyncset.done $0x0  }
0x196: {  	[sflag:s16] =	ssyncadd.s32 $0xFFFFD8F0  }
0x197: {  	[spmem:s2] =	stream.indirect.scatter.add.f32 [tilespmem:s14], [sflag:$0x3], $0x50, s20, s12, $0xb8;
	[tilespmem:$0x13020] =	vst v63  }
0x198: {  	_ =	swait.ge [sflag:s9], $0x2710  }
0x199: {  	[sflag:s9] =	ssyncset.done $0x0  }
0x19a: {  	[sflag:s9] =	ssyncadd.s32 $0xFFFFD8F0  }
0x19b: {  	[tilespmem:s14], [sflag:$0x2] =	stream.indirect.gather [hbm4b:s4+s12], $0x50, s21, s12, $0xb8;
	[tilespmem:$0x13020] =	vst v63  }
0x19c: {  	_ =	swait.ge [sflag:s15], $0x2710  }
0x19d: {  	[sflag:s15] =	ssyncset.done $0x0  }
0x19e: {  	[sflag:s15] =	ssyncadd.s32 $0xFFFFD8F0  }
0x19f: {  	[spmem:s2] =	stream.indirect.scatter.add.f32 [tilespmem:s13], [sflag:$0x3], $0x50, s19, s12, $0xb8;
	[tilespmem:$0x13020] =	vst v63  }
0x1a0: {  	_ =	swait.ge [sflag:s9], $0x2710  }
0x1a1: {  	[sflag:s9] =	ssyncset.done $0x0  }
0x1a2: {  	[sflag:s9] =	ssyncadd.s32 $0xFFFFD8F0  }
0x1a3: {  	[tilespmem:s13], [sflag:$0x1] =	stream.indirect.gather [hbm4b:s4+s12], $0x50, s22, s12, $0xb8;
	[tilespmem:$0x13020] =	vst v63  }
0x1a4: {  	_ =	swait.ge [sflag:s16], $0x2710  }
0x1a5: {  	[sflag:s16] =	ssyncset.done $0x0  }
0x1a6: {  	[sflag:s16] =	ssyncadd.s32 $0xFFFFD8F0  }
0x1a7: {  	[spmem:s2] =	stream.indirect.scatter.add.f32 [tilespmem:s14], [sflag:$0x3], $0x50, s23, s12, $0xb8;
	[tilespmem:$0x13020] =	vst v63  }
0x1a8: {  	_ =	swait.ge [sflag:s9], $0x2710  }
0x1a9: {  	[sflag:s9] =	ssyncset.done $0x0  }
0x1aa: {  	[sflag:s9] =	ssyncadd.s32 $0xFFFFD8F0  }
0x1ab: {  	[tilespmem:s14], [sflag:$0x2] =	stream.indirect.gather [hbm4b:s4+s12], $0x50, s24, s12, $0xb8;
	[tilespmem:$0x13020] =	vst v63  }
0x1ac: {  	_ =	swait.ge [sflag:s15], $0x2710  }
0x1ad: {  	[sflag:s15] =	ssyncset.done $0x0  }
0x1ae: {  	[sflag:s15] =	ssyncadd.s32 $0xFFFFD8F0  }
0x1af: {  	[spmem:s2] =	stream.indirect.scatter.add.f32 [tilespmem:s13], [sflag:$0x3], $0x50, s25, s12, $0xb8;
	[tilespmem:$0x13020] =	vst v63  }
0x1b0: {  	_ =	swait.ge [sflag:s9], $0x2710  }
0x1b1: {  	[sflag:s9] =	ssyncset.done $0x0  }
0x1b2: {  	[sflag:s9] =	ssyncadd.s32 $0xFFFFD8F0  }
0x1b3: {  	[tilespmem:s13], [sflag:$0x1] =	stream.indirect.gather [hbm4b:s4+s12], $0x50, s26, s12, $0xb8;
	[tilespmem:$0x13020] =	vst v63  }
0x1b4: {  	_ =	swait.ge [sflag:s16], $0x2710  }
0x1b5: {  	[sflag:s16] =	ssyncset.done $0x0  }
0x1b6: {  	[sflag:s16] =	ssyncadd.s32 $0xFFFFD8F0  }
0x1b7: {  	[spmem:s2] =	stream.indirect.scatter.add.f32 [tilespmem:s14], [sflag:$0x3], $0x50, s28, s12, $0xb8;
	[tilespmem:$0x13020] =	vst v63  }
0x1b8: {  	_ =	swait.ge [sflag:s9], $0x2710  }
0x1b9: {  	[sflag:s9] =	ssyncset.done $0x0  }
0x1ba: {  	[sflag:s9] =	ssyncadd.s32 $0xFFFFD8F0  }
0x1bb: {  	[tilespmem:s14], [sflag:$0x2] =	stream.indirect.gather [hbm4b:s4+s12], $0x50, s29, s12, $0xb8;
	[tilespmem:$0x13020] =	vst v63  }
0x1bc: {  	_ =	swait.ge [sflag:s15], $0x2710  }
0x1bd: {  	[sflag:s15] =	ssyncset.done $0x0  }
0x1be: {  	[sflag:s15] =	ssyncadd.s32 $0xFFFFD8F0  }
0x1bf: {  	[spmem:s2] =	stream.indirect.scatter.add.f32 [tilespmem:s13], [sflag:$0x3], $0x50, s30, s12, $0xb8;
	[tilespmem:$0x13020] =	vst v63  }
0x1c0: {  	_ =	swait.ge [sflag:s9], $0x2710  }
0x1c1: {  	[sflag:s9] =	ssyncset.done $0x0  }
0x1c2: {  	[sflag:s9] =	ssyncadd.s32 $0xFFFFD8F0  }
0x1c3: {  	[tilespmem:s13], [sflag:$0x1] =	stream.indirect.gather [hbm4b:s4+s12], $0x50, s31, s12, $0xb8;
	[tilespmem:$0x13020] =	vst v63  }
0x1c4: {  	_ =	swait.ge [sflag:s16], $0x2710  }
0x1c5: {  	[sflag:s16] =	ssyncset.done $0x0  }
0x1c6: {  	[sflag:s16] =	ssyncadd.s32 $0xFFFFD8F0  }
0x1c7: {  	[spmem:s2] =	stream.indirect.scatter.add.f32 [tilespmem:s14], [sflag:$0x3], $0x50, s1, s12, $0xb8;
	[tilespmem:$0x13020] =	vst v63  }
0x1c8: {  	_ =	swait.ge [sflag:s9], $0x2710  }
0x1c9: {  	[sflag:s9] =	ssyncset.done $0x0  }
0x1ca: {  	[sflag:s9] =	ssyncadd.s32 $0xFFFFD8F0  }
0x1cb: {  	[tilespmem:s14], [sflag:$0x2] =	stream.indirect.gather [hbm4b:s4+s12], $0x50, s0, s12, $0xb8;
	[tilespmem:$0x13020] =	vst v63  }
0x1cc: {  	_ =	swait.ge [sflag:s15], $0x2710  }
0x1cd: {  	[sflag:s15] =	ssyncset.done $0x0  }
0x1ce: {  	s19 =	simm.s32 $0xD700;
	[sflag:s15] =	ssyncadd.s32 $0xFFFFD8F0  }
0x1cf: {  	[spmem:s2] =	stream.indirect.scatter.add.f32 [tilespmem:s13], [sflag:$0x3], $0x50, s19, s12, $0xb8;
	[tilespmem:$0x13020] =	vst v63  }
0x1d0: {  	_ =	swait.ge [sflag:s9], $0x2710  }
0x1d1: {  	[sflag:s9] =	ssyncset.done $0x0  }
0x1d2: {  	[sflag:s9] =	ssyncadd.s32 $0xFFFFD8F0  }
0x1d3: {  	_ =	swait.ge [sflag:s16], $0x2710  }
0x1d4: {  	[sflag:s16] =	ssyncset.done $0x0  }
0x1d5: {  	s20 =	simm.s32 $0xD780;
	[sflag:s16] =	ssyncadd.s32 $0xFFFFD8F0  }
0x1d6: {  	[spmem:s2] =	stream.indirect.scatter.add.f32 [tilespmem:s14], [sflag:$0x3], $0x50, s20, s12, $0xb8;
	[tilespmem:$0x13020] =	vst v63  }
0x1d7: {  	_ =	swait.ge [sflag:s9], $0x2710  }
0x1d8: {  	[sflag:s9] =	ssyncset.done $0x0  }
0x1d9: {  	[sflag:s9] =	ssyncadd.s32 $0xFFFFD8F0  }
0x1da: {  	[bflag:$0x0] =	sbarrier.arrive $0xFFFF  }
0x1db: {  	[tilespmem:s8], [sflag:$0x3] =	stream.linear.gather [spmem:s6], $0xA00, $0x38;
	[tilespmem:$0x13020] =	vst v63  }
0x1dc: {  	_ =	swait.ge [sflag:s9], $0xA00  }
0x1dd: {  	[sflag:s9] =	ssyncset.done $0x0  }
0x1de: {  	s21 =	sadd.s32 $0x0, s7;
	[sflag:s9] =	ssyncadd.s32 $0xFFFFF600  }
0x1df: {  	[hbm4b:s21+s3] =	stream.linear.scatter [tilespmem:s8], [sflag:$0x3], $0xA00, $0x38;
	[tilespmem:$0x13020] =	vst v63  }
0x1e0: {  	_ =	swait.ge [sflag:s9], $0xA00  }
0x1e1: {  	s5 =	simm.s32 $0x140;
	s17 =	smov.u32 s6;
	[sflag:s9] =	ssyncset.done $0x0  }
.LBB2_8:
0x1e2: {  	p0 =	sne.s32 s5, $0x17C0;
	[sflag:s9] =	ssyncadd.s32 $0xFFFFF600;
	s17 =	sadd.s32 $0xA00, s17  }
0x1e3: {  	[tilespmem:s8], [sflag:$0x3] =	stream.linear.gather [spmem:s17], $0xA00, $0x38;
	[tilespmem:$0x13020] =	vst v63  }
0x1e4: {  	s18 =	smov.u32 s5;
	s5 =	sadd.s32 $0x140, s5;
	_ =	swait.ge [sflag:s9], $0xA00  }
.Ltmp3:
0x1e5: {  	[sflag:s9] =	ssyncset.done $0x0;
	(pc) =	sbr.rel @p0 .LBB2_8-.Ltmp3, $4  }
0x1e6: {  	s18 =	sadd.s32 s18, s7;
	[sflag:s9] =	ssyncadd.s32 $0xFFFFF600  }
0x1e7: {  	[hbm4b:s18+s3] =	stream.linear.scatter [tilespmem:s8], [sflag:$0x3], $0xA00, $0x38;
	[tilespmem:$0x13020] =	vst v63  }
0x1e8: {  	_ =	swait.ge [sflag:s9], $0xA00  }
0x1e9: {  	[sflag:s9] =	ssyncset.done $0x0  }
0x1ea: {  	s0 =	rddreg [dreg:$0x16]  }
0x1eb: {  	s5 =	rddreg [dreg:$0x15];
	s0 =	sadd.s32 $0x1, s0  }
0x1ec: {  	p0 =	sne.s32 s0, s5  }
.Ltmp4:
0x1ed: {  	_ = 	snop;
	(pc) =	sbr.rel @p0 .LBB2_1-.Ltmp4, $2  }
0x1ee: {  	_ =	sdelay $0x2  }
0x1ef: {  	[sflag:s9] =	ssyncadd.s32 $0xFFFFF600  }
0x1f0: {  	_ =	sfence.sel $0x180000  }
0x1f1: {  	[bflag:$0x0] =	sbarrier.arrive $0xFFFF  }
0x1f2: {  	_ =	strace $0x9000004D  }
0x1f3: {  	s0 =	stileid.u32;
	[bflag:$0x2] =	sbarrier.arrive $0xFFFF  }
0x1f4: {  	p0 =	sne.s32 s0, $0x0;
	s0 =	rddreg [dreg:$0x4]  }
0x1f5: {  	s0 =	sadd.s32 @!p0 $0x100000, s0  }
0x1f6: {  	[sflag:s0] =	ssyncadd.tile.s32 @!p0 $0x1;
	_ =	shalt  }
.Lfunc_end2:
_tile_overlayer_lowered:
.L_overlay_start_2:
0x1f7: {  	(tag) =	ssettag $0x2  }
0x1f8: {  	s0 =	rddreg [dreg:$0x0];
	s2 =	stileid.u32  }
0x1f9: {  	s1 =	rddreg [dreg:$0x1];
	p0 =	sne.s32 s2, $0x0  }
0x1fa: {  	s3 =	rddreg [dreg:$0x2];
	[bflag:$0x3] =	sbarrier.arrive $0xFFFF;
	s2 =	simm.s32 @!p0 $0x1C03  }
0x1fb: {  	[timem:s3], [sflag:s2] =	dma.local @!p0 [hbm:s0], s1  }
0x1fc: {  	s0 =	simm.s32 @!p0 $0x3  }
0x1fd: {  	_ =	swait.ge @!p0 [sflag:s0], s1  }
0x1fe: {  	s1 =	ssub.s32 @!p0 $0x0, s1;
	[sflag:s0] =	ssyncset.done @!p0 $0x0  }
0x1ff: {  	[sflag:s0] =	ssyncadd.s32 @!p0 s1  }
0x200: {  	[bflag:$0x3] =	sbarrier.arrive $0xFFFF  }
0x201: {  	_ =	shalt  }

// kernel: kernel.9.cloned.1.call-start
scs
__scs_entry_jumppad:
0x0: {  	(pc) =	sbr.rel $0x88, $3  }
0x1: {  	(tag) =	ssettag $0x0;
	lr =	simm.s32 $0x1  }
0x2: {  	[smem:$0x3F94] =	sst lr;
	_ =	strace $0xD0000000  }
0x3: {  	_ = 	snop  }
0x4: {  	_ = 	snop  }
0x5: {  	_ = 	snop  }
0x6: {  	_ = 	snop  }
0x7: {  	_ = 	snop  }
__scs_overlays_trampoline_lowered:
0x8: {  	[smem:$0x3FA3] =	sst s0  }
0x9: {  	[smem:$0x3FA4] =	sst s1  }
0xa: {  	[smem:$0x3FA5] =	sst s2  }
0xb: {  	[smem:$0x3FA6] =	sst s3  }
0xc: {  	[smem:$0x3FA7] =	sst s4  }
0xd: {  	[smem:$0x3FA8] =	sst s5  }
0xe: {  	[smem:$0x3FA9] =	sst s6  }
0xf: {  	[smem:$0x3FAA] =	sst s7  }
0x10: {  	[smem:$0x3FAB] =	sst s8  }
0x11: {  	[smem:$0x3FAC] =	sst s9;
	s0 =	simm.s32 @!p0 $0x0  }
0x12: {  	s1 =	sld [smem:$0x3F92];
	s0 =	simm.s32 @p0 $0x1  }
0x13: {  	[smem:$0x3FAD] =	sst s0;
	s0 =	simm.s32 @!p1 $0x0  }
0x14: {  	s2 =	sld [smem:$0x3F91];
	s0 =	simm.s32 @p1 $0x1  }
0x15: {  	[smem:$0x3FAE] =	sst s0;
	s0 =	simm.s32 @!p2 $0x0  }
0x16: {  	s3 =	sld [smem:$0x3FDB];
	s0 =	simm.s32 @p2 $0x1  }
0x17: {  	s4 =	simm.s32 $0x1BF5;
	[smem:$0x3FB0] =	sst s0  }
0x18: {  	s0 =	sld [smem:$0x3F93];
	_ =	swait.ge [sflag:s4], $0x0  }
0x19: {  	s7 =	sld [smem:$0x3F94]  }
0x1a: {  	s8 =	sadd.s32 $0xFFFFE003, lr  }
0x1b: {  	s9 =	sadd.s32 $0xFFFFFEF7, lr;
	s5 =	simm.s32 $0xFFFFFFFF;
	p2 =	slt.u32 s8, $0xFFFFF086  }
0x1c: {  	p1 =	slt.u32 s9, $0xF7A;
	s5 =	simm.s32 @!p2 $0x0  }
0x1d: {  	s5 =	simm.s32 @p1 $0x1;
	p0 =	seq.s32 s7, s2  }
0x1e: {  	s7 =	smul.u32 @!p0 $0xF7A, s2;
	p2 =	seq.s32 @!p0 s5, $0x0  }
0x1f: {  	s9 =	smul.u32 $0xF7A, s1;
	s8 =	simm.s32 @!p0 $0x1BF5;
	p2 =	por !p2, p0  }
0x20: {  	[sflag:s8] =	ssyncset.s32 @!p0 $0xFFFFF086;
	s6 =	sadd.s32 @!p0 s3, s7;
	s7 =	simm.s32 @!p0 $0x108  }
0x21: {  	s3 =	sadd.s32 s3, s9;
	s6 =	sadd.s32 @!p0 $0x88, s6;
	s7 =	simm.s32 @p2 $0x1082  }
0x22: {  	[simem:s7], [sflag:s8] =	dma.local @!p0 [hbm:s6], $0xF7A  }
0x23: {  	s9 =	sor.u32 $0xD0000000, s2;
	s6 =	simm.s32 $0x108;
	_ =	swait.ge @!p0 [sflag:s8], $0x0  }
0x24: {  	s3 =	sadd.s32 $0x88, s3;
	s6 =	simm.s32 @!p1 $0x1082;
	[sflag:s4] =	ssyncset.s32 $0xFFFFF086  }
0x25: {  	[simem:s6], [sflag:s4] =	dma.local [hbm:s3], $0xF7A  }
0x26: {  	[smem:$0x3F94] =	sst s1;
	(tag) =	ssettag s2;
	_ =	strace s9  }
0x27: {  	s1 =	sld [smem:$0x3FA4]  }
0x28: {  	s2 =	sld [smem:$0x3FA5]  }
0x29: {  	s4 =	sld [smem:$0x3FA7]  }
0x2a: {  	p0 =	seq.s32 s5, $0x0;
	s5 =	sld [smem:$0x3FA8]  }
0x2b: {  	s6 =	sld [smem:$0x3FA9]  }
0x2c: {  	s7 =	sld [smem:$0x3FAA]  }
0x2d: {  	s3 =	simm.s32 $0x108;
	s8 =	sld [smem:$0x3FAB]  }
0x2e: {  	s3 =	simm.s32 @!p0 $0x1082;
	s9 =	sld [smem:$0x3FAC]  }
0x2f: {  	lr =	sadd.s32 s0, s3;
	s0 =	sld [smem:$0x3FA3]  }
0x30: {  	s3 =	sld [smem:$0x3FA6]  }
0x31: {  	[smem:$0x3FAF] =	sst s10  }
0x32: {  	s10 =	sld [smem:$0x3FAD];
	_ =	sdelay $0x3  }
0x33: {  	p0 =	seq.s32 s10, $0x1;
	s10 =	sld [smem:$0x3FAF];
	_ =	sdelay $0x3  }
0x34: {  	[smem:$0x3FAF] =	sst s10  }
0x35: {  	s10 =	sld [smem:$0x3FAE];
	_ =	sdelay $0x3  }
0x36: {  	p1 =	seq.s32 s10, $0x1;
	s10 =	sld [smem:$0x3FAF];
	_ =	sdelay $0x3  }
0x37: {  	[smem:$0x3FAF] =	sst s10  }
0x38: {  	s10 =	sld [smem:$0x3FB0]  }
0x39: {  	_ = 	snop;
	(pc) =	sbr.ind lr, $3  }
0x3a: {  	_ = 	snop  }
0x3b: {  	_ = 	snop  }
0x3c: {  	p2 =	seq.s32 s10, $0x1;
	s10 =	sld [smem:$0x3FAF]  }
0x3d: {  	_ =	shalt  }
0x3e: {  	_ =	shalt  }
0x3f: {  	_ =	shalt  }
0x40: {  	_ =	shalt  }
0x41: {  	_ =	shalt  }
0x42: {  	_ =	shalt  }
0x43: {  	_ =	shalt  }
0x44: {  	_ =	shalt  }
0x45: {  	_ =	shalt  }
0x46: {  	_ =	shalt  }
0x47: {  	_ =	shalt  }
0x48: {  	_ =	shalt  }
0x49: {  	_ =	shalt  }
0x4a: {  	_ =	shalt  }
0x4b: {  	_ =	shalt  }
0x4c: {  	_ =	shalt  }
0x4d: {  	_ =	shalt  }
0x4e: {  	_ =	shalt  }
0x4f: {  	_ =	shalt  }
0x50: {  	_ =	shalt  }
0x51: {  	_ =	shalt  }
0x52: {  	_ =	shalt  }
0x53: {  	_ =	shalt  }
0x54: {  	_ =	shalt  }
0x55: {  	_ =	shalt  }
0x56: {  	_ =	shalt  }
0x57: {  	_ =	shalt  }
0x58: {  	_ =	shalt  }
0x59: {  	_ =	shalt  }
0x5a: {  	_ =	shalt  }
0x5b: {  	_ =	shalt  }
0x5c: {  	_ =	shalt  }
0x5d: {  	_ =	shalt  }
0x5e: {  	_ =	shalt  }
0x5f: {  	_ =	shalt  }
0x60: {  	_ =	shalt  }
0x61: {  	_ =	shalt  }
0x62: {  	_ =	shalt  }
0x63: {  	_ =	shalt  }
0x64: {  	_ =	shalt  }
0x65: {  	_ =	shalt  }
0x66: {  	_ =	shalt  }
0x67: {  	_ =	shalt  }
0x68: {  	_ =	shalt  }
0x69: {  	_ =	shalt  }
0x6a: {  	_ =	shalt  }
0x6b: {  	_ =	shalt  }
0x6c: {  	_ =	shalt  }
0x6d: {  	_ =	shalt  }
0x6e: {  	_ =	shalt  }
0x6f: {  	_ =	shalt  }
0x70: {  	_ =	shalt  }
0x71: {  	_ =	shalt  }
0x72: {  	_ =	shalt  }
0x73: {  	_ =	shalt  }
0x74: {  	_ =	shalt  }
0x75: {  	_ =	shalt  }
0x76: {  	_ =	shalt  }
0x77: {  	_ =	shalt  }
0x78: {  	_ =	shalt  }
0x79: {  	_ =	shalt  }
0x7a: {  	_ =	shalt  }
0x7b: {  	_ =	shalt  }
0x7c: {  	_ =	shalt  }
0x7d: {  	_ =	shalt  }
0x7e: {  	_ =	shalt  }
0x7f: {  	_ =	shalt  }
0x80: {  	_ =	shalt  }
0x81: {  	_ =	shalt  }
0x82: {  	_ =	shalt  }
0x83: {  	_ =	shalt  }
0x84: {  	_ =	shalt  }
0x85: {  	_ =	shalt  }
0x86: {  	_ =	shalt  }
0x87: {  	_ =	shalt  }
.Lfunc_end0:
.L_simem_size_0:
called_computation_lowered:
.L_overlay_start_0:
0x88: {  	s2 =	sld [smem:$0x3FD9]  }
0x89: {  	s3 =	sld [smem:$0x3FFE];
	_ =	sdelay $0x1  }
0x8a: {  	s1 =	srdreg.scid  }
0x8b: {  	s0 =	sand.u32 $0x1, s1  }
0x8c: {  	s14 =	sshll.u32 s0, $0xA;
	s2 =	sadd.s32 s3, s2  }
0x8d: {  	s2 =	sadd.s32 s2, s14  }
0x8e: {  	[smem:$0x3FBB] =	sst s2  }
0x8f: {  	_ = 	snop  }
0x90: {  	s2 =	sld [smem:$0x3FD0];
	_ =	sdelay $0x2  }
0x91: {  	s15 =	simm.s32 $0xA;
	s4 =	simm.s32 $0x10  }
0x92: {  	[smem:s4], [sflag:s15] =	dma.local [hbm:s2], $0x1  }
0x93: {  	_ =	swait.eq [sflag:s15], $0x1  }
0x94: {  	[sflag:s15] =	ssyncset.done $0x0  }
0x95: {  	[sflag:s15] =	ssyncadd.s32 $0xFFFFFFFF  }
0x96: {  	s16 =	sld [smem:$0x11];
	(tm) =	ssettm $0x1  }
0x97: {  	s17 =	sld [smem:$0x3FFB];
	_ =	sdelay $0x3  }
0x98: {  	_ =	strace s17  }
0x99: {  	s3 =	sld [smem:$0x3FFC];
	_ =	sdelay $0x3  }
0x9a: {  	_ =	strace s3  }
0x9b: {  	s3 =	sld [smem:$0x3FFD];
	_ =	sdelay $0x3  }
0x9c: {  	_ =	strace s3  }
0x9d: {  	_ =	strace $0x8FFFFFFF  }
0x9e: {  	s18 =	sld [smem:$0x3FDB];
	_ =	sdelay $0x1  }
0x9f: {  	s19 =	simm.s32 $_scs_section_size  }
0xa0: {  	s5 =	simm.s32 $_size__tile_overlayer_lowered;
	s6 =	simm.s32 $_tile_overlayer_lowered  }
0xa1: {  	s22 =	simm.s32 $0x1BFF;
	s21 =	sshll.u32 s6, $0x1;
	s3 =	sadd.s32 s19, s18  }
0xa2: {  	s7 =	simm.s32 $0x0;
	s20 =	sshll.u32 s5, $0x1;
	s5 =	sadd.s32 s21, s3  }
0xa3: {  	[timem:s7], [sflag:s22] =	dma.local [hbm:s5], s20  }
0xa4: {  	_ =	swait.ge [sflag:s22], s20  }
0xa5: {  	s4 =	ssub.s32 $0x0, s20;
	[sflag:s22] =	ssyncset.done $0x0  }
0xa6: {  	[sflag:s22] =	ssyncadd.s32 s4;
	_ =	sdelay $0x1  }
0xa7: {  	s23 =	simm.s32 $0x1B8B  }
0xa8: {  	_ =	swait.ge [sflag:s23], $0x1  }
0xa9: {  	[sflag:s23] =	ssyncset.done $0x0  }
0xaa: {  	s25 =	simm.s32 $0x1B8E;
	s24 =	sld [smem:$0x3FFE];
	[sflag:s23] =	ssyncadd.s32 $0xFFFFFFFF  }
0xab: {  	s26 =	simm.s32 $execute0_lowered;
	[smem:$0x3FD2] =	sst s25  }
0xac: {  	s5 =	sshll.u32 s26, $0x1;
	_ =	strace $0x80000046;
	[dreg:$0x1] =	wrdreg $0xFFFFFFFF  }
0xad: {  	s28 =	simm.s32 $_size_execute0_lowered;
	s3 =	sadd.s32 s3, s5;
	[dreg:$0x0] =	wrdreg $0x0  }
0xae: {  	s5 =	sshll.u32 s28, $0x1;
	[dreg:$0x2] =	wrdreg s3  }
0xaf: {  	[dreg:$0x3] =	wrdreg s5  }
0xb0: {  	[dreg:$0x4] =	wrdreg $0xC0  }
0xb1: {  	_ =	task [dreg:s7], $0x5FFFF  }
0xb2: {  	[dreg:$0x1] =	wrdreg $0xFFFFFFFF  }
0xb3: {  	[dreg:$0x0] =	wrdreg $0x60  }
0xb4: {  	[dreg:$0x2] =	wrdreg s24  }
0xb5: {  	[dreg:$0x3] =	wrdreg s16  }
0xb6: {  	[dreg:$0x4] =	wrdreg $0x0  }
0xb7: {  	[dreg:$0x5] =	wrdreg $0x9  }
0xb8: {  	_ =	task.clear_ibuf [dreg:s7], $0x6FFFF;
	_ =	strace $0x90000046  }
0xb9: {  	s29 =	simm.s32 $0x9;
	_ =	strace $0x80000048  }
0xba: {  	_ =	swait.ge [sflag:s29], $0x1  }
0xbb: {  	[sflag:s29] =	ssyncadd.s32 $0xFFFFFFFF  }
0xbc: {  	_ =	strace $0x90000048  }
0xbd: {  	_ =	sfence  }
0xbe: {  	s30 =	sld [smem:$0x0];
	_ =	sdelay $0x2  }
0xbf: {  	s31 =	sshll.u32 s1, $0xD;
	s1 =	sshrl.u32 s1, $0x2  }
0xc0: {  	s3 =	sand.u32 $0x4000, s31;
	s1 =	sadd.s32 s1, s30  }
0xc1: {  	s0 =	sor.u32 s3, s0;
	s1 =	sshll.u32 s1, $0x11  }
0xc2: {  	s0 =	sor.u32 s1, s0  }
0xc3: {  	s0 =	sadd.s32 $0x8F2B, s0  }
0xc4: {  	[sflag:s0] =	ssyncadd.remote.s32 $0x1  }
0xc5: {  	_ =	sfence.sel $0xFFFF  }
0xc6: {  	[dreg:$0x0] =	wrdreg $0xFFFFFFFF;
	(pc) =	sbr.abs _section_cstart, $3  }
0xc7: {  	[dreg:$0x1] =	wrdreg $0xFFFFFFFF  }
0xc8: {  	_ =	task.clear_ibuf [dreg:s7], $0x2FFFF;
	_ =	strace $0x9FFFFFFF  }
0xc9: {  	(tm) =	ssettm $0x7FFFFFFF  }
tec
execute0_lowered:
.L_overlay_start_1:
0x0: {  	(tag) =	ssettag $0x1  }
0x1: {  	s4 =	rddreg [dreg:$0x0]  }
0x2: {  	s5 =	rddreg [dreg:$0x1];
	s0 =	srdreg.scid  }
0x3: {  	s2 =	rddreg [dreg:$0x2];
	s1 =	stileid.u32  }
0x4: {  	s3 =	simm.s32 $0x0;
	s18 =	simm.s32 $0x280;
	s8 =	smul.u32 $0x500, s1  }
0x5: {  	s19 =	simm.s32 $0x7D;
	s20 =	simm.s32 $0x2A80;
	s9 =	smul.u32 $0xA00, s1  }
0x6: {  	s6 =	sand.u32 $0x1, s0;
	s0 =	rddreg [dreg:$0x3];
	s10 =	smul.u32 $0x5, s1  }
0x7: {  	s21 =	simm.s32 $0x0;
	[smem:$0x7FF] =	sst s3;
	s12 =	smul.u32 $0xA0, s1  }
0x8: {  	s7 =	smul.u32 $0x5000, s6;
	s25 =	ssub.s32 $0x2, s6;
	s6 =	sshll.u32 s6, $0x4  }
0x9: {  	_ =	strace $0x80000047;
	s26 =	sshrl.u32 s25, $0x1;
	s15 =	sadd.s32 s5, s6  }
0xa: {  	s28 =	sshrl.u32 s9, $0x2;
	s11 =	sadd.s32 $0x1, s10;
	s13 =	sadd.s32 $0x2, s10  }
0xb: {  	s14 =	sadd.s32 $0x3, s10;
	s16 =	sadd.s32 $0x4, s10;
	s7 =	sadd.s32 s8, s7  }
0xc: {  	s5 =	sadd.s32 s28, s2;
	s29 =	sshll.u32 s11, $0x7;
	s30 =	sshll.u32 s13, $0x7  }
0xd: {  	s31 =	sshll.u32 s14, $0x7;
	s10 =	sshll.u32 s16, $0x7;
	s17 =	sshll.u32 s11, $0x5  }
0xe: {  	s11 =	sadd.s32 s12, s15;
	s13 =	sshll.u32 s13, $0x5;
	s14 =	sshll.u32 s14, $0x5  }
0xf: {  	s16 =	sshll.u32 s16, $0x5;
	s4 =	sadd.s32 s7, s4;
	s7 =	ssub.s32 s25, s26  }
0x10: {  	s8 =	sadd.s32 s30, s2;
	s9 =	sadd.s32 s31, s2;
	s10 =	sadd.s32 s10, s2  }
0x11: {  	s12 =	sadd.s32 s17, s15;
	s13 =	sadd.s32 s13, s15;
	s14 =	sadd.s32 s14, s15  }
0x12: {  	s15 =	sadd.s32 s16, s15;
	s16 =	simm.s32 $0x2B00;
	s17 =	simm.s32 $0x1  }
0x13: {  	v0 =	vimm.f32 $1.000000000e+00;
	v1 =	vimm.f32 $0.0e+00;
	s4 =	sadd.s32 $0x4400, s4;
	s6 =	smax.u32 s7, $0x1;
	s7 =	sadd.s32 s29, s2  }
.LBB2_1:
0x14: {  	[tilespmem:$0x2A80] =	vst v0  }
0x15: {  	[tilespmem:$0x2B00] =	vst v1  }
0x16: {  	[tilespmem:$0x2A90] =	vst v0  }
0x17: {  	[tilespmem:$0x2B10] =	vst v1  }
0x18: {  	[tilespmem:$0x2AA0] =	vst v0  }
0x19: {  	[tilespmem:$0x2B20] =	vst v1  }
0x1a: {  	[tilespmem:$0x2AB0] =	vst v0  }
0x1b: {  	[tilespmem:$0x2B30] =	vst v1  }
0x1c: {  	[tilespmem:$0x2AC0] =	vst v0  }
0x1d: {  	[tilespmem:$0x2B40] =	vst v1  }
0x1e: {  	[tilespmem:$0x2AD0] =	vst v0  }
0x1f: {  	[tilespmem:$0x2B50] =	vst v1  }
0x20: {  	[tilespmem:$0x2AE0] =	vst v0  }
0x21: {  	[tilespmem:$0x2B60] =	vst v1  }
0x22: {  	[tilespmem:$0x2AF0] =	vst v0  }
0x23: {  	[tilespmem:$0x2B70] =	vst v1  }
0x24: {  	[spmem:s5] =	stream.linear.scatter [tilespmem:s16], [sflag:$0x1], $0x80, $0x38;
	[tilespmem:$0x2B80] =	vst v63  }
0x25: {  	_ =	swait.ge [sflag:s17], $0x80  }
0x26: {  	[sflag:s17] =	ssyncset.done $0x0  }
0x27: {  	[sflag:s17] =	ssyncadd.s32 $0xFFFFFF80  }
0x28: {  	[spmem:s7] =	stream.linear.scatter [tilespmem:s16], [sflag:$0x1], $0x80, $0x38;
	[tilespmem:$0x2B80] =	vst v63  }
0x29: {  	_ =	swait.ge [sflag:s17], $0x80  }
0x2a: {  	[sflag:s17] =	ssyncset.done $0x0  }
0x2b: {  	[sflag:s17] =	ssyncadd.s32 $0xFFFFFF80  }
0x2c: {  	[spmem:s8] =	stream.linear.scatter [tilespmem:s16], [sflag:$0x1], $0x80, $0x38;
	[tilespmem:$0x2B80] =	vst v63  }
0x2d: {  	_ =	swait.ge [sflag:s17], $0x80  }
0x2e: {  	[sflag:s17] =	ssyncset.done $0x0  }
0x2f: {  	[sflag:s17] =	ssyncadd.s32 $0xFFFFFF80  }
0x30: {  	[spmem:s9] =	stream.linear.scatter [tilespmem:s16], [sflag:$0x1], $0x80, $0x38;
	[tilespmem:$0x2B80] =	vst v63  }
0x31: {  	_ =	swait.ge [sflag:s17], $0x80  }
0x32: {  	[sflag:s17] =	ssyncset.done $0x0  }
0x33: {  	[sflag:s17] =	ssyncadd.s32 $0xFFFFFF80  }
0x34: {  	[spmem:s10] =	stream.linear.scatter [tilespmem:s16], [sflag:$0x1], $0x80, $0x38;
	[tilespmem:$0x2B80] =	vst v63  }
0x35: {  	_ =	swait.ge [sflag:s17], $0x80  }
0x36: {  	[sflag:s17] =	ssyncset.done $0x0  }
0x37: {  	[sflag:s17] =	ssyncadd.s32 $0xFFFFFF80  }
0x38: {  	[bflag:$0x0] =	sbarrier.arrive $0xFFFF  }
0x39: {  	[tilespmem:s18], [sflag:$0x1] =	stream.linear.gather [hbm4b:s4+s3], $0x2800, $0x38;
	[tilespmem:$0x2B80] =	vst v63  }
0x3a: {  	_ =	swait.ge [sflag:s17], $0x2800  }
0x3b: {  	[sflag:s17] =	ssyncset.done $0x0  }
0x3c: {  	s22 =	simm.s32 $0x280;
	[sflag:s17] =	ssyncadd.s32 $0xFFFFD800  }
0x3d: {  	[spmem:s2] =	stream.indirect.scatter.add.f32 [tilespmem:s20], [sflag:$0x1], $0x1, s22, s19, $0xb8;
	[tilespmem:$0x2B80] =	vst v63  }
0x3e: {  	s22 =	simm.s32 $0x200;
	_ =	swait.ge [sflag:s17], $0x7D  }
.LBB2_2:
0x3f: {  	s23 =	sshra.s32 s22, $0x2;
	[sflag:s17] =	ssyncset.done $0x0;
	p0 =	sne.s32 s22, $0x9E00  }
.Ltmp0:
0x40: {  	s23 =	sadd.s32 $0x280, s23;
	[sflag:s17] =	ssyncadd.s32 $0xFFFFFF83;
	(pc) =	sbr.rel @p0 .LBB2_2-.Ltmp0, $3  }
0x41: {  	[spmem:s2] =	stream.indirect.scatter.add.f32 [tilespmem:s20], [sflag:$0x1], $0x1, s23, s19, $0xb8;
	[tilespmem:$0x2B80] =	vst v63  }
0x42: {  	s22 =	sadd.s32 $0x200, s22;
	_ =	sdelay $0x1  }
0x43: {  	_ =	swait.ge [sflag:s17], $0x7D  }
0x44: {  	[sflag:s17] =	ssyncset.done $0x0  }
0x45: {  	[sflag:s17] =	ssyncadd.s32 $0xFFFFFF83  }
0x46: {  	[bflag:$0x0] =	sbarrier.arrive $0xFFFF  }
0x47: {  	[tilespmem:s16], [sflag:$0x1] =	stream.linear.gather [spmem:s5], $0x80, $0x38;
	[tilespmem:$0x2B80] =	vst v63  }
0x48: {  	_ =	swait.ge [sflag:s17], $0x80  }
0x49: {  	[sflag:s17] =	ssyncset.done $0x0  }
0x4a: {  	[sflag:s17] =	ssyncadd.s32 $0xFFFFFF80  }
0x4b: {  	[hbm4b:s11+s3] =	stream.linear.scatter [tilespmem:s16], [sflag:$0x1], $0x80, $0x38;
	[tilespmem:$0x2B80] =	vst v63  }
0x4c: {  	_ =	swait.ge [sflag:s17], $0x80  }
0x4d: {  	[sflag:s17] =	ssyncset.done $0x0  }
0x4e: {  	[sflag:s17] =	ssyncadd.s32 $0xFFFFFF80  }
0x4f: {  	[tilespmem:s16], [sflag:$0x1] =	stream.linear.gather [spmem:s7], $0x80, $0x38;
	[tilespmem:$0x2B80] =	vst v63  }
0x50: {  	_ =	swait.ge [sflag:s17], $0x80  }
0x51: {  	[sflag:s17] =	ssyncset.done $0x0  }
0x52: {  	[sflag:s17] =	ssyncadd.s32 $0xFFFFFF80  }
0x53: {  	[hbm4b:s12+s3] =	stream.linear.scatter [tilespmem:s16], [sflag:$0x1], $0x80, $0x38;
	[tilespmem:$0x2B80] =	vst v63  }
0x54: {  	_ =	swait.ge [sflag:s17], $0x80  }
0x55: {  	[sflag:s17] =	ssyncset.done $0x0  }
0x56: {  	[sflag:s17] =	ssyncadd.s32 $0xFFFFFF80  }
0x57: {  	[tilespmem:s16], [sflag:$0x1] =	stream.linear.gather [spmem:s8], $0x80, $0x38;
	[tilespmem:$0x2B80] =	vst v63  }
0x58: {  	_ =	swait.ge [sflag:s17], $0x80  }
0x59: {  	[sflag:s17] =	ssyncset.done $0x0  }
0x5a: {  	[sflag:s17] =	ssyncadd.s32 $0xFFFFFF80  }
0x5b: {  	[hbm4b:s13+s3] =	stream.linear.scatter [tilespmem:s16], [sflag:$0x1], $0x80, $0x38;
	[tilespmem:$0x2B80] =	vst v63  }
0x5c: {  	_ =	swait.ge [sflag:s17], $0x80  }
0x5d: {  	[sflag:s17] =	ssyncset.done $0x0  }
0x5e: {  	[sflag:s17] =	ssyncadd.s32 $0xFFFFFF80  }
0x5f: {  	[tilespmem:s16], [sflag:$0x1] =	stream.linear.gather [spmem:s9], $0x80, $0x38;
	[tilespmem:$0x2B80] =	vst v63  }
0x60: {  	_ =	swait.ge [sflag:s17], $0x80  }
0x61: {  	[sflag:s17] =	ssyncset.done $0x0  }
0x62: {  	[sflag:s17] =	ssyncadd.s32 $0xFFFFFF80  }
0x63: {  	[hbm4b:s14+s3] =	stream.linear.scatter [tilespmem:s16], [sflag:$0x1], $0x80, $0x38;
	[tilespmem:$0x2B80] =	vst v63  }
0x64: {  	_ =	swait.ge [sflag:s17], $0x80  }
0x65: {  	[sflag:s17] =	ssyncset.done $0x0  }
0x66: {  	[sflag:s17] =	ssyncadd.s32 $0xFFFFFF80  }
0x67: {  	[tilespmem:s16], [sflag:$0x1] =	stream.linear.gather [spmem:s10], $0x80, $0x38;
	[tilespmem:$0x2B80] =	vst v63  }
0x68: {  	s21 =	sadd.s32 $0x1, s21;
	_ =	swait.ge [sflag:s17], $0x80  }
0x69: {  	p0 =	sne.s32 s21, s6;
	[sflag:s17] =	ssyncset.done $0x0  }
.Ltmp1:
0x6a: {  	[sflag:s17] =	ssyncadd.s32 $0xFFFFFF80;
	(pc) =	sbr.rel @p0 .LBB2_1-.Ltmp1, $4  }
0x6b: {  	[hbm4b:s15+s3] =	stream.linear.scatter [tilespmem:s16], [sflag:$0x1], $0x80, $0x38;
	[tilespmem:$0x2B80] =	vst v63  }
0x6c: {  	_ =	swait.ge [sflag:s17], $0x80  }
0x6d: {  	[sflag:s17] =	ssyncset.done $0x0  }
0x6e: {  	[sflag:s17] =	ssyncadd.s32 $0xFFFFFF80  }
0x6f: {  	_ =	sfence.sel $0x180000  }
0x70: {  	[bflag:$0x0] =	sbarrier.arrive $0xFFFF  }
0x71: {  	p0 =	sne.s32 s1, $0x0;
	_ =	strace $0x90000047  }
0x72: {  	s0 =	sadd.s32 @!p0 $0x100000, s0;
	[bflag:$0x2] =	sbarrier.arrive $0xFFFF  }
0x73: {  	[sflag:s0] =	ssyncadd.tile.s32 @!p0 $0x1;
	_ =	shalt  }
.Lfunc_end2:
_tile_overlayer_lowered:
.L_overlay_start_2:
0x74: {  	(tag) =	ssettag $0x2  }
0x75: {  	s0 =	rddreg [dreg:$0x0];
	s2 =	stileid.u32  }
0x76: {  	s1 =	rddreg [dreg:$0x1];
	p0 =	sne.s32 s2, $0x0  }
0x77: {  	s3 =	rddreg [dreg:$0x2];
	[bflag:$0x3] =	sbarrier.arrive $0xFFFF;
	s2 =	simm.s32 @!p0 $0x1C01  }
0x78: {  	[timem:s3], [sflag:s2] =	dma.local @!p0 [hbm:s0], s1  }
0x79: {  	s0 =	simm.s32 @!p0 $0x1  }
0x7a: {  	_ =	swait.ge @!p0 [sflag:s0], s1  }
0x7b: {  	s1 =	ssub.s32 @!p0 $0x0, s1;
	[sflag:s0] =	ssyncset.done @!p0 $0x0  }
0x7c: {  	[sflag:s0] =	ssyncadd.s32 @!p0 s1  }
0x7d: {  	[bflag:$0x3] =	sbarrier.arrive $0xFFFF  }
0x7e: {  	_ =	shalt  }

</sc_bundles>
